<compile_context>
chip_gen: v7x
topology: tpu7x:2x2x1
jax: 0.10.2.dev20260603
libtpu: 0.0.44.dev20260713+nightly
codegen_flags: <defaults>
</compile_context>

<pallas_src>
import functools

import jax
import jax.numpy as jnp
from jax import lax
from jax.experimental import pallas as pl
from jax.experimental.pallas import tpu as pltpu
from jax.experimental.pallas import tpu_sc as plsc

N_NODES = 100000
N_EDGES = 1600000
EMB = 32
HID = 32
NEG_SLOPE = 0.2

NODE_BLK = 1024

NC = 2
NS = 16
NW = NC * NS

_SC_MESH = dict(core_axis_name="c", subcore_axis_name="s")
_SC_PARAMS = pltpu.CompilerParams(use_tc_tiling_on_sc=False)
_SC_PARAMS_NL = pltpu.CompilerParams(use_tc_tiling_on_sc=False,
                                     needs_layout_passes=False)


def _sc_gather_h_body(ht_hbm, nf_hbm, h_hbm, idx_v, rows_v, sem):
    w = lax.axis_index("s") * NC + lax.axis_index("c")
    nblk = 125
    for k in range(4):
        b = w + k * NW
        @pl.when(b < nblk)
        def _():
            off = b * 800
            pltpu.sync_copy(nf_hbm.at[pl.ds(off, 800)], idx_v)
            pltpu.async_copy(ht_hbm.at[idx_v], rows_v, sem).wait()
            pltpu.sync_copy(rows_v, h_hbm.at[pl.ds(off, 800)])


def _sc_gather_eout_body(lnet_hbm, ef_hbm, eout_hbm, idx_v, rows_a, rows_b, sem):
    w = lax.axis_index("s") * NC + lax.axis_index("c")
    base = w * 50000
    bufs = (rows_a, rows_b)

    pltpu.sync_copy(ef_hbm.at[pl.ds(base, 400)], idx_v.at[0])
    pltpu.async_copy(lnet_hbm.at[idx_v.at[0]], rows_a, sem).wait()

    def step(k, _):
        @pl.when(k + 1 < 125)
        def _():
            pltpu.sync_copy(ef_hbm.at[pl.ds(base + (k + 1) * 400, 400)],
                            idx_v.at[(k + 1) % 2])
        for p in range(2):
            @pl.when(lax.rem(k, 2) == p)
            def _():
                @pl.when(k + 1 < 125)
                def _():
                    cp = pltpu.async_copy(lnet_hbm.at[idx_v.at[(p + 1) % 2]],
                                          bufs[(p + 1) % 2], sem)
                    pltpu.sync_copy(bufs[p], eout_hbm.at[pl.ds(base + k * 400, 400)])
                    cp.wait()
                @pl.when(k + 1 >= 125)
                def _():
                    pltpu.sync_copy(bufs[p], eout_hbm.at[pl.ds(base + k * 400, 400)])
        return 0

    lax.fori_loop(0, 125, step, 0)


def _sc_gather_h(ht, node_features):
    return pl.kernel(
        _sc_gather_h_body,
        out_type=jax.ShapeDtypeStruct((N_NODES, HID), jnp.float32),
        mesh=plsc.VectorSubcoreMesh(**_SC_MESH),
        compiler_params=_SC_PARAMS,
        scratch_types=[
            pltpu.VMEM((800,), jnp.int32),
            pltpu.VMEM((800, HID), jnp.float32),
            pltpu.SemaphoreType.DMA,
        ],
    )(ht, node_features)


def _sc_gather_eout(ln_et, edge_features):
    return pl.kernel(
        _sc_gather_eout_body,
        out_type=jax.ShapeDtypeStruct((N_EDGES, HID), jnp.float32),
        mesh=plsc.VectorSubcoreMesh(**_SC_MESH),
        compiler_params=_SC_PARAMS,
        scratch_types=[
            pltpu.VMEM((2, 400), jnp.int32),
            pltpu.VMEM((400, HID), jnp.float32),
            pltpu.VMEM((400, HID), jnp.float32),
            pltpu.SemaphoreType.DMA,
        ],
    )(ln_et, edge_features)


def _sij_kernel(h_ref, ai_ref, aj_ref, si_ref, sj_ref):
    h = h_ref[...]
    si_ref[...] = h @ ai_ref[...]
    sj_ref[...] = h @ aj_ref[...]


NPAD = 50048
NPADZ = 100096
DUMMY_ROW = 50040
EB = 160
NGB = N_EDGES // EB


def _wait(src, dst, sem):
    pltpu.make_async_copy(src, dst, sem).wait()


def _sc_ex_body(t_hbm, nb_hbm, ef_hbm, pack_hbm, se_hbm, zz_hbm,
                comb_hbm, z01_hbm,
                pack_v, se_v, t_v, nb_v, ef_v, comb0_v, comb1_v, t2_v, ex2_v,
                z_sp, ssem, wsem, zsem):
    c = lax.axis_index("c")
    s = lax.axis_index("s")
    w = s * NC + c
    pltpu.sync_copy(pack_hbm, pack_v)
    pltpu.sync_copy(se_hbm, se_v)
    pltpu.sync_copy(zz_hbm.at[pl.ds(s * 6256, 6256)], z_sp.at[pl.ds(s * 6256, 6256)])
    plsc.subcore_barrier()

    tb = (t_v.at[0], t_v.at[1])
    nbb = (nb_v.at[0], nb_v.at[1])
    efb = (ef_v.at[0], ef_v.at[1])
    c0b = (comb0_v.at[0], comb0_v.at[1])
    c1b = (comb1_v.at[0], comb1_v.at[1])
    t2b = (t2_v.at[0], t2_v.at[1])
    ex2b = (ex2_v.at[0], ex2_v.at[1])

    nblk = jnp.where(w < 16, 313, 312)

    def row_of(k):
        return w + k * NW

    def streams(k, p):
        off = row_of(k) * EB
        pltpu.async_copy(t_hbm.at[pl.ds(off, EB)], tb[p], ssem[p])
        pltpu.async_copy(nb_hbm.at[pl.ds(off, EB)], nbb[p], ssem[p])
        pltpu.async_copy(ef_hbm.at[pl.ds(off, EB)], efb[p], ssem[p])

    def wait_streams(k, p):
        off = row_of(k) * EB
        _wait(t_hbm.at[pl.ds(off, EB)], tb[p], ssem[p])
        _wait(nb_hbm.at[pl.ds(off, EB)], nbb[p], ssem[p])
        _wait(ef_hbm.at[pl.ds(off, EB)], efb[p], ssem[p])

    def wait_outs(k, p):
        gb = row_of(k)
        _wait(c0b[p], comb_hbm.at[0].at[gb], wsem[p])
        _wait(c1b[p], comb_hbm.at[1].at[gb], wsem[p])
        for b in range(2):
            _wait(ex2b[p].at[b], z_sp.at[t2b[p].at[b]], zsem[p])

    streams(0, 0)

    def body(k, _):
        for p in range(2):
            @pl.when((lax.rem(k, 2) == p) & (k < nblk))
            def _():
                @pl.when(k >= 2)
                def _():
                    wait_outs(k, p)

                wait_streams(k, p)

                def chunk(j, _):
                    t16 = tb[p][pl.ds(j * 16, 16)]
                    n16 = nbb[p][pl.ds(j * 16, 16)]
                    ef16 = efb[p][pl.ds(j * 16, 16)]
                    pk_t = plsc.load_gather(pack_v, [t16])
                    pk_n = plsc.load_gather(pack_v, [n16])
                    se16 = plsc.load_gather(se_v, [ef16])
                    si = plsc.bitcast(lax.shift_left(pk_t, 16), jnp.float32)
                    sj = plsc.bitcast(lax.bitwise_and(pk_n, jnp.int32(-65536)),
                                      jnp.float32)
                    x = si + sj + se16
                    x = jnp.where(x >= 0.0, x, NEG_SLOPE * x)
                    ex = jnp.exp(x)
                    owned0 = t16 < 50000
                    exm0 = jnp.where(owned0, ex, 0.0)
                    exm1 = ex - exm0
                    idx0 = jnp.where(owned0, t16, DUMMY_ROW)
                    idx1 = jnp.where(owned0, DUMMY_ROW, t16 - 50000)
                    r = j // 5
                    sl = pl.ds((j % 5) * 16, 16)
                    c0b[p][0, r, sl] = n16
                    c0b[p][1, r, sl] = idx0
                    c0b[p][2, r, sl] = plsc.bitcast(exm0, jnp.int32)
                    c1b[p][0, r, sl] = n16
                    c1b[p][1, r, sl] = idx1
                    c1b[p][2, r, sl] = plsc.bitcast(exm1, jnp.int32)
                    t2b[p][r, sl] = t16
                    ex2b[p][r, sl] = ex
                    return 0

                lax.fori_loop(0, EB // 16, chunk, 0)
                gb = row_of(k)
                pltpu.async_copy(c0b[p], comb_hbm.at[0].at[gb], wsem[p])
                pltpu.async_copy(c1b[p], comb_hbm.at[1].at[gb], wsem[p])
                for b in range(2):
                    pltpu.async_copy(ex2b[p].at[b], z_sp.at[t2b[p].at[b]],
                                     zsem[p], add=True)

                @pl.when(k + 1 < nblk)
                def _():
                    streams(k + 1, 1 - p)
        return 0

    lax.fori_loop(0, 313, body, 0)
    wait_outs(0, 0)
    wait_outs(0, 1)
    plsc.subcore_barrier()
    pltpu.sync_copy(z_sp.at[pl.ds(s * 6256, 6256)],
                    z01_hbm.at[c].at[pl.ds(s * 6256, 6256)])


def _sc_ex(t_arr, nb_arr, ef_arr, pack, se_t):
    zz = jnp.zeros((NPADZ,), jnp.float32)
    return pl.kernel(
        _sc_ex_body,
        out_type=[
            jax.ShapeDtypeStruct((2, NGB, 3, 2, 80), jnp.int32),
            jax.ShapeDtypeStruct((NC, NPADZ), jnp.float32),
        ],
        mesh=plsc.VectorSubcoreMesh(**_SC_MESH),
        compiler_params=_SC_PARAMS_NL,
        scratch_types=[
            pltpu.VMEM((N_NODES,), jnp.int32),
            pltpu.VMEM((1000,), jnp.float32),
            pltpu.VMEM((2, EB), jnp.int32),
            pltpu.VMEM((2, EB), jnp.int32),
            pltpu.VMEM((2, EB), jnp.int32),
            pltpu.VMEM((2, 3, 2, 80), jnp.int32),
            pltpu.VMEM((2, 3, 2, 80), jnp.int32),
            pltpu.VMEM((2, 2, 80), jnp.int32),
            pltpu.VMEM((2, 2, 80), jnp.float32),
            pltpu.VMEM_SHARED((NPADZ,), jnp.float32),
            (pltpu.SemaphoreType.DMA, pltpu.SemaphoreType.DMA),
            (pltpu.SemaphoreType.DMA, pltpu.SemaphoreType.DMA),
            (pltpu.SemaphoreType.DMA, pltpu.SemaphoreType.DMA),
        ],
    )(t_arr, nb_arr, ef_arr, pack, se_t, zz)


def _sc_acc_body(comb_hbm, h_hbm, zu_hbm, z01_hbm, u_hbm,
                 comb_v, hrows_v, idxc_v, zi_v, z2_v, ub_v,
                 u_sp, gsem, csem, ssem):
    c = lax.axis_index("c")
    s = lax.axis_index("s")

    pltpu.sync_copy(zu_hbm.at[pl.ds(s * 3128, 3128)], u_sp.at[pl.ds(s * 3128, 3128)])
    plsc.subcore_barrier()

    mycomb = comb_hbm.at[c]
    base_blk = s * 625
    combs = (comb_v.at[0], comb_v.at[1], comb_v.at[2])
    hrows = (hrows_v.at[0], hrows_v.at[1], hrows_v.at[2])
    idxcs = (idxc_v.at[0], idxc_v.at[1], idxc_v.at[2])

    def stream(k, r):
        pltpu.async_copy(mycomb.at[base_blk + k], combs[r], ssem[r])

    def wait_stream(k, r):
        _wait(mycomb.at[base_blk + k], combs[r], ssem[r])

    def gather(r):
        for b in range(2):
            pltpu.async_copy(h_hbm.at[combs[r].at[0].at[b]],
                             hrows[r].at[pl.ds(b * 80, 80)], gsem[r])

    def wait_gather(r):
        for b in range(2):
            _wait(h_hbm.at[combs[r].at[0].at[b]],
                  hrows[r].at[pl.ds(b * 80, 80)], gsem[r])

    def scatter(r):
        for b in range(2):
            pltpu.async_copy(hrows[r].at[pl.ds(b * 80, 80)],
                             u_sp.at[idxcs[r].at[b]], csem[r], add=True)

    def wait_scatter(r):
        for b in range(2):
            _wait(hrows[r].at[pl.ds(b * 80, 80)],
                  u_sp.at[idxcs[r].at[b]], csem[r])

    def scale(r):
        for b in range(2):
            for q in range(5):
                sl = pl.ds(q * 16, 16)
                idxc_v[r, b, sl] = comb_v[r, 1, b, sl]

        def row_fn(rr, _):
            rhi = rr // 80
            rlo = rr - rhi * 80
            exs = plsc.load_gather(
                combs[r],
                [jnp.full((16,), 2, jnp.int32),
                 jnp.full((16,), rhi, jnp.int32),
                 jnp.full((16,), rlo, jnp.int32)])
            ex_f = plsc.bitcast(exs, jnp.float32)
            hrows_v[r, rr, pl.ds(0, 16)] = hrows_v[r, rr, pl.ds(0, 16)] * ex_f
            hrows_v[r, rr, pl.ds(16, 16)] = hrows_v[r, rr, pl.ds(16, 16)] * ex_f
            return 0

        lax.fori_loop(0, EB, row_fn, 0)

    stream(0, 0)
    stream(1, 1)
    wait_stream(0, 0)
    gather(0)

    def body(k, _):
        for cur in range(3):
            nxt = (cur + 1) % 3
            prv = (cur + 2) % 3

            @pl.when(lax.rem(k, 3) == cur)
            def _():
                @pl.when(k >= 2)
                def _():
                    wait_scatter(nxt)

                @pl.when(k + 1 < 625)
                def _():
                    wait_stream(k + 1, nxt)
                    gather(nxt)

                wait_gather(cur)
                scale(cur)
                scatter(cur)

                @pl.when(k + 2 < 625)
                def _():
                    stream(k + 2, prv)
        return 0

    lax.fori_loop(0, 625, body, 0)
    wait_scatter(0)
    wait_scatter(2)

    plsc.subcore_barrier()

    zoff = c * 50000 + s * 3128
    pltpu.sync_copy(z01_hbm.at[0].at[pl.ds(zoff, 3128)], zi_v.at[pl.ds(0, 3128)])
    pltpu.sync_copy(z01_hbm.at[1].at[pl.ds(zoff, 3128)], z2_v.at[pl.ds(0, 3128)])

    def zinv_fn(j, _):
        sl = pl.ds(j * 16, 16)
        zc = zi_v[sl] + z2_v[sl]
        zi_v[sl] = jnp.where(zc > 0.0, 1.0 / jnp.where(zc > 0.0, zc, 1.0), 0.0)
        return 0

    lax.fori_loop(0, 196, zinv_fn, 0)

    def uchunk(kk, _):
        row0 = kk * 136
        pltpu.sync_copy(u_sp.at[pl.ds(s * 3128 + row0, 136)], ub_v)

        def urow(rr, _):
            zr = plsc.load_gather(zi_v, [jnp.full((16,), row0 + rr, jnp.int32)])
            ub_v[rr, pl.ds(0, 16)] = ub_v[rr, pl.ds(0, 16)] * zr
            ub_v[rr, pl.ds(16, 16)] = ub_v[rr, pl.ds(16, 16)] * zr
            return 0

        lax.fori_loop(0, 136, urow, 0)
        pltpu.sync_copy(ub_v, u_hbm.at[c].at[pl.ds(s * 3128 + row0, 136)])
        return 0

    lax.fori_loop(0, 23, uchunk, 0)


def _sc_acc(comb, h, z01):
    zu = jnp.zeros((NPAD, HID), jnp.float32)
    return pl.kernel(
        _sc_acc_body,
        out_type=jax.ShapeDtypeStruct((NC, NPAD, HID), jnp.float32),
        mesh=plsc.VectorSubcoreMesh(**_SC_MESH),
        compiler_params=_SC_PARAMS_NL,
        scratch_types=[
            pltpu.VMEM((3, 3, 2, 80), jnp.int32),
            pltpu.VMEM((3, EB, HID), jnp.float32),
            pltpu.VMEM((3, 2, 80), jnp.int32),
            pltpu.VMEM((3136,), jnp.float32),
            pltpu.VMEM((3136,), jnp.float32),
            pltpu.VMEM((136, HID), jnp.float32),
            pltpu.VMEM_SHARED((NPAD, HID), jnp.float32),
            (pltpu.SemaphoreType.DMA,) * 3,
            (pltpu.SemaphoreType.DMA,) * 3,
            (pltpu.SemaphoreType.DMA,) * 3,
        ],
    )(comb, h, zu, z01)


def _node_precompute_kernel(nt_ref, w_ref, b_ref, ht_ref):
    ht_ref[...] = jnp.dot(nt_ref[...], w_ref[...].T,
                          preferred_element_type=jnp.float32) + b_ref[...]


def _edge_precompute_kernel(et_ref, w_ref, b_ref, ae_ref, g_ref, beta_ref,
                            lnet_ref, se_ref):
    et = jnp.dot(et_ref[...], w_ref[...].T,
                 preferred_element_type=jnp.float32) + b_ref[...]
    se_ref[...] = et @ ae_ref[...]
    mu = jnp.mean(et, axis=-1, keepdims=True)
    var = jnp.mean((et - mu) ** 2, axis=-1, keepdims=True)
    lnet_ref[...] = (et - mu) / jnp.sqrt(var + 1e-5) * g_ref[...] + beta_ref[...]


def _final_kernel(u_ref, h_ref, g_ref, beta_ref, out_ref):
    x = u_ref[0] + h_ref[...]
    mu = jnp.mean(x, axis=-1, keepdims=True)
    var = jnp.mean((x - mu) ** 2, axis=-1, keepdims=True)
    out_ref[...] = (x - mu) / jnp.sqrt(var + 1e-5) * g_ref[...] + beta_ref[...]


def kernel(node_features, edge_features, edge_index, node_table, edge_table,
           W_w, b_w, W_e, b_e, attn, ln_gamma, ln_beta):
    a = attn.reshape(3 * HID)
    a_i, a_j, a_e = a[:HID], a[HID:2 * HID], a[2 * HID:]

    n_blocks = pl.cdiv(N_NODES, NODE_BLK)
    ht = pl.pallas_call(
        _node_precompute_kernel,
        grid=(n_blocks,),
        in_specs=[
            pl.BlockSpec((NODE_BLK, EMB), lambda i: (i, 0)),
            pl.BlockSpec((HID, EMB), lambda i: (0, 0)),
            pl.BlockSpec((HID,), lambda i: (0,)),
        ],
        out_specs=pl.BlockSpec((NODE_BLK, HID), lambda i: (i, 0)),
        out_shape=jax.ShapeDtypeStruct((N_NODES, HID), jnp.float32),
    )(node_table, W_w, b_w)

    ln_et, se_t = pl.pallas_call(
        _edge_precompute_kernel,
        out_shape=[
            jax.ShapeDtypeStruct((1000, HID), jnp.float32),
            jax.ShapeDtypeStruct((1000,), jnp.float32),
        ],
    )(edge_table, W_e, b_e, a_e, ln_gamma, ln_beta)

    h = _sc_gather_h(ht, node_features)
    edge_out = _sc_gather_eout(ln_et, edge_features)

    si_n, sj_n = pl.pallas_call(
        _sij_kernel,
        grid=(n_blocks,),
        in_specs=[
            pl.BlockSpec((NODE_BLK, HID), lambda i: (i, 0)),
            pl.BlockSpec((HID,), lambda i: (0,)),
            pl.BlockSpec((HID,), lambda i: (0,)),
        ],
        out_specs=[
            pl.BlockSpec((NODE_BLK,), lambda i: (i,)),
            pl.BlockSpec((NODE_BLK,), lambda i: (i,)),
        ],
        out_shape=[
            jax.ShapeDtypeStruct((N_NODES,), jnp.float32),
            jax.ShapeDtypeStruct((N_NODES,), jnp.float32),
        ],
    )(h, a_i, a_j)

    si_bits = lax.bitcast_convert_type(si_n.astype(jnp.bfloat16), jnp.uint16)
    sj_bits = lax.bitcast_convert_type(sj_n.astype(jnp.bfloat16), jnp.uint16)
    pack = (si_bits.astype(jnp.uint32)
            | (sj_bits.astype(jnp.uint32) << 16)).astype(jnp.int32)

    comb, z01 = _sc_ex(edge_index[0], edge_index[1], edge_features, pack, se_t)
    u_pad = _sc_acc(comb, h, z01)

    out = pl.pallas_call(
        _final_kernel,
        grid=(2, 125),
        in_specs=[
            pl.BlockSpec((1, 400, HID), lambda c, i: (c, i, 0)),
            pl.BlockSpec((400, HID), lambda c, i: (c * 125 + i, 0)),
            pl.BlockSpec((HID,), lambda c, i: (0,)),
            pl.BlockSpec((HID,), lambda c, i: (0,)),
        ],
        out_specs=pl.BlockSpec((400, HID), lambda c, i: (c * 125 + i, 0)),
        out_shape=jax.ShapeDtypeStruct((N_NODES, HID), jnp.float32),
    )(u_pad, h, ln_gamma, ln_beta)

    return (out, edge_out)

# --- scband reference (transcript-rebuilt; emitter-appended) ---
"""Pipeline reference for scband-embedding-gatedge-13005160972437 (READ-ONLY COPY).

The authoritative reference and input builder live on the scoring server;
editing this copy changes nothing except your own understanding.
"""

import jax, jax.numpy as jnp
import numpy as np

N_NODES = 100000
N_EDGES = 1600000
EMB = 32
HID = 32
HEADS = 1
NODE_DICT = 100000
EDGE_DICT = 1000
NEG_SLOPE = 0.2


def layer_norm(x, g, b, eps=1e-5):
    mu = jnp.mean(x, axis=-1, keepdims=True)
    var = jnp.mean((x - mu) ** 2, axis=-1, keepdims=True)
    return (x - mu) / jnp.sqrt(var + eps) * g + b


def setup_inputs(seed: int = 0) -> dict:
    key = jax.random.key(seed)
    ks = jax.random.split(key, 12)
    node_features = jax.random.randint(ks[0], (N_NODES,), 0, NODE_DICT, dtype=jnp.int32)
    edge_features = jax.random.randint(ks[1], (N_EDGES,), 0, EDGE_DICT, dtype=jnp.int32)
    edge_index = jax.random.randint(ks[2], (2, N_EDGES), 0, N_NODES, dtype=jnp.int32)
    node_table = jax.random.normal(ks[3], (NODE_DICT, EMB), dtype=jnp.float32) * 0.02
    edge_table = jax.random.normal(ks[4], (EDGE_DICT, EMB), dtype=jnp.float32) * 0.02
    W_w = jax.random.normal(ks[5], (HID * HEADS, EMB), dtype=jnp.float32) * 0.1
    b_w = jnp.zeros((HID * HEADS,), dtype=jnp.float32)
    W_e = jax.random.normal(ks[6], (HID * HEADS, EMB), dtype=jnp.float32) * 0.1
    b_e = jnp.zeros((HID * HEADS,), dtype=jnp.float32)
    attn = jax.random.normal(ks[7], (1, HEADS, 3 * HID), dtype=jnp.float32) * 0.1
    ln_gamma = jnp.ones((HID * HEADS,), dtype=jnp.float32)
    ln_beta = jnp.zeros((HID * HEADS,), dtype=jnp.float32)
    return {
        "node_features": node_features,
        "edge_features": edge_features,
        "edge_index": edge_index,
        "node_table": node_table,
        "edge_table": edge_table,
        "W_w": W_w,
        "b_w": b_w,
        "W_e": W_e,
        "b_e": b_e,
        "attn": attn,
        "ln_gamma": ln_gamma,
        "ln_beta": ln_beta,
    }


def reference(node_features, edge_features, edge_index, node_table, edge_table,
              W_w, b_w, W_e, b_e, attn, ln_gamma, ln_beta):
    # discrete indices -> embeddings
    n_emb = jnp.take(node_table, node_features, axis=0)          # [N, EMB]
    e_emb = jnp.take(edge_table, edge_features, axis=0)          # [E, EMB]
    # linear projections (dropout p=0 -> identity)
    h = (n_emb @ W_w.T + b_w).reshape(-1, HEADS, HID)            # [N, H, F]
    edge_h = (e_emb @ W_e.T + b_e).reshape(-1, HEADS, HID)       # [E, H, F]
    target_nodes = edge_index[0]
    neighbor_nodes = edge_index[1]
    h_i = h[target_nodes]                                        # [E, H, F]
    h_j = h[neighbor_nodes]                                      # [E, H, F]
    h_concat = jnp.concatenate([h_i, h_j, edge_h], axis=-1)      # [E, H, 3F]
    eij = jax.nn.leaky_relu((h_concat * attn).sum(axis=-1), negative_slope=NEG_SLOPE)  # [E, H]
    # scatter softmax over target index
    seg_max = jax.ops.segment_max(eij, target_nodes, num_segments=N_NODES)
    ex = jnp.exp(eij - seg_max[target_nodes])
    seg_sum = jax.ops.segment_sum(ex, target_nodes, num_segments=N_NODES)
    attention_score = ex / seg_sum[target_nodes]                 # [E, H]
    message = attention_score[..., None] * h_j                   # [E, H, F]
    out = jax.ops.segment_sum(message, target_nodes, num_segments=N_NODES)  # [N, H, F]
    out = out + h                                                # skip connection
    out = out.reshape(-1, HEADS * HID)
    edge_out = edge_h.reshape(-1, HEADS * HID)
    out = layer_norm(out, ln_gamma, ln_beta)
    edge_out = layer_norm(edge_out, ln_gamma, ln_beta)
    return (out, edge_out)

if __name__ == "__main__":
    import jax
    _d = setup_inputs()
    print(jax.jit(kernel)(*tuple(_d.values())))

</pallas_src>

<mosaic_0001>
#map = affine_map<(d0, d1) -> (0, 0)>
#map1 = affine_map<(d0, d1) -> (0)>
module attributes {stable_mosaic.version = 14 : i64} {
  func.func @_sc_gather_eout_body(%arg0: i32, %arg1: i32, %arg2: memref<1000x32xf32, #tpu.memory_space<hbm>>, %arg3: memref<1600000xi32, #tpu.memory_space<hbm>>, %arg4: memref<1600000x32xf32, #tpu.memory_space<hbm>>, %arg5: memref<2x400xi32, #tpu.memory_space<vmem>>, %arg6: memref<400x32xf32, #tpu.memory_space<vmem>>, %arg7: memref<400x32xf32, #tpu.memory_space<vmem>>, %arg8: memref<!tpu.dma_semaphore, #tpu.memory_space<semaphore_mem>>) attributes {dimension_semantics = [#tpu.dimension_semantics<core_parallel>, #tpu.dimension_semantics<subcore_parallel>], iteration_bounds = array<i64: 2, 16>, scalar_prefetch = 0 : i64, scratch_operands = 4 : i64, tpu.core_type = #tpu.core_type<sc_vector_subcore>, window_params = [{transform_indices = #map}, {transform_indices = #map1}, {transform_indices = #map}]} {
    %mul3A = arith.constant 2 : i32
    %mul3A_0 = arith.muli %arg1, %mul3A : i32
    %add3A = arith.addi %mul3A_0, %arg0 : i32
    %mul3A_1 = arith.constant 50000 : i32
    %mul3A_2 = arith.muli %add3A, %mul3A_1 : i32
    %run_scoped3A = arith.constant 0 : i32
    "tpu.region"() ({
      %run_scoped3A_21 = tpu.sem_alloc : memref<!tpu.dma_semaphore, #tpu.memory_space<semaphore_mem>>
      %dma_start3A_22 = arith.constant 0 : i32
      %dma_start3A_23 = tpu.memref_slice %arg5[%run_scoped3A, %dma_start3A_22] : memref<2x400xi32, #tpu.memory_space<vmem>> -> memref<1x400xi32, #tpu.memory_space<vmem>>
      %dma_start3A_24 = tpu.memref_squeeze %dma_start3A_23 : memref<1x400xi32, #tpu.memory_space<vmem>> -> memref<400xi32, #tpu.memory_space<vmem>>
      %dma_start3A_25 = tpu.memref_slice %arg3[%mul3A_2] : memref<1600000xi32, #tpu.memory_space<hbm>> -> memref<400xi32, #tpu.memory_space<hbm>>
      %dma_start3A_26 = arith.constant 0 : i32
      %dma_start3A_27 = tpu.memref_slice %arg5[%run_scoped3A, %dma_start3A_26] : memref<2x400xi32, #tpu.memory_space<vmem>> -> memref<1x400xi32, #tpu.memory_space<vmem>>
      %dma_start3A_28 = tpu.memref_squeeze %dma_start3A_27 : memref<1x400xi32, #tpu.memory_space<vmem>> -> memref<400xi32, #tpu.memory_space<vmem>>
      %dma_start3A_29 = tpu.memref_slice %arg3[%mul3A_2] : memref<1600000xi32, #tpu.memory_space<hbm>> -> memref<400xi32, #tpu.memory_space<hbm>>
      tpu.enqueue_dma source(%dma_start3A_29 : memref<400xi32, #tpu.memory_space<hbm>>) target(%dma_start3A_28 : memref<400xi32, #tpu.memory_space<vmem>>) target_semaphore(%run_scoped3A_21 : memref<!tpu.dma_semaphore, #tpu.memory_space<semaphore_mem>>)
      %dma_wait3A_30 = arith.constant 0 : i32
      %dma_wait3A_31 = tpu.memref_slice %arg5[%run_scoped3A, %dma_wait3A_30] : memref<2x400xi32, #tpu.memory_space<vmem>> -> memref<1x400xi32, #tpu.memory_space<vmem>>
      %dma_wait3A_32 = tpu.memref_squeeze %dma_wait3A_31 : memref<1x400xi32, #tpu.memory_space<vmem>> -> memref<400xi32, #tpu.memory_space<vmem>>
      %dma_wait3A_33 = tpu.memref_slice %arg3[%mul3A_2] : memref<1600000xi32, #tpu.memory_space<hbm>> -> memref<400xi32, #tpu.memory_space<hbm>>
      %dma_wait3A_34 = arith.constant 0 : i32
      %dma_wait3A_35 = tpu.memref_slice %arg5[%run_scoped3A, %dma_wait3A_34] : memref<2x400xi32, #tpu.memory_space<vmem>> -> memref<1x400xi32, #tpu.memory_space<vmem>>
      %dma_wait3A_36 = tpu.memref_squeeze %dma_wait3A_35 : memref<1x400xi32, #tpu.memory_space<vmem>> -> memref<400xi32, #tpu.memory_space<vmem>>
      %dma_wait3A_37 = tpu.memref_slice %arg3[%mul3A_2] : memref<1600000xi32, #tpu.memory_space<hbm>> -> memref<400xi32, #tpu.memory_space<hbm>>
      tpu.wait_dma2 semaphore(%run_scoped3A_21 : memref<!tpu.dma_semaphore, #tpu.memory_space<semaphore_mem>>) src(%dma_wait3A_37 : memref<400xi32, #tpu.memory_space<hbm>>) dst(%dma_wait3A_36 : memref<400xi32, #tpu.memory_space<vmem>>)
      tpu.yield
    }) : () -> ()
    %dma_start3A = arith.constant 0 : i32
    %dma_start3A_3 = arith.constant 0 : i32
    %dma_start3A_4 = tpu.memref_slice %arg5[%dma_start3A, %dma_start3A_3] : memref<2x400xi32, #tpu.memory_space<vmem>> -> memref<1x400xi32, #tpu.memory_space<vmem>>
    %dma_start3A_5 = tpu.memref_squeeze %dma_start3A_4 : memref<1x400xi32, #tpu.memory_space<vmem>> -> memref<400xi32, #tpu.memory_space<vmem>>
    %dma_start3A_6 = arith.constant 0 : i32
    %dma_start3A_7 = arith.constant 0 : i32
    %dma_start3A_8 = tpu.memref_slice %arg2[%dma_start3A_6, %dma_start3A_7] : memref<1000x32xf32, #tpu.memory_space<hbm>> -> memref<1000x32xf32, #tpu.memory_space<hbm>>
    tpu.enqueue_indirect_dma source(%dma_start3A_8 : memref<1000x32xf32, #tpu.memory_space<hbm>>) target(%arg6 : memref<400x32xf32, #tpu.memory_space<vmem>>) offsets(%dma_start3A_5 : memref<400xi32, #tpu.memory_space<vmem>>) semaphore(%arg8 : memref<!tpu.dma_semaphore, #tpu.memory_space<semaphore_mem>>)
    %dma_wait3A = arith.constant 0 : i32
    %dma_wait3A_9 = arith.constant 0 : i32
    %dma_wait3A_10 = tpu.memref_slice %arg5[%dma_wait3A, %dma_wait3A_9] : memref<2x400xi32, #tpu.memory_space<vmem>> -> memref<1x400xi32, #tpu.memory_space<vmem>>
    %dma_wait3A_11 = tpu.memref_squeeze %dma_wait3A_10 : memref<1x400xi32, #tpu.memory_space<vmem>> -> memref<400xi32, #tpu.memory_space<vmem>>
    %dma_wait3A_12 = arith.constant 0 : i32
    %dma_wait3A_13 = arith.constant 0 : i32
    %dma_wait3A_14 = tpu.memref_slice %arg2[%dma_wait3A_12, %dma_wait3A_13] : memref<1000x32xf32, #tpu.memory_space<hbm>> -> memref<1000x32xf32, #tpu.memory_space<hbm>>
    tpu.wait_indirect_dma semaphore(%arg8 : memref<!tpu.dma_semaphore, #tpu.memory_space<semaphore_mem>>) src(%dma_wait3A_14 : memref<1000x32xf32, #tpu.memory_space<hbm>>) dst(%arg6 : memref<400x32xf32, #tpu.memory_space<vmem>>)
    %scan3A = arith.constant 0 : i32
    %scan3A_15 = arith.constant 0 : i32
    %scan3A_16 = arith.constant 125 : i32
    %scan3A_17 = arith.addi %scan3A_15, %scan3A_16 : i32
    %scan3A_18 = arith.constant 1 : i32
    %scan3A_19 = scf.for %scan3A_21 = %scan3A_15 to %scan3A_17 step %scan3A_18 iter_args(%scan3A_22 = %scan3A) -> (i32)  : i32 {
      %add3A_23 = arith.constant 1 : i32
      %add3A_24 = arith.addi %scan3A_21, %add3A_23 : i32
      %lt3A = arith.constant 125 : i32
      %lt3A_25 = arith.cmpi slt, %add3A_24, %lt3A : i32
      %convert_element_type3A = arith.extui %lt3A_25 : i1 to i32
      %cond3A = arith.constant 0 : i32
      %cond3A_26 = arith.cmpi ne, %convert_element_type3A, %cond3A : i32
      scf.if %cond3A_26 {
        %add3A_40 = arith.constant 1 : i32
        %add3A_41 = arith.addi %scan3A_21, %add3A_40 : i32
        %mul3A_42 = arith.constant 400 : i32
        %mul3A_43 = arith.muli %add3A_41, %mul3A_42 : i32
        %add3A_44 = arith.addi %mul3A_2, %mul3A_43 : i32
        %add3A_45 = arith.constant 1 : i32
        %add3A_46 = arith.addi %scan3A_21, %add3A_45 : i32
        %jit3A = arith.constant 2 : i32
        %eq3A_47 = arith.constant 0 : i32
        %eq3A_48 = arith.cmpi eq, %jit3A, %eq3A_47 : i32
        %jit3A_49 = arith.constant 1 : i32
        %select_n3A = arith.select %eq3A_48, %jit3A_49, %jit3A : i32
        %rem3A_50 = arith.remsi %add3A_46, %select_n3A : i32
        %ne3A = arith.constant 0 : i32
        %ne3A_51 = arith.cmpi ne, %rem3A_50, %ne3A : i32
        %lt3A_52 = arith.constant 0 : i32
        %lt3A_53 = arith.cmpi slt, %rem3A_50, %lt3A_52 : i32
        %lt3A_54 = arith.constant 0 : i32
        %lt3A_55 = arith.cmpi slt, %select_n3A, %lt3A_54 : i32
        %ne3A_56 = arith.xori %lt3A_53, %lt3A_55 : i1
        %and3A = arith.andi %ne3A_56, %ne3A_51 : i1
        %add3A_57 = arith.addi %rem3A_50, %select_n3A : i32
        %select_n3A_58 = arith.select %and3A, %add3A_57, %rem3A_50 : i32
        "tpu.region"() ({
          %run_scoped3A_59 = tpu.sem_alloc : memref<!tpu.dma_semaphore, #tpu.memory_space<semaphore_mem>>
          %dma_start3A_60 = arith.constant 0 : i32
          %dma_start3A_61 = tpu.memref_slice %arg5[%select_n3A_58, %dma_start3A_60] : memref<2x400xi32, #tpu.memory_space<vmem>> -> memref<1x400xi32, #tpu.memory_space<vmem>>
          %dma_start3A_62 = tpu.memref_squeeze %dma_start3A_61 : memref<1x400xi32, #tpu.memory_space<vmem>> -> memref<400xi32, #tpu.memory_space<vmem>>
          %dma_start3A_63 = tpu.memref_slice %arg3[%add3A_44] : memref<1600000xi32, #tpu.memory_space<hbm>> -> memref<400xi32, #tpu.memory_space<hbm>>
          %dma_start3A_64 = arith.constant 0 : i32
          %dma_start3A_65 = tpu.memref_slice %arg5[%select_n3A_58, %dma_start3A_64] : memref<2x400xi32, #tpu.memory_space<vmem>> -> memref<1x400xi32, #tpu.memory_space<vmem>>
          %dma_start3A_66 = tpu.memref_squeeze %dma_start3A_65 : memref<1x400xi32, #tpu.memory_space<vmem>> -> memref<400xi32, #tpu.memory_space<vmem>>
          %dma_start3A_67 = tpu.memref_slice %arg3[%add3A_44] : memref<1600000xi32, #tpu.memory_space<hbm>> -> memref<400xi32, #tpu.memory_space<hbm>>
          tpu.enqueue_dma source(%dma_start3A_67 : memref<400xi32, #tpu.memory_space<hbm>>) target(%dma_start3A_66 : memref<400xi32, #tpu.memory_space<vmem>>) target_semaphore(%run_scoped3A_59 : memref<!tpu.dma_semaphore, #tpu.memory_space<semaphore_mem>>)
          %dma_wait3A_68 = arith.constant 0 : i32
          %dma_wait3A_69 = tpu.memref_slice %arg5[%select_n3A_58, %dma_wait3A_68] : memref<2x400xi32, #tpu.memory_space<vmem>> -> memref<1x400xi32, #tpu.memory_space<vmem>>
          %dma_wait3A_70 = tpu.memref_squeeze %dma_wait3A_69 : memref<1x400xi32, #tpu.memory_space<vmem>> -> memref<400xi32, #tpu.memory_space<vmem>>
          %dma_wait3A_71 = tpu.memref_slice %arg3[%add3A_44] : memref<1600000xi32, #tpu.memory_space<hbm>> -> memref<400xi32, #tpu.memory_space<hbm>>
          %dma_wait3A_72 = arith.constant 0 : i32
          %dma_wait3A_73 = tpu.memref_slice %arg5[%select_n3A_58, %dma_wait3A_72] : memref<2x400xi32, #tpu.memory_space<vmem>> -> memref<1x400xi32, #tpu.memory_space<vmem>>
          %dma_wait3A_74 = tpu.memref_squeeze %dma_wait3A_73 : memref<1x400xi32, #tpu.memory_space<vmem>> -> memref<400xi32, #tpu.memory_space<vmem>>
          %dma_wait3A_75 = tpu.memref_slice %arg3[%add3A_44] : memref<1600000xi32, #tpu.memory_space<hbm>> -> memref<400xi32, #tpu.memory_space<hbm>>
          tpu.wait_dma2 semaphore(%run_scoped3A_59 : memref<!tpu.dma_semaphore, #tpu.memory_space<semaphore_mem>>) src(%dma_wait3A_75 : memref<400xi32, #tpu.memory_space<hbm>>) dst(%dma_wait3A_74 : memref<400xi32, #tpu.memory_space<vmem>>)
          tpu.yield
        }) : () -> ()
      } else {
      }
      %rem3A = arith.constant 2 : i32
      %rem3A_27 = arith.remsi %scan3A_21, %rem3A : i32
      %eq3A = arith.constant 0 : i32
      %eq3A_28 = arith.cmpi eq, %rem3A_27, %eq3A : i32
      %convert_element_type3A_29 = arith.extui %eq3A_28 : i1 to i32
      %cond3A_30 = arith.constant 0 : i32
      %cond3A_31 = arith.cmpi ne, %convert_element_type3A_29, %cond3A_30 : i32
      scf.if %cond3A_31 {
        %add3A_40 = arith.constant 1 : i32
        %add3A_41 = arith.addi %scan3A_21, %add3A_40 : i32
        %lt3A_42 = arith.constant 125 : i32
        %lt3A_43 = arith.cmpi slt, %add3A_41, %lt3A_42 : i32
        %convert_element_type3A_44 = arith.extui %lt3A_43 : i1 to i32
        %cond3A_45 = arith.constant 0 : i32
        %cond3A_46 = arith.cmpi ne, %convert_element_type3A_44, %cond3A_45 : i32
        scf.if %cond3A_46 {
          %dma_start3A_53 = arith.constant 1 : i32
          %dma_start3A_54 = arith.constant 0 : i32
          %dma_start3A_55 = tpu.memref_slice %arg5[%dma_start3A_53, %dma_start3A_54] : memref<2x400xi32, #tpu.memory_space<vmem>> -> memref<1x400xi32, #tpu.memory_space<vmem>>
          %dma_start3A_56 = tpu.memref_squeeze %dma_start3A_55 : memref<1x400xi32, #tpu.memory_space<vmem>> -> memref<400xi32, #tpu.memory_space<vmem>>
          %dma_start3A_57 = arith.constant 0 : i32
          %dma_start3A_58 = arith.constant 0 : i32
          %dma_start3A_59 = tpu.memref_slice %arg2[%dma_start3A_57, %dma_start3A_58] : memref<1000x32xf32, #tpu.memory_space<hbm>> -> memref<1000x32xf32, #tpu.memory_space<hbm>>
          tpu.enqueue_indirect_dma source(%dma_start3A_59 : memref<1000x32xf32, #tpu.memory_space<hbm>>) target(%arg7 : memref<400x32xf32, #tpu.memory_space<vmem>>) offsets(%dma_start3A_56 : memref<400xi32, #tpu.memory_space<vmem>>) semaphore(%arg8 : memref<!tpu.dma_semaphore, #tpu.memory_space<semaphore_mem>>)
          %mul3A_60 = arith.constant 400 : i32
          %mul3A_61 = arith.muli %scan3A_21, %mul3A_60 : i32
          %add3A_62 = arith.addi %mul3A_2, %mul3A_61 : i32
          "tpu.region"() ({
            %run_scoped3A_70 = tpu.sem_alloc : memref<!tpu.dma_semaphore, #tpu.memory_space<semaphore_mem>>
            %dma_start3A_71 = arith.constant 0 : i32
            %dma_start3A_72 = tpu.memref_slice %arg4[%add3A_62, %dma_start3A_71] : memref<1600000x32xf32, #tpu.memory_space<hbm>> -> memref<400x32xf32, #tpu.memory_space<hbm>>
            %dma_start3A_73 = arith.constant 0 : i32
            %dma_start3A_74 = tpu.memref_slice %arg4[%add3A_62, %dma_start3A_73] : memref<1600000x32xf32, #tpu.memory_space<hbm>> -> memref<400x32xf32, #tpu.memory_space<hbm>>
            tpu.enqueue_dma source(%arg6 : memref<400x32xf32, #tpu.memory_space<vmem>>) target(%dma_start3A_74 : memref<400x32xf32, #tpu.memory_space<hbm>>) target_semaphore(%run_scoped3A_70 : memref<!tpu.dma_semaphore, #tpu.memory_space<semaphore_mem>>)
            %dma_wait3A_75 = arith.constant 0 : i32
            %dma_wait3A_76 = tpu.memref_slice %arg4[%add3A_62, %dma_wait3A_75] : memref<1600000x32xf32, #tpu.memory_space<hbm>> -> memref<400x32xf32, #tpu.memory_space<hbm>>
            %dma_wait3A_77 = arith.constant 0 : i32
            %dma_wait3A_78 = tpu.memref_slice %arg4[%add3A_62, %dma_wait3A_77] : memref<1600000x32xf32, #tpu.memory_space<hbm>> -> memref<400x32xf32, #tpu.memory_space<hbm>>
            tpu.wait_dma2 semaphore(%run_scoped3A_70 : memref<!tpu.dma_semaphore, #tpu.memory_space<semaphore_mem>>) src(%arg6 : memref<400x32xf32, #tpu.memory_space<vmem>>) dst(%dma_wait3A_78 : memref<400x32xf32, #tpu.memory_space<hbm>>)
            tpu.yield
          }) : () -> ()
          %dma_wait3A_63 = arith.constant 1 : i32
          %dma_wait3A_64 = arith.constant 0 : i32
          %dma_wait3A_65 = tpu.memref_slice %arg5[%dma_wait3A_63, %dma_wait3A_64] : memref<2x400xi32, #tpu.memory_space<vmem>> -> memref<1x400xi32, #tpu.memory_space<vmem>>
          %dma_wait3A_66 = tpu.memref_squeeze %dma_wait3A_65 : memref<1x400xi32, #tpu.memory_space<vmem>> -> memref<400xi32, #tpu.memory_space<vmem>>
          %dma_wait3A_67 = arith.constant 0 : i32
          %dma_wait3A_68 = arith.constant 0 : i32
          %dma_wait3A_69 = tpu.memref_slice %arg2[%dma_wait3A_67, %dma_wait3A_68] : memref<1000x32xf32, #tpu.memory_space<hbm>> -> memref<1000x32xf32, #tpu.memory_space<hbm>>
          tpu.wait_indirect_dma semaphore(%arg8 : memref<!tpu.dma_semaphore, #tpu.memory_space<semaphore_mem>>) src(%dma_wait3A_69 : memref<1000x32xf32, #tpu.memory_space<hbm>>) dst(%arg7 : memref<400x32xf32, #tpu.memory_space<vmem>>)
        } else {
        }
        %add3A_47 = arith.constant 1 : i32
        %add3A_48 = arith.addi %scan3A_21, %add3A_47 : i32
        %ge3A = arith.constant 125 : i32
        %ge3A_49 = arith.cmpi sge, %add3A_48, %ge3A : i32
        %convert_element_type3A_50 = arith.extui %ge3A_49 : i1 to i32
        %cond3A_51 = arith.constant 0 : i32
        %cond3A_52 = arith.cmpi ne, %convert_element_type3A_50, %cond3A_51 : i32
        scf.if %cond3A_52 {
          %mul3A_53 = arith.constant 400 : i32
          %mul3A_54 = arith.muli %scan3A_21, %mul3A_53 : i32
          %add3A_55 = arith.addi %mul3A_2, %mul3A_54 : i32
          "tpu.region"() ({
            %run_scoped3A_56 = tpu.sem_alloc : memref<!tpu.dma_semaphore, #tpu.memory_space<semaphore_mem>>
            %dma_start3A_57 = arith.constant 0 : i32
            %dma_start3A_58 = tpu.memref_slice %arg4[%add3A_55, %dma_start3A_57] : memref<1600000x32xf32, #tpu.memory_space<hbm>> -> memref<400x32xf32, #tpu.memory_space<hbm>>
            %dma_start3A_59 = arith.constant 0 : i32
            %dma_start3A_60 = tpu.memref_slice %arg4[%add3A_55, %dma_start3A_59] : memref<1600000x32xf32, #tpu.memory_space<hbm>> -> memref<400x32xf32, #tpu.memory_space<hbm>>
            tpu.enqueue_dma source(%arg6 : memref<400x32xf32, #tpu.memory_space<vmem>>) target(%dma_start3A_60 : memref<400x32xf32, #tpu.memory_space<hbm>>) target_semaphore(%run_scoped3A_56 : memref<!tpu.dma_semaphore, #tpu.memory_space<semaphore_mem>>)
            %dma_wait3A_61 = arith.constant 0 : i32
            %dma_wait3A_62 = tpu.memref_slice %arg4[%add3A_55, %dma_wait3A_61] : memref<1600000x32xf32, #tpu.memory_space<hbm>> -> memref<400x32xf32, #tpu.memory_space<hbm>>
            %dma_wait3A_63 = arith.constant 0 : i32
            %dma_wait3A_64 = tpu.memref_slice %arg4[%add3A_55, %dma_wait3A_63] : memref<1600000x32xf32, #tpu.memory_space<hbm>> -> memref<400x32xf32, #tpu.memory_space<hbm>>
            tpu.wait_dma2 semaphore(%run_scoped3A_56 : memref<!tpu.dma_semaphore, #tpu.memory_space<semaphore_mem>>) src(%arg6 : memref<400x32xf32, #tpu.memory_space<vmem>>) dst(%dma_wait3A_64 : memref<400x32xf32, #tpu.memory_space<hbm>>)
            tpu.yield
          }) : () -> ()
        } else {
        }
      } else {
      }
      %rem3A_32 = arith.constant 2 : i32
      %rem3A_33 = arith.remsi %scan3A_21, %rem3A_32 : i32
      %eq3A_34 = arith.constant 1 : i32
      %eq3A_35 = arith.cmpi eq, %rem3A_33, %eq3A_34 : i32
      %convert_element_type3A_36 = arith.extui %eq3A_35 : i1 to i32
      %cond3A_37 = arith.constant 0 : i32
      %cond3A_38 = arith.cmpi ne, %convert_element_type3A_36, %cond3A_37 : i32
      scf.if %cond3A_38 {
        %add3A_40 = arith.constant 1 : i32
        %add3A_41 = arith.addi %scan3A_21, %add3A_40 : i32
        %lt3A_42 = arith.constant 125 : i32
        %lt3A_43 = arith.cmpi slt, %add3A_41, %lt3A_42 : i32
        %convert_element_type3A_44 = arith.extui %lt3A_43 : i1 to i32
        %cond3A_45 = arith.constant 0 : i32
        %cond3A_46 = arith.cmpi ne, %convert_element_type3A_44, %cond3A_45 : i32
        scf.if %cond3A_46 {
          %dma_start3A_53 = arith.constant 0 : i32
          %dma_start3A_54 = arith.constant 0 : i32
          %dma_start3A_55 = tpu.memref_slice %arg5[%dma_start3A_53, %dma_start3A_54] : memref<2x400xi32, #tpu.memory_space<vmem>> -> memref<1x400xi32, #tpu.memory_space<vmem>>
          %dma_start3A_56 = tpu.memref_squeeze %dma_start3A_55 : memref<1x400xi32, #tpu.memory_space<vmem>> -> memref<400xi32, #tpu.memory_space<vmem>>
          %dma_start3A_57 = arith.constant 0 : i32
          %dma_start3A_58 = arith.constant 0 : i32
          %dma_start3A_59 = tpu.memref_slice %arg2[%dma_start3A_57, %dma_start3A_58] : memref<1000x32xf32, #tpu.memory_space<hbm>> -> memref<1000x32xf32, #tpu.memory_space<hbm>>
          tpu.enqueue_indirect_dma source(%dma_start3A_59 : memref<1000x32xf32, #tpu.memory_space<hbm>>) target(%arg6 : memref<400x32xf32, #tpu.memory_space<vmem>>) offsets(%dma_start3A_56 : memref<400xi32, #tpu.memory_space<vmem>>) semaphore(%arg8 : memref<!tpu.dma_semaphore, #tpu.memory_space<semaphore_mem>>)
          %mul3A_60 = arith.constant 400 : i32
          %mul3A_61 = arith.muli %scan3A_21, %mul3A_60 : i32
          %add3A_62 = arith.addi %mul3A_2, %mul3A_61 : i32
          "tpu.region"() ({
            %run_scoped3A_70 = tpu.sem_alloc : memref<!tpu.dma_semaphore, #tpu.memory_space<semaphore_mem>>
            %dma_start3A_71 = arith.constant 0 : i32
            %dma_start3A_72 = tpu.memref_slice %arg4[%add3A_62, %dma_start3A_71] : memref<1600000x32xf32, #tpu.memory_space<hbm>> -> memref<400x32xf32, #tpu.memory_space<hbm>>
            %dma_start3A_73 = arith.constant 0 : i32
            %dma_start3A_74 = tpu.memref_slice %arg4[%add3A_62, %dma_start3A_73] : memref<1600000x32xf32, #tpu.memory_space<hbm>> -> memref<400x32xf32, #tpu.memory_space<hbm>>
            tpu.enqueue_dma source(%arg7 : memref<400x32xf32, #tpu.memory_space<vmem>>) target(%dma_start3A_74 : memref<400x32xf32, #tpu.memory_space<hbm>>) target_semaphore(%run_scoped3A_70 : memref<!tpu.dma_semaphore, #tpu.memory_space<semaphore_mem>>)
            %dma_wait3A_75 = arith.constant 0 : i32
            %dma_wait3A_76 = tpu.memref_slice %arg4[%add3A_62, %dma_wait3A_75] : memref<1600000x32xf32, #tpu.memory_space<hbm>> -> memref<400x32xf32, #tpu.memory_space<hbm>>
            %dma_wait3A_77 = arith.constant 0 : i32
            %dma_wait3A_78 = tpu.memref_slice %arg4[%add3A_62, %dma_wait3A_77] : memref<1600000x32xf32, #tpu.memory_space<hbm>> -> memref<400x32xf32, #tpu.memory_space<hbm>>
            tpu.wait_dma2 semaphore(%run_scoped3A_70 : memref<!tpu.dma_semaphore, #tpu.memory_space<semaphore_mem>>) src(%arg7 : memref<400x32xf32, #tpu.memory_space<vmem>>) dst(%dma_wait3A_78 : memref<400x32xf32, #tpu.memory_space<hbm>>)
            tpu.yield
          }) : () -> ()
          %dma_wait3A_63 = arith.constant 0 : i32
          %dma_wait3A_64 = arith.constant 0 : i32
          %dma_wait3A_65 = tpu.memref_slice %arg5[%dma_wait3A_63, %dma_wait3A_64] : memref<2x400xi32, #tpu.memory_space<vmem>> -> memref<1x400xi32, #tpu.memory_space<vmem>>
          %dma_wait3A_66 = tpu.memref_squeeze %dma_wait3A_65 : memref<1x400xi32, #tpu.memory_space<vmem>> -> memref<400xi32, #tpu.memory_space<vmem>>
          %dma_wait3A_67 = arith.constant 0 : i32
          %dma_wait3A_68 = arith.constant 0 : i32
          %dma_wait3A_69 = tpu.memref_slice %arg2[%dma_wait3A_67, %dma_wait3A_68] : memref<1000x32xf32, #tpu.memory_space<hbm>> -> memref<1000x32xf32, #tpu.memory_space<hbm>>
          tpu.wait_indirect_dma semaphore(%arg8 : memref<!tpu.dma_semaphore, #tpu.memory_space<semaphore_mem>>) src(%dma_wait3A_69 : memref<1000x32xf32, #tpu.memory_space<hbm>>) dst(%arg6 : memref<400x32xf32, #tpu.memory_space<vmem>>)
        } else {
        }
        %add3A_47 = arith.constant 1 : i32
        %add3A_48 = arith.addi %scan3A_21, %add3A_47 : i32
        %ge3A = arith.constant 125 : i32
        %ge3A_49 = arith.cmpi sge, %add3A_48, %ge3A : i32
        %convert_element_type3A_50 = arith.extui %ge3A_49 : i1 to i32
        %cond3A_51 = arith.constant 0 : i32
        %cond3A_52 = arith.cmpi ne, %convert_element_type3A_50, %cond3A_51 : i32
        scf.if %cond3A_52 {
          %mul3A_53 = arith.constant 400 : i32
          %mul3A_54 = arith.muli %scan3A_21, %mul3A_53 : i32
          %add3A_55 = arith.addi %mul3A_2, %mul3A_54 : i32
          "tpu.region"() ({
            %run_scoped3A_56 = tpu.sem_alloc : memref<!tpu.dma_semaphore, #tpu.memory_space<semaphore_mem>>
            %dma_start3A_57 = arith.constant 0 : i32
            %dma_start3A_58 = tpu.memref_slice %arg4[%add3A_55, %dma_start3A_57] : memref<1600000x32xf32, #tpu.memory_space<hbm>> -> memref<400x32xf32, #tpu.memory_space<hbm>>
            %dma_start3A_59 = arith.constant 0 : i32
            %dma_start3A_60 = tpu.memref_slice %arg4[%add3A_55, %dma_start3A_59] : memref<1600000x32xf32, #tpu.memory_space<hbm>> -> memref<400x32xf32, #tpu.memory_space<hbm>>
            tpu.enqueue_dma source(%arg7 : memref<400x32xf32, #tpu.memory_space<vmem>>) target(%dma_start3A_60 : memref<400x32xf32, #tpu.memory_space<hbm>>) target_semaphore(%run_scoped3A_56 : memref<!tpu.dma_semaphore, #tpu.memory_space<semaphore_mem>>)
            %dma_wait3A_61 = arith.constant 0 : i32
            %dma_wait3A_62 = tpu.memref_slice %arg4[%add3A_55, %dma_wait3A_61] : memref<1600000x32xf32, #tpu.memory_space<hbm>> -> memref<400x32xf32, #tpu.memory_space<hbm>>
            %dma_wait3A_63 = arith.constant 0 : i32
            %dma_wait3A_64 = tpu.memref_slice %arg4[%add3A_55, %dma_wait3A_63] : memref<1600000x32xf32, #tpu.memory_space<hbm>> -> memref<400x32xf32, #tpu.memory_space<hbm>>
            tpu.wait_dma2 semaphore(%run_scoped3A_56 : memref<!tpu.dma_semaphore, #tpu.memory_space<semaphore_mem>>) src(%arg7 : memref<400x32xf32, #tpu.memory_space<vmem>>) dst(%dma_wait3A_64 : memref<400x32xf32, #tpu.memory_space<hbm>>)
            tpu.yield
          }) : () -> ()
        } else {
        }
      } else {
      }
      %scan3A_39 = arith.constant 0 : i32
      scf.yield %scan3A_39 : i32
    }
    %scan3A_20 = arith.constant 125 : i32
    return
  }
}

#map = affine_map<(d0, d1) -> (0, 0, 0, 0, 0)>
#map1 = affine_map<(d0, d1) -> (0, 0)>
#map2 = affine_map<(d0, d1) -> (0, 0, 0)>
module attributes {stable_mosaic.version = 14 : i64} {
  func.func @_sc_acc_body(%arg0: i32, %arg1: i32, %arg2: memref<2x10000x3x2x80xi32, #tpu.memory_space<hbm>>, %arg3: memref<100000x32xf32, #tpu.memory_space<hbm>>, %arg4: memref<50048x32xf32, #tpu.memory_space<hbm>>, %arg5: memref<2x100096xf32, #tpu.memory_space<hbm>>, %arg6: memref<2x50048x32xf32, #tpu.memory_space<hbm>>, %arg7: memref<3x3x2x80xi32, #tpu.memory_space<vmem>>, %arg8: memref<3x160x32xf32, #tpu.memory_space<vmem>>, %arg9: memref<3x2x80xi32, #tpu.memory_space<vmem>>, %arg10: memref<3136xf32, #tpu.memory_space<vmem>>, %arg11: memref<3136xf32, #tpu.memory_space<vmem>>, %arg12: memref<136x32xf32, #tpu.memory_space<vmem>>, %arg13: memref<50048x32xf32, #tpu.memory_space<vmem_shared>>, %arg14: memref<!tpu.dma_semaphore, #tpu.memory_space<semaphore_mem>>, %arg15: memref<!tpu.dma_semaphore, #tpu.memory_space<semaphore_mem>>, %arg16: memref<!tpu.dma_semaphore, #tpu.memory_space<semaphore_mem>>, %arg17: memref<!tpu.dma_semaphore, #tpu.memory_space<semaphore_mem>>, %arg18: memref<!tpu.dma_semaphore, #tpu.memory_space<semaphore_mem>>, %arg19: memref<!tpu.dma_semaphore, #tpu.memory_space<semaphore_mem>>, %arg20: memref<!tpu.dma_semaphore, #tpu.memory_space<semaphore_mem>>, %arg21: memref<!tpu.dma_semaphore, #tpu.memory_space<semaphore_mem>>, %arg22: memref<!tpu.dma_semaphore, #tpu.memory_space<semaphore_mem>>) attributes {dimension_semantics = [#tpu.dimension_semantics<core_parallel>, #tpu.dimension_semantics<subcore_parallel>], iteration_bounds = array<i64: 2, 16>, scalar_prefetch = 0 : i64, scratch_operands = 16 : i64, tpu.core_type = #tpu.core_type<sc_vector_subcore>, window_params = [{transform_indices = #map}, {transform_indices = #map1}, {transform_indices = #map1}, {transform_indices = #map1}, {transform_indices = #map2}]} {
    %mul3A = arith.constant 3128 : i32
    %mul3A_0 = arith.muli %arg1, %mul3A : i32
    %mul3A_1 = arith.constant 3128 : i32
    %mul3A_2 = arith.muli %arg1, %mul3A_1 : i32
    "tpu.region"() ({
      %run_scoped3A_275 = tpu.sem_alloc : memref<!tpu.dma_semaphore, #tpu.memory_space<semaphore_mem>>
      %dma_start3A_276 = arith.constant 0 : i32
      %dma_start3A_277 = tpu.memref_slice %arg13[%mul3A_2, %dma_start3A_276] : memref<50048x32xf32, #tpu.memory_space<vmem_shared>> -> memref<3128x32xf32, #tpu.memory_space<vmem_shared>>
      %dma_start3A_278 = arith.constant 0 : i32
      %dma_start3A_279 = tpu.memref_slice %arg4[%mul3A_0, %dma_start3A_278] : memref<50048x32xf32, #tpu.memory_space<hbm>> -> memref<3128x32xf32, #tpu.memory_space<hbm>>
      tpu.enqueue_dma source(%dma_start3A_279 : memref<3128x32xf32, #tpu.memory_space<hbm>>) target(%dma_start3A_277 : memref<3128x32xf32, #tpu.memory_space<vmem_shared>>) target_semaphore(%run_scoped3A_275 : memref<!tpu.dma_semaphore, #tpu.memory_space<semaphore_mem>>)
      %dma_wait3A_280 = arith.constant 0 : i32
      %dma_wait3A_281 = tpu.memref_slice %arg13[%mul3A_2, %dma_wait3A_280] : memref<50048x32xf32, #tpu.memory_space<vmem_shared>> -> memref<3128x32xf32, #tpu.memory_space<vmem_shared>>
      %dma_wait3A_282 = arith.constant 0 : i32
      %dma_wait3A_283 = tpu.memref_slice %arg4[%mul3A_0, %dma_wait3A_282] : memref<50048x32xf32, #tpu.memory_space<hbm>> -> memref<3128x32xf32, #tpu.memory_space<hbm>>
      tpu.wait_dma2 semaphore(%run_scoped3A_275 : memref<!tpu.dma_semaphore, #tpu.memory_space<semaphore_mem>>) src(%dma_wait3A_283 : memref<3128x32xf32, #tpu.memory_space<hbm>>) dst(%dma_wait3A_281 : memref<3128x32xf32, #tpu.memory_space<vmem_shared>>)
      tpu.yield
    }) : () -> ()
    %barrier3A = arith.constant 0 : index
    tpu.barrier barrier_id(%barrier3A)
    %mul3A_3 = arith.constant 625 : i32
    %mul3A_4 = arith.muli %arg1, %mul3A_3 : i32
    %add3A = arith.constant 0 : i32
    %add3A_5 = arith.addi %mul3A_4, %add3A : i32
    %dma_start3A = arith.constant 0 : i32
    %dma_start3A_6 = arith.constant 0 : i32
    %dma_start3A_7 = arith.constant 0 : i32
    %dma_start3A_8 = arith.constant 0 : i32
    %dma_start3A_9 = tpu.memref_slice %arg7[%dma_start3A, %dma_start3A_6, %dma_start3A_7, %dma_start3A_8] : memref<3x3x2x80xi32, #tpu.memory_space<vmem>> -> memref<1x3x2x80xi32, #tpu.memory_space<vmem>>
    %dma_start3A_10 = tpu.memref_squeeze %dma_start3A_9 : memref<1x3x2x80xi32, #tpu.memory_space<vmem>> -> memref<3x2x80xi32, #tpu.memory_space<vmem>>
    %dma_start3A_11 = arith.constant 0 : i32
    %dma_start3A_12 = arith.constant 0 : i32
    %dma_start3A_13 = arith.constant 0 : i32
    %dma_start3A_14 = arith.constant 0 : i32
    %dma_start3A_15 = tpu.memref_slice %arg2[%arg0, %dma_start3A_11, %dma_start3A_12, %dma_start3A_13, %dma_start3A_14] : memref<2x10000x3x2x80xi32, #tpu.memory_space<hbm>> -> memref<1x10000x3x2x80xi32, #tpu.memory_space<hbm>>
    %dma_start3A_16 = tpu.memref_squeeze %dma_start3A_15 : memref<1x10000x3x2x80xi32, #tpu.memory_space<hbm>> -> memref<10000x3x2x80xi32, #tpu.memory_space<hbm>>
    %dma_start3A_17 = arith.constant 0 : i32
    %dma_start3A_18 = arith.constant 0 : i32
    %dma_start3A_19 = arith.constant 0 : i32
    %dma_start3A_20 = tpu.memref_slice %dma_start3A_16[%add3A_5, %dma_start3A_17, %dma_start3A_18, %dma_start3A_19] : memref<10000x3x2x80xi32, #tpu.memory_space<hbm>> -> memref<1x3x2x80xi32, #tpu.memory_space<hbm>>
    %dma_start3A_21 = tpu.memref_squeeze %dma_start3A_20 : memref<1x3x2x80xi32, #tpu.memory_space<hbm>> -> memref<3x2x80xi32, #tpu.memory_space<hbm>>
    %dma_start3A_22 = arith.constant 0 : i32
    %dma_start3A_23 = arith.constant 0 : i32
    %dma_start3A_24 = arith.constant 0 : i32
    %dma_start3A_25 = tpu.memref_slice %arg7[%dma_start3A, %dma_start3A_22, %dma_start3A_23, %dma_start3A_24] : memref<3x3x2x80xi32, #tpu.memory_space<vmem>> -> memref<1x3x2x80xi32, #tpu.memory_space<vmem>>
    %dma_start3A_26 = tpu.memref_squeeze %dma_start3A_25 : memref<1x3x2x80xi32, #tpu.memory_space<vmem>> -> memref<3x2x80xi32, #tpu.memory_space<vmem>>
    %dma_start3A_27 = arith.constant 0 : i32
    %dma_start3A_28 = arith.constant 0 : i32
    %dma_start3A_29 = arith.constant 0 : i32
    %dma_start3A_30 = arith.constant 0 : i32
    %dma_start3A_31 = tpu.memref_slice %arg2[%arg0, %dma_start3A_27, %dma_start3A_28, %dma_start3A_29, %dma_start3A_30] : memref<2x10000x3x2x80xi32, #tpu.memory_space<hbm>> -> memref<1x10000x3x2x80xi32, #tpu.memory_space<hbm>>
    %dma_start3A_32 = tpu.memref_squeeze %dma_start3A_31 : memref<1x10000x3x2x80xi32, #tpu.memory_space<hbm>> -> memref<10000x3x2x80xi32, #tpu.memory_space<hbm>>
    %dma_start3A_33 = arith.constant 0 : i32
    %dma_start3A_34 = arith.constant 0 : i32
    %dma_start3A_35 = arith.constant 0 : i32
    %dma_start3A_36 = tpu.memref_slice %dma_start3A_32[%add3A_5, %dma_start3A_33, %dma_start3A_34, %dma_start3A_35] : memref<10000x3x2x80xi32, #tpu.memory_space<hbm>> -> memref<1x3x2x80xi32, #tpu.memory_space<hbm>>
    %dma_start3A_37 = tpu.memref_squeeze %dma_start3A_36 : memref<1x3x2x80xi32, #tpu.memory_space<hbm>> -> memref<3x2x80xi32, #tpu.memory_space<hbm>>
    tpu.enqueue_dma source(%dma_start3A_37 : memref<3x2x80xi32, #tpu.memory_space<hbm>>) target(%dma_start3A_26 : memref<3x2x80xi32, #tpu.memory_space<vmem>>) target_semaphore(%arg20 : memref<!tpu.dma_semaphore, #tpu.memory_space<semaphore_mem>>)
    %add3A_38 = arith.constant 1 : i32
    %add3A_39 = arith.addi %mul3A_4, %add3A_38 : i32
    %dma_start3A_40 = arith.constant 1 : i32
    %dma_start3A_41 = arith.constant 0 : i32
    %dma_start3A_42 = arith.constant 0 : i32
    %dma_start3A_43 = arith.constant 0 : i32
    %dma_start3A_44 = tpu.memref_slice %arg7[%dma_start3A_40, %dma_start3A_41, %dma_start3A_42, %dma_start3A_43] : memref<3x3x2x80xi32, #tpu.memory_space<vmem>> -> memref<1x3x2x80xi32, #tpu.memory_space<vmem>>
    %dma_start3A_45 = tpu.memref_squeeze %dma_start3A_44 : memref<1x3x2x80xi32, #tpu.memory_space<vmem>> -> memref<3x2x80xi32, #tpu.memory_space<vmem>>
    %dma_start3A_46 = arith.constant 0 : i32
    %dma_start3A_47 = arith.constant 0 : i32
    %dma_start3A_48 = arith.constant 0 : i32
    %dma_start3A_49 = arith.constant 0 : i32
    %dma_start3A_50 = tpu.memref_slice %arg2[%arg0, %dma_start3A_46, %dma_start3A_47, %dma_start3A_48, %dma_start3A_49] : memref<2x10000x3x2x80xi32, #tpu.memory_space<hbm>> -> memref<1x10000x3x2x80xi32, #tpu.memory_space<hbm>>
    %dma_start3A_51 = tpu.memref_squeeze %dma_start3A_50 : memref<1x10000x3x2x80xi32, #tpu.memory_space<hbm>> -> memref<10000x3x2x80xi32, #tpu.memory_space<hbm>>
    %dma_start3A_52 = arith.constant 0 : i32
    %dma_start3A_53 = arith.constant 0 : i32
    %dma_start3A_54 = arith.constant 0 : i32
    %dma_start3A_55 = tpu.memref_slice %dma_start3A_51[%add3A_39, %dma_start3A_52, %dma_start3A_53, %dma_start3A_54] : memref<10000x3x2x80xi32, #tpu.memory_space<hbm>> -> memref<1x3x2x80xi32, #tpu.memory_space<hbm>>
    %dma_start3A_56 = tpu.memref_squeeze %dma_start3A_55 : memref<1x3x2x80xi32, #tpu.memory_space<hbm>> -> memref<3x2x80xi32, #tpu.memory_space<hbm>>
    %dma_start3A_57 = arith.constant 0 : i32
    %dma_start3A_58 = arith.constant 0 : i32
    %dma_start3A_59 = arith.constant 0 : i32
    %dma_start3A_60 = tpu.memref_slice %arg7[%dma_start3A_40, %dma_start3A_57, %dma_start3A_58, %dma_start3A_59] : memref<3x3x2x80xi32, #tpu.memory_space<vmem>> -> memref<1x3x2x80xi32, #tpu.memory_space<vmem>>
    %dma_start3A_61 = tpu.memref_squeeze %dma_start3A_60 : memref<1x3x2x80xi32, #tpu.memory_space<vmem>> -> memref<3x2x80xi32, #tpu.memory_space<vmem>>
    %dma_start3A_62 = arith.constant 0 : i32
    %dma_start3A_63 = arith.constant 0 : i32
    %dma_start3A_64 = arith.constant 0 : i32
    %dma_start3A_65 = arith.constant 0 : i32
    %dma_start3A_66 = tpu.memref_slice %arg2[%arg0, %dma_start3A_62, %dma_start3A_63, %dma_start3A_64, %dma_start3A_65] : memref<2x10000x3x2x80xi32, #tpu.memory_space<hbm>> -> memref<1x10000x3x2x80xi32, #tpu.memory_space<hbm>>
    %dma_start3A_67 = tpu.memref_squeeze %dma_start3A_66 : memref<1x10000x3x2x80xi32, #tpu.memory_space<hbm>> -> memref<10000x3x2x80xi32, #tpu.memory_space<hbm>>
    %dma_start3A_68 = arith.constant 0 : i32
    %dma_start3A_69 = arith.constant 0 : i32
    %dma_start3A_70 = arith.constant 0 : i32
    %dma_start3A_71 = tpu.memref_slice %dma_start3A_67[%add3A_39, %dma_start3A_68, %dma_start3A_69, %dma_start3A_70] : memref<10000x3x2x80xi32, #tpu.memory_space<hbm>> -> memref<1x3x2x80xi32, #tpu.memory_space<hbm>>
    %dma_start3A_72 = tpu.memref_squeeze %dma_start3A_71 : memref<1x3x2x80xi32, #tpu.memory_space<hbm>> -> memref<3x2x80xi32, #tpu.memory_space<hbm>>
    tpu.enqueue_dma source(%dma_start3A_72 : memref<3x2x80xi32, #tpu.memory_space<hbm>>) target(%dma_start3A_61 : memref<3x2x80xi32, #tpu.memory_space<vmem>>) target_semaphore(%arg21 : memref<!tpu.dma_semaphore, #tpu.memory_space<semaphore_mem>>)
    %add3A_73 = arith.constant 0 : i32
    %add3A_74 = arith.addi %mul3A_4, %add3A_73 : i32
    %dma_wait3A = arith.constant 0 : i32
    %dma_wait3A_75 = arith.constant 0 : i32
    %dma_wait3A_76 = arith.constant 0 : i32
    %dma_wait3A_77 = arith.constant 0 : i32
    %dma_wait3A_78 = tpu.memref_slice %arg7[%dma_wait3A, %dma_wait3A_75, %dma_wait3A_76, %dma_wait3A_77] : memref<3x3x2x80xi32, #tpu.memory_space<vmem>> -> memref<1x3x2x80xi32, #tpu.memory_space<vmem>>
    %dma_wait3A_79 = tpu.memref_squeeze %dma_wait3A_78 : memref<1x3x2x80xi32, #tpu.memory_space<vmem>> -> memref<3x2x80xi32, #tpu.memory_space<vmem>>
    %dma_wait3A_80 = arith.constant 0 : i32
    %dma_wait3A_81 = arith.constant 0 : i32
    %dma_wait3A_82 = arith.constant 0 : i32
    %dma_wait3A_83 = arith.constant 0 : i32
    %dma_wait3A_84 = tpu.memref_slice %arg2[%arg0, %dma_wait3A_80, %dma_wait3A_81, %dma_wait3A_82, %dma_wait3A_83] : memref<2x10000x3x2x80xi32, #tpu.memory_space<hbm>> -> memref<1x10000x3x2x80xi32, #tpu.memory_space<hbm>>
    %dma_wait3A_85 = tpu.memref_squeeze %dma_wait3A_84 : memref<1x10000x3x2x80xi32, #tpu.memory_space<hbm>> -> memref<10000x3x2x80xi32, #tpu.memory_space<hbm>>
    %dma_wait3A_86 = arith.constant 0 : i32
    %dma_wait3A_87 = arith.constant 0 : i32
    %dma_wait3A_88 = arith.constant 0 : i32
    %dma_wait3A_89 = tpu.memref_slice %dma_wait3A_85[%add3A_74, %dma_wait3A_86, %dma_wait3A_87, %dma_wait3A_88] : memref<10000x3x2x80xi32, #tpu.memory_space<hbm>> -> memref<1x3x2x80xi32, #tpu.memory_space<hbm>>
    %dma_wait3A_90 = tpu.memref_squeeze %dma_wait3A_89 : memref<1x3x2x80xi32, #tpu.memory_space<hbm>> -> memref<3x2x80xi32, #tpu.memory_space<hbm>>
    %dma_wait3A_91 = arith.constant 0 : i32
    %dma_wait3A_92 = arith.constant 0 : i32
    %dma_wait3A_93 = arith.constant 0 : i32
    %dma_wait3A_94 = tpu.memref_slice %arg7[%dma_wait3A, %dma_wait3A_91, %dma_wait3A_92, %dma_wait3A_93] : memref<3x3x2x80xi32, #tpu.memory_space<vmem>> -> memref<1x3x2x80xi32, #tpu.memory_space<vmem>>
    %dma_wait3A_95 = tpu.memref_squeeze %dma_wait3A_94 : memref<1x3x2x80xi32, #tpu.memory_space<vmem>> -> memref<3x2x80xi32, #tpu.memory_space<vmem>>
    %dma_wait3A_96 = arith.constant 0 : i32
    %dma_wait3A_97 = arith.constant 0 : i32
    %dma_wait3A_98 = arith.constant 0 : i32
    %dma_wait3A_99 = arith.constant 0 : i32
    %dma_wait3A_100 = tpu.memref_slice %arg2[%arg0, %dma_wait3A_96, %dma_wait3A_97, %dma_wait3A_98, %dma_wait3A_99] : memref<2x10000x3x2x80xi32, #tpu.memory_space<hbm>> -> memref<1x10000x3x2x80xi32, #tpu.memory_space<hbm>>
    %dma_wait3A_101 = tpu.memref_squeeze %dma_wait3A_100 : memref<1x10000x3x2x80xi32, #tpu.memory_space<hbm>> -> memref<10000x3x2x80xi32, #tpu.memory_space<hbm>>
    %dma_wait3A_102 = arith.constant 0 : i32
    %dma_wait3A_103 = arith.constant 0 : i32
    %dma_wait3A_104 = arith.constant 0 : i32
    %dma_wait3A_105 = tpu.memref_slice %dma_wait3A_101[%add3A_74, %dma_wait3A_102, %dma_wait3A_103, %dma_wait3A_104] : memref<10000x3x2x80xi32, #tpu.memory_space<hbm>> -> memref<1x3x2x80xi32, #tpu.memory_space<hbm>>
    %dma_wait3A_106 = tpu.memref_squeeze %dma_wait3A_105 : memref<1x3x2x80xi32, #tpu.memory_space<hbm>> -> memref<3x2x80xi32, #tpu.memory_space<hbm>>
    tpu.wait_dma2 semaphore(%arg20 : memref<!tpu.dma_semaphore, #tpu.memory_space<semaphore_mem>>) src(%dma_wait3A_106 : memref<3x2x80xi32, #tpu.memory_space<hbm>>) dst(%dma_wait3A_95 : memref<3x2x80xi32, #tpu.memory_space<vmem>>)
    %dma_start3A_107 = arith.constant 0 : i32
    %dma_start3A_108 = arith.constant 0 : i32
    %dma_start3A_109 = arith.constant 0 : i32
    %dma_start3A_110 = arith.constant 0 : i32
    %dma_start3A_111 = arith.constant 0 : i32
    %dma_start3A_112 = arith.constant 0 : i32
    %dma_start3A_113 = tpu.memref_slice %arg8[%dma_start3A_110, %dma_start3A_111, %dma_start3A_112] : memref<3x160x32xf32, #tpu.memory_space<vmem>> -> memref<1x160x32xf32, #tpu.memory_space<vmem>>
    %dma_start3A_114 = tpu.memref_squeeze %dma_start3A_113 : memref<1x160x32xf32, #tpu.memory_space<vmem>> -> memref<160x32xf32, #tpu.memory_space<vmem>>
    %dma_start3A_115 = arith.constant 0 : i32
    %dma_start3A_116 = arith.constant 0 : i32
    %dma_start3A_117 = tpu.memref_slice %dma_start3A_114[%dma_start3A_115, %dma_start3A_116] : memref<160x32xf32, #tpu.memory_space<vmem>> -> memref<80x32xf32, #tpu.memory_space<vmem>>
    %dma_start3A_118 = arith.constant 0 : i32
    %dma_start3A_119 = arith.constant 0 : i32
    %dma_start3A_120 = arith.constant 0 : i32
    %dma_start3A_121 = tpu.memref_slice %arg7[%dma_start3A_107, %dma_start3A_118, %dma_start3A_119, %dma_start3A_120] : memref<3x3x2x80xi32, #tpu.memory_space<vmem>> -> memref<1x3x2x80xi32, #tpu.memory_space<vmem>>
    %dma_start3A_122 = tpu.memref_squeeze %dma_start3A_121 : memref<1x3x2x80xi32, #tpu.memory_space<vmem>> -> memref<3x2x80xi32, #tpu.memory_space<vmem>>
    %dma_start3A_123 = arith.constant 0 : i32
    %dma_start3A_124 = arith.constant 0 : i32
    %dma_start3A_125 = tpu.memref_slice %dma_start3A_122[%dma_start3A_108, %dma_start3A_123, %dma_start3A_124] : memref<3x2x80xi32, #tpu.memory_space<vmem>> -> memref<1x2x80xi32, #tpu.memory_space<vmem>>
    %dma_start3A_126 = tpu.memref_squeeze %dma_start3A_125 : memref<1x2x80xi32, #tpu.memory_space<vmem>> -> memref<2x80xi32, #tpu.memory_space<vmem>>
    %dma_start3A_127 = arith.constant 0 : i32
    %dma_start3A_128 = tpu.memref_slice %dma_start3A_126[%dma_start3A_109, %dma_start3A_127] : memref<2x80xi32, #tpu.memory_space<vmem>> -> memref<1x80xi32, #tpu.memory_space<vmem>>
    %dma_start3A_129 = tpu.memref_squeeze %dma_start3A_128 : memref<1x80xi32, #tpu.memory_space<vmem>> -> memref<80xi32, #tpu.memory_space<vmem>>
    %dma_start3A_130 = arith.constant 0 : i32
    %dma_start3A_131 = arith.constant 0 : i32
    %dma_start3A_132 = tpu.memref_slice %arg3[%dma_start3A_130, %dma_start3A_131] : memref<100000x32xf32, #tpu.memory_space<hbm>> -> memref<100000x32xf32, #tpu.memory_space<hbm>>
    tpu.enqueue_indirect_dma source(%dma_start3A_132 : memref<100000x32xf32, #tpu.memory_space<hbm>>) target(%dma_start3A_117 : memref<80x32xf32, #tpu.memory_space<vmem>>) offsets(%dma_start3A_129 : memref<80xi32, #tpu.memory_space<vmem>>) semaphore(%arg14 : memref<!tpu.dma_semaphore, #tpu.memory_space<semaphore_mem>>)
    %dma_start3A_133 = arith.constant 0 : i32
    %dma_start3A_134 = arith.constant 0 : i32
    %dma_start3A_135 = arith.constant 1 : i32
    %dma_start3A_136 = arith.constant 0 : i32
    %dma_start3A_137 = arith.constant 0 : i32
    %dma_start3A_138 = arith.constant 0 : i32
    %dma_start3A_139 = tpu.memref_slice %arg8[%dma_start3A_136, %dma_start3A_137, %dma_start3A_138] : memref<3x160x32xf32, #tpu.memory_space<vmem>> -> memref<1x160x32xf32, #tpu.memory_space<vmem>>
    %dma_start3A_140 = tpu.memref_squeeze %dma_start3A_139 : memref<1x160x32xf32, #tpu.memory_space<vmem>> -> memref<160x32xf32, #tpu.memory_space<vmem>>
    %dma_start3A_141 = arith.constant 80 : i32
    %dma_start3A_142 = arith.constant 0 : i32
    %dma_start3A_143 = tpu.memref_slice %dma_start3A_140[%dma_start3A_141, %dma_start3A_142] : memref<160x32xf32, #tpu.memory_space<vmem>> -> memref<80x32xf32, #tpu.memory_space<vmem>>
    %dma_start3A_144 = arith.constant 0 : i32
    %dma_start3A_145 = arith.constant 0 : i32
    %dma_start3A_146 = arith.constant 0 : i32
    %dma_start3A_147 = tpu.memref_slice %arg7[%dma_start3A_133, %dma_start3A_144, %dma_start3A_145, %dma_start3A_146] : memref<3x3x2x80xi32, #tpu.memory_space<vmem>> -> memref<1x3x2x80xi32, #tpu.memory_space<vmem>>
    %dma_start3A_148 = tpu.memref_squeeze %dma_start3A_147 : memref<1x3x2x80xi32, #tpu.memory_space<vmem>> -> memref<3x2x80xi32, #tpu.memory_space<vmem>>
    %dma_start3A_149 = arith.constant 0 : i32
    %dma_start3A_150 = arith.constant 0 : i32
    %dma_start3A_151 = tpu.memref_slice %dma_start3A_148[%dma_start3A_134, %dma_start3A_149, %dma_start3A_150] : memref<3x2x80xi32, #tpu.memory_space<vmem>> -> memref<1x2x80xi32, #tpu.memory_space<vmem>>
    %dma_start3A_152 = tpu.memref_squeeze %dma_start3A_151 : memref<1x2x80xi32, #tpu.memory_space<vmem>> -> memref<2x80xi32, #tpu.memory_space<vmem>>
    %dma_start3A_153 = arith.constant 0 : i32
    %dma_start3A_154 = tpu.memref_slice %dma_start3A_152[%dma_start3A_135, %dma_start3A_153] : memref<2x80xi32, #tpu.memory_space<vmem>> -> memref<1x80xi32, #tpu.memory_space<vmem>>
    %dma_start3A_155 = tpu.memref_squeeze %dma_start3A_154 : memref<1x80xi32, #tpu.memory_space<vmem>> -> memref<80xi32, #tpu.memory_space<vmem>>
    %dma_start3A_156 = arith.constant 0 : i32
    %dma_start3A_157 = arith.constant 0 : i32
    %dma_start3A_158 = tpu.memref_slice %arg3[%dma_start3A_156, %dma_start3A_157] : memref<100000x32xf32, #tpu.memory_space<hbm>> -> memref<100000x32xf32, #tpu.memory_space<hbm>>
    tpu.enqueue_indirect_dma source(%dma_start3A_158 : memref<100000x32xf32, #tpu.memory_space<hbm>>) target(%dma_start3A_143 : memref<80x32xf32, #tpu.memory_space<vmem>>) offsets(%dma_start3A_155 : memref<80xi32, #tpu.memory_space<vmem>>) semaphore(%arg14 : memref<!tpu.dma_semaphore, #tpu.memory_space<semaphore_mem>>)
    %scan3A = arith.constant 1 : i32
    %scan3A_159 = arith.constant 1 : i32
    %scan3A_160 = arith.constant 1 : i32
    %scan3A_161 = arith.constant 0 : i32
    %scan3A_162 = arith.constant 0 : i32
    %scan3A_163 = arith.constant 0 : i32
    %scan3A_164 = arith.constant 2 : i32
    %scan3A_165 = arith.constant 2 : i32
    %scan3A_166 = arith.constant 2 : i32
    %scan3A_167 = arith.constant 0 : i32
    %scan3A_168 = arith.constant 0 : i32
    %scan3A_169 = arith.constant 625 : i32
    %scan3A_170 = arith.addi %scan3A_168, %scan3A_169 : i32
    %scan3A_171 = arith.constant 1 : i32
    %scan3A_172 = scf.for %scan3A_275 = %scan3A_168 to %scan3A_170 step %scan3A_171 iter_args(%scan3A_276 = %scan3A_167) -> (i32)  : i32 {
      %rem3A = arith.constant 3 : i32
      %rem3A_277 = arith.remsi %scan3A_275, %rem3A : i32
      %eq3A = arith.constant 0 : i32
      %eq3A_278 = arith.cmpi eq, %rem3A_277, %eq3A : i32
      %convert_element_type3A = arith.extui %eq3A_278 : i1 to i32
      %cond3A = arith.constant 0 : i32
      %cond3A_279 = arith.cmpi ne, %convert_element_type3A, %cond3A : i32
      scf.if %cond3A_279 {
        %ge3A = arith.constant 2 : i32
        %ge3A_295 = arith.cmpi sge, %scan3A_275, %ge3A : i32
        %convert_element_type3A_296 = arith.extui %ge3A_295 : i1 to i32
        %cond3A_297 = arith.constant 0 : i32
        %cond3A_298 = arith.cmpi ne, %convert_element_type3A_296, %cond3A_297 : i32
        scf.if %cond3A_298 {
          %dma_wait3A_541 = arith.constant 0 : i32
          %dma_wait3A_542 = arith.constant 0 : i32
          %dma_wait3A_543 = arith.constant 0 : i32
          %dma_wait3A_544 = tpu.memref_slice %arg8[%scan3A, %dma_wait3A_542, %dma_wait3A_543] : memref<3x160x32xf32, #tpu.memory_space<vmem>> -> memref<1x160x32xf32, #tpu.memory_space<vmem>>
          %dma_wait3A_545 = tpu.memref_squeeze %dma_wait3A_544 : memref<1x160x32xf32, #tpu.memory_space<vmem>> -> memref<160x32xf32, #tpu.memory_space<vmem>>
          %dma_wait3A_546 = arith.constant 0 : i32
          %dma_wait3A_547 = arith.constant 0 : i32
          %dma_wait3A_548 = tpu.memref_slice %dma_wait3A_545[%dma_wait3A_546, %dma_wait3A_547] : memref<160x32xf32, #tpu.memory_space<vmem>> -> memref<80x32xf32, #tpu.memory_space<vmem>>
          %dma_wait3A_549 = arith.constant 0 : i32
          %dma_wait3A_550 = arith.constant 0 : i32
          %dma_wait3A_551 = tpu.memref_slice %arg9[%scan3A_159, %dma_wait3A_549, %dma_wait3A_550] : memref<3x2x80xi32, #tpu.memory_space<vmem>> -> memref<1x2x80xi32, #tpu.memory_space<vmem>>
          %dma_wait3A_552 = tpu.memref_squeeze %dma_wait3A_551 : memref<1x2x80xi32, #tpu.memory_space<vmem>> -> memref<2x80xi32, #tpu.memory_space<vmem>>
          %dma_wait3A_553 = arith.constant 0 : i32
          %dma_wait3A_554 = tpu.memref_slice %dma_wait3A_552[%dma_wait3A_541, %dma_wait3A_553] : memref<2x80xi32, #tpu.memory_space<vmem>> -> memref<1x80xi32, #tpu.memory_space<vmem>>
          %dma_wait3A_555 = tpu.memref_squeeze %dma_wait3A_554 : memref<1x80xi32, #tpu.memory_space<vmem>> -> memref<80xi32, #tpu.memory_space<vmem>>
          %dma_wait3A_556 = arith.constant 0 : i32
          %dma_wait3A_557 = arith.constant 0 : i32
          %dma_wait3A_558 = tpu.memref_slice %arg13[%dma_wait3A_556, %dma_wait3A_557] : memref<50048x32xf32, #tpu.memory_space<vmem_shared>> -> memref<50048x32xf32, #tpu.memory_space<vmem_shared>>
          tpu.wait_indirect_dma semaphore(%arg18 : memref<!tpu.dma_semaphore, #tpu.memory_space<semaphore_mem>>) src(%dma_wait3A_548 : memref<80x32xf32, #tpu.memory_space<vmem>>) dst(%dma_wait3A_558 : memref<50048x32xf32, #tpu.memory_space<vmem_shared>>)
          %dma_wait3A_559 = arith.constant 1 : i32
          %dma_wait3A_560 = arith.constant 0 : i32
          %dma_wait3A_561 = arith.constant 0 : i32
          %dma_wait3A_562 = tpu.memref_slice %arg8[%scan3A, %dma_wait3A_560, %dma_wait3A_561] : memref<3x160x32xf32, #tpu.memory_space<vmem>> -> memref<1x160x32xf32, #tpu.memory_space<vmem>>
          %dma_wait3A_563 = tpu.memref_squeeze %dma_wait3A_562 : memref<1x160x32xf32, #tpu.memory_space<vmem>> -> memref<160x32xf32, #tpu.memory_space<vmem>>
          %dma_wait3A_564 = arith.constant 80 : i32
          %dma_wait3A_565 = arith.constant 0 : i32
          %dma_wait3A_566 = tpu.memref_slice %dma_wait3A_563[%dma_wait3A_564, %dma_wait3A_565] : memref<160x32xf32, #tpu.memory_space<vmem>> -> memref<80x32xf32, #tpu.memory_space<vmem>>
          %dma_wait3A_567 = arith.constant 0 : i32
          %dma_wait3A_568 = arith.constant 0 : i32
          %dma_wait3A_569 = tpu.memref_slice %arg9[%scan3A_159, %dma_wait3A_567, %dma_wait3A_568] : memref<3x2x80xi32, #tpu.memory_space<vmem>> -> memref<1x2x80xi32, #tpu.memory_space<vmem>>
          %dma_wait3A_570 = tpu.memref_squeeze %dma_wait3A_569 : memref<1x2x80xi32, #tpu.memory_space<vmem>> -> memref<2x80xi32, #tpu.memory_space<vmem>>
          %dma_wait3A_571 = arith.constant 0 : i32
          %dma_wait3A_572 = tpu.memref_slice %dma_wait3A_570[%dma_wait3A_559, %dma_wait3A_571] : memref<2x80xi32, #tpu.memory_space<vmem>> -> memref<1x80xi32, #tpu.memory_space<vmem>>
          %dma_wait3A_573 = tpu.memref_squeeze %dma_wait3A_572 : memref<1x80xi32, #tpu.memory_space<vmem>> -> memref<80xi32, #tpu.memory_space<vmem>>
          %dma_wait3A_574 = arith.constant 0 : i32
          %dma_wait3A_575 = arith.constant 0 : i32
          %dma_wait3A_576 = tpu.memref_slice %arg13[%dma_wait3A_574, %dma_wait3A_575] : memref<50048x32xf32, #tpu.memory_space<vmem_shared>> -> memref<50048x32xf32, #tpu.memory_space<vmem_shared>>
          tpu.wait_indirect_dma semaphore(%arg18 : memref<!tpu.dma_semaphore, #tpu.memory_space<semaphore_mem>>) src(%dma_wait3A_566 : memref<80x32xf32, #tpu.memory_space<vmem>>) dst(%dma_wait3A_576 : memref<50048x32xf32, #tpu.memory_space<vmem_shared>>)
        } else {
        }
        %add3A_299 = arith.constant 1 : i32
        %add3A_300 = arith.addi %scan3A_275, %add3A_299 : i32
        %lt3A = arith.constant 625 : i32
        %lt3A_301 = arith.cmpi slt, %add3A_300, %lt3A : i32
        %convert_element_type3A_302 = arith.extui %lt3A_301 : i1 to i32
        %cond3A_303 = arith.constant 0 : i32
        %cond3A_304 = arith.cmpi ne, %convert_element_type3A_302, %cond3A_303 : i32
        scf.if %cond3A_304 {
          %add3A_541 = arith.constant 1 : i32
          %add3A_542 = arith.addi %scan3A_275, %add3A_541 : i32
          %add3A_543 = arith.addi %mul3A_4, %add3A_542 : i32
          %dma_wait3A_544 = arith.constant 0 : i32
          %dma_wait3A_545 = arith.constant 0 : i32
          %dma_wait3A_546 = arith.constant 0 : i32
          %dma_wait3A_547 = tpu.memref_slice %arg7[%scan3A_160, %dma_wait3A_544, %dma_wait3A_545, %dma_wait3A_546] : memref<3x3x2x80xi32, #tpu.memory_space<vmem>> -> memref<1x3x2x80xi32, #tpu.memory_space<vmem>>
          %dma_wait3A_548 = tpu.memref_squeeze %dma_wait3A_547 : memref<1x3x2x80xi32, #tpu.memory_space<vmem>> -> memref<3x2x80xi32, #tpu.memory_space<vmem>>
          %dma_wait3A_549 = arith.constant 0 : i32
          %dma_wait3A_550 = arith.constant 0 : i32
          %dma_wait3A_551 = arith.constant 0 : i32
          %dma_wait3A_552 = arith.constant 0 : i32
          %dma_wait3A_553 = tpu.memref_slice %arg2[%arg0, %dma_wait3A_549, %dma_wait3A_550, %dma_wait3A_551, %dma_wait3A_552] : memref<2x10000x3x2x80xi32, #tpu.memory_space<hbm>> -> memref<1x10000x3x2x80xi32, #tpu.memory_space<hbm>>
          %dma_wait3A_554 = tpu.memref_squeeze %dma_wait3A_553 : memref<1x10000x3x2x80xi32, #tpu.memory_space<hbm>> -> memref<10000x3x2x80xi32, #tpu.memory_space<hbm>>
          %dma_wait3A_555 = arith.constant 0 : i32
          %dma_wait3A_556 = arith.constant 0 : i32
          %dma_wait3A_557 = arith.constant 0 : i32
          %dma_wait3A_558 = tpu.memref_slice %dma_wait3A_554[%add3A_543, %dma_wait3A_555, %dma_wait3A_556, %dma_wait3A_557] : memref<10000x3x2x80xi32, #tpu.memory_space<hbm>> -> memref<1x3x2x80xi32, #tpu.memory_space<hbm>>
          %dma_wait3A_559 = tpu.memref_squeeze %dma_wait3A_558 : memref<1x3x2x80xi32, #tpu.memory_space<hbm>> -> memref<3x2x80xi32, #tpu.memory_space<hbm>>
          %dma_wait3A_560 = arith.constant 0 : i32
          %dma_wait3A_561 = arith.constant 0 : i32
          %dma_wait3A_562 = arith.constant 0 : i32
          %dma_wait3A_563 = tpu.memref_slice %arg7[%scan3A_160, %dma_wait3A_560, %dma_wait3A_561, %dma_wait3A_562] : memref<3x3x2x80xi32, #tpu.memory_space<vmem>> -> memref<1x3x2x80xi32, #tpu.memory_space<vmem>>
          %dma_wait3A_564 = tpu.memref_squeeze %dma_wait3A_563 : memref<1x3x2x80xi32, #tpu.memory_space<vmem>> -> memref<3x2x80xi32, #tpu.memory_space<vmem>>
          %dma_wait3A_565 = arith.constant 0 : i32
          %dma_wait3A_566 = arith.constant 0 : i32
          %dma_wait3A_567 = arith.constant 0 : i32
          %dma_wait3A_568 = arith.constant 0 : i32
          %dma_wait3A_569 = tpu.memref_slice %arg2[%arg0, %dma_wait3A_565, %dma_wait3A_566, %dma_wait3A_567, %dma_wait3A_568] : memref<2x10000x3x2x80xi32, #tpu.memory_space<hbm>> -> memref<1x10000x3x2x80xi32, #tpu.memory_space<hbm>>
          %dma_wait3A_570 = tpu.memref_squeeze %dma_wait3A_569 : memref<1x10000x3x2x80xi32, #tpu.memory_space<hbm>> -> memref<10000x3x2x80xi32, #tpu.memory_space<hbm>>
          %dma_wait3A_571 = arith.constant 0 : i32
          %dma_wait3A_572 = arith.constant 0 : i32
          %dma_wait3A_573 = arith.constant 0 : i32
          %dma_wait3A_574 = tpu.memref_slice %dma_wait3A_570[%add3A_543, %dma_wait3A_571, %dma_wait3A_572, %dma_wait3A_573] : memref<10000x3x2x80xi32, #tpu.memory_space<hbm>> -> memref<1x3x2x80xi32, #tpu.memory_space<hbm>>
          %dma_wait3A_575 = tpu.memref_squeeze %dma_wait3A_574 : memref<1x3x2x80xi32, #tpu.memory_space<hbm>> -> memref<3x2x80xi32, #tpu.memory_space<hbm>>
          tpu.wait_dma2 semaphore(%arg21 : memref<!tpu.dma_semaphore, #tpu.memory_space<semaphore_mem>>) src(%dma_wait3A_575 : memref<3x2x80xi32, #tpu.memory_space<hbm>>) dst(%dma_wait3A_564 : memref<3x2x80xi32, #tpu.memory_space<vmem>>)
          %dma_start3A_576 = arith.constant 0 : i32
          %dma_start3A_577 = arith.constant 0 : i32
          %dma_start3A_578 = arith.constant 0 : i32
          %dma_start3A_579 = arith.constant 0 : i32
          %dma_start3A_580 = tpu.memref_slice %arg8[%scan3A, %dma_start3A_578, %dma_start3A_579] : memref<3x160x32xf32, #tpu.memory_space<vmem>> -> memref<1x160x32xf32, #tpu.memory_space<vmem>>
          %dma_start3A_581 = tpu.memref_squeeze %dma_start3A_580 : memref<1x160x32xf32, #tpu.memory_space<vmem>> -> memref<160x32xf32, #tpu.memory_space<vmem>>
          %dma_start3A_582 = arith.constant 0 : i32
          %dma_start3A_583 = arith.constant 0 : i32
          %dma_start3A_584 = tpu.memref_slice %dma_start3A_581[%dma_start3A_582, %dma_start3A_583] : memref<160x32xf32, #tpu.memory_space<vmem>> -> memref<80x32xf32, #tpu.memory_space<vmem>>
          %dma_start3A_585 = arith.constant 0 : i32
          %dma_start3A_586 = arith.constant 0 : i32
          %dma_start3A_587 = arith.constant 0 : i32
          %dma_start3A_588 = tpu.memref_slice %arg7[%scan3A_160, %dma_start3A_585, %dma_start3A_586, %dma_start3A_587] : memref<3x3x2x80xi32, #tpu.memory_space<vmem>> -> memref<1x3x2x80xi32, #tpu.memory_space<vmem>>
          %dma_start3A_589 = tpu.memref_squeeze %dma_start3A_588 : memref<1x3x2x80xi32, #tpu.memory_space<vmem>> -> memref<3x2x80xi32, #tpu.memory_space<vmem>>
          %dma_start3A_590 = arith.constant 0 : i32
          %dma_start3A_591 = arith.constant 0 : i32
          %dma_start3A_592 = tpu.memref_slice %dma_start3A_589[%dma_start3A_576, %dma_start3A_590, %dma_start3A_591] : memref<3x2x80xi32, #tpu.memory_space<vmem>> -> memref<1x2x80xi32, #tpu.memory_space<vmem>>
          %dma_start3A_593 = tpu.memref_squeeze %dma_start3A_592 : memref<1x2x80xi32, #tpu.memory_space<vmem>> -> memref<2x80xi32, #tpu.memory_space<vmem>>
          %dma_start3A_594 = arith.constant 0 : i32
          %dma_start3A_595 = tpu.memref_slice %dma_start3A_593[%dma_start3A_577, %dma_start3A_594] : memref<2x80xi32, #tpu.memory_space<vmem>> -> memref<1x80xi32, #tpu.memory_space<vmem>>
          %dma_start3A_596 = tpu.memref_squeeze %dma_start3A_595 : memref<1x80xi32, #tpu.memory_space<vmem>> -> memref<80xi32, #tpu.memory_space<vmem>>
          %dma_start3A_597 = arith.constant 0 : i32
          %dma_start3A_598 = arith.constant 0 : i32
          %dma_start3A_599 = tpu.memref_slice %arg3[%dma_start3A_597, %dma_start3A_598] : memref<100000x32xf32, #tpu.memory_space<hbm>> -> memref<100000x32xf32, #tpu.memory_space<hbm>>
          tpu.enqueue_indirect_dma source(%dma_start3A_599 : memref<100000x32xf32, #tpu.memory_space<hbm>>) target(%dma_start3A_584 : memref<80x32xf32, #tpu.memory_space<vmem>>) offsets(%dma_start3A_596 : memref<80xi32, #tpu.memory_space<vmem>>) semaphore(%arg15 : memref<!tpu.dma_semaphore, #tpu.memory_space<semaphore_mem>>)
          %dma_start3A_600 = arith.constant 0 : i32
          %dma_start3A_601 = arith.constant 1 : i32
          %dma_start3A_602 = arith.constant 0 : i32
          %dma_start3A_603 = arith.constant 0 : i32
          %dma_start3A_604 = tpu.memref_slice %arg8[%scan3A, %dma_start3A_602, %dma_start3A_603] : memref<3x160x32xf32, #tpu.memory_space<vmem>> -> memref<1x160x32xf32, #tpu.memory_space<vmem>>
          %dma_start3A_605 = tpu.memref_squeeze %dma_start3A_604 : memref<1x160x32xf32, #tpu.memory_space<vmem>> -> memref<160x32xf32, #tpu.memory_space<vmem>>
          %dma_start3A_606 = arith.constant 80 : i32
          %dma_start3A_607 = arith.constant 0 : i32
          %dma_start3A_608 = tpu.memref_slice %dma_start3A_605[%dma_start3A_606, %dma_start3A_607] : memref<160x32xf32, #tpu.memory_space<vmem>> -> memref<80x32xf32, #tpu.memory_space<vmem>>
          %dma_start3A_609 = arith.constant 0 : i32
          %dma_start3A_610 = arith.constant 0 : i32
          %dma_start3A_611 = arith.constant 0 : i32
          %dma_start3A_612 = tpu.memref_slice %arg7[%scan3A_160, %dma_start3A_609, %dma_start3A_610, %dma_start3A_611] : memref<3x3x2x80xi32, #tpu.memory_space<vmem>> -> memref<1x3x2x80xi32, #tpu.memory_space<vmem>>
          %dma_start3A_613 = tpu.memref_squeeze %dma_start3A_612 : memref<1x3x2x80xi32, #tpu.memory_space<vmem>> -> memref<3x2x80xi32, #tpu.memory_space<vmem>>
          %dma_start3A_614 = arith.constant 0 : i32
          %dma_start3A_615 = arith.constant 0 : i32
          %dma_start3A_616 = tpu.memref_slice %dma_start3A_613[%dma_start3A_600, %dma_start3A_614, %dma_start3A_615] : memref<3x2x80xi32, #tpu.memory_space<vmem>> -> memref<1x2x80xi32, #tpu.memory_space<vmem>>
          %dma_start3A_617 = tpu.memref_squeeze %dma_start3A_616 : memref<1x2x80xi32, #tpu.memory_space<vmem>> -> memref<2x80xi32, #tpu.memory_space<vmem>>
          %dma_start3A_618 = arith.constant 0 : i32
          %dma_start3A_619 = tpu.memref_slice %dma_start3A_617[%dma_start3A_601, %dma_start3A_618] : memref<2x80xi32, #tpu.memory_space<vmem>> -> memref<1x80xi32, #tpu.memory_space<vmem>>
          %dma_start3A_620 = tpu.memref_squeeze %dma_start3A_619 : memref<1x80xi32, #tpu.memory_space<vmem>> -> memref<80xi32, #tpu.memory_space<vmem>>
          %dma_start3A_621 = arith.constant 0 : i32
          %dma_start3A_622 = arith.constant 0 : i32
          %dma_start3A_623 = tpu.memref_slice %arg3[%dma_start3A_621, %dma_start3A_622] : memref<100000x32xf32, #tpu.memory_space<hbm>> -> memref<100000x32xf32, #tpu.memory_space<hbm>>
          tpu.enqueue_indirect_dma source(%dma_start3A_623 : memref<100000x32xf32, #tpu.memory_space<hbm>>) target(%dma_start3A_608 : memref<80x32xf32, #tpu.memory_space<vmem>>) offsets(%dma_start3A_620 : memref<80xi32, #tpu.memory_space<vmem>>) semaphore(%arg15 : memref<!tpu.dma_semaphore, #tpu.memory_space<semaphore_mem>>)
        } else {
        }
        %dma_wait3A_305 = arith.constant 0 : i32
        %dma_wait3A_306 = arith.constant 0 : i32
        %dma_wait3A_307 = arith.constant 0 : i32
        %dma_wait3A_308 = arith.constant 0 : i32
        %dma_wait3A_309 = tpu.memref_slice %arg8[%scan3A_162, %dma_wait3A_307, %dma_wait3A_308] : memref<3x160x32xf32, #tpu.memory_space<vmem>> -> memref<1x160x32xf32, #tpu.memory_space<vmem>>
        %dma_wait3A_310 = tpu.memref_squeeze %dma_wait3A_309 : memref<1x160x32xf32, #tpu.memory_space<vmem>> -> memref<160x32xf32, #tpu.memory_space<vmem>>
        %dma_wait3A_311 = arith.constant 0 : i32
        %dma_wait3A_312 = arith.constant 0 : i32
        %dma_wait3A_313 = tpu.memref_slice %dma_wait3A_310[%dma_wait3A_311, %dma_wait3A_312] : memref<160x32xf32, #tpu.memory_space<vmem>> -> memref<80x32xf32, #tpu.memory_space<vmem>>
        %dma_wait3A_314 = arith.constant 0 : i32
        %dma_wait3A_315 = arith.constant 0 : i32
        %dma_wait3A_316 = arith.constant 0 : i32
        %dma_wait3A_317 = tpu.memref_slice %arg7[%scan3A_161, %dma_wait3A_314, %dma_wait3A_315, %dma_wait3A_316] : memref<3x3x2x80xi32, #tpu.memory_space<vmem>> -> memref<1x3x2x80xi32, #tpu.memory_space<vmem>>
        %dma_wait3A_318 = tpu.memref_squeeze %dma_wait3A_317 : memref<1x3x2x80xi32, #tpu.memory_space<vmem>> -> memref<3x2x80xi32, #tpu.memory_space<vmem>>
        %dma_wait3A_319 = arith.constant 0 : i32
        %dma_wait3A_320 = arith.constant 0 : i32
        %dma_wait3A_321 = tpu.memref_slice %dma_wait3A_318[%dma_wait3A_305, %dma_wait3A_319, %dma_wait3A_320] : memref<3x2x80xi32, #tpu.memory_space<vmem>> -> memref<1x2x80xi32, #tpu.memory_space<vmem>>
        %dma_wait3A_322 = tpu.memref_squeeze %dma_wait3A_321 : memref<1x2x80xi32, #tpu.memory_space<vmem>> -> memref<2x80xi32, #tpu.memory_space<vmem>>
        %dma_wait3A_323 = arith.constant 0 : i32
        %dma_wait3A_324 = tpu.memref_slice %dma_wait3A_322[%dma_wait3A_306, %dma_wait3A_323] : memref<2x80xi32, #tpu.memory_space<vmem>> -> memref<1x80xi32, #tpu.memory_space<vmem>>
        %dma_wait3A_325 = tpu.memref_squeeze %dma_wait3A_324 : memref<1x80xi32, #tpu.memory_space<vmem>> -> memref<80xi32, #tpu.memory_space<vmem>>
        %dma_wait3A_326 = arith.constant 0 : i32
        %dma_wait3A_327 = arith.constant 0 : i32
        %dma_wait3A_328 = tpu.memref_slice %arg3[%dma_wait3A_326, %dma_wait3A_327] : memref<100000x32xf32, #tpu.memory_space<hbm>> -> memref<100000x32xf32, #tpu.memory_space<hbm>>
        tpu.wait_indirect_dma semaphore(%arg14 : memref<!tpu.dma_semaphore, #tpu.memory_space<semaphore_mem>>) src(%dma_wait3A_328 : memref<100000x32xf32, #tpu.memory_space<hbm>>) dst(%dma_wait3A_313 : memref<80x32xf32, #tpu.memory_space<vmem>>)
        %dma_wait3A_329 = arith.constant 0 : i32
        %dma_wait3A_330 = arith.constant 1 : i32
        %dma_wait3A_331 = arith.constant 0 : i32
        %dma_wait3A_332 = arith.constant 0 : i32
        %dma_wait3A_333 = tpu.memref_slice %arg8[%scan3A_162, %dma_wait3A_331, %dma_wait3A_332] : memref<3x160x32xf32, #tpu.memory_space<vmem>> -> memref<1x160x32xf32, #tpu.memory_space<vmem>>
        %dma_wait3A_334 = tpu.memref_squeeze %dma_wait3A_333 : memref<1x160x32xf32, #tpu.memory_space<vmem>> -> memref<160x32xf32, #tpu.memory_space<vmem>>
        %dma_wait3A_335 = arith.constant 80 : i32
        %dma_wait3A_336 = arith.constant 0 : i32
        %dma_wait3A_337 = tpu.memref_slice %dma_wait3A_334[%dma_wait3A_335, %dma_wait3A_336] : memref<160x32xf32, #tpu.memory_space<vmem>> -> memref<80x32xf32, #tpu.memory_space<vmem>>
        %dma_wait3A_338 = arith.constant 0 : i32
        %dma_wait3A_339 = arith.constant 0 : i32
        %dma_wait3A_340 = arith.constant 0 : i32
        %dma_wait3A_341 = tpu.memref_slice %arg7[%scan3A_161, %dma_wait3A_338, %dma_wait3A_339, %dma_wait3A_340] : memref<3x3x2x80xi32, #tpu.memory_space<vmem>> -> memref<1x3x2x80xi32, #tpu.memory_space<vmem>>
        %dma_wait3A_342 = tpu.memref_squeeze %dma_wait3A_341 : memref<1x3x2x80xi32, #tpu.memory_space<vmem>> -> memref<3x2x80xi32, #tpu.memory_space<vmem>>
        %dma_wait3A_343 = arith.constant 0 : i32
        %dma_wait3A_344 = arith.constant 0 : i32
        %dma_wait3A_345 = tpu.memref_slice %dma_wait3A_342[%dma_wait3A_329, %dma_wait3A_343, %dma_wait3A_344] : memref<3x2x80xi32, #tpu.memory_space<vmem>> -> memref<1x2x80xi32, #tpu.memory_space<vmem>>
        %dma_wait3A_346 = tpu.memref_squeeze %dma_wait3A_345 : memref<1x2x80xi32, #tpu.memory_space<vmem>> -> memref<2x80xi32, #tpu.memory_space<vmem>>
        %dma_wait3A_347 = arith.constant 0 : i32
        %dma_wait3A_348 = tpu.memref_slice %dma_wait3A_346[%dma_wait3A_330, %dma_wait3A_347] : memref<2x80xi32, #tpu.memory_space<vmem>> -> memref<1x80xi32, #tpu.memory_space<vmem>>
        %dma_wait3A_349 = tpu.memref_squeeze %dma_wait3A_348 : memref<1x80xi32, #tpu.memory_space<vmem>> -> memref<80xi32, #tpu.memory_space<vmem>>
        %dma_wait3A_350 = arith.constant 0 : i32
        %dma_wait3A_351 = arith.constant 0 : i32
        %dma_wait3A_352 = tpu.memref_slice %arg3[%dma_wait3A_350, %dma_wait3A_351] : memref<100000x32xf32, #tpu.memory_space<hbm>> -> memref<100000x32xf32, #tpu.memory_space<hbm>>
        tpu.wait_indirect_dma semaphore(%arg14 : memref<!tpu.dma_semaphore, #tpu.memory_space<semaphore_mem>>) src(%dma_wait3A_352 : memref<100000x32xf32, #tpu.memory_space<hbm>>) dst(%dma_wait3A_337 : memref<80x32xf32, #tpu.memory_space<vmem>>)
        %get3A = arith.constant 0 : i32
        %get3A_353 = arith.constant 1 : i32
        %get3A_354 = arith.constant 0 : i32
        %get3A_355 = arith.index_cast %get3A : i32 to index
        %get3A_356 = arith.index_cast %get3A_353 : i32 to index
        %get3A_357 = arith.index_cast %get3A_354 : i32 to index
        %get3A_358 = arith.constant 0 : index
        %get3A_359 = tpu.vector_load %arg7[%get3A_355, %get3A_356, %get3A_357, %get3A_358] {strides = array<i32>} : memref<3x3x2x80xi32, #tpu.memory_space<vmem>>, vector<16xi32>,
        %swap3A = arith.constant 0 : i32
        %swap3A_360 = arith.constant 0 : i32
        %swap3A_361 = arith.index_cast %swap3A : i32 to index
        %swap3A_362 = arith.index_cast %swap3A_360 : i32 to index
        %swap3A_363 = arith.constant 0 : index
        %swap3A_364 = tpu.vector_load %arg9[%swap3A_361, %swap3A_362, %swap3A_363] {strides = array<i32>} : memref<3x2x80xi32, #tpu.memory_space<vmem>>, vector<16xi32>,
        tpu.vector_store %arg9[%swap3A_361, %swap3A_362, %swap3A_363], %get3A_359 {strides = array<i32>} : memref<3x2x80xi32, #tpu.memory_space<vmem>>, vector<16xi32>,
        %get3A_365 = arith.constant 0 : i32
        %get3A_366 = arith.constant 1 : i32
        %get3A_367 = arith.constant 0 : i32
        %get3A_368 = arith.index_cast %get3A_365 : i32 to index
        %get3A_369 = arith.index_cast %get3A_366 : i32 to index
        %get3A_370 = arith.index_cast %get3A_367 : i32 to index
        %get3A_371 = arith.constant 16 : index
        %get3A_372 = tpu.vector_load %arg7[%get3A_368, %get3A_369, %get3A_370, %get3A_371] {strides = array<i32>} : memref<3x3x2x80xi32, #tpu.memory_space<vmem>>, vector<16xi32>,
        %swap3A_373 = arith.constant 0 : i32
        %swap3A_374 = arith.constant 0 : i32
        %swap3A_375 = arith.index_cast %swap3A_373 : i32 to index
        %swap3A_376 = arith.index_cast %swap3A_374 : i32 to index
        %swap3A_377 = arith.constant 16 : index
        %swap3A_378 = tpu.vector_load %arg9[%swap3A_375, %swap3A_376, %swap3A_377] {strides = array<i32>} : memref<3x2x80xi32, #tpu.memory_space<vmem>>, vector<16xi32>,
        tpu.vector_store %arg9[%swap3A_375, %swap3A_376, %swap3A_377], %get3A_372 {strides = array<i32>} : memref<3x2x80xi32, #tpu.memory_space<vmem>>, vector<16xi32>,
        %get3A_379 = arith.constant 0 : i32
        %get3A_380 = arith.constant 1 : i32
        %get3A_381 = arith.constant 0 : i32
        %get3A_382 = arith.index_cast %get3A_379 : i32 to index
        %get3A_383 = arith.index_cast %get3A_380 : i32 to index
        %get3A_384 = arith.index_cast %get3A_381 : i32 to index
        %get3A_385 = arith.constant 32 : index
        %get3A_386 = tpu.vector_load %arg7[%get3A_382, %get3A_383, %get3A_384, %get3A_385] {strides = array<i32>} : memref<3x3x2x80xi32, #tpu.memory_space<vmem>>, vector<16xi32>,
        %swap3A_387 = arith.constant 0 : i32
        %swap3A_388 = arith.constant 0 : i32
        %swap3A_389 = arith.index_cast %swap3A_387 : i32 to index
        %swap3A_390 = arith.index_cast %swap3A_388 : i32 to index
        %swap3A_391 = arith.constant 32 : index
        %swap3A_392 = tpu.vector_load %arg9[%swap3A_389, %swap3A_390, %swap3A_391] {strides = array<i32>} : memref<3x2x80xi32, #tpu.memory_space<vmem>>, vector<16xi32>,
        tpu.vector_store %arg9[%swap3A_389, %swap3A_390, %swap3A_391], %get3A_386 {strides = array<i32>} : memref<3x2x80xi32, #tpu.memory_space<vmem>>, vector<16xi32>,
        %get3A_393 = arith.constant 0 : i32
        %get3A_394 = arith.constant 1 : i32
        %get3A_395 = arith.constant 0 : i32
        %get3A_396 = arith.index_cast %get3A_393 : i32 to index
        %get3A_397 = arith.index_cast %get3A_394 : i32 to index
        %get3A_398 = arith.index_cast %get3A_395 : i32 to index
        %get3A_399 = arith.constant 48 : index
        %get3A_400 = tpu.vector_load %arg7[%get3A_396, %get3A_397, %get3A_398, %get3A_399] {strides = array<i32>} : memref<3x3x2x80xi32, #tpu.memory_space<vmem>>, vector<16xi32>,
        %swap3A_401 = arith.constant 0 : i32
        %swap3A_402 = arith.constant 0 : i32
        %swap3A_403 = arith.index_cast %swap3A_401 : i32 to index
        %swap3A_404 = arith.index_cast %swap3A_402 : i32 to index
        %swap3A_405 = arith.constant 48 : index
        %swap3A_406 = tpu.vector_load %arg9[%swap3A_403, %swap3A_404, %swap3A_405] {strides = array<i32>} : memref<3x2x80xi32, #tpu.memory_space<vmem>>, vector<16xi32>,
        tpu.vector_store %arg9[%swap3A_403, %swap3A_404, %swap3A_405], %get3A_400 {strides = array<i32>} : memref<3x2x80xi32, #tpu.memory_space<vmem>>, vector<16xi32>,
        %get3A_407 = arith.constant 0 : i32
        %get3A_408 = arith.constant 1 : i32
        %get3A_409 = arith.constant 0 : i32
        %get3A_410 = arith.index_cast %get3A_407 : i32 to index
        %get3A_411 = arith.index_cast %get3A_408 : i32 to index
        %get3A_412 = arith.index_cast %get3A_409 : i32 to index
        %get3A_413 = arith.constant 64 : index
        %get3A_414 = tpu.vector_load %arg7[%get3A_410, %get3A_411, %get3A_412, %get3A_413] {strides = array<i32>} : memref<3x3x2x80xi32, #tpu.memory_space<vmem>>, vector<16xi32>,
        %swap3A_415 = arith.constant 0 : i32
        %swap3A_416 = arith.constant 0 : i32
        %swap3A_417 = arith.index_cast %swap3A_415 : i32 to index
        %swap3A_418 = arith.index_cast %swap3A_416 : i32 to index
        %swap3A_419 = arith.constant 64 : index
        %swap3A_420 = tpu.vector_load %arg9[%swap3A_417, %swap3A_418, %swap3A_419] {strides = array<i32>} : memref<3x2x80xi32, #tpu.memory_space<vmem>>, vector<16xi32>,
        tpu.vector_store %arg9[%swap3A_417, %swap3A_418, %swap3A_419], %get3A_414 {strides = array<i32>} : memref<3x2x80xi32, #tpu.memory_space<vmem>>, vector<16xi32>,
        %get3A_421 = arith.constant 0 : i32
        %get3A_422 = arith.constant 1 : i32
        %get3A_423 = arith.constant 1 : i32
        %get3A_424 = arith.index_cast %get3A_421 : i32 to index
        %get3A_425 = arith.index_cast %get3A_422 : i32 to index
        %get3A_426 = arith.index_cast %get3A_423 : i32 to index
        %get3A_427 = arith.constant 0 : index
        %get3A_428 = tpu.vector_load %arg7[%get3A_424, %get3A_425, %get3A_426, %get3A_427] {strides = array<i32>} : memref<3x3x2x80xi32, #tpu.memory_space<vmem>>, vector<16xi32>,
        %swap3A_429 = arith.constant 0 : i32
        %swap3A_430 = arith.constant 1 : i32
        %swap3A_431 = arith.index_cast %swap3A_429 : i32 to index
        %swap3A_432 = arith.index_cast %swap3A_430 : i32 to index
        %swap3A_433 = arith.constant 0 : index
        %swap3A_434 = tpu.vector_load %arg9[%swap3A_431, %swap3A_432, %swap3A_433] {strides = array<i32>} : memref<3x2x80xi32, #tpu.memory_space<vmem>>, vector<16xi32>,
        tpu.vector_store %arg9[%swap3A_431, %swap3A_432, %swap3A_433], %get3A_428 {strides = array<i32>} : memref<3x2x80xi32, #tpu.memory_space<vmem>>, vector<16xi32>,
        %get3A_435 = arith.constant 0 : i32
        %get3A_436 = arith.constant 1 : i32
        %get3A_437 = arith.constant 1 : i32
        %get3A_438 = arith.index_cast %get3A_435 : i32 to index
        %get3A_439 = arith.index_cast %get3A_436 : i32 to index
        %get3A_440 = arith.index_cast %get3A_437 : i32 to index
        %get3A_441 = arith.constant 16 : index
        %get3A_442 = tpu.vector_load %arg7[%get3A_438, %get3A_439, %get3A_440, %get3A_441] {strides = array<i32>} : memref<3x3x2x80xi32, #tpu.memory_space<vmem>>, vector<16xi32>,
        %swap3A_443 = arith.constant 0 : i32
        %swap3A_444 = arith.constant 1 : i32
        %swap3A_445 = arith.index_cast %swap3A_443 : i32 to index
        %swap3A_446 = arith.index_cast %swap3A_444 : i32 to index
        %swap3A_447 = arith.constant 16 : index
        %swap3A_448 = tpu.vector_load %arg9[%swap3A_445, %swap3A_446, %swap3A_447] {strides = array<i32>} : memref<3x2x80xi32, #tpu.memory_space<vmem>>, vector<16xi32>,
        tpu.vector_store %arg9[%swap3A_445, %swap3A_446, %swap3A_447], %get3A_442 {strides = array<i32>} : memref<3x2x80xi32, #tpu.memory_space<vmem>>, vector<16xi32>,
        %get3A_449 = arith.constant 0 : i32
        %get3A_450 = arith.constant 1 : i32
        %get3A_451 = arith.constant 1 : i32
        %get3A_452 = arith.index_cast %get3A_449 : i32 to index
        %get3A_453 = arith.index_cast %get3A_450 : i32 to index
        %get3A_454 = arith.index_cast %get3A_451 : i32 to index
        %get3A_455 = arith.constant 32 : index
        %get3A_456 = tpu.vector_load %arg7[%get3A_452, %get3A_453, %get3A_454, %get3A_455] {strides = array<i32>} : memref<3x3x2x80xi32, #tpu.memory_space<vmem>>, vector<16xi32>,
        %swap3A_457 = arith.constant 0 : i32
        %swap3A_458 = arith.constant 1 : i32
        %swap3A_459 = arith.index_cast %swap3A_457 : i32 to index
        %swap3A_460 = arith.index_cast %swap3A_458 : i32 to index
        %swap3A_461 = arith.constant 32 : index
        %swap3A_462 = tpu.vector_load %arg9[%swap3A_459, %swap3A_460, %swap3A_461] {strides = array<i32>} : memref<3x2x80xi32, #tpu.memory_space<vmem>>, vector<16xi32>,
        tpu.vector_store %arg9[%swap3A_459, %swap3A_460, %swap3A_461], %get3A_456 {strides = array<i32>} : memref<3x2x80xi32, #tpu.memory_space<vmem>>, vector<16xi32>,
        %get3A_463 = arith.constant 0 : i32
        %get3A_464 = arith.constant 1 : i32
        %get3A_465 = arith.constant 1 : i32
        %get3A_466 = arith.index_cast %get3A_463 : i32 to index
        %get3A_467 = arith.index_cast %get3A_464 : i32 to index
        %get3A_468 = arith.index_cast %get3A_465 : i32 to index
        %get3A_469 = arith.constant 48 : index
        %get3A_470 = tpu.vector_load %arg7[%get3A_466, %get3A_467, %get3A_468, %get3A_469] {strides = array<i32>} : memref<3x3x2x80xi32, #tpu.memory_space<vmem>>, vector<16xi32>,
        %swap3A_471 = arith.constant 0 : i32
        %swap3A_472 = arith.constant 1 : i32
        %swap3A_473 = arith.index_cast %swap3A_471 : i32 to index
        %swap3A_474 = arith.index_cast %swap3A_472 : i32 to index
        %swap3A_475 = arith.constant 48 : index
        %swap3A_476 = tpu.vector_load %arg9[%swap3A_473, %swap3A_474, %swap3A_475] {strides = array<i32>} : memref<3x2x80xi32, #tpu.memory_space<vmem>>, vector<16xi32>,
        tpu.vector_store %arg9[%swap3A_473, %swap3A_474, %swap3A_475], %get3A_470 {strides = array<i32>} : memref<3x2x80xi32, #tpu.memory_space<vmem>>, vector<16xi32>,
        %get3A_477 = arith.constant 0 : i32
        %get3A_478 = arith.constant 1 : i32
        %get3A_479 = arith.constant 1 : i32
        %get3A_480 = arith.index_cast %get3A_477 : i32 to index
        %get3A_481 = arith.index_cast %get3A_478 : i32 to index
        %get3A_482 = arith.index_cast %get3A_479 : i32 to index
        %get3A_483 = arith.constant 64 : index
        %get3A_484 = tpu.vector_load %arg7[%get3A_480, %get3A_481, %get3A_482, %get3A_483] {strides = array<i32>} : memref<3x3x2x80xi32, #tpu.memory_space<vmem>>, vector<16xi32>,
        %swap3A_485 = arith.constant 0 : i32
        %swap3A_486 = arith.constant 1 : i32
        %swap3A_487 = arith.index_cast %swap3A_485 : i32 to index
        %swap3A_488 = arith.index_cast %swap3A_486 : i32 to index
        %swap3A_489 = arith.constant 64 : index
        %swap3A_490 = tpu.vector_load %arg9[%swap3A_487, %swap3A_488, %swap3A_489] {strides = array<i32>} : memref<3x2x80xi32, #tpu.memory_space<vmem>>, vector<16xi32>,
        tpu.vector_store %arg9[%swap3A_487, %swap3A_488, %swap3A_489], %get3A_484 {strides = array<i32>} : memref<3x2x80xi32, #tpu.memory_space<vmem>>, vector<16xi32>,
        %scan3A_491 = arith.constant 0 : i32
        %scan3A_492 = arith.constant 0 : i32
        %scan3A_493 = arith.constant 160 : i32
        %scan3A_494 = arith.addi %scan3A_492, %scan3A_493 : i32
        %scan3A_495 = arith.constant 1 : i32
        %scan3A_496 = scf.for %scan3A_541 = %scan3A_492 to %scan3A_494 step %scan3A_495 iter_args(%scan3A_542 = %scan3A_491) -> (i32)  : i32 {
          %jit3A = arith.constant 80 : i32
          %div3A = arith.divsi %scan3A_541, %jit3A : i32
          %sign3A = arith.constant 0 : i32
          %sign3A_543 = arith.cmpi sgt, %scan3A_541, %sign3A : i32
          %sign3A_544 = arith.extui %sign3A_543 : i1 to i32
          %sign3A_545 = arith.constant 0 : i32
          %sign3A_546 = arith.cmpi slt, %scan3A_541, %sign3A_545 : i32
          %sign3A_547 = arith.extui %sign3A_546 : i1 to i32
          %sign3A_548 = arith.subi %sign3A_544, %sign3A_547 : i32
          %sign3A_549 = arith.constant 0 : i32
          %sign3A_550 = arith.cmpi sgt, %jit3A, %sign3A_549 : i32
          %sign3A_551 = arith.extui %sign3A_550 : i1 to i32
          %sign3A_552 = arith.constant 0 : i32
          %sign3A_553 = arith.cmpi slt, %jit3A, %sign3A_552 : i32
          %sign3A_554 = arith.extui %sign3A_553 : i1 to i32
          %sign3A_555 = arith.subi %sign3A_551, %sign3A_554 : i32
          %ne3A = arith.cmpi ne, %sign3A_548, %sign3A_555 : i32
          %rem3A_556 = arith.remsi %scan3A_541, %jit3A : i32
          %ne3A_557 = arith.constant 0 : i32
          %ne3A_558 = arith.cmpi ne, %rem3A_556, %ne3A_557 : i32
          %and3A = arith.andi %ne3A, %ne3A_558 : i1
          %sub3A = arith.constant 1 : i32
          %sub3A_559 = arith.subi %div3A, %sub3A : i32
          %select_n3A = arith.select %and3A, %sub3A_559, %div3A : i32
          %mul3A_560 = arith.constant 80 : i32
          %mul3A_561 = arith.muli %select_n3A, %mul3A_560 : i32
          %sub3A_562 = arith.subi %scan3A_541, %mul3A_561 : i32
          %broadcast_in_dim3A = arith.constant 2 : i32
          %broadcast_in_dim3A_563 = vector.broadcast %broadcast_in_dim3A : i32 to vector<16xi32>
          %broadcast_in_dim3A_564 = vector.broadcast %select_n3A : i32 to vector<16xi32>
          %broadcast_in_dim3A_565 = vector.broadcast %sub3A_562 : i32 to vector<16xi32>
          %gather3A = arith.constant 0 : i32
          %gather3A_566 = arith.constant 0 : i32
          %gather3A_567 = arith.constant 0 : i32
          %gather3A_568 = tpu.memref_slice %arg7[%scan3A_161, %gather3A, %gather3A_566, %gather3A_567] : memref<3x3x2x80xi32, #tpu.memory_space<vmem>> -> memref<1x3x2x80xi32, #tpu.memory_space<vmem>>
          %gather3A_569 = tpu.memref_squeeze %gather3A_568 : memref<1x3x2x80xi32, #tpu.memory_space<vmem>> -> memref<3x2x80xi32, #tpu.memory_space<vmem>>
          %gather3A_570 = tpu.vector_load_idx %gather3A_569[%broadcast_in_dim3A_563, %broadcast_in_dim3A_564, %broadcast_in_dim3A_565] : memref<3x2x80xi32, #tpu.memory_space<vmem>>[vector<16xi32>, vector<16xi32>, vector<16xi32>], vector<16xi32>,
          %bitcast3A = vector.bitcast %gather3A_570 : vector<16xi32> to vector<16xf32>
          %get3A_571 = arith.constant 0 : i32
          %get3A_572 = arith.index_cast %get3A_571 : i32 to index
          %get3A_573 = arith.index_cast %scan3A_541 : i32 to index
          %get3A_574 = arith.constant 0 : index
          %get3A_575 = tpu.vector_load %arg8[%get3A_572, %get3A_573, %get3A_574] {strides = array<i32>} : memref<3x160x32xf32, #tpu.memory_space<vmem>>, vector<16xf32>,
          %mul3A_576 = arith.mulf %get3A_575, %bitcast3A : vector<16xf32>
          %swap3A_577 = arith.constant 0 : i32
          %swap3A_578 = arith.index_cast %swap3A_577 : i32 to index
          %swap3A_579 = arith.index_cast %scan3A_541 : i32 to index
          %swap3A_580 = arith.constant 0 : index
          %swap3A_581 = tpu.vector_load %arg8[%swap3A_578, %swap3A_579, %swap3A_580] {strides = array<i32>} : memref<3x160x32xf32, #tpu.memory_space<vmem>>, vector<16xf32>,
          tpu.vector_store %arg8[%swap3A_578, %swap3A_579, %swap3A_580], %mul3A_576 {strides = array<i32>} : memref<3x160x32xf32, #tpu.memory_space<vmem>>, vector<16xf32>,
          %get3A_582 = arith.constant 0 : i32
          %get3A_583 = arith.index_cast %get3A_582 : i32 to index
          %get3A_584 = arith.index_cast %scan3A_541 : i32 to index
          %get3A_585 = arith.constant 16 : index
          %get3A_586 = tpu.vector_load %arg8[%get3A_583, %get3A_584, %get3A_585] {strides = array<i32>} : memref<3x160x32xf32, #tpu.memory_space<vmem>>, vector<16xf32>,
          %mul3A_587 = arith.mulf %get3A_586, %bitcast3A : vector<16xf32>
          %swap3A_588 = arith.constant 0 : i32
          %swap3A_589 = arith.index_cast %swap3A_588 : i32 to index
          %swap3A_590 = arith.index_cast %scan3A_541 : i32 to index
          %swap3A_591 = arith.constant 16 : index
          %swap3A_592 = tpu.vector_load %arg8[%swap3A_589, %swap3A_590, %swap3A_591] {strides = array<i32>} : memref<3x160x32xf32, #tpu.memory_space<vmem>>, vector<16xf32>,
          tpu.vector_store %arg8[%swap3A_589, %swap3A_590, %swap3A_591], %mul3A_587 {strides = array<i32>} : memref<3x160x32xf32, #tpu.memory_space<vmem>>, vector<16xf32>,
          %scan3A_593 = arith.constant 0 : i32
          scf.yield %scan3A_593 : i32
        }
        %scan3A_497 = arith.constant 160 : i32
        %dma_start3A_498 = arith.constant 0 : i32
        %dma_start3A_499 = arith.constant 0 : i32
        %dma_start3A_500 = arith.constant 0 : i32
        %dma_start3A_501 = tpu.memref_slice %arg8[%scan3A_162, %dma_start3A_499, %dma_start3A_500] : memref<3x160x32xf32, #tpu.memory_space<vmem>> -> memref<1x160x32xf32, #tpu.memory_space<vmem>>
        %dma_start3A_502 = tpu.memref_squeeze %dma_start3A_501 : memref<1x160x32xf32, #tpu.memory_space<vmem>> -> memref<160x32xf32, #tpu.memory_space<vmem>>
        %dma_start3A_503 = arith.constant 0 : i32
        %dma_start3A_504 = arith.constant 0 : i32
        %dma_start3A_505 = tpu.memref_slice %dma_start3A_502[%dma_start3A_503, %dma_start3A_504] : memref<160x32xf32, #tpu.memory_space<vmem>> -> memref<80x32xf32, #tpu.memory_space<vmem>>
        %dma_start3A_506 = arith.constant 0 : i32
        %dma_start3A_507 = arith.constant 0 : i32
        %dma_start3A_508 = tpu.memref_slice %arg9[%scan3A_163, %dma_start3A_506, %dma_start3A_507] : memref<3x2x80xi32, #tpu.memory_space<vmem>> -> memref<1x2x80xi32, #tpu.memory_space<vmem>>
        %dma_start3A_509 = tpu.memref_squeeze %dma_start3A_508 : memref<1x2x80xi32, #tpu.memory_space<vmem>> -> memref<2x80xi32, #tpu.memory_space<vmem>>
        %dma_start3A_510 = arith.constant 0 : i32
        %dma_start3A_511 = tpu.memref_slice %dma_start3A_509[%dma_start3A_498, %dma_start3A_510] : memref<2x80xi32, #tpu.memory_space<vmem>> -> memref<1x80xi32, #tpu.memory_space<vmem>>
        %dma_start3A_512 = tpu.memref_squeeze %dma_start3A_511 : memref<1x80xi32, #tpu.memory_space<vmem>> -> memref<80xi32, #tpu.memory_space<vmem>>
        %dma_start3A_513 = arith.constant 0 : i32
        %dma_start3A_514 = arith.constant 0 : i32
        %dma_start3A_515 = tpu.memref_slice %arg13[%dma_start3A_513, %dma_start3A_514] : memref<50048x32xf32, #tpu.memory_space<vmem_shared>> -> memref<50048x32xf32, #tpu.memory_space<vmem_shared>>
        tpu.enqueue_indirect_dma source(%dma_start3A_505 : memref<80x32xf32, #tpu.memory_space<vmem>>) target(%dma_start3A_515 : memref<50048x32xf32, #tpu.memory_space<vmem_shared>>) offsets(%dma_start3A_512 : memref<80xi32, #tpu.memory_space<vmem>>) semaphore(%arg17 : memref<!tpu.dma_semaphore, #tpu.memory_space<semaphore_mem>>) {add = true}
        %dma_start3A_516 = arith.constant 1 : i32
        %dma_start3A_517 = arith.constant 0 : i32
        %dma_start3A_518 = arith.constant 0 : i32
        %dma_start3A_519 = tpu.memref_slice %arg8[%scan3A_162, %dma_start3A_517, %dma_start3A_518] : memref<3x160x32xf32, #tpu.memory_space<vmem>> -> memref<1x160x32xf32, #tpu.memory_space<vmem>>
        %dma_start3A_520 = tpu.memref_squeeze %dma_start3A_519 : memref<1x160x32xf32, #tpu.memory_space<vmem>> -> memref<160x32xf32, #tpu.memory_space<vmem>>
        %dma_start3A_521 = arith.constant 80 : i32
        %dma_start3A_522 = arith.constant 0 : i32
        %dma_start3A_523 = tpu.memref_slice %dma_start3A_520[%dma_start3A_521, %dma_start3A_522] : memref<160x32xf32, #tpu.memory_space<vmem>> -> memref<80x32xf32, #tpu.memory_space<vmem>>
        %dma_start3A_524 = arith.constant 0 : i32
        %dma_start3A_525 = arith.constant 0 : i32
        %dma_start3A_526 = tpu.memref_slice %arg9[%scan3A_163, %dma_start3A_524, %dma_start3A_525] : memref<3x2x80xi32, #tpu.memory_space<vmem>> -> memref<1x2x80xi32, #tpu.memory_space<vmem>>
        %dma_start3A_527 = tpu.memref_squeeze %dma_start3A_526 : memref<1x2x80xi32, #tpu.memory_space<vmem>> -> memref<2x80xi32, #tpu.memory_space<vmem>>
        %dma_start3A_528 = arith.constant 0 : i32
        %dma_start3A_529 = tpu.memref_slice %dma_start3A_527[%dma_start3A_516, %dma_start3A_528] : memref<2x80xi32, #tpu.memory_space<vmem>> -> memref<1x80xi32, #tpu.memory_space<vmem>>
        %dma_start3A_530 = tpu.memref_squeeze %dma_start3A_529 : memref<1x80xi32, #tpu.memory_space<vmem>> -> memref<80xi32, #tpu.memory_space<vmem>>
        %dma_start3A_531 = arith.constant 0 : i32
        %dma_start3A_532 = arith.constant 0 : i32
        %dma_start3A_533 = tpu.memref_slice %arg13[%dma_start3A_531, %dma_start3A_532] : memref<50048x32xf32, #tpu.memory_space<vmem_shared>> -> memref<50048x32xf32, #tpu.memory_space<vmem_shared>>
        tpu.enqueue_indirect_dma source(%dma_start3A_523 : memref<80x32xf32, #tpu.memory_space<vmem>>) target(%dma_start3A_533 : memref<50048x32xf32, #tpu.memory_space<vmem_shared>>) offsets(%dma_start3A_530 : memref<80xi32, #tpu.memory_space<vmem>>) semaphore(%arg17 : memref<!tpu.dma_semaphore, #tpu.memory_space<semaphore_mem>>) {add = true}
        %add3A_534 = arith.constant 2 : i32
        %add3A_535 = arith.addi %scan3A_275, %add3A_534 : i32
        %lt3A_536 = arith.constant 625 : i32
        %lt3A_537 = arith.cmpi slt, %add3A_535, %lt3A_536 : i32
        %convert_element_type3A_538 = arith.extui %lt3A_537 : i1 to i32
        %cond3A_539 = arith.constant 0 : i32
        %cond3A_540 = arith.cmpi ne, %convert_element_type3A_538, %cond3A_539 : i32
        scf.if %cond3A_540 {
          %add3A_541 = arith.constant 2 : i32
          %add3A_542 = arith.addi %scan3A_275, %add3A_541 : i32
          %add3A_543 = arith.addi %mul3A_4, %add3A_542 : i32
          %dma_start3A_544 = arith.constant 0 : i32
          %dma_start3A_545 = arith.constant 0 : i32
          %dma_start3A_546 = arith.constant 0 : i32
          %dma_start3A_547 = tpu.memref_slice %arg7[%scan3A_164, %dma_start3A_544, %dma_start3A_545, %dma_start3A_546] : memref<3x3x2x80xi32, #tpu.memory_space<vmem>> -> memref<1x3x2x80xi32, #tpu.memory_space<vmem>>
          %dma_start3A_548 = tpu.memref_squeeze %dma_start3A_547 : memref<1x3x2x80xi32, #tpu.memory_space<vmem>> -> memref<3x2x80xi32, #tpu.memory_space<vmem>>
          %dma_start3A_549 = arith.constant 0 : i32
          %dma_start3A_550 = arith.constant 0 : i32
          %dma_start3A_551 = arith.constant 0 : i32
          %dma_start3A_552 = arith.constant 0 : i32
          %dma_start3A_553 = tpu.memref_slice %arg2[%arg0, %dma_start3A_549, %dma_start3A_550, %dma_start3A_551, %dma_start3A_552] : memref<2x10000x3x2x80xi32, #tpu.memory_space<hbm>> -> memref<1x10000x3x2x80xi32, #tpu.memory_space<hbm>>
          %dma_start3A_554 = tpu.memref_squeeze %dma_start3A_553 : memref<1x10000x3x2x80xi32, #tpu.memory_space<hbm>> -> memref<10000x3x2x80xi32, #tpu.memory_space<hbm>>
          %dma_start3A_555 = arith.constant 0 : i32
          %dma_start3A_556 = arith.constant 0 : i32
          %dma_start3A_557 = arith.constant 0 : i32
          %dma_start3A_558 = tpu.memref_slice %dma_start3A_554[%add3A_543, %dma_start3A_555, %dma_start3A_556, %dma_start3A_557] : memref<10000x3x2x80xi32, #tpu.memory_space<hbm>> -> memref<1x3x2x80xi32, #tpu.memory_space<hbm>>
          %dma_start3A_559 = tpu.memref_squeeze %dma_start3A_558 : memref<1x3x2x80xi32, #tpu.memory_space<hbm>> -> memref<3x2x80xi32, #tpu.memory_space<hbm>>
          %dma_start3A_560 = arith.constant 0 : i32
          %dma_start3A_561 = arith.constant 0 : i32
          %dma_start3A_562 = arith.constant 0 : i32
          %dma_start3A_563 = tpu.memref_slice %arg7[%scan3A_164, %dma_start3A_560, %dma_start3A_561, %dma_start3A_562] : memref<3x3x2x80xi32, #tpu.memory_space<vmem>> -> memref<1x3x2x80xi32, #tpu.memory_space<vmem>>
          %dma_start3A_564 = tpu.memref_squeeze %dma_start3A_563 : memref<1x3x2x80xi32, #tpu.memory_space<vmem>> -> memref<3x2x80xi32, #tpu.memory_space<vmem>>
          %dma_start3A_565 = arith.constant 0 : i32
          %dma_start3A_566 = arith.constant 0 : i32
          %dma_start3A_567 = arith.constant 0 : i32
          %dma_start3A_568 = arith.constant 0 : i32
          %dma_start3A_569 = tpu.memref_slice %arg2[%arg0, %dma_start3A_565, %dma_start3A_566, %dma_start3A_567, %dma_start3A_568] : memref<2x10000x3x2x80xi32, #tpu.memory_space<hbm>> -> memref<1x10000x3x2x80xi32, #tpu.memory_space<hbm>>
          %dma_start3A_570 = tpu.memref_squeeze %dma_start3A_569 : memref<1x10000x3x2x80xi32, #tpu.memory_space<hbm>> -> memref<10000x3x2x80xi32, #tpu.memory_space<hbm>>
          %dma_start3A_571 = arith.constant 0 : i32
          %dma_start3A_572 = arith.constant 0 : i32
          %dma_start3A_573 = arith.constant 0 : i32
          %dma_start3A_574 = tpu.memref_slice %dma_start3A_570[%add3A_543, %dma_start3A_571, %dma_start3A_572, %dma_start3A_573] : memref<10000x3x2x80xi32, #tpu.memory_space<hbm>> -> memref<1x3x2x80xi32, #tpu.memory_space<hbm>>
          %dma_start3A_575 = tpu.memref_squeeze %dma_start3A_574 : memref<1x3x2x80xi32, #tpu.memory_space<hbm>> -> memref<3x2x80xi32, #tpu.memory_space<hbm>>
          tpu.enqueue_dma source(%dma_start3A_575 : memref<3x2x80xi32, #tpu.memory_space<hbm>>) target(%dma_start3A_564 : memref<3x2x80xi32, #tpu.memory_space<vmem>>) target_semaphore(%arg22 : memref<!tpu.dma_semaphore, #tpu.memory_space<semaphore_mem>>)
        } else {
        }
      } else {
      }
      %rem3A_280 = arith.constant 3 : i32
      %rem3A_281 = arith.remsi %scan3A_275, %rem3A_280 : i32
      %eq3A_282 = arith.constant 1 : i32
      %eq3A_283 = arith.cmpi eq, %rem3A_281, %eq3A_282 : i32
      %convert_element_type3A_284 = arith.extui %eq3A_283 : i1 to i32
      %cond3A_285 = arith.constant 0 : i32
      %cond3A_286 = arith.cmpi ne, %convert_element_type3A_284, %cond3A_285 : i32
      scf.if %cond3A_286 {
        %ge3A = arith.constant 2 : i32
        %ge3A_295 = arith.cmpi sge, %scan3A_275, %ge3A : i32
        %convert_element_type3A_296 = arith.extui %ge3A_295 : i1 to i32
        %cond3A_297 = arith.constant 0 : i32
        %cond3A_298 = arith.cmpi ne, %convert_element_type3A_296, %cond3A_297 : i32
        scf.if %cond3A_298 {
          %dma_wait3A_541 = arith.constant 0 : i32
          %dma_wait3A_542 = arith.constant 0 : i32
          %dma_wait3A_543 = arith.constant 0 : i32
          %dma_wait3A_544 = tpu.memref_slice %arg8[%scan3A_165, %dma_wait3A_542, %dma_wait3A_543] : memref<3x160x32xf32, #tpu.memory_space<vmem>> -> memref<1x160x32xf32, #tpu.memory_space<vmem>>
          %dma_wait3A_545 = tpu.memref_squeeze %dma_wait3A_544 : memref<1x160x32xf32, #tpu.memory_space<vmem>> -> memref<160x32xf32, #tpu.memory_space<vmem>>
          %dma_wait3A_546 = arith.constant 0 : i32
          %dma_wait3A_547 = arith.constant 0 : i32
          %dma_wait3A_548 = tpu.memref_slice %dma_wait3A_545[%dma_wait3A_546, %dma_wait3A_547] : memref<160x32xf32, #tpu.memory_space<vmem>> -> memref<80x32xf32, #tpu.memory_space<vmem>>
          %dma_wait3A_549 = arith.constant 0 : i32
          %dma_wait3A_550 = arith.constant 0 : i32
          %dma_wait3A_551 = tpu.memref_slice %arg9[%scan3A_166, %dma_wait3A_549, %dma_wait3A_550] : memref<3x2x80xi32, #tpu.memory_space<vmem>> -> memref<1x2x80xi32, #tpu.memory_space<vmem>>
          %dma_wait3A_552 = tpu.memref_squeeze %dma_wait3A_551 : memref<1x2x80xi32, #tpu.memory_space<vmem>> -> memref<2x80xi32, #tpu.memory_space<vmem>>
          %dma_wait3A_553 = arith.constant 0 : i32
          %dma_wait3A_554 = tpu.memref_slice %dma_wait3A_552[%dma_wait3A_541, %dma_wait3A_553] : memref<2x80xi32, #tpu.memory_space<vmem>> -> memref<1x80xi32, #tpu.memory_space<vmem>>
          %dma_wait3A_555 = tpu.memref_squeeze %dma_wait3A_554 : memref<1x80xi32, #tpu.memory_space<vmem>> -> memref<80xi32, #tpu.memory_space<vmem>>
          %dma_wait3A_556 = arith.constant 0 : i32
          %dma_wait3A_557 = arith.constant 0 : i32
          %dma_wait3A_558 = tpu.memref_slice %arg13[%dma_wait3A_556, %dma_wait3A_557] : memref<50048x32xf32, #tpu.memory_space<vmem_shared>> -> memref<50048x32xf32, #tpu.memory_space<vmem_shared>>
          tpu.wait_indirect_dma semaphore(%arg19 : memref<!tpu.dma_semaphore, #tpu.memory_space<semaphore_mem>>) src(%dma_wait3A_548 : memref<80x32xf32, #tpu.memory_space<vmem>>) dst(%dma_wait3A_558 : memref<50048x32xf32, #tpu.memory_space<vmem_shared>>)
          %dma_wait3A_559 = arith.constant 1 : i32
          %dma_wait3A_560 = arith.constant 0 : i32
          %dma_wait3A_561 = arith.constant 0 : i32
          %dma_wait3A_562 = tpu.memref_slice %arg8[%scan3A_165, %dma_wait3A_560, %dma_wait3A_561] : memref<3x160x32xf32, #tpu.memory_space<vmem>> -> memref<1x160x32xf32, #tpu.memory_space<vmem>>
          %dma_wait3A_563 = tpu.memref_squeeze %dma_wait3A_562 : memref<1x160x32xf32, #tpu.memory_space<vmem>> -> memref<160x32xf32, #tpu.memory_space<vmem>>
          %dma_wait3A_564 = arith.constant 80 : i32
          %dma_wait3A_565 = arith.constant 0 : i32
          %dma_wait3A_566 = tpu.memref_slice %dma_wait3A_563[%dma_wait3A_564, %dma_wait3A_565] : memref<160x32xf32, #tpu.memory_space<vmem>> -> memref<80x32xf32, #tpu.memory_space<vmem>>
          %dma_wait3A_567 = arith.constant 0 : i32
          %dma_wait3A_568 = arith.constant 0 : i32
          %dma_wait3A_569 = tpu.memref_slice %arg9[%scan3A_166, %dma_wait3A_567, %dma_wait3A_568] : memref<3x2x80xi32, #tpu.memory_space<vmem>> -> memref<1x2x80xi32, #tpu.memory_space<vmem>>
          %dma_wait3A_570 = tpu.memref_squeeze %dma_wait3A_569 : memref<1x2x80xi32, #tpu.memory_space<vmem>> -> memref<2x80xi32, #tpu.memory_space<vmem>>
          %dma_wait3A_571 = arith.constant 0 : i32
          %dma_wait3A_572 = tpu.memref_slice %dma_wait3A_570[%dma_wait3A_559, %dma_wait3A_571] : memref<2x80xi32, #tpu.memory_space<vmem>> -> memref<1x80xi32, #tpu.memory_space<vmem>>
          %dma_wait3A_573 = tpu.memref_squeeze %dma_wait3A_572 : memref<1x80xi32, #tpu.memory_space<vmem>> -> memref<80xi32, #tpu.memory_space<vmem>>
          %dma_wait3A_574 = arith.constant 0 : i32
          %dma_wait3A_575 = arith.constant 0 : i32
          %dma_wait3A_576 = tpu.memref_slice %arg13[%dma_wait3A_574, %dma_wait3A_575] : memref<50048x32xf32, #tpu.memory_space<vmem_shared>> -> memref<50048x32xf32, #tpu.memory_space<vmem_shared>>
          tpu.wait_indirect_dma semaphore(%arg19 : memref<!tpu.dma_semaphore, #tpu.memory_space<semaphore_mem>>) src(%dma_wait3A_566 : memref<80x32xf32, #tpu.memory_space<vmem>>) dst(%dma_wait3A_576 : memref<50048x32xf32, #tpu.memory_space<vmem_shared>>)
        } else {
        }
        %add3A_299 = arith.constant 1 : i32
        %add3A_300 = arith.addi %scan3A_275, %add3A_299 : i32
        %lt3A = arith.constant 625 : i32
        %lt3A_301 = arith.cmpi slt, %add3A_300, %lt3A : i32
        %convert_element_type3A_302 = arith.extui %lt3A_301 : i1 to i32
        %cond3A_303 = arith.constant 0 : i32
        %cond3A_304 = arith.cmpi ne, %convert_element_type3A_302, %cond3A_303 : i32
        scf.if %cond3A_304 {
          %add3A_541 = arith.constant 1 : i32
          %add3A_542 = arith.addi %scan3A_275, %add3A_541 : i32
          %add3A_543 = arith.addi %mul3A_4, %add3A_542 : i32
          %dma_wait3A_544 = arith.constant 0 : i32
          %dma_wait3A_545 = arith.constant 0 : i32
          %dma_wait3A_546 = arith.constant 0 : i32
          %dma_wait3A_547 = tpu.memref_slice %arg7[%scan3A_164, %dma_wait3A_544, %dma_wait3A_545, %dma_wait3A_546] : memref<3x3x2x80xi32, #tpu.memory_space<vmem>> -> memref<1x3x2x80xi32, #tpu.memory_space<vmem>>
          %dma_wait3A_548 = tpu.memref_squeeze %dma_wait3A_547 : memref<1x3x2x80xi32, #tpu.memory_space<vmem>> -> memref<3x2x80xi32, #tpu.memory_space<vmem>>
          %dma_wait3A_549 = arith.constant 0 : i32
          %dma_wait3A_550 = arith.constant 0 : i32
          %dma_wait3A_551 = arith.constant 0 : i32
          %dma_wait3A_552 = arith.constant 0 : i32
          %dma_wait3A_553 = tpu.memref_slice %arg2[%arg0, %dma_wait3A_549, %dma_wait3A_550, %dma_wait3A_551, %dma_wait3A_552] : memref<2x10000x3x2x80xi32, #tpu.memory_space<hbm>> -> memref<1x10000x3x2x80xi32, #tpu.memory_space<hbm>>
          %dma_wait3A_554 = tpu.memref_squeeze %dma_wait3A_553 : memref<1x10000x3x2x80xi32, #tpu.memory_space<hbm>> -> memref<10000x3x2x80xi32, #tpu.memory_space<hbm>>
          %dma_wait3A_555 = arith.constant 0 : i32
          %dma_wait3A_556 = arith.constant 0 : i32
          %dma_wait3A_557 = arith.constant 0 : i32
          %dma_wait3A_558 = tpu.memref_slice %dma_wait3A_554[%add3A_543, %dma_wait3A_555, %dma_wait3A_556, %dma_wait3A_557] : memref<10000x3x2x80xi32, #tpu.memory_space<hbm>> -> memref<1x3x2x80xi32, #tpu.memory_space<hbm>>
          %dma_wait3A_559 = tpu.memref_squeeze %dma_wait3A_558 : memref<1x3x2x80xi32, #tpu.memory_space<hbm>> -> memref<3x2x80xi32, #tpu.memory_space<hbm>>
          %dma_wait3A_560 = arith.constant 0 : i32
          %dma_wait3A_561 = arith.constant 0 : i32
          %dma_wait3A_562 = arith.constant 0 : i32
          %dma_wait3A_563 = tpu.memref_slice %arg7[%scan3A_164, %dma_wait3A_560, %dma_wait3A_561, %dma_wait3A_562] : memref<3x3x2x80xi32, #tpu.memory_space<vmem>> -> memref<1x3x2x80xi32, #tpu.memory_space<vmem>>
          %dma_wait3A_564 = tpu.memref_squeeze %dma_wait3A_563 : memref<1x3x2x80xi32, #tpu.memory_space<vmem>> -> memref<3x2x80xi32, #tpu.memory_space<vmem>>
          %dma_wait3A_565 = arith.constant 0 : i32
          %dma_wait3A_566 = arith.constant 0 : i32
          %dma_wait3A_567 = arith.constant 0 : i32
          %dma_wait3A_568 = arith.constant 0 : i32
          %dma_wait3A_569 = tpu.memref_slice %arg2[%arg0, %dma_wait3A_565, %dma_wait3A_566, %dma_wait3A_567, %dma_wait3A_568] : memref<2x10000x3x2x80xi32, #tpu.memory_space<hbm>> -> memref<1x10000x3x2x80xi32, #tpu.memory_space<hbm>>
          %dma_wait3A_570 = tpu.memref_squeeze %dma_wait3A_569 : memref<1x10000x3x2x80xi32, #tpu.memory_space<hbm>> -> memref<10000x3x2x80xi32, #tpu.memory_space<hbm>>
          %dma_wait3A_571 = arith.constant 0 : i32
          %dma_wait3A_572 = arith.constant 0 : i32
          %dma_wait3A_573 = arith.constant 0 : i32
          %dma_wait3A_574 = tpu.memref_slice %dma_wait3A_570[%add3A_543, %dma_wait3A_571, %dma_wait3A_572, %dma_wait3A_573] : memref<10000x3x2x80xi32, #tpu.memory_space<hbm>> -> memref<1x3x2x80xi32, #tpu.memory_space<hbm>>
          %dma_wait3A_575 = tpu.memref_squeeze %dma_wait3A_574 : memref<1x3x2x80xi32, #tpu.memory_space<hbm>> -> memref<3x2x80xi32, #tpu.memory_space<hbm>>
          tpu.wait_dma2 semaphore(%arg22 : memref<!tpu.dma_semaphore, #tpu.memory_space<semaphore_mem>>) src(%dma_wait3A_575 : memref<3x2x80xi32, #tpu.memory_space<hbm>>) dst(%dma_wait3A_564 : memref<3x2x80xi32, #tpu.memory_space<vmem>>)
          %dma_start3A_576 = arith.constant 0 : i32
          %dma_start3A_577 = arith.constant 0 : i32
          %dma_start3A_578 = arith.constant 0 : i32
          %dma_start3A_579 = arith.constant 0 : i32
          %dma_start3A_580 = tpu.memref_slice %arg8[%scan3A_165, %dma_start3A_578, %dma_start3A_579] : memref<3x160x32xf32, #tpu.memory_space<vmem>> -> memref<1x160x32xf32, #tpu.memory_space<vmem>>
          %dma_start3A_581 = tpu.memref_squeeze %dma_start3A_580 : memref<1x160x32xf32, #tpu.memory_space<vmem>> -> memref<160x32xf32, #tpu.memory_space<vmem>>
          %dma_start3A_582 = arith.constant 0 : i32
          %dma_start3A_583 = arith.constant 0 : i32
          %dma_start3A_584 = tpu.memref_slice %dma_start3A_581[%dma_start3A_582, %dma_start3A_583] : memref<160x32xf32, #tpu.memory_space<vmem>> -> memref<80x32xf32, #tpu.memory_space<vmem>>
          %dma_start3A_585 = arith.constant 0 : i32
          %dma_start3A_586 = arith.constant 0 : i32
          %dma_start3A_587 = arith.constant 0 : i32
          %dma_start3A_588 = tpu.memref_slice %arg7[%scan3A_164, %dma_start3A_585, %dma_start3A_586, %dma_start3A_587] : memref<3x3x2x80xi32, #tpu.memory_space<vmem>> -> memref<1x3x2x80xi32, #tpu.memory_space<vmem>>
          %dma_start3A_589 = tpu.memref_squeeze %dma_start3A_588 : memref<1x3x2x80xi32, #tpu.memory_space<vmem>> -> memref<3x2x80xi32, #tpu.memory_space<vmem>>
          %dma_start3A_590 = arith.constant 0 : i32
          %dma_start3A_591 = arith.constant 0 : i32
          %dma_start3A_592 = tpu.memref_slice %dma_start3A_589[%dma_start3A_576, %dma_start3A_590, %dma_start3A_591] : memref<3x2x80xi32, #tpu.memory_space<vmem>> -> memref<1x2x80xi32, #tpu.memory_space<vmem>>
          %dma_start3A_593 = tpu.memref_squeeze %dma_start3A_592 : memref<1x2x80xi32, #tpu.memory_space<vmem>> -> memref<2x80xi32, #tpu.memory_space<vmem>>
          %dma_start3A_594 = arith.constant 0 : i32
          %dma_start3A_595 = tpu.memref_slice %dma_start3A_593[%dma_start3A_577, %dma_start3A_594] : memref<2x80xi32, #tpu.memory_space<vmem>> -> memref<1x80xi32, #tpu.memory_space<vmem>>
          %dma_start3A_596 = tpu.memref_squeeze %dma_start3A_595 : memref<1x80xi32, #tpu.memory_space<vmem>> -> memref<80xi32, #tpu.memory_space<vmem>>
          %dma_start3A_597 = arith.constant 0 : i32
          %dma_start3A_598 = arith.constant 0 : i32
          %dma_start3A_599 = tpu.memref_slice %arg3[%dma_start3A_597, %dma_start3A_598] : memref<100000x32xf32, #tpu.memory_space<hbm>> -> memref<100000x32xf32, #tpu.memory_space<hbm>>
          tpu.enqueue_indirect_dma source(%dma_start3A_599 : memref<100000x32xf32, #tpu.memory_space<hbm>>) target(%dma_start3A_584 : memref<80x32xf32, #tpu.memory_space<vmem>>) offsets(%dma_start3A_596 : memref<80xi32, #tpu.memory_space<vmem>>) semaphore(%arg16 : memref<!tpu.dma_semaphore, #tpu.memory_space<semaphore_mem>>)
          %dma_start3A_600 = arith.constant 0 : i32
          %dma_start3A_601 = arith.constant 1 : i32
          %dma_start3A_602 = arith.constant 0 : i32
          %dma_start3A_603 = arith.constant 0 : i32
          %dma_start3A_604 = tpu.memref_slice %arg8[%scan3A_165, %dma_start3A_602, %dma_start3A_603] : memref<3x160x32xf32, #tpu.memory_space<vmem>> -> memref<1x160x32xf32, #tpu.memory_space<vmem>>
          %dma_start3A_605 = tpu.memref_squeeze %dma_start3A_604 : memref<1x160x32xf32, #tpu.memory_space<vmem>> -> memref<160x32xf32, #tpu.memory_space<vmem>>
          %dma_start3A_606 = arith.constant 80 : i32
          %dma_start3A_607 = arith.constant 0 : i32
          %dma_start3A_608 = tpu.memref_slice %dma_start3A_605[%dma_start3A_606, %dma_start3A_607] : memref<160x32xf32, #tpu.memory_space<vmem>> -> memref<80x32xf32, #tpu.memory_space<vmem>>
          %dma_start3A_609 = arith.constant 0 : i32
          %dma_start3A_610 = arith.constant 0 : i32
          %dma_start3A_611 = arith.constant 0 : i32
          %dma_start3A_612 = tpu.memref_slice %arg7[%scan3A_164, %dma_start3A_609, %dma_start3A_610, %dma_start3A_611] : memref<3x3x2x80xi32, #tpu.memory_space<vmem>> -> memref<1x3x2x80xi32, #tpu.memory_space<vmem>>
          %dma_start3A_613 = tpu.memref_squeeze %dma_start3A_612 : memref<1x3x2x80xi32, #tpu.memory_space<vmem>> -> memref<3x2x80xi32, #tpu.memory_space<vmem>>
          %dma_start3A_614 = arith.constant 0 : i32
          %dma_start3A_615 = arith.constant 0 : i32
          %dma_start3A_616 = tpu.memref_slice %dma_start3A_613[%dma_start3A_600, %dma_start3A_614, %dma_start3A_615] : memref<3x2x80xi32, #tpu.memory_space<vmem>> -> memref<1x2x80xi32, #tpu.memory_space<vmem>>
          %dma_start3A_617 = tpu.memref_squeeze %dma_start3A_616 : memref<1x2x80xi32, #tpu.memory_space<vmem>> -> memref<2x80xi32, #tpu.memory_space<vmem>>
          %dma_start3A_618 = arith.constant 0 : i32
          %dma_start3A_619 = tpu.memref_slice %dma_start3A_617[%dma_start3A_601, %dma_start3A_618] : memref<2x80xi32, #tpu.memory_space<vmem>> -> memref<1x80xi32, #tpu.memory_space<vmem>>
          %dma_start3A_620 = tpu.memref_squeeze %dma_start3A_619 : memref<1x80xi32, #tpu.memory_space<vmem>> -> memref<80xi32, #tpu.memory_space<vmem>>
          %dma_start3A_621 = arith.constant 0 : i32
          %dma_start3A_622 = arith.constant 0 : i32
          %dma_start3A_623 = tpu.memref_slice %arg3[%dma_start3A_621, %dma_start3A_622] : memref<100000x32xf32, #tpu.memory_space<hbm>> -> memref<100000x32xf32, #tpu.memory_space<hbm>>
          tpu.enqueue_indirect_dma source(%dma_start3A_623 : memref<100000x32xf32, #tpu.memory_space<hbm>>) target(%dma_start3A_608 : memref<80x32xf32, #tpu.memory_space<vmem>>) offsets(%dma_start3A_620 : memref<80xi32, #tpu.memory_space<vmem>>) semaphore(%arg16 : memref<!tpu.dma_semaphore, #tpu.memory_space<semaphore_mem>>)
        } else {
        }
        %dma_wait3A_305 = arith.constant 0 : i32
        %dma_wait3A_306 = arith.constant 0 : i32
        %dma_wait3A_307 = arith.constant 0 : i32
        %dma_wait3A_308 = arith.constant 0 : i32
        %dma_wait3A_309 = tpu.memref_slice %arg8[%scan3A, %dma_wait3A_307, %dma_wait3A_308] : memref<3x160x32xf32, #tpu.memory_space<vmem>> -> memref<1x160x32xf32, #tpu.memory_space<vmem>>
        %dma_wait3A_310 = tpu.memref_squeeze %dma_wait3A_309 : memref<1x160x32xf32, #tpu.memory_space<vmem>> -> memref<160x32xf32, #tpu.memory_space<vmem>>
        %dma_wait3A_311 = arith.constant 0 : i32
        %dma_wait3A_312 = arith.constant 0 : i32
        %dma_wait3A_313 = tpu.memref_slice %dma_wait3A_310[%dma_wait3A_311, %dma_wait3A_312] : memref<160x32xf32, #tpu.memory_space<vmem>> -> memref<80x32xf32, #tpu.memory_space<vmem>>
        %dma_wait3A_314 = arith.constant 0 : i32
        %dma_wait3A_315 = arith.constant 0 : i32
        %dma_wait3A_316 = arith.constant 0 : i32
        %dma_wait3A_317 = tpu.memref_slice %arg7[%scan3A_160, %dma_wait3A_314, %dma_wait3A_315, %dma_wait3A_316] : memref<3x3x2x80xi32, #tpu.memory_space<vmem>> -> memref<1x3x2x80xi32, #tpu.memory_space<vmem>>
        %dma_wait3A_318 = tpu.memref_squeeze %dma_wait3A_317 : memref<1x3x2x80xi32, #tpu.memory_space<vmem>> -> memref<3x2x80xi32, #tpu.memory_space<vmem>>
        %dma_wait3A_319 = arith.constant 0 : i32
        %dma_wait3A_320 = arith.constant 0 : i32
        %dma_wait3A_321 = tpu.memref_slice %dma_wait3A_318[%dma_wait3A_305, %dma_wait3A_319, %dma_wait3A_320] : memref<3x2x80xi32, #tpu.memory_space<vmem>> -> memref<1x2x80xi32, #tpu.memory_space<vmem>>
        %dma_wait3A_322 = tpu.memref_squeeze %dma_wait3A_321 : memref<1x2x80xi32, #tpu.memory_space<vmem>> -> memref<2x80xi32, #tpu.memory_space<vmem>>
        %dma_wait3A_323 = arith.constant 0 : i32
        %dma_wait3A_324 = tpu.memref_slice %dma_wait3A_322[%dma_wait3A_306, %dma_wait3A_323] : memref<2x80xi32, #tpu.memory_space<vmem>> -> memref<1x80xi32, #tpu.memory_space<vmem>>
        %dma_wait3A_325 = tpu.memref_squeeze %dma_wait3A_324 : memref<1x80xi32, #tpu.memory_space<vmem>> -> memref<80xi32, #tpu.memory_space<vmem>>
        %dma_wait3A_326 = arith.constant 0 : i32
        %dma_wait3A_327 = arith.constant 0 : i32
        %dma_wait3A_328 = tpu.memref_slice %arg3[%dma_wait3A_326, %dma_wait3A_327] : memref<100000x32xf32, #tpu.memory_space<hbm>> -> memref<100000x32xf32, #tpu.memory_space<hbm>>
        tpu.wait_indirect_dma semaphore(%arg15 : memref<!tpu.dma_semaphore, #tpu.memory_space<semaphore_mem>>) src(%dma_wait3A_328 : memref<100000x32xf32, #tpu.memory_space<hbm>>) dst(%dma_wait3A_313 : memref<80x32xf32, #tpu.memory_space<vmem>>)
        %dma_wait3A_329 = arith.constant 0 : i32
        %dma_wait3A_330 = arith.constant 1 : i32
        %dma_wait3A_331 = arith.constant 0 : i32
        %dma_wait3A_332 = arith.constant 0 : i32
        %dma_wait3A_333 = tpu.memref_slice %arg8[%scan3A, %dma_wait3A_331, %dma_wait3A_332] : memref<3x160x32xf32, #tpu.memory_space<vmem>> -> memref<1x160x32xf32, #tpu.memory_space<vmem>>
        %dma_wait3A_334 = tpu.memref_squeeze %dma_wait3A_333 : memref<1x160x32xf32, #tpu.memory_space<vmem>> -> memref<160x32xf32, #tpu.memory_space<vmem>>
        %dma_wait3A_335 = arith.constant 80 : i32
        %dma_wait3A_336 = arith.constant 0 : i32
        %dma_wait3A_337 = tpu.memref_slice %dma_wait3A_334[%dma_wait3A_335, %dma_wait3A_336] : memref<160x32xf32, #tpu.memory_space<vmem>> -> memref<80x32xf32, #tpu.memory_space<vmem>>
        %dma_wait3A_338 = arith.constant 0 : i32
        %dma_wait3A_339 = arith.constant 0 : i32
        %dma_wait3A_340 = arith.constant 0 : i32
        %dma_wait3A_341 = tpu.memref_slice %arg7[%scan3A_160, %dma_wait3A_338, %dma_wait3A_339, %dma_wait3A_340] : memref<3x3x2x80xi32, #tpu.memory_space<vmem>> -> memref<1x3x2x80xi32, #tpu.memory_space<vmem>>
        %dma_wait3A_342 = tpu.memref_squeeze %dma_wait3A_341 : memref<1x3x2x80xi32, #tpu.memory_space<vmem>> -> memref<3x2x80xi32, #tpu.memory_space<vmem>>
        %dma_wait3A_343 = arith.constant 0 : i32
        %dma_wait3A_344 = arith.constant 0 : i32
        %dma_wait3A_345 = tpu.memref_slice %dma_wait3A_342[%dma_wait3A_329, %dma_wait3A_343, %dma_wait3A_344] : memref<3x2x80xi32, #tpu.memory_space<vmem>> -> memref<1x2x80xi32, #tpu.memory_space<vmem>>
        %dma_wait3A_346 = tpu.memref_squeeze %dma_wait3A_345 : memref<1x2x80xi32, #tpu.memory_space<vmem>> -> memref<2x80xi32, #tpu.memory_space<vmem>>
        %dma_wait3A_347 = arith.constant 0 : i32
        %dma_wait3A_348 = tpu.memref_slice %dma_wait3A_346[%dma_wait3A_330, %dma_wait3A_347] : memref<2x80xi32, #tpu.memory_space<vmem>> -> memref<1x80xi32, #tpu.memory_space<vmem>>
        %dma_wait3A_349 = tpu.memref_squeeze %dma_wait3A_348 : memref<1x80xi32, #tpu.memory_space<vmem>> -> memref<80xi32, #tpu.memory_space<vmem>>
        %dma_wait3A_350 = arith.constant 0 : i32
        %dma_wait3A_351 = arith.constant 0 : i32
        %dma_wait3A_352 = tpu.memref_slice %arg3[%dma_wait3A_350, %dma_wait3A_351] : memref<100000x32xf32, #tpu.memory_space<hbm>> -> memref<100000x32xf32, #tpu.memory_space<hbm>>
        tpu.wait_indirect_dma semaphore(%arg15 : memref<!tpu.dma_semaphore, #tpu.memory_space<semaphore_mem>>) src(%dma_wait3A_352 : memref<100000x32xf32, #tpu.memory_space<hbm>>) dst(%dma_wait3A_337 : memref<80x32xf32, #tpu.memory_space<vmem>>)
        %get3A = arith.constant 1 : i32
        %get3A_353 = arith.constant 1 : i32
        %get3A_354 = arith.constant 0 : i32
        %get3A_355 = arith.index_cast %get3A : i32 to index
        %get3A_356 = arith.index_cast %get3A_353 : i32 to index
        %get3A_357 = arith.index_cast %get3A_354 : i32 to index
        %get3A_358 = arith.constant 0 : index
        %get3A_359 = tpu.vector_load %arg7[%get3A_355, %get3A_356, %get3A_357, %get3A_358] {strides = array<i32>} : memref<3x3x2x80xi32, #tpu.memory_space<vmem>>, vector<16xi32>,
        %swap3A = arith.constant 1 : i32
        %swap3A_360 = arith.constant 0 : i32
        %swap3A_361 = arith.index_cast %swap3A : i32 to index
        %swap3A_362 = arith.index_cast %swap3A_360 : i32 to index
        %swap3A_363 = arith.constant 0 : index
        %swap3A_364 = tpu.vector_load %arg9[%swap3A_361, %swap3A_362, %swap3A_363] {strides = array<i32>} : memref<3x2x80xi32, #tpu.memory_space<vmem>>, vector<16xi32>,
        tpu.vector_store %arg9[%swap3A_361, %swap3A_362, %swap3A_363], %get3A_359 {strides = array<i32>} : memref<3x2x80xi32, #tpu.memory_space<vmem>>, vector<16xi32>,
        %get3A_365 = arith.constant 1 : i32
        %get3A_366 = arith.constant 1 : i32
        %get3A_367 = arith.constant 0 : i32
        %get3A_368 = arith.index_cast %get3A_365 : i32 to index
        %get3A_369 = arith.index_cast %get3A_366 : i32 to index
        %get3A_370 = arith.index_cast %get3A_367 : i32 to index
        %get3A_371 = arith.constant 16 : index
        %get3A_372 = tpu.vector_load %arg7[%get3A_368, %get3A_369, %get3A_370, %get3A_371] {strides = array<i32>} : memref<3x3x2x80xi32, #tpu.memory_space<vmem>>, vector<16xi32>,
        %swap3A_373 = arith.constant 1 : i32
        %swap3A_374 = arith.constant 0 : i32
        %swap3A_375 = arith.index_cast %swap3A_373 : i32 to index
        %swap3A_376 = arith.index_cast %swap3A_374 : i32 to index
        %swap3A_377 = arith.constant 16 : index
        %swap3A_378 = tpu.vector_load %arg9[%swap3A_375, %swap3A_376, %swap3A_377] {strides = array<i32>} : memref<3x2x80xi32, #tpu.memory_space<vmem>>, vector<16xi32>,
        tpu.vector_store %arg9[%swap3A_375, %swap3A_376, %swap3A_377], %get3A_372 {strides = array<i32>} : memref<3x2x80xi32, #tpu.memory_space<vmem>>, vector<16xi32>,
        %get3A_379 = arith.constant 1 : i32
        %get3A_380 = arith.constant 1 : i32
        %get3A_381 = arith.constant 0 : i32
        %get3A_382 = arith.index_cast %get3A_379 : i32 to index
        %get3A_383 = arith.index_cast %get3A_380 : i32 to index
        %get3A_384 = arith.index_cast %get3A_381 : i32 to index
        %get3A_385 = arith.constant 32 : index
        %get3A_386 = tpu.vector_load %arg7[%get3A_382, %get3A_383, %get3A_384, %get3A_385] {strides = array<i32>} : memref<3x3x2x80xi32, #tpu.memory_space<vmem>>, vector<16xi32>,
        %swap3A_387 = arith.constant 1 : i32
        %swap3A_388 = arith.constant 0 : i32
        %swap3A_389 = arith.index_cast %swap3A_387 : i32 to index
        %swap3A_390 = arith.index_cast %swap3A_388 : i32 to index
        %swap3A_391 = arith.constant 32 : index
        %swap3A_392 = tpu.vector_load %arg9[%swap3A_389, %swap3A_390, %swap3A_391] {strides = array<i32>} : memref<3x2x80xi32, #tpu.memory_space<vmem>>, vector<16xi32>,
        tpu.vector_store %arg9[%swap3A_389, %swap3A_390, %swap3A_391], %get3A_386 {strides = array<i32>} : memref<3x2x80xi32, #tpu.memory_space<vmem>>, vector<16xi32>,
        %get3A_393 = arith.constant 1 : i32
        %get3A_394 = arith.constant 1 : i32
        %get3A_395 = arith.constant 0 : i32
        %get3A_396 = arith.index_cast %get3A_393 : i32 to index
        %get3A_397 = arith.index_cast %get3A_394 : i32 to index
        %get3A_398 = arith.index_cast %get3A_395 : i32 to index
        %get3A_399 = arith.constant 48 : index
        %get3A_400 = tpu.vector_load %arg7[%get3A_396, %get3A_397, %get3A_398, %get3A_399] {strides = array<i32>} : memref<3x3x2x80xi32, #tpu.memory_space<vmem>>, vector<16xi32>,
        %swap3A_401 = arith.constant 1 : i32
        %swap3A_402 = arith.constant 0 : i32
        %swap3A_403 = arith.index_cast %swap3A_401 : i32 to index
        %swap3A_404 = arith.index_cast %swap3A_402 : i32 to index
        %swap3A_405 = arith.constant 48 : index
        %swap3A_406 = tpu.vector_load %arg9[%swap3A_403, %swap3A_404, %swap3A_405] {strides = array<i32>} : memref<3x2x80xi32, #tpu.memory_space<vmem>>, vector<16xi32>,
        tpu.vector_store %arg9[%swap3A_403, %swap3A_404, %swap3A_405], %get3A_400 {strides = array<i32>} : memref<3x2x80xi32, #tpu.memory_space<vmem>>, vector<16xi32>,
        %get3A_407 = arith.constant 1 : i32
        %get3A_408 = arith.constant 1 : i32
        %get3A_409 = arith.constant 0 : i32
        %get3A_410 = arith.index_cast %get3A_407 : i32 to index
        %get3A_411 = arith.index_cast %get3A_408 : i32 to index
        %get3A_412 = arith.index_cast %get3A_409 : i32 to index
        %get3A_413 = arith.constant 64 : index
        %get3A_414 = tpu.vector_load %arg7[%get3A_410, %get3A_411, %get3A_412, %get3A_413] {strides = array<i32>} : memref<3x3x2x80xi32, #tpu.memory_space<vmem>>, vector<16xi32>,
        %swap3A_415 = arith.constant 1 : i32
        %swap3A_416 = arith.constant 0 : i32
        %swap3A_417 = arith.index_cast %swap3A_415 : i32 to index
        %swap3A_418 = arith.index_cast %swap3A_416 : i32 to index
        %swap3A_419 = arith.constant 64 : index
        %swap3A_420 = tpu.vector_load %arg9[%swap3A_417, %swap3A_418, %swap3A_419] {strides = array<i32>} : memref<3x2x80xi32, #tpu.memory_space<vmem>>, vector<16xi32>,
        tpu.vector_store %arg9[%swap3A_417, %swap3A_418, %swap3A_419], %get3A_414 {strides = array<i32>} : memref<3x2x80xi32, #tpu.memory_space<vmem>>, vector<16xi32>,
        %get3A_421 = arith.constant 1 : i32
        %get3A_422 = arith.constant 1 : i32
        %get3A_423 = arith.constant 1 : i32
        %get3A_424 = arith.index_cast %get3A_421 : i32 to index
        %get3A_425 = arith.index_cast %get3A_422 : i32 to index
        %get3A_426 = arith.index_cast %get3A_423 : i32 to index
        %get3A_427 = arith.constant 0 : index
        %get3A_428 = tpu.vector_load %arg7[%get3A_424, %get3A_425, %get3A_426, %get3A_427] {strides = array<i32>} : memref<3x3x2x80xi32, #tpu.memory_space<vmem>>, vector<16xi32>,
        %swap3A_429 = arith.constant 1 : i32
        %swap3A_430 = arith.constant 1 : i32
        %swap3A_431 = arith.index_cast %swap3A_429 : i32 to index
        %swap3A_432 = arith.index_cast %swap3A_430 : i32 to index
        %swap3A_433 = arith.constant 0 : index
        %swap3A_434 = tpu.vector_load %arg9[%swap3A_431, %swap3A_432, %swap3A_433] {strides = array<i32>} : memref<3x2x80xi32, #tpu.memory_space<vmem>>, vector<16xi32>,
        tpu.vector_store %arg9[%swap3A_431, %swap3A_432, %swap3A_433], %get3A_428 {strides = array<i32>} : memref<3x2x80xi32, #tpu.memory_space<vmem>>, vector<16xi32>,
        %get3A_435 = arith.constant 1 : i32
        %get3A_436 = arith.constant 1 : i32
        %get3A_437 = arith.constant 1 : i32
        %get3A_438 = arith.index_cast %get3A_435 : i32 to index
        %get3A_439 = arith.index_cast %get3A_436 : i32 to index
        %get3A_440 = arith.index_cast %get3A_437 : i32 to index
        %get3A_441 = arith.constant 16 : index
        %get3A_442 = tpu.vector_load %arg7[%get3A_438, %get3A_439, %get3A_440, %get3A_441] {strides = array<i32>} : memref<3x3x2x80xi32, #tpu.memory_space<vmem>>, vector<16xi32>,
        %swap3A_443 = arith.constant 1 : i32
        %swap3A_444 = arith.constant 1 : i32
        %swap3A_445 = arith.index_cast %swap3A_443 : i32 to index
        %swap3A_446 = arith.index_cast %swap3A_444 : i32 to index
        %swap3A_447 = arith.constant 16 : index
        %swap3A_448 = tpu.vector_load %arg9[%swap3A_445, %swap3A_446, %swap3A_447] {strides = array<i32>} : memref<3x2x80xi32, #tpu.memory_space<vmem>>, vector<16xi32>,
        tpu.vector_store %arg9[%swap3A_445, %swap3A_446, %swap3A_447], %get3A_442 {strides = array<i32>} : memref<3x2x80xi32, #tpu.memory_space<vmem>>, vector<16xi32>,
        %get3A_449 = arith.constant 1 : i32
        %get3A_450 = arith.constant 1 : i32
        %get3A_451 = arith.constant 1 : i32
        %get3A_452 = arith.index_cast %get3A_449 : i32 to index
        %get3A_453 = arith.index_cast %get3A_450 : i32 to index
        %get3A_454 = arith.index_cast %get3A_451 : i32 to index
        %get3A_455 = arith.constant 32 : index
        %get3A_456 = tpu.vector_load %arg7[%get3A_452, %get3A_453, %get3A_454, %get3A_455] {strides = array<i32>} : memref<3x3x2x80xi32, #tpu.memory_space<vmem>>, vector<16xi32>,
        %swap3A_457 = arith.constant 1 : i32
        %swap3A_458 = arith.constant 1 : i32
        %swap3A_459 = arith.index_cast %swap3A_457 : i32 to index
        %swap3A_460 = arith.index_cast %swap3A_458 : i32 to index
        %swap3A_461 = arith.constant 32 : index
        %swap3A_462 = tpu.vector_load %arg9[%swap3A_459, %swap3A_460, %swap3A_461] {strides = array<i32>} : memref<3x2x80xi32, #tpu.memory_space<vmem>>, vector<16xi32>,
        tpu.vector_store %arg9[%swap3A_459, %swap3A_460, %swap3A_461], %get3A_456 {strides = array<i32>} : memref<3x2x80xi32, #tpu.memory_space<vmem>>, vector<16xi32>,
        %get3A_463 = arith.constant 1 : i32
        %get3A_464 = arith.constant 1 : i32
        %get3A_465 = arith.constant 1 : i32
        %get3A_466 = arith.index_cast %get3A_463 : i32 to index
        %get3A_467 = arith.index_cast %get3A_464 : i32 to index
        %get3A_468 = arith.index_cast %get3A_465 : i32 to index
        %get3A_469 = arith.constant 48 : index
        %get3A_470 = tpu.vector_load %arg7[%get3A_466, %get3A_467, %get3A_468, %get3A_469] {strides = array<i32>} : memref<3x3x2x80xi32, #tpu.memory_space<vmem>>, vector<16xi32>,
        %swap3A_471 = arith.constant 1 : i32
        %swap3A_472 = arith.constant 1 : i32
        %swap3A_473 = arith.index_cast %swap3A_471 : i32 to index
        %swap3A_474 = arith.index_cast %swap3A_472 : i32 to index
        %swap3A_475 = arith.constant 48 : index
        %swap3A_476 = tpu.vector_load %arg9[%swap3A_473, %swap3A_474, %swap3A_475] {strides = array<i32>} : memref<3x2x80xi32, #tpu.memory_space<vmem>>, vector<16xi32>,
        tpu.vector_store %arg9[%swap3A_473, %swap3A_474, %swap3A_475], %get3A_470 {strides = array<i32>} : memref<3x2x80xi32, #tpu.memory_space<vmem>>, vector<16xi32>,
        %get3A_477 = arith.constant 1 : i32
        %get3A_478 = arith.constant 1 : i32
        %get3A_479 = arith.constant 1 : i32
        %get3A_480 = arith.index_cast %get3A_477 : i32 to index
        %get3A_481 = arith.index_cast %get3A_478 : i32 to index
        %get3A_482 = arith.index_cast %get3A_479 : i32 to index
        %get3A_483 = arith.constant 64 : index
        %get3A_484 = tpu.vector_load %arg7[%get3A_480, %get3A_481, %get3A_482, %get3A_483] {strides = array<i32>} : memref<3x3x2x80xi32, #tpu.memory_space<vmem>>, vector<16xi32>,
        %swap3A_485 = arith.constant 1 : i32
        %swap3A_486 = arith.constant 1 : i32
        %swap3A_487 = arith.index_cast %swap3A_485 : i32 to index
        %swap3A_488 = arith.index_cast %swap3A_486 : i32 to index
        %swap3A_489 = arith.constant 64 : index
        %swap3A_490 = tpu.vector_load %arg9[%swap3A_487, %swap3A_488, %swap3A_489] {strides = array<i32>} : memref<3x2x80xi32, #tpu.memory_space<vmem>>, vector<16xi32>,
        tpu.vector_store %arg9[%swap3A_487, %swap3A_488, %swap3A_489], %get3A_484 {strides = array<i32>} : memref<3x2x80xi32, #tpu.memory_space<vmem>>, vector<16xi32>,
        %scan3A_491 = arith.constant 0 : i32
        %scan3A_492 = arith.constant 0 : i32
        %scan3A_493 = arith.constant 160 : i32
        %scan3A_494 = arith.addi %scan3A_492, %scan3A_493 : i32
        %scan3A_495 = arith.constant 1 : i32
        %scan3A_496 = scf.for %scan3A_541 = %scan3A_492 to %scan3A_494 step %scan3A_495 iter_args(%scan3A_542 = %scan3A_491) -> (i32)  : i32 {
          %jit3A = arith.constant 80 : i32
          %div3A = arith.divsi %scan3A_541, %jit3A : i32
          %sign3A = arith.constant 0 : i32
          %sign3A_543 = arith.cmpi sgt, %scan3A_541, %sign3A : i32
          %sign3A_544 = arith.extui %sign3A_543 : i1 to i32
          %sign3A_545 = arith.constant 0 : i32
          %sign3A_546 = arith.cmpi slt, %scan3A_541, %sign3A_545 : i32
          %sign3A_547 = arith.extui %sign3A_546 : i1 to i32
          %sign3A_548 = arith.subi %sign3A_544, %sign3A_547 : i32
          %sign3A_549 = arith.constant 0 : i32
          %sign3A_550 = arith.cmpi sgt, %jit3A, %sign3A_549 : i32
          %sign3A_551 = arith.extui %sign3A_550 : i1 to i32
          %sign3A_552 = arith.constant 0 : i32
          %sign3A_553 = arith.cmpi slt, %jit3A, %sign3A_552 : i32
          %sign3A_554 = arith.extui %sign3A_553 : i1 to i32
          %sign3A_555 = arith.subi %sign3A_551, %sign3A_554 : i32
          %ne3A = arith.cmpi ne, %sign3A_548, %sign3A_555 : i32
          %rem3A_556 = arith.remsi %scan3A_541, %jit3A : i32
          %ne3A_557 = arith.constant 0 : i32
          %ne3A_558 = arith.cmpi ne, %rem3A_556, %ne3A_557 : i32
          %and3A = arith.andi %ne3A, %ne3A_558 : i1
          %sub3A = arith.constant 1 : i32
          %sub3A_559 = arith.subi %div3A, %sub3A : i32
          %select_n3A = arith.select %and3A, %sub3A_559, %div3A : i32
          %mul3A_560 = arith.constant 80 : i32
          %mul3A_561 = arith.muli %select_n3A, %mul3A_560 : i32
          %sub3A_562 = arith.subi %scan3A_541, %mul3A_561 : i32
          %broadcast_in_dim3A = arith.constant 2 : i32
          %broadcast_in_dim3A_563 = vector.broadcast %broadcast_in_dim3A : i32 to vector<16xi32>
          %broadcast_in_dim3A_564 = vector.broadcast %select_n3A : i32 to vector<16xi32>
          %broadcast_in_dim3A_565 = vector.broadcast %sub3A_562 : i32 to vector<16xi32>
          %gather3A = arith.constant 0 : i32
          %gather3A_566 = arith.constant 0 : i32
          %gather3A_567 = arith.constant 0 : i32
          %gather3A_568 = tpu.memref_slice %arg7[%scan3A_160, %gather3A, %gather3A_566, %gather3A_567] : memref<3x3x2x80xi32, #tpu.memory_space<vmem>> -> memref<1x3x2x80xi32, #tpu.memory_space<vmem>>
          %gather3A_569 = tpu.memref_squeeze %gather3A_568 : memref<1x3x2x80xi32, #tpu.memory_space<vmem>> -> memref<3x2x80xi32, #tpu.memory_space<vmem>>
          %gather3A_570 = tpu.vector_load_idx %gather3A_569[%broadcast_in_dim3A_563, %broadcast_in_dim3A_564, %broadcast_in_dim3A_565] : memref<3x2x80xi32, #tpu.memory_space<vmem>>[vector<16xi32>, vector<16xi32>, vector<16xi32>], vector<16xi32>,
          %bitcast3A = vector.bitcast %gather3A_570 : vector<16xi32> to vector<16xf32>
          %get3A_571 = arith.constant 1 : i32
          %get3A_572 = arith.index_cast %get3A_571 : i32 to index
          %get3A_573 = arith.index_cast %scan3A_541 : i32 to index
          %get3A_574 = arith.constant 0 : index
          %get3A_575 = tpu.vector_load %arg8[%get3A_572, %get3A_573, %get3A_574] {strides = array<i32>} : memref<3x160x32xf32, #tpu.memory_space<vmem>>, vector<16xf32>,
          %mul3A_576 = arith.mulf %get3A_575, %bitcast3A : vector<16xf32>
          %swap3A_577 = arith.constant 1 : i32
          %swap3A_578 = arith.index_cast %swap3A_577 : i32 to index
          %swap3A_579 = arith.index_cast %scan3A_541 : i32 to index
          %swap3A_580 = arith.constant 0 : index
          %swap3A_581 = tpu.vector_load %arg8[%swap3A_578, %swap3A_579, %swap3A_580] {strides = array<i32>} : memref<3x160x32xf32, #tpu.memory_space<vmem>>, vector<16xf32>,
          tpu.vector_store %arg8[%swap3A_578, %swap3A_579, %swap3A_580], %mul3A_576 {strides = array<i32>} : memref<3x160x32xf32, #tpu.memory_space<vmem>>, vector<16xf32>,
          %get3A_582 = arith.constant 1 : i32
          %get3A_583 = arith.index_cast %get3A_582 : i32 to index
          %get3A_584 = arith.index_cast %scan3A_541 : i32 to index
          %get3A_585 = arith.constant 16 : index
          %get3A_586 = tpu.vector_load %arg8[%get3A_583, %get3A_584, %get3A_585] {strides = array<i32>} : memref<3x160x32xf32, #tpu.memory_space<vmem>>, vector<16xf32>,
          %mul3A_587 = arith.mulf %get3A_586, %bitcast3A : vector<16xf32>
          %swap3A_588 = arith.constant 1 : i32
          %swap3A_589 = arith.index_cast %swap3A_588 : i32 to index
          %swap3A_590 = arith.index_cast %scan3A_541 : i32 to index
          %swap3A_591 = arith.constant 16 : index
          %swap3A_592 = tpu.vector_load %arg8[%swap3A_589, %swap3A_590, %swap3A_591] {strides = array<i32>} : memref<3x160x32xf32, #tpu.memory_space<vmem>>, vector<16xf32>,
          tpu.vector_store %arg8[%swap3A_589, %swap3A_590, %swap3A_591], %mul3A_587 {strides = array<i32>} : memref<3x160x32xf32, #tpu.memory_space<vmem>>, vector<16xf32>,
          %scan3A_593 = arith.constant 0 : i32
          scf.yield %scan3A_593 : i32
        }
        %scan3A_497 = arith.constant 160 : i32
        %dma_start3A_498 = arith.constant 0 : i32
        %dma_start3A_499 = arith.constant 0 : i32
        %dma_start3A_500 = arith.constant 0 : i32
        %dma_start3A_501 = tpu.memref_slice %arg8[%scan3A, %dma_start3A_499, %dma_start3A_500] : memref<3x160x32xf32, #tpu.memory_space<vmem>> -> memref<1x160x32xf32, #tpu.memory_space<vmem>>
        %dma_start3A_502 = tpu.memref_squeeze %dma_start3A_501 : memref<1x160x32xf32, #tpu.memory_space<vmem>> -> memref<160x32xf32, #tpu.memory_space<vmem>>
        %dma_start3A_503 = arith.constant 0 : i32
        %dma_start3A_504 = arith.constant 0 : i32
        %dma_start3A_505 = tpu.memref_slice %dma_start3A_502[%dma_start3A_503, %dma_start3A_504] : memref<160x32xf32, #tpu.memory_space<vmem>> -> memref<80x32xf32, #tpu.memory_space<vmem>>
        %dma_start3A_506 = arith.constant 0 : i32
        %dma_start3A_507 = arith.constant 0 : i32
        %dma_start3A_508 = tpu.memref_slice %arg9[%scan3A_159, %dma_start3A_506, %dma_start3A_507] : memref<3x2x80xi32, #tpu.memory_space<vmem>> -> memref<1x2x80xi32, #tpu.memory_space<vmem>>
        %dma_start3A_509 = tpu.memref_squeeze %dma_start3A_508 : memref<1x2x80xi32, #tpu.memory_space<vmem>> -> memref<2x80xi32, #tpu.memory_space<vmem>>
        %dma_start3A_510 = arith.constant 0 : i32
        %dma_start3A_511 = tpu.memref_slice %dma_start3A_509[%dma_start3A_498, %dma_start3A_510] : memref<2x80xi32, #tpu.memory_space<vmem>> -> memref<1x80xi32, #tpu.memory_space<vmem>>
        %dma_start3A_512 = tpu.memref_squeeze %dma_start3A_511 : memref<1x80xi32, #tpu.memory_space<vmem>> -> memref<80xi32, #tpu.memory_space<vmem>>
        %dma_start3A_513 = arith.constant 0 : i32
        %dma_start3A_514 = arith.constant 0 : i32
        %dma_start3A_515 = tpu.memref_slice %arg13[%dma_start3A_513, %dma_start3A_514] : memref<50048x32xf32, #tpu.memory_space<vmem_shared>> -> memref<50048x32xf32, #tpu.memory_space<vmem_shared>>
        tpu.enqueue_indirect_dma source(%dma_start3A_505 : memref<80x32xf32, #tpu.memory_space<vmem>>) target(%dma_start3A_515 : memref<50048x32xf32, #tpu.memory_space<vmem_shared>>) offsets(%dma_start3A_512 : memref<80xi32, #tpu.memory_space<vmem>>) semaphore(%arg18 : memref<!tpu.dma_semaphore, #tpu.memory_space<semaphore_mem>>) {add = true}
        %dma_start3A_516 = arith.constant 1 : i32
        %dma_start3A_517 = arith.constant 0 : i32
        %dma_start3A_518 = arith.constant 0 : i32
        %dma_start3A_519 = tpu.memref_slice %arg8[%scan3A, %dma_start3A_517, %dma_start3A_518] : memref<3x160x32xf32, #tpu.memory_space<vmem>> -> memref<1x160x32xf32, #tpu.memory_space<vmem>>
        %dma_start3A_520 = tpu.memref_squeeze %dma_start3A_519 : memref<1x160x32xf32, #tpu.memory_space<vmem>> -> memref<160x32xf32, #tpu.memory_space<vmem>>
        %dma_start3A_521 = arith.constant 80 : i32
        %dma_start3A_522 = arith.constant 0 : i32
        %dma_start3A_523 = tpu.memref_slice %dma_start3A_520[%dma_start3A_521, %dma_start3A_522] : memref<160x32xf32, #tpu.memory_space<vmem>> -> memref<80x32xf32, #tpu.memory_space<vmem>>
        %dma_start3A_524 = arith.constant 0 : i32
        %dma_start3A_525 = arith.constant 0 : i32
        %dma_start3A_526 = tpu.memref_slice %arg9[%scan3A_159, %dma_start3A_524, %dma_start3A_525] : memref<3x2x80xi32, #tpu.memory_space<vmem>> -> memref<1x2x80xi32, #tpu.memory_space<vmem>>
        %dma_start3A_527 = tpu.memref_squeeze %dma_start3A_526 : memref<1x2x80xi32, #tpu.memory_space<vmem>> -> memref<2x80xi32, #tpu.memory_space<vmem>>
        %dma_start3A_528 = arith.constant 0 : i32
        %dma_start3A_529 = tpu.memref_slice %dma_start3A_527[%dma_start3A_516, %dma_start3A_528] : memref<2x80xi32, #tpu.memory_space<vmem>> -> memref<1x80xi32, #tpu.memory_space<vmem>>
        %dma_start3A_530 = tpu.memref_squeeze %dma_start3A_529 : memref<1x80xi32, #tpu.memory_space<vmem>> -> memref<80xi32, #tpu.memory_space<vmem>>
        %dma_start3A_531 = arith.constant 0 : i32
        %dma_start3A_532 = arith.constant 0 : i32
        %dma_start3A_533 = tpu.memref_slice %arg13[%dma_start3A_531, %dma_start3A_532] : memref<50048x32xf32, #tpu.memory_space<vmem_shared>> -> memref<50048x32xf32, #tpu.memory_space<vmem_shared>>
        tpu.enqueue_indirect_dma source(%dma_start3A_523 : memref<80x32xf32, #tpu.memory_space<vmem>>) target(%dma_start3A_533 : memref<50048x32xf32, #tpu.memory_space<vmem_shared>>) offsets(%dma_start3A_530 : memref<80xi32, #tpu.memory_space<vmem>>) semaphore(%arg18 : memref<!tpu.dma_semaphore, #tpu.memory_space<semaphore_mem>>) {add = true}
        %add3A_534 = arith.constant 2 : i32
        %add3A_535 = arith.addi %scan3A_275, %add3A_534 : i32
        %lt3A_536 = arith.constant 625 : i32
        %lt3A_537 = arith.cmpi slt, %add3A_535, %lt3A_536 : i32
        %convert_element_type3A_538 = arith.extui %lt3A_537 : i1 to i32
        %cond3A_539 = arith.constant 0 : i32
        %cond3A_540 = arith.cmpi ne, %convert_element_type3A_538, %cond3A_539 : i32
        scf.if %cond3A_540 {
          %add3A_541 = arith.constant 2 : i32
          %add3A_542 = arith.addi %scan3A_275, %add3A_541 : i32
          %add3A_543 = arith.addi %mul3A_4, %add3A_542 : i32
          %dma_start3A_544 = arith.constant 0 : i32
          %dma_start3A_545 = arith.constant 0 : i32
          %dma_start3A_546 = arith.constant 0 : i32
          %dma_start3A_547 = tpu.memref_slice %arg7[%scan3A_161, %dma_start3A_544, %dma_start3A_545, %dma_start3A_546] : memref<3x3x2x80xi32, #tpu.memory_space<vmem>> -> memref<1x3x2x80xi32, #tpu.memory_space<vmem>>
          %dma_start3A_548 = tpu.memref_squeeze %dma_start3A_547 : memref<1x3x2x80xi32, #tpu.memory_space<vmem>> -> memref<3x2x80xi32, #tpu.memory_space<vmem>>
          %dma_start3A_549 = arith.constant 0 : i32
          %dma_start3A_550 = arith.constant 0 : i32
          %dma_start3A_551 = arith.constant 0 : i32
          %dma_start3A_552 = arith.constant 0 : i32
          %dma_start3A_553 = tpu.memref_slice %arg2[%arg0, %dma_start3A_549, %dma_start3A_550, %dma_start3A_551, %dma_start3A_552] : memref<2x10000x3x2x80xi32, #tpu.memory_space<hbm>> -> memref<1x10000x3x2x80xi32, #tpu.memory_space<hbm>>
          %dma_start3A_554 = tpu.memref_squeeze %dma_start3A_553 : memref<1x10000x3x2x80xi32, #tpu.memory_space<hbm>> -> memref<10000x3x2x80xi32, #tpu.memory_space<hbm>>
          %dma_start3A_555 = arith.constant 0 : i32
          %dma_start3A_556 = arith.constant 0 : i32
          %dma_start3A_557 = arith.constant 0 : i32
          %dma_start3A_558 = tpu.memref_slice %dma_start3A_554[%add3A_543, %dma_start3A_555, %dma_start3A_556, %dma_start3A_557] : memref<10000x3x2x80xi32, #tpu.memory_space<hbm>> -> memref<1x3x2x80xi32, #tpu.memory_space<hbm>>
          %dma_start3A_559 = tpu.memref_squeeze %dma_start3A_558 : memref<1x3x2x80xi32, #tpu.memory_space<hbm>> -> memref<3x2x80xi32, #tpu.memory_space<hbm>>
          %dma_start3A_560 = arith.constant 0 : i32
          %dma_start3A_561 = arith.constant 0 : i32
          %dma_start3A_562 = arith.constant 0 : i32
          %dma_start3A_563 = tpu.memref_slice %arg7[%scan3A_161, %dma_start3A_560, %dma_start3A_561, %dma_start3A_562] : memref<3x3x2x80xi32, #tpu.memory_space<vmem>> -> memref<1x3x2x80xi32, #tpu.memory_space<vmem>>
          %dma_start3A_564 = tpu.memref_squeeze %dma_start3A_563 : memref<1x3x2x80xi32, #tpu.memory_space<vmem>> -> memref<3x2x80xi32, #tpu.memory_space<vmem>>
          %dma_start3A_565 = arith.constant 0 : i32
          %dma_start3A_566 = arith.constant 0 : i32
          %dma_start3A_567 = arith.constant 0 : i32
          %dma_start3A_568 = arith.constant 0 : i32
          %dma_start3A_569 = tpu.memref_slice %arg2[%arg0, %dma_start3A_565, %dma_start3A_566, %dma_start3A_567, %dma_start3A_568] : memref<2x10000x3x2x80xi32, #tpu.memory_space<hbm>> -> memref<1x10000x3x2x80xi32, #tpu.memory_space<hbm>>
          %dma_start3A_570 = tpu.memref_squeeze %dma_start3A_569 : memref<1x10000x3x2x80xi32, #tpu.memory_space<hbm>> -> memref<10000x3x2x80xi32, #tpu.memory_space<hbm>>
          %dma_start3A_571 = arith.constant 0 : i32
          %dma_start3A_572 = arith.constant 0 : i32
          %dma_start3A_573 = arith.constant 0 : i32
          %dma_start3A_574 = tpu.memref_slice %dma_start3A_570[%add3A_543, %dma_start3A_571, %dma_start3A_572, %dma_start3A_573] : memref<10000x3x2x80xi32, #tpu.memory_space<hbm>> -> memref<1x3x2x80xi32, #tpu.memory_space<hbm>>
          %dma_start3A_575 = tpu.memref_squeeze %dma_start3A_574 : memref<1x3x2x80xi32, #tpu.memory_space<hbm>> -> memref<3x2x80xi32, #tpu.memory_space<hbm>>
          tpu.enqueue_dma source(%dma_start3A_575 : memref<3x2x80xi32, #tpu.memory_space<hbm>>) target(%dma_start3A_564 : memref<3x2x80xi32, #tpu.memory_space<vmem>>) target_semaphore(%arg20 : memref<!tpu.dma_semaphore, #tpu.memory_space<semaphore_mem>>)
        } else {
        }
      } else {
      }
      %rem3A_287 = arith.constant 3 : i32
      %rem3A_288 = arith.remsi %scan3A_275, %rem3A_287 : i32
      %eq3A_289 = arith.constant 2 : i32
      %eq3A_290 = arith.cmpi eq, %rem3A_288, %eq3A_289 : i32
      %convert_element_type3A_291 = arith.extui %eq3A_290 : i1 to i32
      %cond3A_292 = arith.constant 0 : i32
      %cond3A_293 = arith.cmpi ne, %convert_element_type3A_291, %cond3A_292 : i32
      scf.if %cond3A_293 {
        %ge3A = arith.constant 2 : i32
        %ge3A_295 = arith.cmpi sge, %scan3A_275, %ge3A : i32
        %convert_element_type3A_296 = arith.extui %ge3A_295 : i1 to i32
        %cond3A_297 = arith.constant 0 : i32
        %cond3A_298 = arith.cmpi ne, %convert_element_type3A_296, %cond3A_297 : i32
        scf.if %cond3A_298 {
          %dma_wait3A_541 = arith.constant 0 : i32
          %dma_wait3A_542 = arith.constant 0 : i32
          %dma_wait3A_543 = arith.constant 0 : i32
          %dma_wait3A_544 = tpu.memref_slice %arg8[%scan3A_162, %dma_wait3A_542, %dma_wait3A_543] : memref<3x160x32xf32, #tpu.memory_space<vmem>> -> memref<1x160x32xf32, #tpu.memory_space<vmem>>
          %dma_wait3A_545 = tpu.memref_squeeze %dma_wait3A_544 : memref<1x160x32xf32, #tpu.memory_space<vmem>> -> memref<160x32xf32, #tpu.memory_space<vmem>>
          %dma_wait3A_546 = arith.constant 0 : i32
          %dma_wait3A_547 = arith.constant 0 : i32
          %dma_wait3A_548 = tpu.memref_slice %dma_wait3A_545[%dma_wait3A_546, %dma_wait3A_547] : memref<160x32xf32, #tpu.memory_space<vmem>> -> memref<80x32xf32, #tpu.memory_space<vmem>>
          %dma_wait3A_549 = arith.constant 0 : i32
          %dma_wait3A_550 = arith.constant 0 : i32
          %dma_wait3A_551 = tpu.memref_slice %arg9[%scan3A_163, %dma_wait3A_549, %dma_wait3A_550] : memref<3x2x80xi32, #tpu.memory_space<vmem>> -> memref<1x2x80xi32, #tpu.memory_space<vmem>>
          %dma_wait3A_552 = tpu.memref_squeeze %dma_wait3A_551 : memref<1x2x80xi32, #tpu.memory_space<vmem>> -> memref<2x80xi32, #tpu.memory_space<vmem>>
          %dma_wait3A_553 = arith.constant 0 : i32
          %dma_wait3A_554 = tpu.memref_slice %dma_wait3A_552[%dma_wait3A_541, %dma_wait3A_553] : memref<2x80xi32, #tpu.memory_space<vmem>> -> memref<1x80xi32, #tpu.memory_space<vmem>>
          %dma_wait3A_555 = tpu.memref_squeeze %dma_wait3A_554 : memref<1x80xi32, #tpu.memory_space<vmem>> -> memref<80xi32, #tpu.memory_space<vmem>>
          %dma_wait3A_556 = arith.constant 0 : i32
          %dma_wait3A_557 = arith.constant 0 : i32
          %dma_wait3A_558 = tpu.memref_slice %arg13[%dma_wait3A_556, %dma_wait3A_557] : memref<50048x32xf32, #tpu.memory_space<vmem_shared>> -> memref<50048x32xf32, #tpu.memory_space<vmem_shared>>
          tpu.wait_indirect_dma semaphore(%arg17 : memref<!tpu.dma_semaphore, #tpu.memory_space<semaphore_mem>>) src(%dma_wait3A_548 : memref<80x32xf32, #tpu.memory_space<vmem>>) dst(%dma_wait3A_558 : memref<50048x32xf32, #tpu.memory_space<vmem_shared>>)
          %dma_wait3A_559 = arith.constant 1 : i32
          %dma_wait3A_560 = arith.constant 0 : i32
          %dma_wait3A_561 = arith.constant 0 : i32
          %dma_wait3A_562 = tpu.memref_slice %arg8[%scan3A_162, %dma_wait3A_560, %dma_wait3A_561] : memref<3x160x32xf32, #tpu.memory_space<vmem>> -> memref<1x160x32xf32, #tpu.memory_space<vmem>>
          %dma_wait3A_563 = tpu.memref_squeeze %dma_wait3A_562 : memref<1x160x32xf32, #tpu.memory_space<vmem>> -> memref<160x32xf32, #tpu.memory_space<vmem>>
          %dma_wait3A_564 = arith.constant 80 : i32
          %dma_wait3A_565 = arith.constant 0 : i32
          %dma_wait3A_566 = tpu.memref_slice %dma_wait3A_563[%dma_wait3A_564, %dma_wait3A_565] : memref<160x32xf32, #tpu.memory_space<vmem>> -> memref<80x32xf32, #tpu.memory_space<vmem>>
          %dma_wait3A_567 = arith.constant 0 : i32
          %dma_wait3A_568 = arith.constant 0 : i32
          %dma_wait3A_569 = tpu.memref_slice %arg9[%scan3A_163, %dma_wait3A_567, %dma_wait3A_568] : memref<3x2x80xi32, #tpu.memory_space<vmem>> -> memref<1x2x80xi32, #tpu.memory_space<vmem>>
          %dma_wait3A_570 = tpu.memref_squeeze %dma_wait3A_569 : memref<1x2x80xi32, #tpu.memory_space<vmem>> -> memref<2x80xi32, #tpu.memory_space<vmem>>
          %dma_wait3A_571 = arith.constant 0 : i32
          %dma_wait3A_572 = tpu.memref_slice %dma_wait3A_570[%dma_wait3A_559, %dma_wait3A_571] : memref<2x80xi32, #tpu.memory_space<vmem>> -> memref<1x80xi32, #tpu.memory_space<vmem>>
          %dma_wait3A_573 = tpu.memref_squeeze %dma_wait3A_572 : memref<1x80xi32, #tpu.memory_space<vmem>> -> memref<80xi32, #tpu.memory_space<vmem>>
          %dma_wait3A_574 = arith.constant 0 : i32
          %dma_wait3A_575 = arith.constant 0 : i32
          %dma_wait3A_576 = tpu.memref_slice %arg13[%dma_wait3A_574, %dma_wait3A_575] : memref<50048x32xf32, #tpu.memory_space<vmem_shared>> -> memref<50048x32xf32, #tpu.memory_space<vmem_shared>>
          tpu.wait_indirect_dma semaphore(%arg17 : memref<!tpu.dma_semaphore, #tpu.memory_space<semaphore_mem>>) src(%dma_wait3A_566 : memref<80x32xf32, #tpu.memory_space<vmem>>) dst(%dma_wait3A_576 : memref<50048x32xf32, #tpu.memory_space<vmem_shared>>)
        } else {
        }
        %add3A_299 = arith.constant 1 : i32
        %add3A_300 = arith.addi %scan3A_275, %add3A_299 : i32
        %lt3A = arith.constant 625 : i32
        %lt3A_301 = arith.cmpi slt, %add3A_300, %lt3A : i32
        %convert_element_type3A_302 = arith.extui %lt3A_301 : i1 to i32
        %cond3A_303 = arith.constant 0 : i32
        %cond3A_304 = arith.cmpi ne, %convert_element_type3A_302, %cond3A_303 : i32
        scf.if %cond3A_304 {
          %add3A_541 = arith.constant 1 : i32
          %add3A_542 = arith.addi %scan3A_275, %add3A_541 : i32
          %add3A_543 = arith.addi %mul3A_4, %add3A_542 : i32
          %dma_wait3A_544 = arith.constant 0 : i32
          %dma_wait3A_545 = arith.constant 0 : i32
          %dma_wait3A_546 = arith.constant 0 : i32
          %dma_wait3A_547 = tpu.memref_slice %arg7[%scan3A_161, %dma_wait3A_544, %dma_wait3A_545, %dma_wait3A_546] : memref<3x3x2x80xi32, #tpu.memory_space<vmem>> -> memref<1x3x2x80xi32, #tpu.memory_space<vmem>>
          %dma_wait3A_548 = tpu.memref_squeeze %dma_wait3A_547 : memref<1x3x2x80xi32, #tpu.memory_space<vmem>> -> memref<3x2x80xi32, #tpu.memory_space<vmem>>
          %dma_wait3A_549 = arith.constant 0 : i32
          %dma_wait3A_550 = arith.constant 0 : i32
          %dma_wait3A_551 = arith.constant 0 : i32
          %dma_wait3A_552 = arith.constant 0 : i32
          %dma_wait3A_553 = tpu.memref_slice %arg2[%arg0, %dma_wait3A_549, %dma_wait3A_550, %dma_wait3A_551, %dma_wait3A_552] : memref<2x10000x3x2x80xi32, #tpu.memory_space<hbm>> -> memref<1x10000x3x2x80xi32, #tpu.memory_space<hbm>>
          %dma_wait3A_554 = tpu.memref_squeeze %dma_wait3A_553 : memref<1x10000x3x2x80xi32, #tpu.memory_space<hbm>> -> memref<10000x3x2x80xi32, #tpu.memory_space<hbm>>
          %dma_wait3A_555 = arith.constant 0 : i32
          %dma_wait3A_556 = arith.constant 0 : i32
          %dma_wait3A_557 = arith.constant 0 : i32
          %dma_wait3A_558 = tpu.memref_slice %dma_wait3A_554[%add3A_543, %dma_wait3A_555, %dma_wait3A_556, %dma_wait3A_557] : memref<10000x3x2x80xi32, #tpu.memory_space<hbm>> -> memref<1x3x2x80xi32, #tpu.memory_space<hbm>>
          %dma_wait3A_559 = tpu.memref_squeeze %dma_wait3A_558 : memref<1x3x2x80xi32, #tpu.memory_space<hbm>> -> memref<3x2x80xi32, #tpu.memory_space<hbm>>
          %dma_wait3A_560 = arith.constant 0 : i32
          %dma_wait3A_561 = arith.constant 0 : i32
          %dma_wait3A_562 = arith.constant 0 : i32
          %dma_wait3A_563 = tpu.memref_slice %arg7[%scan3A_161, %dma_wait3A_560, %dma_wait3A_561, %dma_wait3A_562] : memref<3x3x2x80xi32, #tpu.memory_space<vmem>> -> memref<1x3x2x80xi32, #tpu.memory_space<vmem>>
          %dma_wait3A_564 = tpu.memref_squeeze %dma_wait3A_563 : memref<1x3x2x80xi32, #tpu.memory_space<vmem>> -> memref<3x2x80xi32, #tpu.memory_space<vmem>>
          %dma_wait3A_565 = arith.constant 0 : i32
          %dma_wait3A_566 = arith.constant 0 : i32
          %dma_wait3A_567 = arith.constant 0 : i32
          %dma_wait3A_568 = arith.constant 0 : i32
          %dma_wait3A_569 = tpu.memref_slice %arg2[%arg0, %dma_wait3A_565, %dma_wait3A_566, %dma_wait3A_567, %dma_wait3A_568] : memref<2x10000x3x2x80xi32, #tpu.memory_space<hbm>> -> memref<1x10000x3x2x80xi32, #tpu.memory_space<hbm>>
          %dma_wait3A_570 = tpu.memref_squeeze %dma_wait3A_569 : memref<1x10000x3x2x80xi32, #tpu.memory_space<hbm>> -> memref<10000x3x2x80xi32, #tpu.memory_space<hbm>>
          %dma_wait3A_571 = arith.constant 0 : i32
          %dma_wait3A_572 = arith.constant 0 : i32
          %dma_wait3A_573 = arith.constant 0 : i32
          %dma_wait3A_574 = tpu.memref_slice %dma_wait3A_570[%add3A_543, %dma_wait3A_571, %dma_wait3A_572, %dma_wait3A_573] : memref<10000x3x2x80xi32, #tpu.memory_space<hbm>> -> memref<1x3x2x80xi32, #tpu.memory_space<hbm>>
          %dma_wait3A_575 = tpu.memref_squeeze %dma_wait3A_574 : memref<1x3x2x80xi32, #tpu.memory_space<hbm>> -> memref<3x2x80xi32, #tpu.memory_space<hbm>>
          tpu.wait_dma2 semaphore(%arg20 : memref<!tpu.dma_semaphore, #tpu.memory_space<semaphore_mem>>) src(%dma_wait3A_575 : memref<3x2x80xi32, #tpu.memory_space<hbm>>) dst(%dma_wait3A_564 : memref<3x2x80xi32, #tpu.memory_space<vmem>>)
          %dma_start3A_576 = arith.constant 0 : i32
          %dma_start3A_577 = arith.constant 0 : i32
          %dma_start3A_578 = arith.constant 0 : i32
          %dma_start3A_579 = arith.constant 0 : i32
          %dma_start3A_580 = tpu.memref_slice %arg8[%scan3A_162, %dma_start3A_578, %dma_start3A_579] : memref<3x160x32xf32, #tpu.memory_space<vmem>> -> memref<1x160x32xf32, #tpu.memory_space<vmem>>
          %dma_start3A_581 = tpu.memref_squeeze %dma_start3A_580 : memref<1x160x32xf32, #tpu.memory_space<vmem>> -> memref<160x32xf32, #tpu.memory_space<vmem>>
          %dma_start3A_582 = arith.constant 0 : i32
          %dma_start3A_583 = arith.constant 0 : i32
          %dma_start3A_584 = tpu.memref_slice %dma_start3A_581[%dma_start3A_582, %dma_start3A_583] : memref<160x32xf32, #tpu.memory_space<vmem>> -> memref<80x32xf32, #tpu.memory_space<vmem>>
          %dma_start3A_585 = arith.constant 0 : i32
          %dma_start3A_586 = arith.constant 0 : i32
          %dma_start3A_587 = arith.constant 0 : i32
          %dma_start3A_588 = tpu.memref_slice %arg7[%scan3A_161, %dma_start3A_585, %dma_start3A_586, %dma_start3A_587] : memref<3x3x2x80xi32, #tpu.memory_space<vmem>> -> memref<1x3x2x80xi32, #tpu.memory_space<vmem>>
          %dma_start3A_589 = tpu.memref_squeeze %dma_start3A_588 : memref<1x3x2x80xi32, #tpu.memory_space<vmem>> -> memref<3x2x80xi32, #tpu.memory_space<vmem>>
          %dma_start3A_590 = arith.constant 0 : i32
          %dma_start3A_591 = arith.constant 0 : i32
          %dma_start3A_592 = tpu.memref_slice %dma_start3A_589[%dma_start3A_576, %dma_start3A_590, %dma_start3A_591] : memref<3x2x80xi32, #tpu.memory_space<vmem>> -> memref<1x2x80xi32, #tpu.memory_space<vmem>>
          %dma_start3A_593 = tpu.memref_squeeze %dma_start3A_592 : memref<1x2x80xi32, #tpu.memory_space<vmem>> -> memref<2x80xi32, #tpu.memory_space<vmem>>
          %dma_start3A_594 = arith.constant 0 : i32
          %dma_start3A_595 = tpu.memref_slice %dma_start3A_593[%dma_start3A_577, %dma_start3A_594] : memref<2x80xi32, #tpu.memory_space<vmem>> -> memref<1x80xi32, #tpu.memory_space<vmem>>
          %dma_start3A_596 = tpu.memref_squeeze %dma_start3A_595 : memref<1x80xi32, #tpu.memory_space<vmem>> -> memref<80xi32, #tpu.memory_space<vmem>>
          %dma_start3A_597 = arith.constant 0 : i32
          %dma_start3A_598 = arith.constant 0 : i32
          %dma_start3A_599 = tpu.memref_slice %arg3[%dma_start3A_597, %dma_start3A_598] : memref<100000x32xf32, #tpu.memory_space<hbm>> -> memref<100000x32xf32, #tpu.memory_space<hbm>>
          tpu.enqueue_indirect_dma source(%dma_start3A_599 : memref<100000x32xf32, #tpu.memory_space<hbm>>) target(%dma_start3A_584 : memref<80x32xf32, #tpu.memory_space<vmem>>) offsets(%dma_start3A_596 : memref<80xi32, #tpu.memory_space<vmem>>) semaphore(%arg14 : memref<!tpu.dma_semaphore, #tpu.memory_space<semaphore_mem>>)
          %dma_start3A_600 = arith.constant 0 : i32
          %dma_start3A_601 = arith.constant 1 : i32
          %dma_start3A_602 = arith.constant 0 : i32
          %dma_start3A_603 = arith.constant 0 : i32
          %dma_start3A_604 = tpu.memref_slice %arg8[%scan3A_162, %dma_start3A_602, %dma_start3A_603] : memref<3x160x32xf32, #tpu.memory_space<vmem>> -> memref<1x160x32xf32, #tpu.memory_space<vmem>>
          %dma_start3A_605 = tpu.memref_squeeze %dma_start3A_604 : memref<1x160x32xf32, #tpu.memory_space<vmem>> -> memref<160x32xf32, #tpu.memory_space<vmem>>
          %dma_start3A_606 = arith.constant 80 : i32
          %dma_start3A_607 = arith.constant 0 : i32
          %dma_start3A_608 = tpu.memref_slice %dma_start3A_605[%dma_start3A_606, %dma_start3A_607] : memref<160x32xf32, #tpu.memory_space<vmem>> -> memref<80x32xf32, #tpu.memory_space<vmem>>
          %dma_start3A_609 = arith.constant 0 : i32
          %dma_start3A_610 = arith.constant 0 : i32
          %dma_start3A_611 = arith.constant 0 : i32
          %dma_start3A_612 = tpu.memref_slice %arg7[%scan3A_161, %dma_start3A_609, %dma_start3A_610, %dma_start3A_611] : memref<3x3x2x80xi32, #tpu.memory_space<vmem>> -> memref<1x3x2x80xi32, #tpu.memory_space<vmem>>
          %dma_start3A_613 = tpu.memref_squeeze %dma_start3A_612 : memref<1x3x2x80xi32, #tpu.memory_space<vmem>> -> memref<3x2x80xi32, #tpu.memory_space<vmem>>
          %dma_start3A_614 = arith.constant 0 : i32
          %dma_start3A_615 = arith.constant 0 : i32
          %dma_start3A_616 = tpu.memref_slice %dma_start3A_613[%dma_start3A_600, %dma_start3A_614, %dma_start3A_615] : memref<3x2x80xi32, #tpu.memory_space<vmem>> -> memref<1x2x80xi32, #tpu.memory_space<vmem>>
          %dma_start3A_617 = tpu.memref_squeeze %dma_start3A_616 : memref<1x2x80xi32, #tpu.memory_space<vmem>> -> memref<2x80xi32, #tpu.memory_space<vmem>>
          %dma_start3A_618 = arith.constant 0 : i32
          %dma_start3A_619 = tpu.memref_slice %dma_start3A_617[%dma_start3A_601, %dma_start3A_618] : memref<2x80xi32, #tpu.memory_space<vmem>> -> memref<1x80xi32, #tpu.memory_space<vmem>>
          %dma_start3A_620 = tpu.memref_squeeze %dma_start3A_619 : memref<1x80xi32, #tpu.memory_space<vmem>> -> memref<80xi32, #tpu.memory_space<vmem>>
          %dma_start3A_621 = arith.constant 0 : i32
          %dma_start3A_622 = arith.constant 0 : i32
          %dma_start3A_623 = tpu.memref_slice %arg3[%dma_start3A_621, %dma_start3A_622] : memref<100000x32xf32, #tpu.memory_space<hbm>> -> memref<100000x32xf32, #tpu.memory_space<hbm>>
          tpu.enqueue_indirect_dma source(%dma_start3A_623 : memref<100000x32xf32, #tpu.memory_space<hbm>>) target(%dma_start3A_608 : memref<80x32xf32, #tpu.memory_space<vmem>>) offsets(%dma_start3A_620 : memref<80xi32, #tpu.memory_space<vmem>>) semaphore(%arg14 : memref<!tpu.dma_semaphore, #tpu.memory_space<semaphore_mem>>)
        } else {
        }
        %dma_wait3A_305 = arith.constant 0 : i32
        %dma_wait3A_306 = arith.constant 0 : i32
        %dma_wait3A_307 = arith.constant 0 : i32
        %dma_wait3A_308 = arith.constant 0 : i32
        %dma_wait3A_309 = tpu.memref_slice %arg8[%scan3A_165, %dma_wait3A_307, %dma_wait3A_308] : memref<3x160x32xf32, #tpu.memory_space<vmem>> -> memref<1x160x32xf32, #tpu.memory_space<vmem>>
        %dma_wait3A_310 = tpu.memref_squeeze %dma_wait3A_309 : memref<1x160x32xf32, #tpu.memory_space<vmem>> -> memref<160x32xf32, #tpu.memory_space<vmem>>
        %dma_wait3A_311 = arith.constant 0 : i32
        %dma_wait3A_312 = arith.constant 0 : i32
        %dma_wait3A_313 = tpu.memref_slice %dma_wait3A_310[%dma_wait3A_311, %dma_wait3A_312] : memref<160x32xf32, #tpu.memory_space<vmem>> -> memref<80x32xf32, #tpu.memory_space<vmem>>
        %dma_wait3A_314 = arith.constant 0 : i32
        %dma_wait3A_315 = arith.constant 0 : i32
        %dma_wait3A_316 = arith.constant 0 : i32
        %dma_wait3A_317 = tpu.memref_slice %arg7[%scan3A_164, %dma_wait3A_314, %dma_wait3A_315, %dma_wait3A_316] : memref<3x3x2x80xi32, #tpu.memory_space<vmem>> -> memref<1x3x2x80xi32, #tpu.memory_space<vmem>>
        %dma_wait3A_318 = tpu.memref_squeeze %dma_wait3A_317 : memref<1x3x2x80xi32, #tpu.memory_space<vmem>> -> memref<3x2x80xi32, #tpu.memory_space<vmem>>
        %dma_wait3A_319 = arith.constant 0 : i32
        %dma_wait3A_320 = arith.constant 0 : i32
        %dma_wait3A_321 = tpu.memref_slice %dma_wait3A_318[%dma_wait3A_305, %dma_wait3A_319, %dma_wait3A_320] : memref<3x2x80xi32, #tpu.memory_space<vmem>> -> memref<1x2x80xi32, #tpu.memory_space<vmem>>
        %dma_wait3A_322 = tpu.memref_squeeze %dma_wait3A_321 : memref<1x2x80xi32, #tpu.memory_space<vmem>> -> memref<2x80xi32, #tpu.memory_space<vmem>>
        %dma_wait3A_323 = arith.constant 0 : i32
        %dma_wait3A_324 = tpu.memref_slice %dma_wait3A_322[%dma_wait3A_306, %dma_wait3A_323] : memref<2x80xi32, #tpu.memory_space<vmem>> -> memref<1x80xi32, #tpu.memory_space<vmem>>
        %dma_wait3A_325 = tpu.memref_squeeze %dma_wait3A_324 : memref<1x80xi32, #tpu.memory_space<vmem>> -> memref<80xi32, #tpu.memory_space<vmem>>
        %dma_wait3A_326 = arith.constant 0 : i32
        %dma_wait3A_327 = arith.constant 0 : i32
        %dma_wait3A_328 = tpu.memref_slice %arg3[%dma_wait3A_326, %dma_wait3A_327] : memref<100000x32xf32, #tpu.memory_space<hbm>> -> memref<100000x32xf32, #tpu.memory_space<hbm>>
        tpu.wait_indirect_dma semaphore(%arg16 : memref<!tpu.dma_semaphore, #tpu.memory_space<semaphore_mem>>) src(%dma_wait3A_328 : memref<100000x32xf32, #tpu.memory_space<hbm>>) dst(%dma_wait3A_313 : memref<80x32xf32, #tpu.memory_space<vmem>>)
        %dma_wait3A_329 = arith.constant 0 : i32
        %dma_wait3A_330 = arith.constant 1 : i32
        %dma_wait3A_331 = arith.constant 0 : i32
        %dma_wait3A_332 = arith.constant 0 : i32
        %dma_wait3A_333 = tpu.memref_slice %arg8[%scan3A_165, %dma_wait3A_331, %dma_wait3A_332] : memref<3x160x32xf32, #tpu.memory_space<vmem>> -> memref<1x160x32xf32, #tpu.memory_space<vmem>>
        %dma_wait3A_334 = tpu.memref_squeeze %dma_wait3A_333 : memref<1x160x32xf32, #tpu.memory_space<vmem>> -> memref<160x32xf32, #tpu.memory_space<vmem>>
        %dma_wait3A_335 = arith.constant 80 : i32
        %dma_wait3A_336 = arith.constant 0 : i32
        %dma_wait3A_337 = tpu.memref_slice %dma_wait3A_334[%dma_wait3A_335, %dma_wait3A_336] : memref<160x32xf32, #tpu.memory_space<vmem>> -> memref<80x32xf32, #tpu.memory_space<vmem>>
        %dma_wait3A_338 = arith.constant 0 : i32
        %dma_wait3A_339 = arith.constant 0 : i32
        %dma_wait3A_340 = arith.constant 0 : i32
        %dma_wait3A_341 = tpu.memref_slice %arg7[%scan3A_164, %dma_wait3A_338, %dma_wait3A_339, %dma_wait3A_340] : memref<3x3x2x80xi32, #tpu.memory_space<vmem>> -> memref<1x3x2x80xi32, #tpu.memory_space<vmem>>
        %dma_wait3A_342 = tpu.memref_squeeze %dma_wait3A_341 : memref<1x3x2x80xi32, #tpu.memory_space<vmem>> -> memref<3x2x80xi32, #tpu.memory_space<vmem>>
        %dma_wait3A_343 = arith.constant 0 : i32
        %dma_wait3A_344 = arith.constant 0 : i32
        %dma_wait3A_345 = tpu.memref_slice %dma_wait3A_342[%dma_wait3A_329, %dma_wait3A_343, %dma_wait3A_344] : memref<3x2x80xi32, #tpu.memory_space<vmem>> -> memref<1x2x80xi32, #tpu.memory_space<vmem>>
        %dma_wait3A_346 = tpu.memref_squeeze %dma_wait3A_345 : memref<1x2x80xi32, #tpu.memory_space<vmem>> -> memref<2x80xi32, #tpu.memory_space<vmem>>
        %dma_wait3A_347 = arith.constant 0 : i32
        %dma_wait3A_348 = tpu.memref_slice %dma_wait3A_346[%dma_wait3A_330, %dma_wait3A_347] : memref<2x80xi32, #tpu.memory_space<vmem>> -> memref<1x80xi32, #tpu.memory_space<vmem>>
        %dma_wait3A_349 = tpu.memref_squeeze %dma_wait3A_348 : memref<1x80xi32, #tpu.memory_space<vmem>> -> memref<80xi32, #tpu.memory_space<vmem>>
        %dma_wait3A_350 = arith.constant 0 : i32
        %dma_wait3A_351 = arith.constant 0 : i32
        %dma_wait3A_352 = tpu.memref_slice %arg3[%dma_wait3A_350, %dma_wait3A_351] : memref<100000x32xf32, #tpu.memory_space<hbm>> -> memref<100000x32xf32, #tpu.memory_space<hbm>>
        tpu.wait_indirect_dma semaphore(%arg16 : memref<!tpu.dma_semaphore, #tpu.memory_space<semaphore_mem>>) src(%dma_wait3A_352 : memref<100000x32xf32, #tpu.memory_space<hbm>>) dst(%dma_wait3A_337 : memref<80x32xf32, #tpu.memory_space<vmem>>)
        %get3A = arith.constant 2 : i32
        %get3A_353 = arith.constant 1 : i32
        %get3A_354 = arith.constant 0 : i32
        %get3A_355 = arith.index_cast %get3A : i32 to index
        %get3A_356 = arith.index_cast %get3A_353 : i32 to index
        %get3A_357 = arith.index_cast %get3A_354 : i32 to index
        %get3A_358 = arith.constant 0 : index
        %get3A_359 = tpu.vector_load %arg7[%get3A_355, %get3A_356, %get3A_357, %get3A_358] {strides = array<i32>} : memref<3x3x2x80xi32, #tpu.memory_space<vmem>>, vector<16xi32>,
        %swap3A = arith.constant 2 : i32
        %swap3A_360 = arith.constant 0 : i32
        %swap3A_361 = arith.index_cast %swap3A : i32 to index
        %swap3A_362 = arith.index_cast %swap3A_360 : i32 to index
        %swap3A_363 = arith.constant 0 : index
        %swap3A_364 = tpu.vector_load %arg9[%swap3A_361, %swap3A_362, %swap3A_363] {strides = array<i32>} : memref<3x2x80xi32, #tpu.memory_space<vmem>>, vector<16xi32>,
        tpu.vector_store %arg9[%swap3A_361, %swap3A_362, %swap3A_363], %get3A_359 {strides = array<i32>} : memref<3x2x80xi32, #tpu.memory_space<vmem>>, vector<16xi32>,
        %get3A_365 = arith.constant 2 : i32
        %get3A_366 = arith.constant 1 : i32
        %get3A_367 = arith.constant 0 : i32
        %get3A_368 = arith.index_cast %get3A_365 : i32 to index
        %get3A_369 = arith.index_cast %get3A_366 : i32 to index
        %get3A_370 = arith.index_cast %get3A_367 : i32 to index
        %get3A_371 = arith.constant 16 : index
        %get3A_372 = tpu.vector_load %arg7[%get3A_368, %get3A_369, %get3A_370, %get3A_371] {strides = array<i32>} : memref<3x3x2x80xi32, #tpu.memory_space<vmem>>, vector<16xi32>,
        %swap3A_373 = arith.constant 2 : i32
        %swap3A_374 = arith.constant 0 : i32
        %swap3A_375 = arith.index_cast %swap3A_373 : i32 to index
        %swap3A_376 = arith.index_cast %swap3A_374 : i32 to index
        %swap3A_377 = arith.constant 16 : index
        %swap3A_378 = tpu.vector_load %arg9[%swap3A_375, %swap3A_376, %swap3A_377] {strides = array<i32>} : memref<3x2x80xi32, #tpu.memory_space<vmem>>, vector<16xi32>,
        tpu.vector_store %arg9[%swap3A_375, %swap3A_376, %swap3A_377], %get3A_372 {strides = array<i32>} : memref<3x2x80xi32, #tpu.memory_space<vmem>>, vector<16xi32>,
        %get3A_379 = arith.constant 2 : i32
        %get3A_380 = arith.constant 1 : i32
        %get3A_381 = arith.constant 0 : i32
        %get3A_382 = arith.index_cast %get3A_379 : i32 to index
        %get3A_383 = arith.index_cast %get3A_380 : i32 to index
        %get3A_384 = arith.index_cast %get3A_381 : i32 to index
        %get3A_385 = arith.constant 32 : index
        %get3A_386 = tpu.vector_load %arg7[%get3A_382, %get3A_383, %get3A_384, %get3A_385] {strides = array<i32>} : memref<3x3x2x80xi32, #tpu.memory_space<vmem>>, vector<16xi32>,
        %swap3A_387 = arith.constant 2 : i32
        %swap3A_388 = arith.constant 0 : i32
        %swap3A_389 = arith.index_cast %swap3A_387 : i32 to index
        %swap3A_390 = arith.index_cast %swap3A_388 : i32 to index
        %swap3A_391 = arith.constant 32 : index
        %swap3A_392 = tpu.vector_load %arg9[%swap3A_389, %swap3A_390, %swap3A_391] {strides = array<i32>} : memref<3x2x80xi32, #tpu.memory_space<vmem>>, vector<16xi32>,
        tpu.vector_store %arg9[%swap3A_389, %swap3A_390, %swap3A_391], %get3A_386 {strides = array<i32>} : memref<3x2x80xi32, #tpu.memory_space<vmem>>, vector<16xi32>,
        %get3A_393 = arith.constant 2 : i32
        %get3A_394 = arith.constant 1 : i32
        %get3A_395 = arith.constant 0 : i32
        %get3A_396 = arith.index_cast %get3A_393 : i32 to index
        %get3A_397 = arith.index_cast %get3A_394 : i32 to index
        %get3A_398 = arith.index_cast %get3A_395 : i32 to index
        %get3A_399 = arith.constant 48 : index
        %get3A_400 = tpu.vector_load %arg7[%get3A_396, %get3A_397, %get3A_398, %get3A_399] {strides = array<i32>} : memref<3x3x2x80xi32, #tpu.memory_space<vmem>>, vector<16xi32>,
        %swap3A_401 = arith.constant 2 : i32
        %swap3A_402 = arith.constant 0 : i32
        %swap3A_403 = arith.index_cast %swap3A_401 : i32 to index
        %swap3A_404 = arith.index_cast %swap3A_402 : i32 to index
        %swap3A_405 = arith.constant 48 : index
        %swap3A_406 = tpu.vector_load %arg9[%swap3A_403, %swap3A_404, %swap3A_405] {strides = array<i32>} : memref<3x2x80xi32, #tpu.memory_space<vmem>>, vector<16xi32>,
        tpu.vector_store %arg9[%swap3A_403, %swap3A_404, %swap3A_405], %get3A_400 {strides = array<i32>} : memref<3x2x80xi32, #tpu.memory_space<vmem>>, vector<16xi32>,
        %get3A_407 = arith.constant 2 : i32
        %get3A_408 = arith.constant 1 : i32
        %get3A_409 = arith.constant 0 : i32
        %get3A_410 = arith.index_cast %get3A_407 : i32 to index
        %get3A_411 = arith.index_cast %get3A_408 : i32 to index
        %get3A_412 = arith.index_cast %get3A_409 : i32 to index
        %get3A_413 = arith.constant 64 : index
        %get3A_414 = tpu.vector_load %arg7[%get3A_410, %get3A_411, %get3A_412, %get3A_413] {strides = array<i32>} : memref<3x3x2x80xi32, #tpu.memory_space<vmem>>, vector<16xi32>,
        %swap3A_415 = arith.constant 2 : i32
        %swap3A_416 = arith.constant 0 : i32
        %swap3A_417 = arith.index_cast %swap3A_415 : i32 to index
        %swap3A_418 = arith.index_cast %swap3A_416 : i32 to index
        %swap3A_419 = arith.constant 64 : index
        %swap3A_420 = tpu.vector_load %arg9[%swap3A_417, %swap3A_418, %swap3A_419] {strides = array<i32>} : memref<3x2x80xi32, #tpu.memory_space<vmem>>, vector<16xi32>,
        tpu.vector_store %arg9[%swap3A_417, %swap3A_418, %swap3A_419], %get3A_414 {strides = array<i32>} : memref<3x2x80xi32, #tpu.memory_space<vmem>>, vector<16xi32>,
        %get3A_421 = arith.constant 2 : i32
        %get3A_422 = arith.constant 1 : i32
        %get3A_423 = arith.constant 1 : i32
        %get3A_424 = arith.index_cast %get3A_421 : i32 to index
        %get3A_425 = arith.index_cast %get3A_422 : i32 to index
        %get3A_426 = arith.index_cast %get3A_423 : i32 to index
        %get3A_427 = arith.constant 0 : index
        %get3A_428 = tpu.vector_load %arg7[%get3A_424, %get3A_425, %get3A_426, %get3A_427] {strides = array<i32>} : memref<3x3x2x80xi32, #tpu.memory_space<vmem>>, vector<16xi32>,
        %swap3A_429 = arith.constant 2 : i32
        %swap3A_430 = arith.constant 1 : i32
        %swap3A_431 = arith.index_cast %swap3A_429 : i32 to index
        %swap3A_432 = arith.index_cast %swap3A_430 : i32 to index
        %swap3A_433 = arith.constant 0 : index
        %swap3A_434 = tpu.vector_load %arg9[%swap3A_431, %swap3A_432, %swap3A_433] {strides = array<i32>} : memref<3x2x80xi32, #tpu.memory_space<vmem>>, vector<16xi32>,
        tpu.vector_store %arg9[%swap3A_431, %swap3A_432, %swap3A_433], %get3A_428 {strides = array<i32>} : memref<3x2x80xi32, #tpu.memory_space<vmem>>, vector<16xi32>,
        %get3A_435 = arith.constant 2 : i32
        %get3A_436 = arith.constant 1 : i32
        %get3A_437 = arith.constant 1 : i32
        %get3A_438 = arith.index_cast %get3A_435 : i32 to index
        %get3A_439 = arith.index_cast %get3A_436 : i32 to index
        %get3A_440 = arith.index_cast %get3A_437 : i32 to index
        %get3A_441 = arith.constant 16 : index
        %get3A_442 = tpu.vector_load %arg7[%get3A_438, %get3A_439, %get3A_440, %get3A_441] {strides = array<i32>} : memref<3x3x2x80xi32, #tpu.memory_space<vmem>>, vector<16xi32>,
        %swap3A_443 = arith.constant 2 : i32
        %swap3A_444 = arith.constant 1 : i32
        %swap3A_445 = arith.index_cast %swap3A_443 : i32 to index
        %swap3A_446 = arith.index_cast %swap3A_444 : i32 to index
        %swap3A_447 = arith.constant 16 : index
        %swap3A_448 = tpu.vector_load %arg9[%swap3A_445, %swap3A_446, %swap3A_447] {strides = array<i32>} : memref<3x2x80xi32, #tpu.memory_space<vmem>>, vector<16xi32>,
        tpu.vector_store %arg9[%swap3A_445, %swap3A_446, %swap3A_447], %get3A_442 {strides = array<i32>} : memref<3x2x80xi32, #tpu.memory_space<vmem>>, vector<16xi32>,
        %get3A_449 = arith.constant 2 : i32
        %get3A_450 = arith.constant 1 : i32
        %get3A_451 = arith.constant 1 : i32
        %get3A_452 = arith.index_cast %get3A_449 : i32 to index
        %get3A_453 = arith.index_cast %get3A_450 : i32 to index
        %get3A_454 = arith.index_cast %get3A_451 : i32 to index
        %get3A_455 = arith.constant 32 : index
        %get3A_456 = tpu.vector_load %arg7[%get3A_452, %get3A_453, %get3A_454, %get3A_455] {strides = array<i32>} : memref<3x3x2x80xi32, #tpu.memory_space<vmem>>, vector<16xi32>,
        %swap3A_457 = arith.constant 2 : i32
        %swap3A_458 = arith.constant 1 : i32
        %swap3A_459 = arith.index_cast %swap3A_457 : i32 to index
        %swap3A_460 = arith.index_cast %swap3A_458 : i32 to index
        %swap3A_461 = arith.constant 32 : index
        %swap3A_462 = tpu.vector_load %arg9[%swap3A_459, %swap3A_460, %swap3A_461] {strides = array<i32>} : memref<3x2x80xi32, #tpu.memory_space<vmem>>, vector<16xi32>,
        tpu.vector_store %arg9[%swap3A_459, %swap3A_460, %swap3A_461], %get3A_456 {strides = array<i32>} : memref<3x2x80xi32, #tpu.memory_space<vmem>>, vector<16xi32>,
        %get3A_463 = arith.constant 2 : i32
        %get3A_464 = arith.constant 1 : i32
        %get3A_465 = arith.constant 1 : i32
        %get3A_466 = arith.index_cast %get3A_463 : i32 to index
        %get3A_467 = arith.index_cast %get3A_464 : i32 to index
        %get3A_468 = arith.index_cast %get3A_465 : i32 to index
        %get3A_469 = arith.constant 48 : index
        %get3A_470 = tpu.vector_load %arg7[%get3A_466, %get3A_467, %get3A_468, %get3A_469] {strides = array<i32>} : memref<3x3x2x80xi32, #tpu.memory_space<vmem>>, vector<16xi32>,
        %swap3A_471 = arith.constant 2 : i32
        %swap3A_472 = arith.constant 1 : i32
        %swap3A_473 = arith.index_cast %swap3A_471 : i32 to index
        %swap3A_474 = arith.index_cast %swap3A_472 : i32 to index
        %swap3A_475 = arith.constant 48 : index
        %swap3A_476 = tpu.vector_load %arg9[%swap3A_473, %swap3A_474, %swap3A_475] {strides = array<i32>} : memref<3x2x80xi32, #tpu.memory_space<vmem>>, vector<16xi32>,
        tpu.vector_store %arg9[%swap3A_473, %swap3A_474, %swap3A_475], %get3A_470 {strides = array<i32>} : memref<3x2x80xi32, #tpu.memory_space<vmem>>, vector<16xi32>,
        %get3A_477 = arith.constant 2 : i32
        %get3A_478 = arith.constant 1 : i32
        %get3A_479 = arith.constant 1 : i32
        %get3A_480 = arith.index_cast %get3A_477 : i32 to index
        %get3A_481 = arith.index_cast %get3A_478 : i32 to index
        %get3A_482 = arith.index_cast %get3A_479 : i32 to index
        %get3A_483 = arith.constant 64 : index
        %get3A_484 = tpu.vector_load %arg7[%get3A_480, %get3A_481, %get3A_482, %get3A_483] {strides = array<i32>} : memref<3x3x2x80xi32, #tpu.memory_space<vmem>>, vector<16xi32>,
        %swap3A_485 = arith.constant 2 : i32
        %swap3A_486 = arith.constant 1 : i32
        %swap3A_487 = arith.index_cast %swap3A_485 : i32 to index
        %swap3A_488 = arith.index_cast %swap3A_486 : i32 to index
        %swap3A_489 = arith.constant 64 : index
        %swap3A_490 = tpu.vector_load %arg9[%swap3A_487, %swap3A_488, %swap3A_489] {strides = array<i32>} : memref<3x2x80xi32, #tpu.memory_space<vmem>>, vector<16xi32>,
        tpu.vector_store %arg9[%swap3A_487, %swap3A_488, %swap3A_489], %get3A_484 {strides = array<i32>} : memref<3x2x80xi32, #tpu.memory_space<vmem>>, vector<16xi32>,
        %scan3A_491 = arith.constant 0 : i32
        %scan3A_492 = arith.constant 0 : i32
        %scan3A_493 = arith.constant 160 : i32
        %scan3A_494 = arith.addi %scan3A_492, %scan3A_493 : i32
        %scan3A_495 = arith.constant 1 : i32
        %scan3A_496 = scf.for %scan3A_541 = %scan3A_492 to %scan3A_494 step %scan3A_495 iter_args(%scan3A_542 = %scan3A_491) -> (i32)  : i32 {
          %jit3A = arith.constant 80 : i32
          %div3A = arith.divsi %scan3A_541, %jit3A : i32
          %sign3A = arith.constant 0 : i32
          %sign3A_543 = arith.cmpi sgt, %scan3A_541, %sign3A : i32
          %sign3A_544 = arith.extui %sign3A_543 : i1 to i32
          %sign3A_545 = arith.constant 0 : i32
          %sign3A_546 = arith.cmpi slt, %scan3A_541, %sign3A_545 : i32
          %sign3A_547 = arith.extui %sign3A_546 : i1 to i32
          %sign3A_548 = arith.subi %sign3A_544, %sign3A_547 : i32
          %sign3A_549 = arith.constant 0 : i32
          %sign3A_550 = arith.cmpi sgt, %jit3A, %sign3A_549 : i32
          %sign3A_551 = arith.extui %sign3A_550 : i1 to i32
          %sign3A_552 = arith.constant 0 : i32
          %sign3A_553 = arith.cmpi slt, %jit3A, %sign3A_552 : i32
          %sign3A_554 = arith.extui %sign3A_553 : i1 to i32
          %sign3A_555 = arith.subi %sign3A_551, %sign3A_554 : i32
          %ne3A = arith.cmpi ne, %sign3A_548, %sign3A_555 : i32
          %rem3A_556 = arith.remsi %scan3A_541, %jit3A : i32
          %ne3A_557 = arith.constant 0 : i32
          %ne3A_558 = arith.cmpi ne, %rem3A_556, %ne3A_557 : i32
          %and3A = arith.andi %ne3A, %ne3A_558 : i1
          %sub3A = arith.constant 1 : i32
          %sub3A_559 = arith.subi %div3A, %sub3A : i32
          %select_n3A = arith.select %and3A, %sub3A_559, %div3A : i32
          %mul3A_560 = arith.constant 80 : i32
          %mul3A_561 = arith.muli %select_n3A, %mul3A_560 : i32
          %sub3A_562 = arith.subi %scan3A_541, %mul3A_561 : i32
          %broadcast_in_dim3A = arith.constant 2 : i32
          %broadcast_in_dim3A_563 = vector.broadcast %broadcast_in_dim3A : i32 to vector<16xi32>
          %broadcast_in_dim3A_564 = vector.broadcast %select_n3A : i32 to vector<16xi32>
          %broadcast_in_dim3A_565 = vector.broadcast %sub3A_562 : i32 to vector<16xi32>
          %gather3A = arith.constant 0 : i32
          %gather3A_566 = arith.constant 0 : i32
          %gather3A_567 = arith.constant 0 : i32
          %gather3A_568 = tpu.memref_slice %arg7[%scan3A_164, %gather3A, %gather3A_566, %gather3A_567] : memref<3x3x2x80xi32, #tpu.memory_space<vmem>> -> memref<1x3x2x80xi32, #tpu.memory_space<vmem>>
          %gather3A_569 = tpu.memref_squeeze %gather3A_568 : memref<1x3x2x80xi32, #tpu.memory_space<vmem>> -> memref<3x2x80xi32, #tpu.memory_space<vmem>>
          %gather3A_570 = tpu.vector_load_idx %gather3A_569[%broadcast_in_dim3A_563, %broadcast_in_dim3A_564, %broadcast_in_dim3A_565] : memref<3x2x80xi32, #tpu.memory_space<vmem>>[vector<16xi32>, vector<16xi32>, vector<16xi32>], vector<16xi32>,
          %bitcast3A = vector.bitcast %gather3A_570 : vector<16xi32> to vector<16xf32>
          %get3A_571 = arith.constant 2 : i32
          %get3A_572 = arith.index_cast %get3A_571 : i32 to index
          %get3A_573 = arith.index_cast %scan3A_541 : i32 to index
          %get3A_574 = arith.constant 0 : index
          %get3A_575 = tpu.vector_load %arg8[%get3A_572, %get3A_573, %get3A_574] {strides = array<i32>} : memref<3x160x32xf32, #tpu.memory_space<vmem>>, vector<16xf32>,
          %mul3A_576 = arith.mulf %get3A_575, %bitcast3A : vector<16xf32>
          %swap3A_577 = arith.constant 2 : i32
          %swap3A_578 = arith.index_cast %swap3A_577 : i32 to index
          %swap3A_579 = arith.index_cast %scan3A_541 : i32 to index
          %swap3A_580 = arith.constant 0 : index
          %swap3A_581 = tpu.vector_load %arg8[%swap3A_578, %swap3A_579, %swap3A_580] {strides = array<i32>} : memref<3x160x32xf32, #tpu.memory_space<vmem>>, vector<16xf32>,
          tpu.vector_store %arg8[%swap3A_578, %swap3A_579, %swap3A_580], %mul3A_576 {strides = array<i32>} : memref<3x160x32xf32, #tpu.memory_space<vmem>>, vector<16xf32>,
          %get3A_582 = arith.constant 2 : i32
          %get3A_583 = arith.index_cast %get3A_582 : i32 to index
          %get3A_584 = arith.index_cast %scan3A_541 : i32 to index
          %get3A_585 = arith.constant 16 : index
          %get3A_586 = tpu.vector_load %arg8[%get3A_583, %get3A_584, %get3A_585] {strides = array<i32>} : memref<3x160x32xf32, #tpu.memory_space<vmem>>, vector<16xf32>,
          %mul3A_587 = arith.mulf %get3A_586, %bitcast3A : vector<16xf32>
          %swap3A_588 = arith.constant 2 : i32
          %swap3A_589 = arith.index_cast %swap3A_588 : i32 to index
          %swap3A_590 = arith.index_cast %scan3A_541 : i32 to index
          %swap3A_591 = arith.constant 16 : index
          %swap3A_592 = tpu.vector_load %arg8[%swap3A_589, %swap3A_590, %swap3A_591] {strides = array<i32>} : memref<3x160x32xf32, #tpu.memory_space<vmem>>, vector<16xf32>,
          tpu.vector_store %arg8[%swap3A_589, %swap3A_590, %swap3A_591], %mul3A_587 {strides = array<i32>} : memref<3x160x32xf32, #tpu.memory_space<vmem>>, vector<16xf32>,
          %scan3A_593 = arith.constant 0 : i32
          scf.yield %scan3A_593 : i32
        }
        %scan3A_497 = arith.constant 160 : i32
        %dma_start3A_498 = arith.constant 0 : i32
        %dma_start3A_499 = arith.constant 0 : i32
        %dma_start3A_500 = arith.constant 0 : i32
        %dma_start3A_501 = tpu.memref_slice %arg8[%scan3A_165, %dma_start3A_499, %dma_start3A_500] : memref<3x160x32xf32, #tpu.memory_space<vmem>> -> memref<1x160x32xf32, #tpu.memory_space<vmem>>
        %dma_start3A_502 = tpu.memref_squeeze %dma_start3A_501 : memref<1x160x32xf32, #tpu.memory_space<vmem>> -> memref<160x32xf32, #tpu.memory_space<vmem>>
        %dma_start3A_503 = arith.constant 0 : i32
        %dma_start3A_504 = arith.constant 0 : i32
        %dma_start3A_505 = tpu.memref_slice %dma_start3A_502[%dma_start3A_503, %dma_start3A_504] : memref<160x32xf32, #tpu.memory_space<vmem>> -> memref<80x32xf32, #tpu.memory_space<vmem>>
        %dma_start3A_506 = arith.constant 0 : i32
        %dma_start3A_507 = arith.constant 0 : i32
        %dma_start3A_508 = tpu.memref_slice %arg9[%scan3A_166, %dma_start3A_506, %dma_start3A_507] : memref<3x2x80xi32, #tpu.memory_space<vmem>> -> memref<1x2x80xi32, #tpu.memory_space<vmem>>
        %dma_start3A_509 = tpu.memref_squeeze %dma_start3A_508 : memref<1x2x80xi32, #tpu.memory_space<vmem>> -> memref<2x80xi32, #tpu.memory_space<vmem>>
        %dma_start3A_510 = arith.constant 0 : i32
        %dma_start3A_511 = tpu.memref_slice %dma_start3A_509[%dma_start3A_498, %dma_start3A_510] : memref<2x80xi32, #tpu.memory_space<vmem>> -> memref<1x80xi32, #tpu.memory_space<vmem>>
        %dma_start3A_512 = tpu.memref_squeeze %dma_start3A_511 : memref<1x80xi32, #tpu.memory_space<vmem>> -> memref<80xi32, #tpu.memory_space<vmem>>
        %dma_start3A_513 = arith.constant 0 : i32
        %dma_start3A_514 = arith.constant 0 : i32
        %dma_start3A_515 = tpu.memref_slice %arg13[%dma_start3A_513, %dma_start3A_514] : memref<50048x32xf32, #tpu.memory_space<vmem_shared>> -> memref<50048x32xf32, #tpu.memory_space<vmem_shared>>
        tpu.enqueue_indirect_dma source(%dma_start3A_505 : memref<80x32xf32, #tpu.memory_space<vmem>>) target(%dma_start3A_515 : memref<50048x32xf32, #tpu.memory_space<vmem_shared>>) offsets(%dma_start3A_512 : memref<80xi32, #tpu.memory_space<vmem>>) semaphore(%arg19 : memref<!tpu.dma_semaphore, #tpu.memory_space<semaphore_mem>>) {add = true}
        %dma_start3A_516 = arith.constant 1 : i32
        %dma_start3A_517 = arith.constant 0 : i32
        %dma_start3A_518 = arith.constant 0 : i32
        %dma_start3A_519 = tpu.memref_slice %arg8[%scan3A_165, %dma_start3A_517, %dma_start3A_518] : memref<3x160x32xf32, #tpu.memory_space<vmem>> -> memref<1x160x32xf32, #tpu.memory_space<vmem>>
        %dma_start3A_520 = tpu.memref_squeeze %dma_start3A_519 : memref<1x160x32xf32, #tpu.memory_space<vmem>> -> memref<160x32xf32, #tpu.memory_space<vmem>>
        %dma_start3A_521 = arith.constant 80 : i32
        %dma_start3A_522 = arith.constant 0 : i32
        %dma_start3A_523 = tpu.memref_slice %dma_start3A_520[%dma_start3A_521, %dma_start3A_522] : memref<160x32xf32, #tpu.memory_space<vmem>> -> memref<80x32xf32, #tpu.memory_space<vmem>>
        %dma_start3A_524 = arith.constant 0 : i32
        %dma_start3A_525 = arith.constant 0 : i32
        %dma_start3A_526 = tpu.memref_slice %arg9[%scan3A_166, %dma_start3A_524, %dma_start3A_525] : memref<3x2x80xi32, #tpu.memory_space<vmem>> -> memref<1x2x80xi32, #tpu.memory_space<vmem>>
        %dma_start3A_527 = tpu.memref_squeeze %dma_start3A_526 : memref<1x2x80xi32, #tpu.memory_space<vmem>> -> memref<2x80xi32, #tpu.memory_space<vmem>>
        %dma_start3A_528 = arith.constant 0 : i32
        %dma_start3A_529 = tpu.memref_slice %dma_start3A_527[%dma_start3A_516, %dma_start3A_528] : memref<2x80xi32, #tpu.memory_space<vmem>> -> memref<1x80xi32, #tpu.memory_space<vmem>>
        %dma_start3A_530 = tpu.memref_squeeze %dma_start3A_529 : memref<1x80xi32, #tpu.memory_space<vmem>> -> memref<80xi32, #tpu.memory_space<vmem>>
        %dma_start3A_531 = arith.constant 0 : i32
        %dma_start3A_532 = arith.constant 0 : i32
        %dma_start3A_533 = tpu.memref_slice %arg13[%dma_start3A_531, %dma_start3A_532] : memref<50048x32xf32, #tpu.memory_space<vmem_shared>> -> memref<50048x32xf32, #tpu.memory_space<vmem_shared>>
        tpu.enqueue_indirect_dma source(%dma_start3A_523 : memref<80x32xf32, #tpu.memory_space<vmem>>) target(%dma_start3A_533 : memref<50048x32xf32, #tpu.memory_space<vmem_shared>>) offsets(%dma_start3A_530 : memref<80xi32, #tpu.memory_space<vmem>>) semaphore(%arg19 : memref<!tpu.dma_semaphore, #tpu.memory_space<semaphore_mem>>) {add = true}
        %add3A_534 = arith.constant 2 : i32
        %add3A_535 = arith.addi %scan3A_275, %add3A_534 : i32
        %lt3A_536 = arith.constant 625 : i32
        %lt3A_537 = arith.cmpi slt, %add3A_535, %lt3A_536 : i32
        %convert_element_type3A_538 = arith.extui %lt3A_537 : i1 to i32
        %cond3A_539 = arith.constant 0 : i32
        %cond3A_540 = arith.cmpi ne, %convert_element_type3A_538, %cond3A_539 : i32
        scf.if %cond3A_540 {
          %add3A_541 = arith.constant 2 : i32
          %add3A_542 = arith.addi %scan3A_275, %add3A_541 : i32
          %add3A_543 = arith.addi %mul3A_4, %add3A_542 : i32
          %dma_start3A_544 = arith.constant 0 : i32
          %dma_start3A_545 = arith.constant 0 : i32
          %dma_start3A_546 = arith.constant 0 : i32
          %dma_start3A_547 = tpu.memref_slice %arg7[%scan3A_160, %dma_start3A_544, %dma_start3A_545, %dma_start3A_546] : memref<3x3x2x80xi32, #tpu.memory_space<vmem>> -> memref<1x3x2x80xi32, #tpu.memory_space<vmem>>
          %dma_start3A_548 = tpu.memref_squeeze %dma_start3A_547 : memref<1x3x2x80xi32, #tpu.memory_space<vmem>> -> memref<3x2x80xi32, #tpu.memory_space<vmem>>
          %dma_start3A_549 = arith.constant 0 : i32
          %dma_start3A_550 = arith.constant 0 : i32
          %dma_start3A_551 = arith.constant 0 : i32
          %dma_start3A_552 = arith.constant 0 : i32
          %dma_start3A_553 = tpu.memref_slice %arg2[%arg0, %dma_start3A_549, %dma_start3A_550, %dma_start3A_551, %dma_start3A_552] : memref<2x10000x3x2x80xi32, #tpu.memory_space<hbm>> -> memref<1x10000x3x2x80xi32, #tpu.memory_space<hbm>>
          %dma_start3A_554 = tpu.memref_squeeze %dma_start3A_553 : memref<1x10000x3x2x80xi32, #tpu.memory_space<hbm>> -> memref<10000x3x2x80xi32, #tpu.memory_space<hbm>>
          %dma_start3A_555 = arith.constant 0 : i32
          %dma_start3A_556 = arith.constant 0 : i32
          %dma_start3A_557 = arith.constant 0 : i32
          %dma_start3A_558 = tpu.memref_slice %dma_start3A_554[%add3A_543, %dma_start3A_555, %dma_start3A_556, %dma_start3A_557] : memref<10000x3x2x80xi32, #tpu.memory_space<hbm>> -> memref<1x3x2x80xi32, #tpu.memory_space<hbm>>
          %dma_start3A_559 = tpu.memref_squeeze %dma_start3A_558 : memref<1x3x2x80xi32, #tpu.memory_space<hbm>> -> memref<3x2x80xi32, #tpu.memory_space<hbm>>
          %dma_start3A_560 = arith.constant 0 : i32
          %dma_start3A_561 = arith.constant 0 : i32
          %dma_start3A_562 = arith.constant 0 : i32
          %dma_start3A_563 = tpu.memref_slice %arg7[%scan3A_160, %dma_start3A_560, %dma_start3A_561, %dma_start3A_562] : memref<3x3x2x80xi32, #tpu.memory_space<vmem>> -> memref<1x3x2x80xi32, #tpu.memory_space<vmem>>
          %dma_start3A_564 = tpu.memref_squeeze %dma_start3A_563 : memref<1x3x2x80xi32, #tpu.memory_space<vmem>> -> memref<3x2x80xi32, #tpu.memory_space<vmem>>
          %dma_start3A_565 = arith.constant 0 : i32
          %dma_start3A_566 = arith.constant 0 : i32
          %dma_start3A_567 = arith.constant 0 : i32
          %dma_start3A_568 = arith.constant 0 : i32
          %dma_start3A_569 = tpu.memref_slice %arg2[%arg0, %dma_start3A_565, %dma_start3A_566, %dma_start3A_567, %dma_start3A_568] : memref<2x10000x3x2x80xi32, #tpu.memory_space<hbm>> -> memref<1x10000x3x2x80xi32, #tpu.memory_space<hbm>>
          %dma_start3A_570 = tpu.memref_squeeze %dma_start3A_569 : memref<1x10000x3x2x80xi32, #tpu.memory_space<hbm>> -> memref<10000x3x2x80xi32, #tpu.memory_space<hbm>>
          %dma_start3A_571 = arith.constant 0 : i32
          %dma_start3A_572 = arith.constant 0 : i32
          %dma_start3A_573 = arith.constant 0 : i32
          %dma_start3A_574 = tpu.memref_slice %dma_start3A_570[%add3A_543, %dma_start3A_571, %dma_start3A_572, %dma_start3A_573] : memref<10000x3x2x80xi32, #tpu.memory_space<hbm>> -> memref<1x3x2x80xi32, #tpu.memory_space<hbm>>
          %dma_start3A_575 = tpu.memref_squeeze %dma_start3A_574 : memref<1x3x2x80xi32, #tpu.memory_space<hbm>> -> memref<3x2x80xi32, #tpu.memory_space<hbm>>
          tpu.enqueue_dma source(%dma_start3A_575 : memref<3x2x80xi32, #tpu.memory_space<hbm>>) target(%dma_start3A_564 : memref<3x2x80xi32, #tpu.memory_space<vmem>>) target_semaphore(%arg21 : memref<!tpu.dma_semaphore, #tpu.memory_space<semaphore_mem>>)
        } else {
        }
      } else {
      }
      %scan3A_294 = arith.constant 0 : i32
      scf.yield %scan3A_294 : i32
    }
    %scan3A_173 = arith.constant 625 : i32
    %dma_wait3A_174 = arith.constant 0 : i32
    %dma_wait3A_175 = arith.constant 0 : i32
    %dma_wait3A_176 = arith.constant 0 : i32
    %dma_wait3A_177 = arith.constant 0 : i32
    %dma_wait3A_178 = arith.constant 0 : i32
    %dma_wait3A_179 = tpu.memref_slice %arg8[%dma_wait3A_174, %dma_wait3A_177, %dma_wait3A_178] : memref<3x160x32xf32, #tpu.memory_space<vmem>> -> memref<1x160x32xf32, #tpu.memory_space<vmem>>
    %dma_wait3A_180 = tpu.memref_squeeze %dma_wait3A_179 : memref<1x160x32xf32, #tpu.memory_space<vmem>> -> memref<160x32xf32, #tpu.memory_space<vmem>>
    %dma_wait3A_181 = arith.constant 0 : i32
    %dma_wait3A_182 = arith.constant 0 : i32
    %dma_wait3A_183 = tpu.memref_slice %dma_wait3A_180[%dma_wait3A_181, %dma_wait3A_182] : memref<160x32xf32, #tpu.memory_space<vmem>> -> memref<80x32xf32, #tpu.memory_space<vmem>>
    %dma_wait3A_184 = arith.constant 0 : i32
    %dma_wait3A_185 = arith.constant 0 : i32
    %dma_wait3A_186 = tpu.memref_slice %arg9[%dma_wait3A_175, %dma_wait3A_184, %dma_wait3A_185] : memref<3x2x80xi32, #tpu.memory_space<vmem>> -> memref<1x2x80xi32, #tpu.memory_space<vmem>>
    %dma_wait3A_187 = tpu.memref_squeeze %dma_wait3A_186 : memref<1x2x80xi32, #tpu.memory_space<vmem>> -> memref<2x80xi32, #tpu.memory_space<vmem>>
    %dma_wait3A_188 = arith.constant 0 : i32
    %dma_wait3A_189 = tpu.memref_slice %dma_wait3A_187[%dma_wait3A_176, %dma_wait3A_188] : memref<2x80xi32, #tpu.memory_space<vmem>> -> memref<1x80xi32, #tpu.memory_space<vmem>>
    %dma_wait3A_190 = tpu.memref_squeeze %dma_wait3A_189 : memref<1x80xi32, #tpu.memory_space<vmem>> -> memref<80xi32, #tpu.memory_space<vmem>>
    %dma_wait3A_191 = arith.constant 0 : i32
    %dma_wait3A_192 = arith.constant 0 : i32
    %dma_wait3A_193 = tpu.memref_slice %arg13[%dma_wait3A_191, %dma_wait3A_192] : memref<50048x32xf32, #tpu.memory_space<vmem_shared>> -> memref<50048x32xf32, #tpu.memory_space<vmem_shared>>
    tpu.wait_indirect_dma semaphore(%arg17 : memref<!tpu.dma_semaphore, #tpu.memory_space<semaphore_mem>>) src(%dma_wait3A_183 : memref<80x32xf32, #tpu.memory_space<vmem>>) dst(%dma_wait3A_193 : memref<50048x32xf32, #tpu.memory_space<vmem_shared>>)
    %dma_wait3A_194 = arith.constant 0 : i32
    %dma_wait3A_195 = arith.constant 0 : i32
    %dma_wait3A_196 = arith.constant 1 : i32
    %dma_wait3A_197 = arith.constant 0 : i32
    %dma_wait3A_198 = arith.constant 0 : i32
    %dma_wait3A_199 = tpu.memref_slice %arg8[%dma_wait3A_194, %dma_wait3A_197, %dma_wait3A_198] : memref<3x160x32xf32, #tpu.memory_space<vmem>> -> memref<1x160x32xf32, #tpu.memory_space<vmem>>
    %dma_wait3A_200 = tpu.memref_squeeze %dma_wait3A_199 : memref<1x160x32xf32, #tpu.memory_space<vmem>> -> memref<160x32xf32, #tpu.memory_space<vmem>>
    %dma_wait3A_201 = arith.constant 80 : i32
    %dma_wait3A_202 = arith.constant 0 : i32
    %dma_wait3A_203 = tpu.memref_slice %dma_wait3A_200[%dma_wait3A_201, %dma_wait3A_202] : memref<160x32xf32, #tpu.memory_space<vmem>> -> memref<80x32xf32, #tpu.memory_space<vmem>>
    %dma_wait3A_204 = arith.constant 0 : i32
    %dma_wait3A_205 = arith.constant 0 : i32
    %dma_wait3A_206 = tpu.memref_slice %arg9[%dma_wait3A_195, %dma_wait3A_204, %dma_wait3A_205] : memref<3x2x80xi32, #tpu.memory_space<vmem>> -> memref<1x2x80xi32, #tpu.memory_space<vmem>>
    %dma_wait3A_207 = tpu.memref_squeeze %dma_wait3A_206 : memref<1x2x80xi32, #tpu.memory_space<vmem>> -> memref<2x80xi32, #tpu.memory_space<vmem>>
    %dma_wait3A_208 = arith.constant 0 : i32
    %dma_wait3A_209 = tpu.memref_slice %dma_wait3A_207[%dma_wait3A_196, %dma_wait3A_208] : memref<2x80xi32, #tpu.memory_space<vmem>> -> memref<1x80xi32, #tpu.memory_space<vmem>>
    %dma_wait3A_210 = tpu.memref_squeeze %dma_wait3A_209 : memref<1x80xi32, #tpu.memory_space<vmem>> -> memref<80xi32, #tpu.memory_space<vmem>>
    %dma_wait3A_211 = arith.constant 0 : i32
    %dma_wait3A_212 = arith.constant 0 : i32
    %dma_wait3A_213 = tpu.memref_slice %arg13[%dma_wait3A_211, %dma_wait3A_212] : memref<50048x32xf32, #tpu.memory_space<vmem_shared>> -> memref<50048x32xf32, #tpu.memory_space<vmem_shared>>
    tpu.wait_indirect_dma semaphore(%arg17 : memref<!tpu.dma_semaphore, #tpu.memory_space<semaphore_mem>>) src(%dma_wait3A_203 : memref<80x32xf32, #tpu.memory_space<vmem>>) dst(%dma_wait3A_213 : memref<50048x32xf32, #tpu.memory_space<vmem_shared>>)
    %dma_wait3A_214 = arith.constant 2 : i32
    %dma_wait3A_215 = arith.constant 2 : i32
    %dma_wait3A_216 = arith.constant 0 : i32
    %dma_wait3A_217 = arith.constant 0 : i32
    %dma_wait3A_218 = arith.constant 0 : i32
    %dma_wait3A_219 = tpu.memref_slice %arg8[%dma_wait3A_214, %dma_wait3A_217, %dma_wait3A_218] : memref<3x160x32xf32, #tpu.memory_space<vmem>> -> memref<1x160x32xf32, #tpu.memory_space<vmem>>
    %dma_wait3A_220 = tpu.memref_squeeze %dma_wait3A_219 : memref<1x160x32xf32, #tpu.memory_space<vmem>> -> memref<160x32xf32, #tpu.memory_space<vmem>>
    %dma_wait3A_221 = arith.constant 0 : i32
    %dma_wait3A_222 = arith.constant 0 : i32
    %dma_wait3A_223 = tpu.memref_slice %dma_wait3A_220[%dma_wait3A_221, %dma_wait3A_222] : memref<160x32xf32, #tpu.memory_space<vmem>> -> memref<80x32xf32, #tpu.memory_space<vmem>>
    %dma_wait3A_224 = arith.constant 0 : i32
    %dma_wait3A_225 = arith.constant 0 : i32
    %dma_wait3A_226 = tpu.memref_slice %arg9[%dma_wait3A_215, %dma_wait3A_224, %dma_wait3A_225] : memref<3x2x80xi32, #tpu.memory_space<vmem>> -> memref<1x2x80xi32, #tpu.memory_space<vmem>>
    %dma_wait3A_227 = tpu.memref_squeeze %dma_wait3A_226 : memref<1x2x80xi32, #tpu.memory_space<vmem>> -> memref<2x80xi32, #tpu.memory_space<vmem>>
    %dma_wait3A_228 = arith.constant 0 : i32
    %dma_wait3A_229 = tpu.memref_slice %dma_wait3A_227[%dma_wait3A_216, %dma_wait3A_228] : memref<2x80xi32, #tpu.memory_space<vmem>> -> memref<1x80xi32, #tpu.memory_space<vmem>>
    %dma_wait3A_230 = tpu.memref_squeeze %dma_wait3A_229 : memref<1x80xi32, #tpu.memory_space<vmem>> -> memref<80xi32, #tpu.memory_space<vmem>>
    %dma_wait3A_231 = arith.constant 0 : i32
    %dma_wait3A_232 = arith.constant 0 : i32
    %dma_wait3A_233 = tpu.memref_slice %arg13[%dma_wait3A_231, %dma_wait3A_232] : memref<50048x32xf32, #tpu.memory_space<vmem_shared>> -> memref<50048x32xf32, #tpu.memory_space<vmem_shared>>
    tpu.wait_indirect_dma semaphore(%arg19 : memref<!tpu.dma_semaphore, #tpu.memory_space<semaphore_mem>>) src(%dma_wait3A_223 : memref<80x32xf32, #tpu.memory_space<vmem>>) dst(%dma_wait3A_233 : memref<50048x32xf32, #tpu.memory_space<vmem_shared>>)
    %dma_wait3A_234 = arith.constant 2 : i32
    %dma_wait3A_235 = arith.constant 2 : i32
    %dma_wait3A_236 = arith.constant 1 : i32
    %dma_wait3A_237 = arith.constant 0 : i32
    %dma_wait3A_238 = arith.constant 0 : i32
    %dma_wait3A_239 = tpu.memref_slice %arg8[%dma_wait3A_234, %dma_wait3A_237, %dma_wait3A_238] : memref<3x160x32xf32, #tpu.memory_space<vmem>> -> memref<1x160x32xf32, #tpu.memory_space<vmem>>
    %dma_wait3A_240 = tpu.memref_squeeze %dma_wait3A_239 : memref<1x160x32xf32, #tpu.memory_space<vmem>> -> memref<160x32xf32, #tpu.memory_space<vmem>>
    %dma_wait3A_241 = arith.constant 80 : i32
    %dma_wait3A_242 = arith.constant 0 : i32
    %dma_wait3A_243 = tpu.memref_slice %dma_wait3A_240[%dma_wait3A_241, %dma_wait3A_242] : memref<160x32xf32, #tpu.memory_space<vmem>> -> memref<80x32xf32, #tpu.memory_space<vmem>>
    %dma_wait3A_244 = arith.constant 0 : i32
    %dma_wait3A_245 = arith.constant 0 : i32
    %dma_wait3A_246 = tpu.memref_slice %arg9[%dma_wait3A_235, %dma_wait3A_244, %dma_wait3A_245] : memref<3x2x80xi32, #tpu.memory_space<vmem>> -> memref<1x2x80xi32, #tpu.memory_space<vmem>>
    %dma_wait3A_247 = tpu.memref_squeeze %dma_wait3A_246 : memref<1x2x80xi32, #tpu.memory_space<vmem>> -> memref<2x80xi32, #tpu.memory_space<vmem>>
    %dma_wait3A_248 = arith.constant 0 : i32
    %dma_wait3A_249 = tpu.memref_slice %dma_wait3A_247[%dma_wait3A_236, %dma_wait3A_248] : memref<2x80xi32, #tpu.memory_space<vmem>> -> memref<1x80xi32, #tpu.memory_space<vmem>>
    %dma_wait3A_250 = tpu.memref_squeeze %dma_wait3A_249 : memref<1x80xi32, #tpu.memory_space<vmem>> -> memref<80xi32, #tpu.memory_space<vmem>>
    %dma_wait3A_251 = arith.constant 0 : i32
    %dma_wait3A_252 = arith.constant 0 : i32
    %dma_wait3A_253 = tpu.memref_slice %arg13[%dma_wait3A_251, %dma_wait3A_252] : memref<50048x32xf32, #tpu.memory_space<vmem_shared>> -> memref<50048x32xf32, #tpu.memory_space<vmem_shared>>
    tpu.wait_indirect_dma semaphore(%arg19 : memref<!tpu.dma_semaphore, #tpu.memory_space<semaphore_mem>>) src(%dma_wait3A_243 : memref<80x32xf32, #tpu.memory_space<vmem>>) dst(%dma_wait3A_253 : memref<50048x32xf32, #tpu.memory_space<vmem_shared>>)
    %barrier3A_254 = arith.constant 0 : index
    tpu.barrier barrier_id(%barrier3A_254)
    %mul3A_255 = arith.constant 50000 : i32
    %mul3A_256 = arith.muli %arg0, %mul3A_255 : i32
    %mul3A_257 = arith.constant 3128 : i32
    %mul3A_258 = arith.muli %arg1, %mul3A_257 : i32
    %add3A_259 = arith.addi %mul3A_256, %mul3A_258 : i32
    %run_scoped3A = arith.constant 0 : i32
    "tpu.region"() ({
      %run_scoped3A_275 = tpu.sem_alloc : memref<!tpu.dma_semaphore, #tpu.memory_space<semaphore_mem>>
      %dma_start3A_276 = arith.constant 0 : i32
      %dma_start3A_277 = tpu.memref_slice %arg10[%dma_start3A_276] : memref<3136xf32, #tpu.memory_space<vmem>> -> memref<3128xf32, #tpu.memory_space<vmem>>
      %dma_start3A_278 = arith.constant 0 : i32
      %dma_start3A_279 = tpu.memref_slice %arg5[%run_scoped3A, %dma_start3A_278] : memref<2x100096xf32, #tpu.memory_space<hbm>> -> memref<1x100096xf32, #tpu.memory_space<hbm>>
      %dma_start3A_280 = tpu.memref_squeeze %dma_start3A_279 : memref<1x100096xf32, #tpu.memory_space<hbm>> -> memref<100096xf32, #tpu.memory_space<hbm>>
      %dma_start3A_281 = tpu.memref_slice %dma_start3A_280[%add3A_259] : memref<100096xf32, #tpu.memory_space<hbm>> -> memref<3128xf32, #tpu.memory_space<hbm>>
      %dma_start3A_282 = arith.constant 0 : i32
      %dma_start3A_283 = tpu.memref_slice %arg10[%dma_start3A_282] : memref<3136xf32, #tpu.memory_space<vmem>> -> memref<3128xf32, #tpu.memory_space<vmem>>
      %dma_start3A_284 = arith.constant 0 : i32
      %dma_start3A_285 = tpu.memref_slice %arg5[%run_scoped3A, %dma_start3A_284] : memref<2x100096xf32, #tpu.memory_space<hbm>> -> memref<1x100096xf32, #tpu.memory_space<hbm>>
      %dma_start3A_286 = tpu.memref_squeeze %dma_start3A_285 : memref<1x100096xf32, #tpu.memory_space<hbm>> -> memref<100096xf32, #tpu.memory_space<hbm>>
      %dma_start3A_287 = tpu.memref_slice %dma_start3A_286[%add3A_259] : memref<100096xf32, #tpu.memory_space<hbm>> -> memref<3128xf32, #tpu.memory_space<hbm>>
      tpu.enqueue_dma source(%dma_start3A_287 : memref<3128xf32, #tpu.memory_space<hbm>>) target(%dma_start3A_283 : memref<3128xf32, #tpu.memory_space<vmem>>) target_semaphore(%run_scoped3A_275 : memref<!tpu.dma_semaphore, #tpu.memory_space<semaphore_mem>>)
      %dma_wait3A_288 = arith.constant 0 : i32
      %dma_wait3A_289 = tpu.memref_slice %arg10[%dma_wait3A_288] : memref<3136xf32, #tpu.memory_space<vmem>> -> memref<3128xf32, #tpu.memory_space<vmem>>
      %dma_wait3A_290 = arith.constant 0 : i32
      %dma_wait3A_291 = tpu.memref_slice %arg5[%run_scoped3A, %dma_wait3A_290] : memref<2x100096xf32, #tpu.memory_space<hbm>> -> memref<1x100096xf32, #tpu.memory_space<hbm>>
      %dma_wait3A_292 = tpu.memref_squeeze %dma_wait3A_291 : memref<1x100096xf32, #tpu.memory_space<hbm>> -> memref<100096xf32, #tpu.memory_space<hbm>>
      %dma_wait3A_293 = tpu.memref_slice %dma_wait3A_292[%add3A_259] : memref<100096xf32, #tpu.memory_space<hbm>> -> memref<3128xf32, #tpu.memory_space<hbm>>
      %dma_wait3A_294 = arith.constant 0 : i32
      %dma_wait3A_295 = tpu.memref_slice %arg10[%dma_wait3A_294] : memref<3136xf32, #tpu.memory_space<vmem>> -> memref<3128xf32, #tpu.memory_space<vmem>>
      %dma_wait3A_296 = arith.constant 0 : i32
      %dma_wait3A_297 = tpu.memref_slice %arg5[%run_scoped3A, %dma_wait3A_296] : memref<2x100096xf32, #tpu.memory_space<hbm>> -> memref<1x100096xf32, #tpu.memory_space<hbm>>
      %dma_wait3A_298 = tpu.memref_squeeze %dma_wait3A_297 : memref<1x100096xf32, #tpu.memory_space<hbm>> -> memref<100096xf32, #tpu.memory_space<hbm>>
      %dma_wait3A_299 = tpu.memref_slice %dma_wait3A_298[%add3A_259] : memref<100096xf32, #tpu.memory_space<hbm>> -> memref<3128xf32, #tpu.memory_space<hbm>>
      tpu.wait_dma2 semaphore(%run_scoped3A_275 : memref<!tpu.dma_semaphore, #tpu.memory_space<semaphore_mem>>) src(%dma_wait3A_299 : memref<3128xf32, #tpu.memory_space<hbm>>) dst(%dma_wait3A_295 : memref<3128xf32, #tpu.memory_space<vmem>>)
      tpu.yield
    }) : () -> ()
    %run_scoped3A_260 = arith.constant 1 : i32
    "tpu.region"() ({
      %run_scoped3A_275 = tpu.sem_alloc : memref<!tpu.dma_semaphore, #tpu.memory_space<semaphore_mem>>
      %dma_start3A_276 = arith.constant 0 : i32
      %dma_start3A_277 = tpu.memref_slice %arg11[%dma_start3A_276] : memref<3136xf32, #tpu.memory_space<vmem>> -> memref<3128xf32, #tpu.memory_space<vmem>>
      %dma_start3A_278 = arith.constant 0 : i32
      %dma_start3A_279 = tpu.memref_slice %arg5[%run_scoped3A_260, %dma_start3A_278] : memref<2x100096xf32, #tpu.memory_space<hbm>> -> memref<1x100096xf32, #tpu.memory_space<hbm>>
      %dma_start3A_280 = tpu.memref_squeeze %dma_start3A_279 : memref<1x100096xf32, #tpu.memory_space<hbm>> -> memref<100096xf32, #tpu.memory_space<hbm>>
      %dma_start3A_281 = tpu.memref_slice %dma_start3A_280[%add3A_259] : memref<100096xf32, #tpu.memory_space<hbm>> -> memref<3128xf32, #tpu.memory_space<hbm>>
      %dma_start3A_282 = arith.constant 0 : i32
      %dma_start3A_283 = tpu.memref_slice %arg11[%dma_start3A_282] : memref<3136xf32, #tpu.memory_space<vmem>> -> memref<3128xf32, #tpu.memory_space<vmem>>
      %dma_start3A_284 = arith.constant 0 : i32
      %dma_start3A_285 = tpu.memref_slice %arg5[%run_scoped3A_260, %dma_start3A_284] : memref<2x100096xf32, #tpu.memory_space<hbm>> -> memref<1x100096xf32, #tpu.memory_space<hbm>>
      %dma_start3A_286 = tpu.memref_squeeze %dma_start3A_285 : memref<1x100096xf32, #tpu.memory_space<hbm>> -> memref<100096xf32, #tpu.memory_space<hbm>>
      %dma_start3A_287 = tpu.memref_slice %dma_start3A_286[%add3A_259] : memref<100096xf32, #tpu.memory_space<hbm>> -> memref<3128xf32, #tpu.memory_space<hbm>>
      tpu.enqueue_dma source(%dma_start3A_287 : memref<3128xf32, #tpu.memory_space<hbm>>) target(%dma_start3A_283 : memref<3128xf32, #tpu.memory_space<vmem>>) target_semaphore(%run_scoped3A_275 : memref<!tpu.dma_semaphore, #tpu.memory_space<semaphore_mem>>)
      %dma_wait3A_288 = arith.constant 0 : i32
      %dma_wait3A_289 = tpu.memref_slice %arg11[%dma_wait3A_288] : memref<3136xf32, #tpu.memory_space<vmem>> -> memref<3128xf32, #tpu.memory_space<vmem>>
      %dma_wait3A_290 = arith.constant 0 : i32
      %dma_wait3A_291 = tpu.memref_slice %arg5[%run_scoped3A_260, %dma_wait3A_290] : memref<2x100096xf32, #tpu.memory_space<hbm>> -> memref<1x100096xf32, #tpu.memory_space<hbm>>
      %dma_wait3A_292 = tpu.memref_squeeze %dma_wait3A_291 : memref<1x100096xf32, #tpu.memory_space<hbm>> -> memref<100096xf32, #tpu.memory_space<hbm>>
      %dma_wait3A_293 = tpu.memref_slice %dma_wait3A_292[%add3A_259] : memref<100096xf32, #tpu.memory_space<hbm>> -> memref<3128xf32, #tpu.memory_space<hbm>>
      %dma_wait3A_294 = arith.constant 0 : i32
      %dma_wait3A_295 = tpu.memref_slice %arg11[%dma_wait3A_294] : memref<3136xf32, #tpu.memory_space<vmem>> -> memref<3128xf32, #tpu.memory_space<vmem>>
      %dma_wait3A_296 = arith.constant 0 : i32
      %dma_wait3A_297 = tpu.memref_slice %arg5[%run_scoped3A_260, %dma_wait3A_296] : memref<2x100096xf32, #tpu.memory_space<hbm>> -> memref<1x100096xf32, #tpu.memory_space<hbm>>
      %dma_wait3A_298 = tpu.memref_squeeze %dma_wait3A_297 : memref<1x100096xf32, #tpu.memory_space<hbm>> -> memref<100096xf32, #tpu.memory_space<hbm>>
      %dma_wait3A_299 = tpu.memref_slice %dma_wait3A_298[%add3A_259] : memref<100096xf32, #tpu.memory_space<hbm>> -> memref<3128xf32, #tpu.memory_space<hbm>>
      tpu.wait_dma2 semaphore(%run_scoped3A_275 : memref<!tpu.dma_semaphore, #tpu.memory_space<semaphore_mem>>) src(%dma_wait3A_299 : memref<3128xf32, #tpu.memory_space<hbm>>) dst(%dma_wait3A_295 : memref<3128xf32, #tpu.memory_space<vmem>>)
      tpu.yield
    }) : () -> ()
    %scan3A_261 = arith.constant 0 : i32
    %scan3A_262 = arith.constant 0 : i32
    %scan3A_263 = arith.constant 196 : i32
    %scan3A_264 = arith.addi %scan3A_262, %scan3A_263 : i32
    %scan3A_265 = arith.constant 1 : i32
    %scan3A_266 = scf.for %scan3A_275 = %scan3A_262 to %scan3A_264 step %scan3A_265 iter_args(%scan3A_276 = %scan3A_261) -> (i32)  : i32 {
      %mul3A_277 = arith.constant 16 : i32
      %mul3A_278 = arith.muli %scan3A_275, %mul3A_277 : i32
      %get3A = arith.index_cast %mul3A_278 : i32 to index
      %get3A_279 = tpu.vector_load %arg10[%get3A] {strides = array<i32>} : memref<3136xf32, #tpu.memory_space<vmem>>, vector<16xf32>,
      %get3A_280 = arith.index_cast %mul3A_278 : i32 to index
      %get3A_281 = tpu.vector_load %arg11[%get3A_280] {strides = array<i32>} : memref<3136xf32, #tpu.memory_space<vmem>>, vector<16xf32>,
      %add3A_282 = arith.addf %get3A_279, %get3A_281 : vector<16xf32>
      %gt3A = arith.constant 0.000000e+00 : f32
      %gt3A_283 = vector.broadcast %gt3A : f32 to vector<16xf32>
      %gt3A_284 = arith.cmpf ogt, %add3A_282, %gt3A_283 : vector<16xf32>
      %gt3A_285 = arith.constant 0.000000e+00 : f32
      %gt3A_286 = vector.broadcast %gt3A_285 : f32 to vector<16xf32>
      %gt3A_287 = arith.cmpf ogt, %add3A_282, %gt3A_286 : vector<16xf32>
      %jit3A = arith.constant 1.000000e+00 : f32
      %broadcast_in_dim3A = vector.broadcast %jit3A : f32 to vector<16xf32>
      %select_n3A = arith.select %gt3A_287, %add3A_282, %broadcast_in_dim3A : vector<16xi1>, vector<16xf32>
      %div3A = arith.constant 1.000000e+00 : f32
      %div3A_288 = vector.broadcast %div3A : f32 to vector<16xf32>
      %div3A_289 = arith.divf %div3A_288, %select_n3A : vector<16xf32>
      %jit3A_290 = arith.constant 0.000000e+00 : f32
      %broadcast_in_dim3A_291 = vector.broadcast %jit3A_290 : f32 to vector<16xf32>
      %select_n3A_292 = arith.select %gt3A_284, %div3A_289, %broadcast_in_dim3A_291 : vector<16xi1>, vector<16xf32>
      %swap3A = arith.index_cast %mul3A_278 : i32 to index
      %swap3A_293 = tpu.vector_load %arg10[%swap3A] {strides = array<i32>} : memref<3136xf32, #tpu.memory_space<vmem>>, vector<16xf32>,
      tpu.vector_store %arg10[%swap3A], %select_n3A_292 {strides = array<i32>} : memref<3136xf32, #tpu.memory_space<vmem>>, vector<16xf32>,
      %scan3A_294 = arith.constant 0 : i32
      scf.yield %scan3A_294 : i32
    }
    %scan3A_267 = arith.constant 196 : i32
    %scan3A_268 = arith.constant 0 : i32
    %scan3A_269 = arith.constant 0 : i32
    %scan3A_270 = arith.constant 23 : i32
    %scan3A_271 = arith.addi %scan3A_269, %scan3A_270 : i32
    %scan3A_272 = arith.constant 1 : i32
    %scan3A_273 = scf.for %scan3A_275 = %scan3A_269 to %scan3A_271 step %scan3A_272 iter_args(%scan3A_276 = %scan3A_268) -> (i32)  : i32 {
      %mul3A_277 = arith.constant 136 : i32
      %mul3A_278 = arith.muli %scan3A_275, %mul3A_277 : i32
      %mul3A_279 = arith.constant 3128 : i32
      %mul3A_280 = arith.muli %arg1, %mul3A_279 : i32
      %add3A_281 = arith.addi %mul3A_280, %mul3A_278 : i32
      "tpu.region"() ({
        %run_scoped3A_293 = tpu.sem_alloc : memref<!tpu.dma_semaphore, #tpu.memory_space<semaphore_mem>>
        %dma_start3A_294 = arith.constant 0 : i32
        %dma_start3A_295 = tpu.memref_slice %arg13[%add3A_281, %dma_start3A_294] : memref<50048x32xf32, #tpu.memory_space<vmem_shared>> -> memref<136x32xf32, #tpu.memory_space<vmem_shared>>
        %dma_start3A_296 = arith.constant 0 : i32
        %dma_start3A_297 = tpu.memref_slice %arg13[%add3A_281, %dma_start3A_296] : memref<50048x32xf32, #tpu.memory_space<vmem_shared>> -> memref<136x32xf32, #tpu.memory_space<vmem_shared>>
        tpu.enqueue_dma source(%dma_start3A_297 : memref<136x32xf32, #tpu.memory_space<vmem_shared>>) target(%arg12 : memref<136x32xf32, #tpu.memory_space<vmem>>) target_semaphore(%run_scoped3A_293 : memref<!tpu.dma_semaphore, #tpu.memory_space<semaphore_mem>>)
        %dma_wait3A_298 = arith.constant 0 : i32
        %dma_wait3A_299 = tpu.memref_slice %arg13[%add3A_281, %dma_wait3A_298] : memref<50048x32xf32, #tpu.memory_space<vmem_shared>> -> memref<136x32xf32, #tpu.memory_space<vmem_shared>>
        %dma_wait3A_300 = arith.constant 0 : i32
        %dma_wait3A_301 = tpu.memref_slice %arg13[%add3A_281, %dma_wait3A_300] : memref<50048x32xf32, #tpu.memory_space<vmem_shared>> -> memref<136x32xf32, #tpu.memory_space<vmem_shared>>
        tpu.wait_dma2 semaphore(%run_scoped3A_293 : memref<!tpu.dma_semaphore, #tpu.memory_space<semaphore_mem>>) src(%dma_wait3A_301 : memref<136x32xf32, #tpu.memory_space<vmem_shared>>) dst(%arg12 : memref<136x32xf32, #tpu.memory_space<vmem>>)
        tpu.yield
      }) : () -> ()
      %scan3A_282 = arith.constant 0 : i32
      %scan3A_283 = arith.constant 0 : i32
      %scan3A_284 = arith.constant 136 : i32
      %scan3A_285 = arith.addi %scan3A_283, %scan3A_284 : i32
      %scan3A_286 = arith.constant 1 : i32
      %scan3A_287 = scf.for %scan3A_293 = %scan3A_283 to %scan3A_285 step %scan3A_286 iter_args(%scan3A_294 = %scan3A_282) -> (i32)  : i32 {
        %add3A_295 = arith.addi %mul3A_278, %scan3A_293 : i32
        %broadcast_in_dim3A = vector.broadcast %add3A_295 : i32 to vector<16xi32>
        %gather3A = tpu.vector_load_idx %arg10[%broadcast_in_dim3A] : memref<3136xf32, #tpu.memory_space<vmem>>[vector<16xi32>], vector<16xf32>,
        %get3A = arith.index_cast %scan3A_293 : i32 to index
        %get3A_296 = arith.constant 0 : index
        %get3A_297 = tpu.vector_load %arg12[%get3A, %get3A_296] {strides = array<i32>} : memref<136x32xf32, #tpu.memory_space<vmem>>, vector<16xf32>,
        %mul3A_298 = arith.mulf %get3A_297, %gather3A : vector<16xf32>
        %swap3A = arith.index_cast %scan3A_293 : i32 to index
        %swap3A_299 = arith.constant 0 : index
        %swap3A_300 = tpu.vector_load %arg12[%swap3A, %swap3A_299] {strides = array<i32>} : memref<136x32xf32, #tpu.memory_space<vmem>>, vector<16xf32>,
        tpu.vector_store %arg12[%swap3A, %swap3A_299], %mul3A_298 {strides = array<i32>} : memref<136x32xf32, #tpu.memory_space<vmem>>, vector<16xf32>,
        %get3A_301 = arith.index_cast %scan3A_293 : i32 to index
        %get3A_302 = arith.constant 16 : index
        %get3A_303 = tpu.vector_load %arg12[%get3A_301, %get3A_302] {strides = array<i32>} : memref<136x32xf32, #tpu.memory_space<vmem>>, vector<16xf32>,
        %mul3A_304 = arith.mulf %get3A_303, %gather3A : vector<16xf32>
        %swap3A_305 = arith.index_cast %scan3A_293 : i32 to index
        %swap3A_306 = arith.constant 16 : index
        %swap3A_307 = tpu.vector_load %arg12[%swap3A_305, %swap3A_306] {strides = array<i32>} : memref<136x32xf32, #tpu.memory_space<vmem>>, vector<16xf32>,
        tpu.vector_store %arg12[%swap3A_305, %swap3A_306], %mul3A_304 {strides = array<i32>} : memref<136x32xf32, #tpu.memory_space<vmem>>, vector<16xf32>,
        %scan3A_308 = arith.constant 0 : i32
        scf.yield %scan3A_308 : i32
      }
      %scan3A_288 = arith.constant 136 : i32
      %mul3A_289 = arith.constant 3128 : i32
      %mul3A_290 = arith.muli %arg1, %mul3A_289 : i32
      %add3A_291 = arith.addi %mul3A_290, %mul3A_278 : i32
      "tpu.region"() ({
        %run_scoped3A_293 = tpu.sem_alloc : memref<!tpu.dma_semaphore, #tpu.memory_space<semaphore_mem>>
        %dma_start3A_294 = arith.constant 0 : i32
        %dma_start3A_295 = arith.constant 0 : i32
        %dma_start3A_296 = tpu.memref_slice %arg6[%arg0, %dma_start3A_294, %dma_start3A_295] : memref<2x50048x32xf32, #tpu.memory_space<hbm>> -> memref<1x50048x32xf32, #tpu.memory_space<hbm>>
        %dma_start3A_297 = tpu.memref_squeeze %dma_start3A_296 : memref<1x50048x32xf32, #tpu.memory_space<hbm>> -> memref<50048x32xf32, #tpu.memory_space<hbm>>
        %dma_start3A_298 = arith.constant 0 : i32
        %dma_start3A_299 = tpu.memref_slice %dma_start3A_297[%add3A_291, %dma_start3A_298] : memref<50048x32xf32, #tpu.memory_space<hbm>> -> memref<136x32xf32, #tpu.memory_space<hbm>>
        %dma_start3A_300 = arith.constant 0 : i32
        %dma_start3A_301 = arith.constant 0 : i32
        %dma_start3A_302 = tpu.memref_slice %arg6[%arg0, %dma_start3A_300, %dma_start3A_301] : memref<2x50048x32xf32, #tpu.memory_space<hbm>> -> memref<1x50048x32xf32, #tpu.memory_space<hbm>>
        %dma_start3A_303 = tpu.memref_squeeze %dma_start3A_302 : memref<1x50048x32xf32, #tpu.memory_space<hbm>> -> memref<50048x32xf32, #tpu.memory_space<hbm>>
        %dma_start3A_304 = arith.constant 0 : i32
        %dma_start3A_305 = tpu.memref_slice %dma_start3A_303[%add3A_291, %dma_start3A_304] : memref<50048x32xf32, #tpu.memory_space<hbm>> -> memref<136x32xf32, #tpu.memory_space<hbm>>
        tpu.enqueue_dma source(%arg12 : memref<136x32xf32, #tpu.memory_space<vmem>>) target(%dma_start3A_305 : memref<136x32xf32, #tpu.memory_space<hbm>>) target_semaphore(%run_scoped3A_293 : memref<!tpu.dma_semaphore, #tpu.memory_space<semaphore_mem>>)
        %dma_wait3A_306 = arith.constant 0 : i32
        %dma_wait3A_307 = arith.constant 0 : i32
        %dma_wait3A_308 = tpu.memref_slice %arg6[%arg0, %dma_wait3A_306, %dma_wait3A_307] : memref<2x50048x32xf32, #tpu.memory_space<hbm>> -> memref<1x50048x32xf32, #tpu.memory_space<hbm>>
        %dma_wait3A_309 = tpu.memref_squeeze %dma_wait3A_308 : memref<1x50048x32xf32, #tpu.memory_space<hbm>> -> memref<50048x32xf32, #tpu.memory_space<hbm>>
        %dma_wait3A_310 = arith.constant 0 : i32
        %dma_wait3A_311 = tpu.memref_slice %dma_wait3A_309[%add3A_291, %dma_wait3A_310] : memref<50048x32xf32, #tpu.memory_space<hbm>> -> memref<136x32xf32, #tpu.memory_space<hbm>>
        %dma_wait3A_312 = arith.constant 0 : i32
        %dma_wait3A_313 = arith.constant 0 : i32
        %dma_wait3A_314 = tpu.memref_slice %arg6[%arg0, %dma_wait3A_312, %dma_wait3A_313] : memref<2x50048x32xf32, #tpu.memory_space<hbm>> -> memref<1x50048x32xf32, #tpu.memory_space<hbm>>
        %dma_wait3A_315 = tpu.memref_squeeze %dma_wait3A_314 : memref<1x50048x32xf32, #tpu.memory_space<hbm>> -> memref<50048x32xf32, #tpu.memory_space<hbm>>
        %dma_wait3A_316 = arith.constant 0 : i32
        %dma_wait3A_317 = tpu.memref_slice %dma_wait3A_315[%add3A_291, %dma_wait3A_316] : memref<50048x32xf32, #tpu.memory_space<hbm>> -> memref<136x32xf32, #tpu.memory_space<hbm>>
        tpu.wait_dma2 semaphore(%run_scoped3A_293 : memref<!tpu.dma_semaphore, #tpu.memory_space<semaphore_mem>>) src(%arg12 : memref<136x32xf32, #tpu.memory_space<vmem>>) dst(%dma_wait3A_317 : memref<136x32xf32, #tpu.memory_space<hbm>>)
        tpu.yield
      }) : () -> ()
      %scan3A_292 = arith.constant 0 : i32
      scf.yield %scan3A_292 : i32
    }
    %scan3A_274 = arith.constant 23 : i32
    return
  }
}

#map = affine_map<(d0, d1) -> (0)>
#map1 = affine_map<(d0, d1) -> (0, 0, 0, 0, 0)>
#map2 = affine_map<(d0, d1) -> (0, 0)>
module attributes {stable_mosaic.version = 14 : i64} {
  func.func @_sc_ex_body(%arg0: i32, %arg1: i32, %arg2: memref<1600000xi32, #tpu.memory_space<hbm>>, %arg3: memref<1600000xi32, #tpu.memory_space<hbm>>, %arg4: memref<1600000xi32, #tpu.memory_space<hbm>>, %arg5: memref<100000xi32, #tpu.memory_space<hbm>>, %arg6: memref<1000xf32, #tpu.memory_space<hbm>>, %arg7: memref<100096xf32, #tpu.memory_space<hbm>>, %arg8: memref<2x10000x3x2x80xi32, #tpu.memory_space<hbm>>, %arg9: memref<2x100096xf32, #tpu.memory_space<hbm>>, %arg10: memref<100000xi32, #tpu.memory_space<vmem>>, %arg11: memref<1000xf32, #tpu.memory_space<vmem>>, %arg12: memref<2x160xi32, #tpu.memory_space<vmem>>, %arg13: memref<2x160xi32, #tpu.memory_space<vmem>>, %arg14: memref<2x160xi32, #tpu.memory_space<vmem>>, %arg15: memref<2x3x2x80xi32, #tpu.memory_space<vmem>>, %arg16: memref<2x3x2x80xi32, #tpu.memory_space<vmem>>, %arg17: memref<2x2x80xi32, #tpu.memory_space<vmem>>, %arg18: memref<2x2x80xf32, #tpu.memory_space<vmem>>, %arg19: memref<100096xf32, #tpu.memory_space<vmem_shared>>, %arg20: memref<!tpu.dma_semaphore, #tpu.memory_space<semaphore_mem>>, %arg21: memref<!tpu.dma_semaphore, #tpu.memory_space<semaphore_mem>>, %arg22: memref<!tpu.dma_semaphore, #tpu.memory_space<semaphore_mem>>, %arg23: memref<!tpu.dma_semaphore, #tpu.memory_space<semaphore_mem>>, %arg24: memref<!tpu.dma_semaphore, #tpu.memory_space<semaphore_mem>>, %arg25: memref<!tpu.dma_semaphore, #tpu.memory_space<semaphore_mem>>) attributes {dimension_semantics = [#tpu.dimension_semantics<core_parallel>, #tpu.dimension_semantics<subcore_parallel>], iteration_bounds = array<i64: 2, 16>, scalar_prefetch = 0 : i64, scratch_operands = 16 : i64, tpu.core_type = #tpu.core_type<sc_vector_subcore>, window_params = [{transform_indices = #map}, {transform_indices = #map}, {transform_indices = #map}, {transform_indices = #map}, {transform_indices = #map}, {transform_indices = #map}, {transform_indices = #map1}, {transform_indices = #map2}]} {
    %mul3A = arith.constant 2 : i32
    %mul3A_0 = arith.muli %arg1, %mul3A : i32
    %add3A = arith.addi %mul3A_0, %arg0 : i32
    "tpu.region"() ({
      %run_scoped3A = tpu.sem_alloc : memref<!tpu.dma_semaphore, #tpu.memory_space<semaphore_mem>>
      tpu.enqueue_dma source(%arg5 : memref<100000xi32, #tpu.memory_space<hbm>>) target(%arg10 : memref<100000xi32, #tpu.memory_space<vmem>>) target_semaphore(%run_scoped3A : memref<!tpu.dma_semaphore, #tpu.memory_space<semaphore_mem>>)
      tpu.wait_dma2 semaphore(%run_scoped3A : memref<!tpu.dma_semaphore, #tpu.memory_space<semaphore_mem>>) src(%arg5 : memref<100000xi32, #tpu.memory_space<hbm>>) dst(%arg10 : memref<100000xi32, #tpu.memory_space<vmem>>)
      tpu.yield
    }) : () -> ()
    "tpu.region"() ({
      %run_scoped3A = tpu.sem_alloc : memref<!tpu.dma_semaphore, #tpu.memory_space<semaphore_mem>>
      tpu.enqueue_dma source(%arg6 : memref<1000xf32, #tpu.memory_space<hbm>>) target(%arg11 : memref<1000xf32, #tpu.memory_space<vmem>>) target_semaphore(%run_scoped3A : memref<!tpu.dma_semaphore, #tpu.memory_space<semaphore_mem>>)
      tpu.wait_dma2 semaphore(%run_scoped3A : memref<!tpu.dma_semaphore, #tpu.memory_space<semaphore_mem>>) src(%arg6 : memref<1000xf32, #tpu.memory_space<hbm>>) dst(%arg11 : memref<1000xf32, #tpu.memory_space<vmem>>)
      tpu.yield
    }) : () -> ()
    %mul3A_1 = arith.constant 6256 : i32
    %mul3A_2 = arith.muli %arg1, %mul3A_1 : i32
    %mul3A_3 = arith.constant 6256 : i32
    %mul3A_4 = arith.muli %arg1, %mul3A_3 : i32
    "tpu.region"() ({
      %run_scoped3A = tpu.sem_alloc : memref<!tpu.dma_semaphore, #tpu.memory_space<semaphore_mem>>
      %dma_start3A_281 = tpu.memref_slice %arg19[%mul3A_4] : memref<100096xf32, #tpu.memory_space<vmem_shared>> -> memref<6256xf32, #tpu.memory_space<vmem_shared>>
      %dma_start3A_282 = tpu.memref_slice %arg7[%mul3A_2] : memref<100096xf32, #tpu.memory_space<hbm>> -> memref<6256xf32, #tpu.memory_space<hbm>>
      tpu.enqueue_dma source(%dma_start3A_282 : memref<6256xf32, #tpu.memory_space<hbm>>) target(%dma_start3A_281 : memref<6256xf32, #tpu.memory_space<vmem_shared>>) target_semaphore(%run_scoped3A : memref<!tpu.dma_semaphore, #tpu.memory_space<semaphore_mem>>)
      %dma_wait3A_283 = tpu.memref_slice %arg19[%mul3A_4] : memref<100096xf32, #tpu.memory_space<vmem_shared>> -> memref<6256xf32, #tpu.memory_space<vmem_shared>>
      %dma_wait3A_284 = tpu.memref_slice %arg7[%mul3A_2] : memref<100096xf32, #tpu.memory_space<hbm>> -> memref<6256xf32, #tpu.memory_space<hbm>>
      tpu.wait_dma2 semaphore(%run_scoped3A : memref<!tpu.dma_semaphore, #tpu.memory_space<semaphore_mem>>) src(%dma_wait3A_284 : memref<6256xf32, #tpu.memory_space<hbm>>) dst(%dma_wait3A_283 : memref<6256xf32, #tpu.memory_space<vmem_shared>>)
      tpu.yield
    }) : () -> ()
    %barrier3A = arith.constant 0 : index
    tpu.barrier barrier_id(%barrier3A)
    %lt3A = arith.constant 16 : i32
    %lt3A_5 = arith.cmpi slt, %add3A, %lt3A : i32
    %jit3A = arith.constant 313 : i32
    %jit3A_6 = arith.constant 312 : i32
    %select_n3A = arith.select %lt3A_5, %jit3A, %jit3A_6 : i32
    %add3A_7 = arith.constant 0 : i32
    %add3A_8 = arith.addi %add3A, %add3A_7 : i32
    %mul3A_9 = arith.constant 160 : i32
    %mul3A_10 = arith.muli %add3A_8, %mul3A_9 : i32
    %dma_start3A = arith.constant 0 : i32
    %dma_start3A_11 = arith.constant 0 : i32
    %dma_start3A_12 = tpu.memref_slice %arg12[%dma_start3A, %dma_start3A_11] : memref<2x160xi32, #tpu.memory_space<vmem>> -> memref<1x160xi32, #tpu.memory_space<vmem>>
    %dma_start3A_13 = tpu.memref_squeeze %dma_start3A_12 : memref<1x160xi32, #tpu.memory_space<vmem>> -> memref<160xi32, #tpu.memory_space<vmem>>
    %dma_start3A_14 = tpu.memref_slice %arg2[%mul3A_10] : memref<1600000xi32, #tpu.memory_space<hbm>> -> memref<160xi32, #tpu.memory_space<hbm>>
    %dma_start3A_15 = arith.constant 0 : i32
    %dma_start3A_16 = tpu.memref_slice %arg12[%dma_start3A, %dma_start3A_15] : memref<2x160xi32, #tpu.memory_space<vmem>> -> memref<1x160xi32, #tpu.memory_space<vmem>>
    %dma_start3A_17 = tpu.memref_squeeze %dma_start3A_16 : memref<1x160xi32, #tpu.memory_space<vmem>> -> memref<160xi32, #tpu.memory_space<vmem>>
    %dma_start3A_18 = tpu.memref_slice %arg2[%mul3A_10] : memref<1600000xi32, #tpu.memory_space<hbm>> -> memref<160xi32, #tpu.memory_space<hbm>>
    tpu.enqueue_dma source(%dma_start3A_18 : memref<160xi32, #tpu.memory_space<hbm>>) target(%dma_start3A_17 : memref<160xi32, #tpu.memory_space<vmem>>) target_semaphore(%arg20 : memref<!tpu.dma_semaphore, #tpu.memory_space<semaphore_mem>>)
    %dma_start3A_19 = arith.constant 0 : i32
    %dma_start3A_20 = arith.constant 0 : i32
    %dma_start3A_21 = tpu.memref_slice %arg13[%dma_start3A_19, %dma_start3A_20] : memref<2x160xi32, #tpu.memory_space<vmem>> -> memref<1x160xi32, #tpu.memory_space<vmem>>
    %dma_start3A_22 = tpu.memref_squeeze %dma_start3A_21 : memref<1x160xi32, #tpu.memory_space<vmem>> -> memref<160xi32, #tpu.memory_space<vmem>>
    %dma_start3A_23 = tpu.memref_slice %arg3[%mul3A_10] : memref<1600000xi32, #tpu.memory_space<hbm>> -> memref<160xi32, #tpu.memory_space<hbm>>
    %dma_start3A_24 = arith.constant 0 : i32
    %dma_start3A_25 = tpu.memref_slice %arg13[%dma_start3A_19, %dma_start3A_24] : memref<2x160xi32, #tpu.memory_space<vmem>> -> memref<1x160xi32, #tpu.memory_space<vmem>>
    %dma_start3A_26 = tpu.memref_squeeze %dma_start3A_25 : memref<1x160xi32, #tpu.memory_space<vmem>> -> memref<160xi32, #tpu.memory_space<vmem>>
    %dma_start3A_27 = tpu.memref_slice %arg3[%mul3A_10] : memref<1600000xi32, #tpu.memory_space<hbm>> -> memref<160xi32, #tpu.memory_space<hbm>>
    tpu.enqueue_dma source(%dma_start3A_27 : memref<160xi32, #tpu.memory_space<hbm>>) target(%dma_start3A_26 : memref<160xi32, #tpu.memory_space<vmem>>) target_semaphore(%arg20 : memref<!tpu.dma_semaphore, #tpu.memory_space<semaphore_mem>>)
    %dma_start3A_28 = arith.constant 0 : i32
    %dma_start3A_29 = arith.constant 0 : i32
    %dma_start3A_30 = tpu.memref_slice %arg14[%dma_start3A_28, %dma_start3A_29] : memref<2x160xi32, #tpu.memory_space<vmem>> -> memref<1x160xi32, #tpu.memory_space<vmem>>
    %dma_start3A_31 = tpu.memref_squeeze %dma_start3A_30 : memref<1x160xi32, #tpu.memory_space<vmem>> -> memref<160xi32, #tpu.memory_space<vmem>>
    %dma_start3A_32 = tpu.memref_slice %arg4[%mul3A_10] : memref<1600000xi32, #tpu.memory_space<hbm>> -> memref<160xi32, #tpu.memory_space<hbm>>
    %dma_start3A_33 = arith.constant 0 : i32
    %dma_start3A_34 = tpu.memref_slice %arg14[%dma_start3A_28, %dma_start3A_33] : memref<2x160xi32, #tpu.memory_space<vmem>> -> memref<1x160xi32, #tpu.memory_space<vmem>>
    %dma_start3A_35 = tpu.memref_squeeze %dma_start3A_34 : memref<1x160xi32, #tpu.memory_space<vmem>> -> memref<160xi32, #tpu.memory_space<vmem>>
    %dma_start3A_36 = tpu.memref_slice %arg4[%mul3A_10] : memref<1600000xi32, #tpu.memory_space<hbm>> -> memref<160xi32, #tpu.memory_space<hbm>>
    tpu.enqueue_dma source(%dma_start3A_36 : memref<160xi32, #tpu.memory_space<hbm>>) target(%dma_start3A_35 : memref<160xi32, #tpu.memory_space<vmem>>) target_semaphore(%arg20 : memref<!tpu.dma_semaphore, #tpu.memory_space<semaphore_mem>>)
    %scan3A = arith.constant 0 : i32
    %scan3A_37 = arith.constant 0 : i32
    %scan3A_38 = arith.constant 0 : i32
    %scan3A_39 = arith.constant 0 : i32
    %scan3A_40 = arith.constant 0 : i32
    %scan3A_41 = arith.constant 0 : i32
    %scan3A_42 = arith.constant 0 : i32
    %scan3A_43 = arith.constant 1 : i32
    %scan3A_44 = arith.constant 1 : i32
    %scan3A_45 = arith.constant 1 : i32
    %scan3A_46 = arith.constant 1 : i32
    %scan3A_47 = arith.constant 1 : i32
    %scan3A_48 = arith.constant 1 : i32
    %scan3A_49 = arith.constant 1 : i32
    %scan3A_50 = arith.constant 0 : i32
    %scan3A_51 = arith.constant 0 : i32
    %scan3A_52 = arith.constant 313 : i32
    %scan3A_53 = arith.addi %scan3A_51, %scan3A_52 : i32
    %scan3A_54 = arith.constant 1 : i32
    %scan3A_55 = scf.for %scan3A_281 = %scan3A_51 to %scan3A_53 step %scan3A_54 iter_args(%scan3A_282 = %scan3A_50) -> (i32)  : i32 {
      %rem3A = arith.constant 2 : i32
      %rem3A_283 = arith.remsi %scan3A_281, %rem3A : i32
      %eq3A = arith.constant 0 : i32
      %eq3A_284 = arith.cmpi eq, %rem3A_283, %eq3A : i32
      %lt3A_285 = arith.cmpi slt, %scan3A_281, %select_n3A : i32
      %and3A = arith.andi %eq3A_284, %lt3A_285 : i1
      %convert_element_type3A = arith.extui %and3A : i1 to i32
      %cond3A = arith.constant 0 : i32
      %cond3A_286 = arith.cmpi ne, %convert_element_type3A, %cond3A : i32
      scf.if %cond3A_286 {
        %ge3A = arith.constant 2 : i32
        %ge3A_297 = arith.cmpi sge, %scan3A_281, %ge3A : i32
        %convert_element_type3A_298 = arith.extui %ge3A_297 : i1 to i32
        %cond3A_299 = arith.constant 0 : i32
        %cond3A_300 = arith.cmpi ne, %convert_element_type3A_298, %cond3A_299 : i32
        scf.if %cond3A_300 {
          %mul3A_448 = arith.constant 32 : i32
          %mul3A_449 = arith.muli %scan3A_281, %mul3A_448 : i32
          %add3A_450 = arith.addi %add3A, %mul3A_449 : i32
          %dma_wait3A_451 = arith.constant 0 : i32
          %dma_wait3A_452 = arith.constant 0 : i32
          %dma_wait3A_453 = arith.constant 0 : i32
          %dma_wait3A_454 = arith.constant 0 : i32
          %dma_wait3A_455 = tpu.memref_slice %arg15[%scan3A, %dma_wait3A_452, %dma_wait3A_453, %dma_wait3A_454] : memref<2x3x2x80xi32, #tpu.memory_space<vmem>> -> memref<1x3x2x80xi32, #tpu.memory_space<vmem>>
          %dma_wait3A_456 = tpu.memref_squeeze %dma_wait3A_455 : memref<1x3x2x80xi32, #tpu.memory_space<vmem>> -> memref<3x2x80xi32, #tpu.memory_space<vmem>>
          %dma_wait3A_457 = arith.constant 0 : i32
          %dma_wait3A_458 = arith.constant 0 : i32
          %dma_wait3A_459 = arith.constant 0 : i32
          %dma_wait3A_460 = arith.constant 0 : i32
          %dma_wait3A_461 = tpu.memref_slice %arg8[%dma_wait3A_451, %dma_wait3A_457, %dma_wait3A_458, %dma_wait3A_459, %dma_wait3A_460] : memref<2x10000x3x2x80xi32, #tpu.memory_space<hbm>> -> memref<1x10000x3x2x80xi32, #tpu.memory_space<hbm>>
          %dma_wait3A_462 = tpu.memref_squeeze %dma_wait3A_461 : memref<1x10000x3x2x80xi32, #tpu.memory_space<hbm>> -> memref<10000x3x2x80xi32, #tpu.memory_space<hbm>>
          %dma_wait3A_463 = arith.constant 0 : i32
          %dma_wait3A_464 = arith.constant 0 : i32
          %dma_wait3A_465 = arith.constant 0 : i32
          %dma_wait3A_466 = tpu.memref_slice %dma_wait3A_462[%add3A_450, %dma_wait3A_463, %dma_wait3A_464, %dma_wait3A_465] : memref<10000x3x2x80xi32, #tpu.memory_space<hbm>> -> memref<1x3x2x80xi32, #tpu.memory_space<hbm>>
          %dma_wait3A_467 = tpu.memref_squeeze %dma_wait3A_466 : memref<1x3x2x80xi32, #tpu.memory_space<hbm>> -> memref<3x2x80xi32, #tpu.memory_space<hbm>>
          %dma_wait3A_468 = arith.constant 0 : i32
          %dma_wait3A_469 = arith.constant 0 : i32
          %dma_wait3A_470 = arith.constant 0 : i32
          %dma_wait3A_471 = arith.constant 0 : i32
          %dma_wait3A_472 = tpu.memref_slice %arg8[%dma_wait3A_451, %dma_wait3A_468, %dma_wait3A_469, %dma_wait3A_470, %dma_wait3A_471] : memref<2x10000x3x2x80xi32, #tpu.memory_space<hbm>> -> memref<1x10000x3x2x80xi32, #tpu.memory_space<hbm>>
          %dma_wait3A_473 = tpu.memref_squeeze %dma_wait3A_472 : memref<1x10000x3x2x80xi32, #tpu.memory_space<hbm>> -> memref<10000x3x2x80xi32, #tpu.memory_space<hbm>>
          %dma_wait3A_474 = arith.constant 0 : i32
          %dma_wait3A_475 = arith.constant 0 : i32
          %dma_wait3A_476 = arith.constant 0 : i32
          %dma_wait3A_477 = tpu.memref_slice %dma_wait3A_473[%add3A_450, %dma_wait3A_474, %dma_wait3A_475, %dma_wait3A_476] : memref<10000x3x2x80xi32, #tpu.memory_space<hbm>> -> memref<1x3x2x80xi32, #tpu.memory_space<hbm>>
          %dma_wait3A_478 = tpu.memref_squeeze %dma_wait3A_477 : memref<1x3x2x80xi32, #tpu.memory_space<hbm>> -> memref<3x2x80xi32, #tpu.memory_space<hbm>>
          %dma_wait3A_479 = arith.constant 0 : i32
          %dma_wait3A_480 = arith.constant 0 : i32
          %dma_wait3A_481 = arith.constant 0 : i32
          %dma_wait3A_482 = tpu.memref_slice %arg15[%scan3A, %dma_wait3A_479, %dma_wait3A_480, %dma_wait3A_481] : memref<2x3x2x80xi32, #tpu.memory_space<vmem>> -> memref<1x3x2x80xi32, #tpu.memory_space<vmem>>
          %dma_wait3A_483 = tpu.memref_squeeze %dma_wait3A_482 : memref<1x3x2x80xi32, #tpu.memory_space<vmem>> -> memref<3x2x80xi32, #tpu.memory_space<vmem>>
          tpu.wait_dma2 semaphore(%arg22 : memref<!tpu.dma_semaphore, #tpu.memory_space<semaphore_mem>>) src(%dma_wait3A_483 : memref<3x2x80xi32, #tpu.memory_space<vmem>>) dst(%dma_wait3A_478 : memref<3x2x80xi32, #tpu.memory_space<hbm>>)
          %dma_wait3A_484 = arith.constant 1 : i32
          %dma_wait3A_485 = arith.constant 0 : i32
          %dma_wait3A_486 = arith.constant 0 : i32
          %dma_wait3A_487 = arith.constant 0 : i32
          %dma_wait3A_488 = tpu.memref_slice %arg16[%scan3A_37, %dma_wait3A_485, %dma_wait3A_486, %dma_wait3A_487] : memref<2x3x2x80xi32, #tpu.memory_space<vmem>> -> memref<1x3x2x80xi32, #tpu.memory_space<vmem>>
          %dma_wait3A_489 = tpu.memref_squeeze %dma_wait3A_488 : memref<1x3x2x80xi32, #tpu.memory_space<vmem>> -> memref<3x2x80xi32, #tpu.memory_space<vmem>>
          %dma_wait3A_490 = arith.constant 0 : i32
          %dma_wait3A_491 = arith.constant 0 : i32
          %dma_wait3A_492 = arith.constant 0 : i32
          %dma_wait3A_493 = arith.constant 0 : i32
          %dma_wait3A_494 = tpu.memref_slice %arg8[%dma_wait3A_484, %dma_wait3A_490, %dma_wait3A_491, %dma_wait3A_492, %dma_wait3A_493] : memref<2x10000x3x2x80xi32, #tpu.memory_space<hbm>> -> memref<1x10000x3x2x80xi32, #tpu.memory_space<hbm>>
          %dma_wait3A_495 = tpu.memref_squeeze %dma_wait3A_494 : memref<1x10000x3x2x80xi32, #tpu.memory_space<hbm>> -> memref<10000x3x2x80xi32, #tpu.memory_space<hbm>>
          %dma_wait3A_496 = arith.constant 0 : i32
          %dma_wait3A_497 = arith.constant 0 : i32
          %dma_wait3A_498 = arith.constant 0 : i32
          %dma_wait3A_499 = tpu.memref_slice %dma_wait3A_495[%add3A_450, %dma_wait3A_496, %dma_wait3A_497, %dma_wait3A_498] : memref<10000x3x2x80xi32, #tpu.memory_space<hbm>> -> memref<1x3x2x80xi32, #tpu.memory_space<hbm>>
          %dma_wait3A_500 = tpu.memref_squeeze %dma_wait3A_499 : memref<1x3x2x80xi32, #tpu.memory_space<hbm>> -> memref<3x2x80xi32, #tpu.memory_space<hbm>>
          %dma_wait3A_501 = arith.constant 0 : i32
          %dma_wait3A_502 = arith.constant 0 : i32
          %dma_wait3A_503 = arith.constant 0 : i32
          %dma_wait3A_504 = arith.constant 0 : i32
          %dma_wait3A_505 = tpu.memref_slice %arg8[%dma_wait3A_484, %dma_wait3A_501, %dma_wait3A_502, %dma_wait3A_503, %dma_wait3A_504] : memref<2x10000x3x2x80xi32, #tpu.memory_space<hbm>> -> memref<1x10000x3x2x80xi32, #tpu.memory_space<hbm>>
          %dma_wait3A_506 = tpu.memref_squeeze %dma_wait3A_505 : memref<1x10000x3x2x80xi32, #tpu.memory_space<hbm>> -> memref<10000x3x2x80xi32, #tpu.memory_space<hbm>>
          %dma_wait3A_507 = arith.constant 0 : i32
          %dma_wait3A_508 = arith.constant 0 : i32
          %dma_wait3A_509 = arith.constant 0 : i32
          %dma_wait3A_510 = tpu.memref_slice %dma_wait3A_506[%add3A_450, %dma_wait3A_507, %dma_wait3A_508, %dma_wait3A_509] : memref<10000x3x2x80xi32, #tpu.memory_space<hbm>> -> memref<1x3x2x80xi32, #tpu.memory_space<hbm>>
          %dma_wait3A_511 = tpu.memref_squeeze %dma_wait3A_510 : memref<1x3x2x80xi32, #tpu.memory_space<hbm>> -> memref<3x2x80xi32, #tpu.memory_space<hbm>>
          %dma_wait3A_512 = arith.constant 0 : i32
          %dma_wait3A_513 = arith.constant 0 : i32
          %dma_wait3A_514 = arith.constant 0 : i32
          %dma_wait3A_515 = tpu.memref_slice %arg16[%scan3A_37, %dma_wait3A_512, %dma_wait3A_513, %dma_wait3A_514] : memref<2x3x2x80xi32, #tpu.memory_space<vmem>> -> memref<1x3x2x80xi32, #tpu.memory_space<vmem>>
          %dma_wait3A_516 = tpu.memref_squeeze %dma_wait3A_515 : memref<1x3x2x80xi32, #tpu.memory_space<vmem>> -> memref<3x2x80xi32, #tpu.memory_space<vmem>>
          tpu.wait_dma2 semaphore(%arg22 : memref<!tpu.dma_semaphore, #tpu.memory_space<semaphore_mem>>) src(%dma_wait3A_516 : memref<3x2x80xi32, #tpu.memory_space<vmem>>) dst(%dma_wait3A_511 : memref<3x2x80xi32, #tpu.memory_space<hbm>>)
          %dma_wait3A_517 = arith.constant 0 : i32
          %dma_wait3A_518 = arith.constant 0 : i32
          %dma_wait3A_519 = arith.constant 0 : i32
          %dma_wait3A_520 = arith.constant 0 : i32
          %dma_wait3A_521 = tpu.memref_slice %arg18[%scan3A_38, %dma_wait3A_519, %dma_wait3A_520] : memref<2x2x80xf32, #tpu.memory_space<vmem>> -> memref<1x2x80xf32, #tpu.memory_space<vmem>>
          %dma_wait3A_522 = tpu.memref_squeeze %dma_wait3A_521 : memref<1x2x80xf32, #tpu.memory_space<vmem>> -> memref<2x80xf32, #tpu.memory_space<vmem>>
          %dma_wait3A_523 = arith.constant 0 : i32
          %dma_wait3A_524 = tpu.memref_slice %dma_wait3A_522[%dma_wait3A_517, %dma_wait3A_523] : memref<2x80xf32, #tpu.memory_space<vmem>> -> memref<1x80xf32, #tpu.memory_space<vmem>>
          %dma_wait3A_525 = tpu.memref_squeeze %dma_wait3A_524 : memref<1x80xf32, #tpu.memory_space<vmem>> -> memref<80xf32, #tpu.memory_space<vmem>>
          %dma_wait3A_526 = arith.constant 0 : i32
          %dma_wait3A_527 = arith.constant 0 : i32
          %dma_wait3A_528 = tpu.memref_slice %arg17[%scan3A_39, %dma_wait3A_526, %dma_wait3A_527] : memref<2x2x80xi32, #tpu.memory_space<vmem>> -> memref<1x2x80xi32, #tpu.memory_space<vmem>>
          %dma_wait3A_529 = tpu.memref_squeeze %dma_wait3A_528 : memref<1x2x80xi32, #tpu.memory_space<vmem>> -> memref<2x80xi32, #tpu.memory_space<vmem>>
          %dma_wait3A_530 = arith.constant 0 : i32
          %dma_wait3A_531 = tpu.memref_slice %dma_wait3A_529[%dma_wait3A_518, %dma_wait3A_530] : memref<2x80xi32, #tpu.memory_space<vmem>> -> memref<1x80xi32, #tpu.memory_space<vmem>>
          %dma_wait3A_532 = tpu.memref_squeeze %dma_wait3A_531 : memref<1x80xi32, #tpu.memory_space<vmem>> -> memref<80xi32, #tpu.memory_space<vmem>>
          %dma_wait3A_533 = arith.constant 0 : i32
          %dma_wait3A_534 = tpu.memref_slice %arg19[%dma_wait3A_533] : memref<100096xf32, #tpu.memory_space<vmem_shared>> -> memref<100096xf32, #tpu.memory_space<vmem_shared>>
          tpu.wait_indirect_dma semaphore(%arg24 : memref<!tpu.dma_semaphore, #tpu.memory_space<semaphore_mem>>) src(%dma_wait3A_525 : memref<80xf32, #tpu.memory_space<vmem>>) dst(%dma_wait3A_534 : memref<100096xf32, #tpu.memory_space<vmem_shared>>)
          %dma_wait3A_535 = arith.constant 1 : i32
          %dma_wait3A_536 = arith.constant 1 : i32
          %dma_wait3A_537 = arith.constant 0 : i32
          %dma_wait3A_538 = arith.constant 0 : i32
          %dma_wait3A_539 = tpu.memref_slice %arg18[%scan3A_38, %dma_wait3A_537, %dma_wait3A_538] : memref<2x2x80xf32, #tpu.memory_space<vmem>> -> memref<1x2x80xf32, #tpu.memory_space<vmem>>
          %dma_wait3A_540 = tpu.memref_squeeze %dma_wait3A_539 : memref<1x2x80xf32, #tpu.memory_space<vmem>> -> memref<2x80xf32, #tpu.memory_space<vmem>>
          %dma_wait3A_541 = arith.constant 0 : i32
          %dma_wait3A_542 = tpu.memref_slice %dma_wait3A_540[%dma_wait3A_535, %dma_wait3A_541] : memref<2x80xf32, #tpu.memory_space<vmem>> -> memref<1x80xf32, #tpu.memory_space<vmem>>
          %dma_wait3A_543 = tpu.memref_squeeze %dma_wait3A_542 : memref<1x80xf32, #tpu.memory_space<vmem>> -> memref<80xf32, #tpu.memory_space<vmem>>
          %dma_wait3A_544 = arith.constant 0 : i32
          %dma_wait3A_545 = arith.constant 0 : i32
          %dma_wait3A_546 = tpu.memref_slice %arg17[%scan3A_39, %dma_wait3A_544, %dma_wait3A_545] : memref<2x2x80xi32, #tpu.memory_space<vmem>> -> memref<1x2x80xi32, #tpu.memory_space<vmem>>
          %dma_wait3A_547 = tpu.memref_squeeze %dma_wait3A_546 : memref<1x2x80xi32, #tpu.memory_space<vmem>> -> memref<2x80xi32, #tpu.memory_space<vmem>>
          %dma_wait3A_548 = arith.constant 0 : i32
          %dma_wait3A_549 = tpu.memref_slice %dma_wait3A_547[%dma_wait3A_536, %dma_wait3A_548] : memref<2x80xi32, #tpu.memory_space<vmem>> -> memref<1x80xi32, #tpu.memory_space<vmem>>
          %dma_wait3A_550 = tpu.memref_squeeze %dma_wait3A_549 : memref<1x80xi32, #tpu.memory_space<vmem>> -> memref<80xi32, #tpu.memory_space<vmem>>
          %dma_wait3A_551 = arith.constant 0 : i32
          %dma_wait3A_552 = tpu.memref_slice %arg19[%dma_wait3A_551] : memref<100096xf32, #tpu.memory_space<vmem_shared>> -> memref<100096xf32, #tpu.memory_space<vmem_shared>>
          tpu.wait_indirect_dma semaphore(%arg24 : memref<!tpu.dma_semaphore, #tpu.memory_space<semaphore_mem>>) src(%dma_wait3A_543 : memref<80xf32, #tpu.memory_space<vmem>>) dst(%dma_wait3A_552 : memref<100096xf32, #tpu.memory_space<vmem_shared>>)
        } else {
        }
        %mul3A_301 = arith.constant 32 : i32
        %mul3A_302 = arith.muli %scan3A_281, %mul3A_301 : i32
        %add3A_303 = arith.addi %add3A, %mul3A_302 : i32
        %mul3A_304 = arith.constant 160 : i32
        %mul3A_305 = arith.muli %add3A_303, %mul3A_304 : i32
        %dma_wait3A_306 = arith.constant 0 : i32
        %dma_wait3A_307 = tpu.memref_slice %arg12[%scan3A_40, %dma_wait3A_306] : memref<2x160xi32, #tpu.memory_space<vmem>> -> memref<1x160xi32, #tpu.memory_space<vmem>>
        %dma_wait3A_308 = tpu.memref_squeeze %dma_wait3A_307 : memref<1x160xi32, #tpu.memory_space<vmem>> -> memref<160xi32, #tpu.memory_space<vmem>>
        %dma_wait3A_309 = tpu.memref_slice %arg2[%mul3A_305] : memref<1600000xi32, #tpu.memory_space<hbm>> -> memref<160xi32, #tpu.memory_space<hbm>>
        %dma_wait3A_310 = arith.constant 0 : i32
        %dma_wait3A_311 = tpu.memref_slice %arg12[%scan3A_40, %dma_wait3A_310] : memref<2x160xi32, #tpu.memory_space<vmem>> -> memref<1x160xi32, #tpu.memory_space<vmem>>
        %dma_wait3A_312 = tpu.memref_squeeze %dma_wait3A_311 : memref<1x160xi32, #tpu.memory_space<vmem>> -> memref<160xi32, #tpu.memory_space<vmem>>
        %dma_wait3A_313 = tpu.memref_slice %arg2[%mul3A_305] : memref<1600000xi32, #tpu.memory_space<hbm>> -> memref<160xi32, #tpu.memory_space<hbm>>
        tpu.wait_dma2 semaphore(%arg20 : memref<!tpu.dma_semaphore, #tpu.memory_space<semaphore_mem>>) src(%dma_wait3A_313 : memref<160xi32, #tpu.memory_space<hbm>>) dst(%dma_wait3A_312 : memref<160xi32, #tpu.memory_space<vmem>>)
        %dma_wait3A_314 = arith.constant 0 : i32
        %dma_wait3A_315 = tpu.memref_slice %arg13[%scan3A_41, %dma_wait3A_314] : memref<2x160xi32, #tpu.memory_space<vmem>> -> memref<1x160xi32, #tpu.memory_space<vmem>>
        %dma_wait3A_316 = tpu.memref_squeeze %dma_wait3A_315 : memref<1x160xi32, #tpu.memory_space<vmem>> -> memref<160xi32, #tpu.memory_space<vmem>>
        %dma_wait3A_317 = tpu.memref_slice %arg3[%mul3A_305] : memref<1600000xi32, #tpu.memory_space<hbm>> -> memref<160xi32, #tpu.memory_space<hbm>>
        %dma_wait3A_318 = arith.constant 0 : i32
        %dma_wait3A_319 = tpu.memref_slice %arg13[%scan3A_41, %dma_wait3A_318] : memref<2x160xi32, #tpu.memory_space<vmem>> -> memref<1x160xi32, #tpu.memory_space<vmem>>
        %dma_wait3A_320 = tpu.memref_squeeze %dma_wait3A_319 : memref<1x160xi32, #tpu.memory_space<vmem>> -> memref<160xi32, #tpu.memory_space<vmem>>
        %dma_wait3A_321 = tpu.memref_slice %arg3[%mul3A_305] : memref<1600000xi32, #tpu.memory_space<hbm>> -> memref<160xi32, #tpu.memory_space<hbm>>
        tpu.wait_dma2 semaphore(%arg20 : memref<!tpu.dma_semaphore, #tpu.memory_space<semaphore_mem>>) src(%dma_wait3A_321 : memref<160xi32, #tpu.memory_space<hbm>>) dst(%dma_wait3A_320 : memref<160xi32, #tpu.memory_space<vmem>>)
        %dma_wait3A_322 = arith.constant 0 : i32
        %dma_wait3A_323 = tpu.memref_slice %arg14[%scan3A_42, %dma_wait3A_322] : memref<2x160xi32, #tpu.memory_space<vmem>> -> memref<1x160xi32, #tpu.memory_space<vmem>>
        %dma_wait3A_324 = tpu.memref_squeeze %dma_wait3A_323 : memref<1x160xi32, #tpu.memory_space<vmem>> -> memref<160xi32, #tpu.memory_space<vmem>>
        %dma_wait3A_325 = tpu.memref_slice %arg4[%mul3A_305] : memref<1600000xi32, #tpu.memory_space<hbm>> -> memref<160xi32, #tpu.memory_space<hbm>>
        %dma_wait3A_326 = arith.constant 0 : i32
        %dma_wait3A_327 = tpu.memref_slice %arg14[%scan3A_42, %dma_wait3A_326] : memref<2x160xi32, #tpu.memory_space<vmem>> -> memref<1x160xi32, #tpu.memory_space<vmem>>
        %dma_wait3A_328 = tpu.memref_squeeze %dma_wait3A_327 : memref<1x160xi32, #tpu.memory_space<vmem>> -> memref<160xi32, #tpu.memory_space<vmem>>
        %dma_wait3A_329 = tpu.memref_slice %arg4[%mul3A_305] : memref<1600000xi32, #tpu.memory_space<hbm>> -> memref<160xi32, #tpu.memory_space<hbm>>
        tpu.wait_dma2 semaphore(%arg20 : memref<!tpu.dma_semaphore, #tpu.memory_space<semaphore_mem>>) src(%dma_wait3A_329 : memref<160xi32, #tpu.memory_space<hbm>>) dst(%dma_wait3A_328 : memref<160xi32, #tpu.memory_space<vmem>>)
        %scan3A_330 = arith.constant 0 : i32
        %scan3A_331 = arith.constant 0 : i32
        %scan3A_332 = arith.constant 10 : i32
        %scan3A_333 = arith.addi %scan3A_331, %scan3A_332 : i32
        %scan3A_334 = arith.constant 1 : i32
        %scan3A_335 = scf.for %scan3A_448 = %scan3A_331 to %scan3A_333 step %scan3A_334 iter_args(%scan3A_449 = %scan3A_330) -> (i32)  : i32 {
          %mul3A_450 = arith.constant 16 : i32
          %mul3A_451 = arith.muli %scan3A_448, %mul3A_450 : i32
          %get3A = arith.constant 0 : i32
          %get3A_452 = tpu.memref_slice %arg12[%scan3A_40, %get3A] : memref<2x160xi32, #tpu.memory_space<vmem>> -> memref<1x160xi32, #tpu.memory_space<vmem>>
          %get3A_453 = tpu.memref_squeeze %get3A_452 : memref<1x160xi32, #tpu.memory_space<vmem>> -> memref<160xi32, #tpu.memory_space<vmem>>
          %get3A_454 = arith.index_cast %mul3A_451 : i32 to index
          %get3A_455 = tpu.vector_load %get3A_453[%get3A_454] {strides = array<i32>} : memref<160xi32, #tpu.memory_space<vmem>>, vector<16xi32>,
          %mul3A_456 = arith.constant 16 : i32
          %mul3A_457 = arith.muli %scan3A_448, %mul3A_456 : i32
          %get3A_458 = arith.constant 0 : i32
          %get3A_459 = tpu.memref_slice %arg13[%scan3A_41, %get3A_458] : memref<2x160xi32, #tpu.memory_space<vmem>> -> memref<1x160xi32, #tpu.memory_space<vmem>>
          %get3A_460 = tpu.memref_squeeze %get3A_459 : memref<1x160xi32, #tpu.memory_space<vmem>> -> memref<160xi32, #tpu.memory_space<vmem>>
          %get3A_461 = arith.index_cast %mul3A_457 : i32 to index
          %get3A_462 = tpu.vector_load %get3A_460[%get3A_461] {strides = array<i32>} : memref<160xi32, #tpu.memory_space<vmem>>, vector<16xi32>,
          %mul3A_463 = arith.constant 16 : i32
          %mul3A_464 = arith.muli %scan3A_448, %mul3A_463 : i32
          %get3A_465 = arith.constant 0 : i32
          %get3A_466 = tpu.memref_slice %arg14[%scan3A_42, %get3A_465] : memref<2x160xi32, #tpu.memory_space<vmem>> -> memref<1x160xi32, #tpu.memory_space<vmem>>
          %get3A_467 = tpu.memref_squeeze %get3A_466 : memref<1x160xi32, #tpu.memory_space<vmem>> -> memref<160xi32, #tpu.memory_space<vmem>>
          %get3A_468 = arith.index_cast %mul3A_464 : i32 to index
          %get3A_469 = tpu.vector_load %get3A_467[%get3A_468] {strides = array<i32>} : memref<160xi32, #tpu.memory_space<vmem>>, vector<16xi32>,
          %gather3A = tpu.vector_load_idx %arg10[%get3A_455] : memref<100000xi32, #tpu.memory_space<vmem>>[vector<16xi32>], vector<16xi32>,
          %gather3A_470 = tpu.vector_load_idx %arg10[%get3A_462] : memref<100000xi32, #tpu.memory_space<vmem>>[vector<16xi32>], vector<16xi32>,
          %gather3A_471 = tpu.vector_load_idx %arg11[%get3A_469] : memref<1000xf32, #tpu.memory_space<vmem>>[vector<16xi32>], vector<16xf32>,
          %shift_left3A = arith.constant 16 : i32
          %shift_left3A_472 = vector.broadcast %shift_left3A : i32 to vector<16xi32>
          %shift_left3A_473 = arith.shli %gather3A, %shift_left3A_472 : vector<16xi32>
          %bitcast3A = vector.bitcast %shift_left3A_473 : vector<16xi32> to vector<16xf32>
          %and3A_474 = arith.constant -65536 : i32
          %and3A_475 = vector.broadcast %and3A_474 : i32 to vector<16xi32>
          %and3A_476 = arith.andi %gather3A_470, %and3A_475 : vector<16xi32>
          %bitcast3A_477 = vector.bitcast %and3A_476 : vector<16xi32> to vector<16xf32>
          %add3A_478 = arith.addf %bitcast3A, %bitcast3A_477 : vector<16xf32>
          %add3A_479 = arith.addf %add3A_478, %gather3A_471 : vector<16xf32>
          %ge3A_480 = arith.constant 0.000000e+00 : f32
          %ge3A_481 = vector.broadcast %ge3A_480 : f32 to vector<16xf32>
          %ge3A_482 = arith.cmpf oge, %add3A_479, %ge3A_481 : vector<16xf32>
          %mul3A_483 = arith.constant 2.000000e-01 : f32
          %mul3A_484 = vector.broadcast %mul3A_483 : f32 to vector<16xf32>
          %mul3A_485 = arith.mulf %mul3A_484, %add3A_479 : vector<16xf32>
          %select_n3A_486 = arith.select %ge3A_482, %add3A_479, %mul3A_485 : vector<16xi1>, vector<16xf32>
          %exp3A = math.exp %select_n3A_486 : vector<16xf32>
          %lt3A_487 = arith.constant 50000 : i32
          %lt3A_488 = vector.broadcast %lt3A_487 : i32 to vector<16xi32>
          %lt3A_489 = arith.cmpi slt, %get3A_455, %lt3A_488 : vector<16xi32>
          %jit3A_490 = arith.constant 0.000000e+00 : f32
          %broadcast_in_dim3A = vector.broadcast %jit3A_490 : f32 to vector<16xf32>
          %select_n3A_491 = arith.select %lt3A_489, %exp3A, %broadcast_in_dim3A : vector<16xi1>, vector<16xf32>
          %sub3A = arith.subf %exp3A, %select_n3A_491 : vector<16xf32>
          %jit3A_492 = arith.constant 50040 : i32
          %broadcast_in_dim3A_493 = vector.broadcast %jit3A_492 : i32 to vector<16xi32>
          %select_n3A_494 = arith.select %lt3A_489, %get3A_455, %broadcast_in_dim3A_493 : vector<16xi1>, vector<16xi32>
          %sub3A_495 = arith.constant 50000 : i32
          %sub3A_496 = vector.broadcast %sub3A_495 : i32 to vector<16xi32>
          %sub3A_497 = arith.subi %get3A_455, %sub3A_496 : vector<16xi32>
          %jit3A_498 = arith.constant 50040 : i32
          %broadcast_in_dim3A_499 = vector.broadcast %jit3A_498 : i32 to vector<16xi32>
          %select_n3A_500 = arith.select %lt3A_489, %broadcast_in_dim3A_499, %sub3A_497 : vector<16xi1>, vector<16xi32>
          %jit3A_501 = arith.constant 5 : i32
          %div3A = arith.divsi %scan3A_448, %jit3A_501 : i32
          %sign3A = arith.constant 0 : i32
          %sign3A_502 = arith.cmpi sgt, %scan3A_448, %sign3A : i32
          %sign3A_503 = arith.extui %sign3A_502 : i1 to i32
          %sign3A_504 = arith.constant 0 : i32
          %sign3A_505 = arith.cmpi slt, %scan3A_448, %sign3A_504 : i32
          %sign3A_506 = arith.extui %sign3A_505 : i1 to i32
          %sign3A_507 = arith.subi %sign3A_503, %sign3A_506 : i32
          %sign3A_508 = arith.constant 0 : i32
          %sign3A_509 = arith.cmpi sgt, %jit3A_501, %sign3A_508 : i32
          %sign3A_510 = arith.extui %sign3A_509 : i1 to i32
          %sign3A_511 = arith.constant 0 : i32
          %sign3A_512 = arith.cmpi slt, %jit3A_501, %sign3A_511 : i32
          %sign3A_513 = arith.extui %sign3A_512 : i1 to i32
          %sign3A_514 = arith.subi %sign3A_510, %sign3A_513 : i32
          %ne3A = arith.cmpi ne, %sign3A_507, %sign3A_514 : i32
          %rem3A_515 = arith.remsi %scan3A_448, %jit3A_501 : i32
          %ne3A_516 = arith.constant 0 : i32
          %ne3A_517 = arith.cmpi ne, %rem3A_515, %ne3A_516 : i32
          %and3A_518 = arith.andi %ne3A, %ne3A_517 : i1
          %sub3A_519 = arith.constant 1 : i32
          %sub3A_520 = arith.subi %div3A, %sub3A_519 : i32
          %select_n3A_521 = arith.select %and3A_518, %sub3A_520, %div3A : i32
          %jit3A_522 = arith.constant 5 : i32
          %eq3A_523 = arith.constant 0 : i32
          %eq3A_524 = arith.cmpi eq, %jit3A_522, %eq3A_523 : i32
          %jit3A_525 = arith.constant 1 : i32
          %select_n3A_526 = arith.select %eq3A_524, %jit3A_525, %jit3A_522 : i32
          %rem3A_527 = arith.remsi %scan3A_448, %select_n3A_526 : i32
          %ne3A_528 = arith.constant 0 : i32
          %ne3A_529 = arith.cmpi ne, %rem3A_527, %ne3A_528 : i32
          %lt3A_530 = arith.constant 0 : i32
          %lt3A_531 = arith.cmpi slt, %rem3A_527, %lt3A_530 : i32
          %lt3A_532 = arith.constant 0 : i32
          %lt3A_533 = arith.cmpi slt, %select_n3A_526, %lt3A_532 : i32
          %ne3A_534 = arith.xori %lt3A_531, %lt3A_533 : i1
          %and3A_535 = arith.andi %ne3A_534, %ne3A_529 : i1
          %add3A_536 = arith.addi %rem3A_527, %select_n3A_526 : i32
          %select_n3A_537 = arith.select %and3A_535, %add3A_536, %rem3A_527 : i32
          %mul3A_538 = arith.constant 16 : i32
          %mul3A_539 = arith.muli %select_n3A_537, %mul3A_538 : i32
          %swap3A = arith.constant 0 : i32
          %swap3A_540 = arith.constant 0 : i32
          %swap3A_541 = arith.constant 0 : i32
          %swap3A_542 = arith.constant 0 : i32
          %swap3A_543 = tpu.memref_slice %arg15[%scan3A, %swap3A_540, %swap3A_541, %swap3A_542] : memref<2x3x2x80xi32, #tpu.memory_space<vmem>> -> memref<1x3x2x80xi32, #tpu.memory_space<vmem>>
          %swap3A_544 = tpu.memref_squeeze %swap3A_543 : memref<1x3x2x80xi32, #tpu.memory_space<vmem>> -> memref<3x2x80xi32, #tpu.memory_space<vmem>>
          %swap3A_545 = arith.index_cast %swap3A : i32 to index
          %swap3A_546 = arith.index_cast %select_n3A_521 : i32 to index
          %swap3A_547 = arith.index_cast %mul3A_539 : i32 to index
          %swap3A_548 = tpu.vector_load %swap3A_544[%swap3A_545, %swap3A_546, %swap3A_547] {strides = array<i32>} : memref<3x2x80xi32, #tpu.memory_space<vmem>>, vector<16xi32>,
          tpu.vector_store %swap3A_544[%swap3A_545, %swap3A_546, %swap3A_547], %get3A_462 {strides = array<i32>} : memref<3x2x80xi32, #tpu.memory_space<vmem>>, vector<16xi32>,
          %swap3A_549 = arith.constant 1 : i32
          %swap3A_550 = arith.constant 0 : i32
          %swap3A_551 = arith.constant 0 : i32
          %swap3A_552 = arith.constant 0 : i32
          %swap3A_553 = tpu.memref_slice %arg15[%scan3A, %swap3A_550, %swap3A_551, %swap3A_552] : memref<2x3x2x80xi32, #tpu.memory_space<vmem>> -> memref<1x3x2x80xi32, #tpu.memory_space<vmem>>
          %swap3A_554 = tpu.memref_squeeze %swap3A_553 : memref<1x3x2x80xi32, #tpu.memory_space<vmem>> -> memref<3x2x80xi32, #tpu.memory_space<vmem>>
          %swap3A_555 = arith.index_cast %swap3A_549 : i32 to index
          %swap3A_556 = arith.index_cast %select_n3A_521 : i32 to index
          %swap3A_557 = arith.index_cast %mul3A_539 : i32 to index
          %swap3A_558 = tpu.vector_load %swap3A_554[%swap3A_555, %swap3A_556, %swap3A_557] {strides = array<i32>} : memref<3x2x80xi32, #tpu.memory_space<vmem>>, vector<16xi32>,
          tpu.vector_store %swap3A_554[%swap3A_555, %swap3A_556, %swap3A_557], %select_n3A_494 {strides = array<i32>} : memref<3x2x80xi32, #tpu.memory_space<vmem>>, vector<16xi32>,
          %bitcast3A_559 = vector.bitcast %select_n3A_491 : vector<16xf32> to vector<16xi32>
          %swap3A_560 = arith.constant 2 : i32
          %swap3A_561 = arith.constant 0 : i32
          %swap3A_562 = arith.constant 0 : i32
          %swap3A_563 = arith.constant 0 : i32
          %swap3A_564 = tpu.memref_slice %arg15[%scan3A, %swap3A_561, %swap3A_562, %swap3A_563] : memref<2x3x2x80xi32, #tpu.memory_space<vmem>> -> memref<1x3x2x80xi32, #tpu.memory_space<vmem>>
          %swap3A_565 = tpu.memref_squeeze %swap3A_564 : memref<1x3x2x80xi32, #tpu.memory_space<vmem>> -> memref<3x2x80xi32, #tpu.memory_space<vmem>>
          %swap3A_566 = arith.index_cast %swap3A_560 : i32 to index
          %swap3A_567 = arith.index_cast %select_n3A_521 : i32 to index
          %swap3A_568 = arith.index_cast %mul3A_539 : i32 to index
          %swap3A_569 = tpu.vector_load %swap3A_565[%swap3A_566, %swap3A_567, %swap3A_568] {strides = array<i32>} : memref<3x2x80xi32, #tpu.memory_space<vmem>>, vector<16xi32>,
          tpu.vector_store %swap3A_565[%swap3A_566, %swap3A_567, %swap3A_568], %bitcast3A_559 {strides = array<i32>} : memref<3x2x80xi32, #tpu.memory_space<vmem>>, vector<16xi32>,
          %swap3A_570 = arith.constant 0 : i32
          %swap3A_571 = arith.constant 0 : i32
          %swap3A_572 = arith.constant 0 : i32
          %swap3A_573 = arith.constant 0 : i32
          %swap3A_574 = tpu.memref_slice %arg16[%scan3A_37, %swap3A_571, %swap3A_572, %swap3A_573] : memref<2x3x2x80xi32, #tpu.memory_space<vmem>> -> memref<1x3x2x80xi32, #tpu.memory_space<vmem>>
          %swap3A_575 = tpu.memref_squeeze %swap3A_574 : memref<1x3x2x80xi32, #tpu.memory_space<vmem>> -> memref<3x2x80xi32, #tpu.memory_space<vmem>>
          %swap3A_576 = arith.index_cast %swap3A_570 : i32 to index
          %swap3A_577 = arith.index_cast %select_n3A_521 : i32 to index
          %swap3A_578 = arith.index_cast %mul3A_539 : i32 to index
          %swap3A_579 = tpu.vector_load %swap3A_575[%swap3A_576, %swap3A_577, %swap3A_578] {strides = array<i32>} : memref<3x2x80xi32, #tpu.memory_space<vmem>>, vector<16xi32>,
          tpu.vector_store %swap3A_575[%swap3A_576, %swap3A_577, %swap3A_578], %get3A_462 {strides = array<i32>} : memref<3x2x80xi32, #tpu.memory_space<vmem>>, vector<16xi32>,
          %swap3A_580 = arith.constant 1 : i32
          %swap3A_581 = arith.constant 0 : i32
          %swap3A_582 = arith.constant 0 : i32
          %swap3A_583 = arith.constant 0 : i32
          %swap3A_584 = tpu.memref_slice %arg16[%scan3A_37, %swap3A_581, %swap3A_582, %swap3A_583] : memref<2x3x2x80xi32, #tpu.memory_space<vmem>> -> memref<1x3x2x80xi32, #tpu.memory_space<vmem>>
          %swap3A_585 = tpu.memref_squeeze %swap3A_584 : memref<1x3x2x80xi32, #tpu.memory_space<vmem>> -> memref<3x2x80xi32, #tpu.memory_space<vmem>>
          %swap3A_586 = arith.index_cast %swap3A_580 : i32 to index
          %swap3A_587 = arith.index_cast %select_n3A_521 : i32 to index
          %swap3A_588 = arith.index_cast %mul3A_539 : i32 to index
          %swap3A_589 = tpu.vector_load %swap3A_585[%swap3A_586, %swap3A_587, %swap3A_588] {strides = array<i32>} : memref<3x2x80xi32, #tpu.memory_space<vmem>>, vector<16xi32>,
          tpu.vector_store %swap3A_585[%swap3A_586, %swap3A_587, %swap3A_588], %select_n3A_500 {strides = array<i32>} : memref<3x2x80xi32, #tpu.memory_space<vmem>>, vector<16xi32>,
          %bitcast3A_590 = vector.bitcast %sub3A : vector<16xf32> to vector<16xi32>
          %swap3A_591 = arith.constant 2 : i32
          %swap3A_592 = arith.constant 0 : i32
          %swap3A_593 = arith.constant 0 : i32
          %swap3A_594 = arith.constant 0 : i32
          %swap3A_595 = tpu.memref_slice %arg16[%scan3A_37, %swap3A_592, %swap3A_593, %swap3A_594] : memref<2x3x2x80xi32, #tpu.memory_space<vmem>> -> memref<1x3x2x80xi32, #tpu.memory_space<vmem>>
          %swap3A_596 = tpu.memref_squeeze %swap3A_595 : memref<1x3x2x80xi32, #tpu.memory_space<vmem>> -> memref<3x2x80xi32, #tpu.memory_space<vmem>>
          %swap3A_597 = arith.index_cast %swap3A_591 : i32 to index
          %swap3A_598 = arith.index_cast %select_n3A_521 : i32 to index
          %swap3A_599 = arith.index_cast %mul3A_539 : i32 to index
          %swap3A_600 = tpu.vector_load %swap3A_596[%swap3A_597, %swap3A_598, %swap3A_599] {strides = array<i32>} : memref<3x2x80xi32, #tpu.memory_space<vmem>>, vector<16xi32>,
          tpu.vector_store %swap3A_596[%swap3A_597, %swap3A_598, %swap3A_599], %bitcast3A_590 {strides = array<i32>} : memref<3x2x80xi32, #tpu.memory_space<vmem>>, vector<16xi32>,
          %swap3A_601 = arith.constant 0 : i32
          %swap3A_602 = arith.constant 0 : i32
          %swap3A_603 = tpu.memref_slice %arg17[%scan3A_39, %swap3A_601, %swap3A_602] : memref<2x2x80xi32, #tpu.memory_space<vmem>> -> memref<1x2x80xi32, #tpu.memory_space<vmem>>
          %swap3A_604 = tpu.memref_squeeze %swap3A_603 : memref<1x2x80xi32, #tpu.memory_space<vmem>> -> memref<2x80xi32, #tpu.memory_space<vmem>>
          %swap3A_605 = arith.index_cast %select_n3A_521 : i32 to index
          %swap3A_606 = arith.index_cast %mul3A_539 : i32 to index
          %swap3A_607 = tpu.vector_load %swap3A_604[%swap3A_605, %swap3A_606] {strides = array<i32>} : memref<2x80xi32, #tpu.memory_space<vmem>>, vector<16xi32>,
          tpu.vector_store %swap3A_604[%swap3A_605, %swap3A_606], %get3A_455 {strides = array<i32>} : memref<2x80xi32, #tpu.memory_space<vmem>>, vector<16xi32>,
          %swap3A_608 = arith.constant 0 : i32
          %swap3A_609 = arith.constant 0 : i32
          %swap3A_610 = tpu.memref_slice %arg18[%scan3A_38, %swap3A_608, %swap3A_609] : memref<2x2x80xf32, #tpu.memory_space<vmem>> -> memref<1x2x80xf32, #tpu.memory_space<vmem>>
          %swap3A_611 = tpu.memref_squeeze %swap3A_610 : memref<1x2x80xf32, #tpu.memory_space<vmem>> -> memref<2x80xf32, #tpu.memory_space<vmem>>
          %swap3A_612 = arith.index_cast %select_n3A_521 : i32 to index
          %swap3A_613 = arith.index_cast %mul3A_539 : i32 to index
          %swap3A_614 = tpu.vector_load %swap3A_611[%swap3A_612, %swap3A_613] {strides = array<i32>} : memref<2x80xf32, #tpu.memory_space<vmem>>, vector<16xf32>,
          tpu.vector_store %swap3A_611[%swap3A_612, %swap3A_613], %exp3A {strides = array<i32>} : memref<2x80xf32, #tpu.memory_space<vmem>>, vector<16xf32>,
          %scan3A_615 = arith.constant 0 : i32
          scf.yield %scan3A_615 : i32
        }
        %scan3A_336 = arith.constant 10 : i32
        %mul3A_337 = arith.constant 32 : i32
        %mul3A_338 = arith.muli %scan3A_281, %mul3A_337 : i32
        %add3A_339 = arith.addi %add3A, %mul3A_338 : i32
        %dma_start3A_340 = arith.constant 0 : i32
        %dma_start3A_341 = arith.constant 0 : i32
        %dma_start3A_342 = arith.constant 0 : i32
        %dma_start3A_343 = arith.constant 0 : i32
        %dma_start3A_344 = tpu.memref_slice %arg15[%scan3A, %dma_start3A_341, %dma_start3A_342, %dma_start3A_343] : memref<2x3x2x80xi32, #tpu.memory_space<vmem>> -> memref<1x3x2x80xi32, #tpu.memory_space<vmem>>
        %dma_start3A_345 = tpu.memref_squeeze %dma_start3A_344 : memref<1x3x2x80xi32, #tpu.memory_space<vmem>> -> memref<3x2x80xi32, #tpu.memory_space<vmem>>
        %dma_start3A_346 = arith.constant 0 : i32
        %dma_start3A_347 = arith.constant 0 : i32
        %dma_start3A_348 = arith.constant 0 : i32
        %dma_start3A_349 = arith.constant 0 : i32
        %dma_start3A_350 = tpu.memref_slice %arg8[%dma_start3A_340, %dma_start3A_346, %dma_start3A_347, %dma_start3A_348, %dma_start3A_349] : memref<2x10000x3x2x80xi32, #tpu.memory_space<hbm>> -> memref<1x10000x3x2x80xi32, #tpu.memory_space<hbm>>
        %dma_start3A_351 = tpu.memref_squeeze %dma_start3A_350 : memref<1x10000x3x2x80xi32, #tpu.memory_space<hbm>> -> memref<10000x3x2x80xi32, #tpu.memory_space<hbm>>
        %dma_start3A_352 = arith.constant 0 : i32
        %dma_start3A_353 = arith.constant 0 : i32
        %dma_start3A_354 = arith.constant 0 : i32
        %dma_start3A_355 = tpu.memref_slice %dma_start3A_351[%add3A_339, %dma_start3A_352, %dma_start3A_353, %dma_start3A_354] : memref<10000x3x2x80xi32, #tpu.memory_space<hbm>> -> memref<1x3x2x80xi32, #tpu.memory_space<hbm>>
        %dma_start3A_356 = tpu.memref_squeeze %dma_start3A_355 : memref<1x3x2x80xi32, #tpu.memory_space<hbm>> -> memref<3x2x80xi32, #tpu.memory_space<hbm>>
        %dma_start3A_357 = arith.constant 0 : i32
        %dma_start3A_358 = arith.constant 0 : i32
        %dma_start3A_359 = arith.constant 0 : i32
        %dma_start3A_360 = arith.constant 0 : i32
        %dma_start3A_361 = tpu.memref_slice %arg8[%dma_start3A_340, %dma_start3A_357, %dma_start3A_358, %dma_start3A_359, %dma_start3A_360] : memref<2x10000x3x2x80xi32, #tpu.memory_space<hbm>> -> memref<1x10000x3x2x80xi32, #tpu.memory_space<hbm>>
        %dma_start3A_362 = tpu.memref_squeeze %dma_start3A_361 : memref<1x10000x3x2x80xi32, #tpu.memory_space<hbm>> -> memref<10000x3x2x80xi32, #tpu.memory_space<hbm>>
        %dma_start3A_363 = arith.constant 0 : i32
        %dma_start3A_364 = arith.constant 0 : i32
        %dma_start3A_365 = arith.constant 0 : i32
        %dma_start3A_366 = tpu.memref_slice %dma_start3A_362[%add3A_339, %dma_start3A_363, %dma_start3A_364, %dma_start3A_365] : memref<10000x3x2x80xi32, #tpu.memory_space<hbm>> -> memref<1x3x2x80xi32, #tpu.memory_space<hbm>>
        %dma_start3A_367 = tpu.memref_squeeze %dma_start3A_366 : memref<1x3x2x80xi32, #tpu.memory_space<hbm>> -> memref<3x2x80xi32, #tpu.memory_space<hbm>>
        %dma_start3A_368 = arith.constant 0 : i32
        %dma_start3A_369 = arith.constant 0 : i32
        %dma_start3A_370 = arith.constant 0 : i32
        %dma_start3A_371 = tpu.memref_slice %arg15[%scan3A, %dma_start3A_368, %dma_start3A_369, %dma_start3A_370] : memref<2x3x2x80xi32, #tpu.memory_space<vmem>> -> memref<1x3x2x80xi32, #tpu.memory_space<vmem>>
        %dma_start3A_372 = tpu.memref_squeeze %dma_start3A_371 : memref<1x3x2x80xi32, #tpu.memory_space<vmem>> -> memref<3x2x80xi32, #tpu.memory_space<vmem>>
        tpu.enqueue_dma source(%dma_start3A_372 : memref<3x2x80xi32, #tpu.memory_space<vmem>>) target(%dma_start3A_367 : memref<3x2x80xi32, #tpu.memory_space<hbm>>) target_semaphore(%arg22 : memref<!tpu.dma_semaphore, #tpu.memory_space<semaphore_mem>>)
        %dma_start3A_373 = arith.constant 1 : i32
        %dma_start3A_374 = arith.constant 0 : i32
        %dma_start3A_375 = arith.constant 0 : i32
        %dma_start3A_376 = arith.constant 0 : i32
        %dma_start3A_377 = tpu.memref_slice %arg16[%scan3A_37, %dma_start3A_374, %dma_start3A_375, %dma_start3A_376] : memref<2x3x2x80xi32, #tpu.memory_space<vmem>> -> memref<1x3x2x80xi32, #tpu.memory_space<vmem>>
        %dma_start3A_378 = tpu.memref_squeeze %dma_start3A_377 : memref<1x3x2x80xi32, #tpu.memory_space<vmem>> -> memref<3x2x80xi32, #tpu.memory_space<vmem>>
        %dma_start3A_379 = arith.constant 0 : i32
        %dma_start3A_380 = arith.constant 0 : i32
        %dma_start3A_381 = arith.constant 0 : i32
        %dma_start3A_382 = arith.constant 0 : i32
        %dma_start3A_383 = tpu.memref_slice %arg8[%dma_start3A_373, %dma_start3A_379, %dma_start3A_380, %dma_start3A_381, %dma_start3A_382] : memref<2x10000x3x2x80xi32, #tpu.memory_space<hbm>> -> memref<1x10000x3x2x80xi32, #tpu.memory_space<hbm>>
        %dma_start3A_384 = tpu.memref_squeeze %dma_start3A_383 : memref<1x10000x3x2x80xi32, #tpu.memory_space<hbm>> -> memref<10000x3x2x80xi32, #tpu.memory_space<hbm>>
        %dma_start3A_385 = arith.constant 0 : i32
        %dma_start3A_386 = arith.constant 0 : i32
        %dma_start3A_387 = arith.constant 0 : i32
        %dma_start3A_388 = tpu.memref_slice %dma_start3A_384[%add3A_339, %dma_start3A_385, %dma_start3A_386, %dma_start3A_387] : memref<10000x3x2x80xi32, #tpu.memory_space<hbm>> -> memref<1x3x2x80xi32, #tpu.memory_space<hbm>>
        %dma_start3A_389 = tpu.memref_squeeze %dma_start3A_388 : memref<1x3x2x80xi32, #tpu.memory_space<hbm>> -> memref<3x2x80xi32, #tpu.memory_space<hbm>>
        %dma_start3A_390 = arith.constant 0 : i32
        %dma_start3A_391 = arith.constant 0 : i32
        %dma_start3A_392 = arith.constant 0 : i32
        %dma_start3A_393 = arith.constant 0 : i32
        %dma_start3A_394 = tpu.memref_slice %arg8[%dma_start3A_373, %dma_start3A_390, %dma_start3A_391, %dma_start3A_392, %dma_start3A_393] : memref<2x10000x3x2x80xi32, #tpu.memory_space<hbm>> -> memref<1x10000x3x2x80xi32, #tpu.memory_space<hbm>>
        %dma_start3A_395 = tpu.memref_squeeze %dma_start3A_394 : memref<1x10000x3x2x80xi32, #tpu.memory_space<hbm>> -> memref<10000x3x2x80xi32, #tpu.memory_space<hbm>>
        %dma_start3A_396 = arith.constant 0 : i32
        %dma_start3A_397 = arith.constant 0 : i32
        %dma_start3A_398 = arith.constant 0 : i32
        %dma_start3A_399 = tpu.memref_slice %dma_start3A_395[%add3A_339, %dma_start3A_396, %dma_start3A_397, %dma_start3A_398] : memref<10000x3x2x80xi32, #tpu.memory_space<hbm>> -> memref<1x3x2x80xi32, #tpu.memory_space<hbm>>
        %dma_start3A_400 = tpu.memref_squeeze %dma_start3A_399 : memref<1x3x2x80xi32, #tpu.memory_space<hbm>> -> memref<3x2x80xi32, #tpu.memory_space<hbm>>
        %dma_start3A_401 = arith.constant 0 : i32
        %dma_start3A_402 = arith.constant 0 : i32
        %dma_start3A_403 = arith.constant 0 : i32
        %dma_start3A_404 = tpu.memref_slice %arg16[%scan3A_37, %dma_start3A_401, %dma_start3A_402, %dma_start3A_403] : memref<2x3x2x80xi32, #tpu.memory_space<vmem>> -> memref<1x3x2x80xi32, #tpu.memory_space<vmem>>
        %dma_start3A_405 = tpu.memref_squeeze %dma_start3A_404 : memref<1x3x2x80xi32, #tpu.memory_space<vmem>> -> memref<3x2x80xi32, #tpu.memory_space<vmem>>
        tpu.enqueue_dma source(%dma_start3A_405 : memref<3x2x80xi32, #tpu.memory_space<vmem>>) target(%dma_start3A_400 : memref<3x2x80xi32, #tpu.memory_space<hbm>>) target_semaphore(%arg22 : memref<!tpu.dma_semaphore, #tpu.memory_space<semaphore_mem>>)
        %dma_start3A_406 = arith.constant 0 : i32
        %dma_start3A_407 = arith.constant 0 : i32
        %dma_start3A_408 = arith.constant 0 : i32
        %dma_start3A_409 = arith.constant 0 : i32
        %dma_start3A_410 = tpu.memref_slice %arg18[%scan3A_38, %dma_start3A_408, %dma_start3A_409] : memref<2x2x80xf32, #tpu.memory_space<vmem>> -> memref<1x2x80xf32, #tpu.memory_space<vmem>>
        %dma_start3A_411 = tpu.memref_squeeze %dma_start3A_410 : memref<1x2x80xf32, #tpu.memory_space<vmem>> -> memref<2x80xf32, #tpu.memory_space<vmem>>
        %dma_start3A_412 = arith.constant 0 : i32
        %dma_start3A_413 = tpu.memref_slice %dma_start3A_411[%dma_start3A_406, %dma_start3A_412] : memref<2x80xf32, #tpu.memory_space<vmem>> -> memref<1x80xf32, #tpu.memory_space<vmem>>
        %dma_start3A_414 = tpu.memref_squeeze %dma_start3A_413 : memref<1x80xf32, #tpu.memory_space<vmem>> -> memref<80xf32, #tpu.memory_space<vmem>>
        %dma_start3A_415 = arith.constant 0 : i32
        %dma_start3A_416 = arith.constant 0 : i32
        %dma_start3A_417 = tpu.memref_slice %arg17[%scan3A_39, %dma_start3A_415, %dma_start3A_416] : memref<2x2x80xi32, #tpu.memory_space<vmem>> -> memref<1x2x80xi32, #tpu.memory_space<vmem>>
        %dma_start3A_418 = tpu.memref_squeeze %dma_start3A_417 : memref<1x2x80xi32, #tpu.memory_space<vmem>> -> memref<2x80xi32, #tpu.memory_space<vmem>>
        %dma_start3A_419 = arith.constant 0 : i32
        %dma_start3A_420 = tpu.memref_slice %dma_start3A_418[%dma_start3A_407, %dma_start3A_419] : memref<2x80xi32, #tpu.memory_space<vmem>> -> memref<1x80xi32, #tpu.memory_space<vmem>>
        %dma_start3A_421 = tpu.memref_squeeze %dma_start3A_420 : memref<1x80xi32, #tpu.memory_space<vmem>> -> memref<80xi32, #tpu.memory_space<vmem>>
        %dma_start3A_422 = arith.constant 0 : i32
        %dma_start3A_423 = tpu.memref_slice %arg19[%dma_start3A_422] : memref<100096xf32, #tpu.memory_space<vmem_shared>> -> memref<100096xf32, #tpu.memory_space<vmem_shared>>
        tpu.enqueue_indirect_dma source(%dma_start3A_414 : memref<80xf32, #tpu.memory_space<vmem>>) target(%dma_start3A_423 : memref<100096xf32, #tpu.memory_space<vmem_shared>>) offsets(%dma_start3A_421 : memref<80xi32, #tpu.memory_space<vmem>>) semaphore(%arg24 : memref<!tpu.dma_semaphore, #tpu.memory_space<semaphore_mem>>) {add = true}
        %dma_start3A_424 = arith.constant 1 : i32
        %dma_start3A_425 = arith.constant 1 : i32
        %dma_start3A_426 = arith.constant 0 : i32
        %dma_start3A_427 = arith.constant 0 : i32
        %dma_start3A_428 = tpu.memref_slice %arg18[%scan3A_38, %dma_start3A_426, %dma_start3A_427] : memref<2x2x80xf32, #tpu.memory_space<vmem>> -> memref<1x2x80xf32, #tpu.memory_space<vmem>>
        %dma_start3A_429 = tpu.memref_squeeze %dma_start3A_428 : memref<1x2x80xf32, #tpu.memory_space<vmem>> -> memref<2x80xf32, #tpu.memory_space<vmem>>
        %dma_start3A_430 = arith.constant 0 : i32
        %dma_start3A_431 = tpu.memref_slice %dma_start3A_429[%dma_start3A_424, %dma_start3A_430] : memref<2x80xf32, #tpu.memory_space<vmem>> -> memref<1x80xf32, #tpu.memory_space<vmem>>
        %dma_start3A_432 = tpu.memref_squeeze %dma_start3A_431 : memref<1x80xf32, #tpu.memory_space<vmem>> -> memref<80xf32, #tpu.memory_space<vmem>>
        %dma_start3A_433 = arith.constant 0 : i32
        %dma_start3A_434 = arith.constant 0 : i32
        %dma_start3A_435 = tpu.memref_slice %arg17[%scan3A_39, %dma_start3A_433, %dma_start3A_434] : memref<2x2x80xi32, #tpu.memory_space<vmem>> -> memref<1x2x80xi32, #tpu.memory_space<vmem>>
        %dma_start3A_436 = tpu.memref_squeeze %dma_start3A_435 : memref<1x2x80xi32, #tpu.memory_space<vmem>> -> memref<2x80xi32, #tpu.memory_space<vmem>>
        %dma_start3A_437 = arith.constant 0 : i32
        %dma_start3A_438 = tpu.memref_slice %dma_start3A_436[%dma_start3A_425, %dma_start3A_437] : memref<2x80xi32, #tpu.memory_space<vmem>> -> memref<1x80xi32, #tpu.memory_space<vmem>>
        %dma_start3A_439 = tpu.memref_squeeze %dma_start3A_438 : memref<1x80xi32, #tpu.memory_space<vmem>> -> memref<80xi32, #tpu.memory_space<vmem>>
        %dma_start3A_440 = arith.constant 0 : i32
        %dma_start3A_441 = tpu.memref_slice %arg19[%dma_start3A_440] : memref<100096xf32, #tpu.memory_space<vmem_shared>> -> memref<100096xf32, #tpu.memory_space<vmem_shared>>
        tpu.enqueue_indirect_dma source(%dma_start3A_432 : memref<80xf32, #tpu.memory_space<vmem>>) target(%dma_start3A_441 : memref<100096xf32, #tpu.memory_space<vmem_shared>>) offsets(%dma_start3A_439 : memref<80xi32, #tpu.memory_space<vmem>>) semaphore(%arg24 : memref<!tpu.dma_semaphore, #tpu.memory_space<semaphore_mem>>) {add = true}
        %add3A_442 = arith.constant 1 : i32
        %add3A_443 = arith.addi %scan3A_281, %add3A_442 : i32
        %lt3A_444 = arith.cmpi slt, %add3A_443, %select_n3A : i32
        %convert_element_type3A_445 = arith.extui %lt3A_444 : i1 to i32
        %cond3A_446 = arith.constant 0 : i32
        %cond3A_447 = arith.cmpi ne, %convert_element_type3A_445, %cond3A_446 : i32
        scf.if %cond3A_447 {
          %add3A_448 = arith.constant 1 : i32
          %add3A_449 = arith.addi %scan3A_281, %add3A_448 : i32
          %mul3A_450 = arith.constant 32 : i32
          %mul3A_451 = arith.muli %add3A_449, %mul3A_450 : i32
          %add3A_452 = arith.addi %add3A, %mul3A_451 : i32
          %mul3A_453 = arith.constant 160 : i32
          %mul3A_454 = arith.muli %add3A_452, %mul3A_453 : i32
          %dma_start3A_455 = arith.constant 0 : i32
          %dma_start3A_456 = tpu.memref_slice %arg12[%scan3A_43, %dma_start3A_455] : memref<2x160xi32, #tpu.memory_space<vmem>> -> memref<1x160xi32, #tpu.memory_space<vmem>>
          %dma_start3A_457 = tpu.memref_squeeze %dma_start3A_456 : memref<1x160xi32, #tpu.memory_space<vmem>> -> memref<160xi32, #tpu.memory_space<vmem>>
          %dma_start3A_458 = tpu.memref_slice %arg2[%mul3A_454] : memref<1600000xi32, #tpu.memory_space<hbm>> -> memref<160xi32, #tpu.memory_space<hbm>>
          %dma_start3A_459 = arith.constant 0 : i32
          %dma_start3A_460 = tpu.memref_slice %arg12[%scan3A_43, %dma_start3A_459] : memref<2x160xi32, #tpu.memory_space<vmem>> -> memref<1x160xi32, #tpu.memory_space<vmem>>
          %dma_start3A_461 = tpu.memref_squeeze %dma_start3A_460 : memref<1x160xi32, #tpu.memory_space<vmem>> -> memref<160xi32, #tpu.memory_space<vmem>>
          %dma_start3A_462 = tpu.memref_slice %arg2[%mul3A_454] : memref<1600000xi32, #tpu.memory_space<hbm>> -> memref<160xi32, #tpu.memory_space<hbm>>
          tpu.enqueue_dma source(%dma_start3A_462 : memref<160xi32, #tpu.memory_space<hbm>>) target(%dma_start3A_461 : memref<160xi32, #tpu.memory_space<vmem>>) target_semaphore(%arg21 : memref<!tpu.dma_semaphore, #tpu.memory_space<semaphore_mem>>)
          %dma_start3A_463 = arith.constant 0 : i32
          %dma_start3A_464 = tpu.memref_slice %arg13[%scan3A_44, %dma_start3A_463] : memref<2x160xi32, #tpu.memory_space<vmem>> -> memref<1x160xi32, #tpu.memory_space<vmem>>
          %dma_start3A_465 = tpu.memref_squeeze %dma_start3A_464 : memref<1x160xi32, #tpu.memory_space<vmem>> -> memref<160xi32, #tpu.memory_space<vmem>>
          %dma_start3A_466 = tpu.memref_slice %arg3[%mul3A_454] : memref<1600000xi32, #tpu.memory_space<hbm>> -> memref<160xi32, #tpu.memory_space<hbm>>
          %dma_start3A_467 = arith.constant 0 : i32
          %dma_start3A_468 = tpu.memref_slice %arg13[%scan3A_44, %dma_start3A_467] : memref<2x160xi32, #tpu.memory_space<vmem>> -> memref<1x160xi32, #tpu.memory_space<vmem>>
          %dma_start3A_469 = tpu.memref_squeeze %dma_start3A_468 : memref<1x160xi32, #tpu.memory_space<vmem>> -> memref<160xi32, #tpu.memory_space<vmem>>
          %dma_start3A_470 = tpu.memref_slice %arg3[%mul3A_454] : memref<1600000xi32, #tpu.memory_space<hbm>> -> memref<160xi32, #tpu.memory_space<hbm>>
          tpu.enqueue_dma source(%dma_start3A_470 : memref<160xi32, #tpu.memory_space<hbm>>) target(%dma_start3A_469 : memref<160xi32, #tpu.memory_space<vmem>>) target_semaphore(%arg21 : memref<!tpu.dma_semaphore, #tpu.memory_space<semaphore_mem>>)
          %dma_start3A_471 = arith.constant 0 : i32
          %dma_start3A_472 = tpu.memref_slice %arg14[%scan3A_45, %dma_start3A_471] : memref<2x160xi32, #tpu.memory_space<vmem>> -> memref<1x160xi32, #tpu.memory_space<vmem>>
          %dma_start3A_473 = tpu.memref_squeeze %dma_start3A_472 : memref<1x160xi32, #tpu.memory_space<vmem>> -> memref<160xi32, #tpu.memory_space<vmem>>
          %dma_start3A_474 = tpu.memref_slice %arg4[%mul3A_454] : memref<1600000xi32, #tpu.memory_space<hbm>> -> memref<160xi32, #tpu.memory_space<hbm>>
          %dma_start3A_475 = arith.constant 0 : i32
          %dma_start3A_476 = tpu.memref_slice %arg14[%scan3A_45, %dma_start3A_475] : memref<2x160xi32, #tpu.memory_space<vmem>> -> memref<1x160xi32, #tpu.memory_space<vmem>>
          %dma_start3A_477 = tpu.memref_squeeze %dma_start3A_476 : memref<1x160xi32, #tpu.memory_space<vmem>> -> memref<160xi32, #tpu.memory_space<vmem>>
          %dma_start3A_478 = tpu.memref_slice %arg4[%mul3A_454] : memref<1600000xi32, #tpu.memory_space<hbm>> -> memref<160xi32, #tpu.memory_space<hbm>>
          tpu.enqueue_dma source(%dma_start3A_478 : memref<160xi32, #tpu.memory_space<hbm>>) target(%dma_start3A_477 : memref<160xi32, #tpu.memory_space<vmem>>) target_semaphore(%arg21 : memref<!tpu.dma_semaphore, #tpu.memory_space<semaphore_mem>>)
        } else {
        }
      } else {
      }
      %rem3A_287 = arith.constant 2 : i32
      %rem3A_288 = arith.remsi %scan3A_281, %rem3A_287 : i32
      %eq3A_289 = arith.constant 1 : i32
      %eq3A_290 = arith.cmpi eq, %rem3A_288, %eq3A_289 : i32
      %lt3A_291 = arith.cmpi slt, %scan3A_281, %select_n3A : i32
      %and3A_292 = arith.andi %eq3A_290, %lt3A_291 : i1
      %convert_element_type3A_293 = arith.extui %and3A_292 : i1 to i32
      %cond3A_294 = arith.constant 0 : i32
      %cond3A_295 = arith.cmpi ne, %convert_element_type3A_293, %cond3A_294 : i32
      scf.if %cond3A_295 {
        %ge3A = arith.constant 2 : i32
        %ge3A_297 = arith.cmpi sge, %scan3A_281, %ge3A : i32
        %convert_element_type3A_298 = arith.extui %ge3A_297 : i1 to i32
        %cond3A_299 = arith.constant 0 : i32
        %cond3A_300 = arith.cmpi ne, %convert_element_type3A_298, %cond3A_299 : i32
        scf.if %cond3A_300 {
          %mul3A_448 = arith.constant 32 : i32
          %mul3A_449 = arith.muli %scan3A_281, %mul3A_448 : i32
          %add3A_450 = arith.addi %add3A, %mul3A_449 : i32
          %dma_wait3A_451 = arith.constant 0 : i32
          %dma_wait3A_452 = arith.constant 0 : i32
          %dma_wait3A_453 = arith.constant 0 : i32
          %dma_wait3A_454 = arith.constant 0 : i32
          %dma_wait3A_455 = tpu.memref_slice %arg15[%scan3A_46, %dma_wait3A_452, %dma_wait3A_453, %dma_wait3A_454] : memref<2x3x2x80xi32, #tpu.memory_space<vmem>> -> memref<1x3x2x80xi32, #tpu.memory_space<vmem>>
          %dma_wait3A_456 = tpu.memref_squeeze %dma_wait3A_455 : memref<1x3x2x80xi32, #tpu.memory_space<vmem>> -> memref<3x2x80xi32, #tpu.memory_space<vmem>>
          %dma_wait3A_457 = arith.constant 0 : i32
          %dma_wait3A_458 = arith.constant 0 : i32
          %dma_wait3A_459 = arith.constant 0 : i32
          %dma_wait3A_460 = arith.constant 0 : i32
          %dma_wait3A_461 = tpu.memref_slice %arg8[%dma_wait3A_451, %dma_wait3A_457, %dma_wait3A_458, %dma_wait3A_459, %dma_wait3A_460] : memref<2x10000x3x2x80xi32, #tpu.memory_space<hbm>> -> memref<1x10000x3x2x80xi32, #tpu.memory_space<hbm>>
          %dma_wait3A_462 = tpu.memref_squeeze %dma_wait3A_461 : memref<1x10000x3x2x80xi32, #tpu.memory_space<hbm>> -> memref<10000x3x2x80xi32, #tpu.memory_space<hbm>>
          %dma_wait3A_463 = arith.constant 0 : i32
          %dma_wait3A_464 = arith.constant 0 : i32
          %dma_wait3A_465 = arith.constant 0 : i32
          %dma_wait3A_466 = tpu.memref_slice %dma_wait3A_462[%add3A_450, %dma_wait3A_463, %dma_wait3A_464, %dma_wait3A_465] : memref<10000x3x2x80xi32, #tpu.memory_space<hbm>> -> memref<1x3x2x80xi32, #tpu.memory_space<hbm>>
          %dma_wait3A_467 = tpu.memref_squeeze %dma_wait3A_466 : memref<1x3x2x80xi32, #tpu.memory_space<hbm>> -> memref<3x2x80xi32, #tpu.memory_space<hbm>>
          %dma_wait3A_468 = arith.constant 0 : i32
          %dma_wait3A_469 = arith.constant 0 : i32
          %dma_wait3A_470 = arith.constant 0 : i32
          %dma_wait3A_471 = arith.constant 0 : i32
          %dma_wait3A_472 = tpu.memref_slice %arg8[%dma_wait3A_451, %dma_wait3A_468, %dma_wait3A_469, %dma_wait3A_470, %dma_wait3A_471] : memref<2x10000x3x2x80xi32, #tpu.memory_space<hbm>> -> memref<1x10000x3x2x80xi32, #tpu.memory_space<hbm>>
          %dma_wait3A_473 = tpu.memref_squeeze %dma_wait3A_472 : memref<1x10000x3x2x80xi32, #tpu.memory_space<hbm>> -> memref<10000x3x2x80xi32, #tpu.memory_space<hbm>>
          %dma_wait3A_474 = arith.constant 0 : i32
          %dma_wait3A_475 = arith.constant 0 : i32
          %dma_wait3A_476 = arith.constant 0 : i32
          %dma_wait3A_477 = tpu.memref_slice %dma_wait3A_473[%add3A_450, %dma_wait3A_474, %dma_wait3A_475, %dma_wait3A_476] : memref<10000x3x2x80xi32, #tpu.memory_space<hbm>> -> memref<1x3x2x80xi32, #tpu.memory_space<hbm>>
          %dma_wait3A_478 = tpu.memref_squeeze %dma_wait3A_477 : memref<1x3x2x80xi32, #tpu.memory_space<hbm>> -> memref<3x2x80xi32, #tpu.memory_space<hbm>>
          %dma_wait3A_479 = arith.constant 0 : i32
          %dma_wait3A_480 = arith.constant 0 : i32
          %dma_wait3A_481 = arith.constant 0 : i32
          %dma_wait3A_482 = tpu.memref_slice %arg15[%scan3A_46, %dma_wait3A_479, %dma_wait3A_480, %dma_wait3A_481] : memref<2x3x2x80xi32, #tpu.memory_space<vmem>> -> memref<1x3x2x80xi32, #tpu.memory_space<vmem>>
          %dma_wait3A_483 = tpu.memref_squeeze %dma_wait3A_482 : memref<1x3x2x80xi32, #tpu.memory_space<vmem>> -> memref<3x2x80xi32, #tpu.memory_space<vmem>>
          tpu.wait_dma2 semaphore(%arg23 : memref<!tpu.dma_semaphore, #tpu.memory_space<semaphore_mem>>) src(%dma_wait3A_483 : memref<3x2x80xi32, #tpu.memory_space<vmem>>) dst(%dma_wait3A_478 : memref<3x2x80xi32, #tpu.memory_space<hbm>>)
          %dma_wait3A_484 = arith.constant 1 : i32
          %dma_wait3A_485 = arith.constant 0 : i32
          %dma_wait3A_486 = arith.constant 0 : i32
          %dma_wait3A_487 = arith.constant 0 : i32
          %dma_wait3A_488 = tpu.memref_slice %arg16[%scan3A_47, %dma_wait3A_485, %dma_wait3A_486, %dma_wait3A_487] : memref<2x3x2x80xi32, #tpu.memory_space<vmem>> -> memref<1x3x2x80xi32, #tpu.memory_space<vmem>>
          %dma_wait3A_489 = tpu.memref_squeeze %dma_wait3A_488 : memref<1x3x2x80xi32, #tpu.memory_space<vmem>> -> memref<3x2x80xi32, #tpu.memory_space<vmem>>
          %dma_wait3A_490 = arith.constant 0 : i32
          %dma_wait3A_491 = arith.constant 0 : i32
          %dma_wait3A_492 = arith.constant 0 : i32
          %dma_wait3A_493 = arith.constant 0 : i32
          %dma_wait3A_494 = tpu.memref_slice %arg8[%dma_wait3A_484, %dma_wait3A_490, %dma_wait3A_491, %dma_wait3A_492, %dma_wait3A_493] : memref<2x10000x3x2x80xi32, #tpu.memory_space<hbm>> -> memref<1x10000x3x2x80xi32, #tpu.memory_space<hbm>>
          %dma_wait3A_495 = tpu.memref_squeeze %dma_wait3A_494 : memref<1x10000x3x2x80xi32, #tpu.memory_space<hbm>> -> memref<10000x3x2x80xi32, #tpu.memory_space<hbm>>
          %dma_wait3A_496 = arith.constant 0 : i32
          %dma_wait3A_497 = arith.constant 0 : i32
          %dma_wait3A_498 = arith.constant 0 : i32
          %dma_wait3A_499 = tpu.memref_slice %dma_wait3A_495[%add3A_450, %dma_wait3A_496, %dma_wait3A_497, %dma_wait3A_498] : memref<10000x3x2x80xi32, #tpu.memory_space<hbm>> -> memref<1x3x2x80xi32, #tpu.memory_space<hbm>>
          %dma_wait3A_500 = tpu.memref_squeeze %dma_wait3A_499 : memref<1x3x2x80xi32, #tpu.memory_space<hbm>> -> memref<3x2x80xi32, #tpu.memory_space<hbm>>
          %dma_wait3A_501 = arith.constant 0 : i32
          %dma_wait3A_502 = arith.constant 0 : i32
          %dma_wait3A_503 = arith.constant 0 : i32
          %dma_wait3A_504 = arith.constant 0 : i32
          %dma_wait3A_505 = tpu.memref_slice %arg8[%dma_wait3A_484, %dma_wait3A_501, %dma_wait3A_502, %dma_wait3A_503, %dma_wait3A_504] : memref<2x10000x3x2x80xi32, #tpu.memory_space<hbm>> -> memref<1x10000x3x2x80xi32, #tpu.memory_space<hbm>>
          %dma_wait3A_506 = tpu.memref_squeeze %dma_wait3A_505 : memref<1x10000x3x2x80xi32, #tpu.memory_space<hbm>> -> memref<10000x3x2x80xi32, #tpu.memory_space<hbm>>
          %dma_wait3A_507 = arith.constant 0 : i32
          %dma_wait3A_508 = arith.constant 0 : i32
          %dma_wait3A_509 = arith.constant 0 : i32
          %dma_wait3A_510 = tpu.memref_slice %dma_wait3A_506[%add3A_450, %dma_wait3A_507, %dma_wait3A_508, %dma_wait3A_509] : memref<10000x3x2x80xi32, #tpu.memory_space<hbm>> -> memref<1x3x2x80xi32, #tpu.memory_space<hbm>>
          %dma_wait3A_511 = tpu.memref_squeeze %dma_wait3A_510 : memref<1x3x2x80xi32, #tpu.memory_space<hbm>> -> memref<3x2x80xi32, #tpu.memory_space<hbm>>
          %dma_wait3A_512 = arith.constant 0 : i32
          %dma_wait3A_513 = arith.constant 0 : i32
          %dma_wait3A_514 = arith.constant 0 : i32
          %dma_wait3A_515 = tpu.memref_slice %arg16[%scan3A_47, %dma_wait3A_512, %dma_wait3A_513, %dma_wait3A_514] : memref<2x3x2x80xi32, #tpu.memory_space<vmem>> -> memref<1x3x2x80xi32, #tpu.memory_space<vmem>>
          %dma_wait3A_516 = tpu.memref_squeeze %dma_wait3A_515 : memref<1x3x2x80xi32, #tpu.memory_space<vmem>> -> memref<3x2x80xi32, #tpu.memory_space<vmem>>
          tpu.wait_dma2 semaphore(%arg23 : memref<!tpu.dma_semaphore, #tpu.memory_space<semaphore_mem>>) src(%dma_wait3A_516 : memref<3x2x80xi32, #tpu.memory_space<vmem>>) dst(%dma_wait3A_511 : memref<3x2x80xi32, #tpu.memory_space<hbm>>)
          %dma_wait3A_517 = arith.constant 0 : i32
          %dma_wait3A_518 = arith.constant 0 : i32
          %dma_wait3A_519 = arith.constant 0 : i32
          %dma_wait3A_520 = arith.constant 0 : i32
          %dma_wait3A_521 = tpu.memref_slice %arg18[%scan3A_48, %dma_wait3A_519, %dma_wait3A_520] : memref<2x2x80xf32, #tpu.memory_space<vmem>> -> memref<1x2x80xf32, #tpu.memory_space<vmem>>
          %dma_wait3A_522 = tpu.memref_squeeze %dma_wait3A_521 : memref<1x2x80xf32, #tpu.memory_space<vmem>> -> memref<2x80xf32, #tpu.memory_space<vmem>>
          %dma_wait3A_523 = arith.constant 0 : i32
          %dma_wait3A_524 = tpu.memref_slice %dma_wait3A_522[%dma_wait3A_517, %dma_wait3A_523] : memref<2x80xf32, #tpu.memory_space<vmem>> -> memref<1x80xf32, #tpu.memory_space<vmem>>
          %dma_wait3A_525 = tpu.memref_squeeze %dma_wait3A_524 : memref<1x80xf32, #tpu.memory_space<vmem>> -> memref<80xf32, #tpu.memory_space<vmem>>
          %dma_wait3A_526 = arith.constant 0 : i32
          %dma_wait3A_527 = arith.constant 0 : i32
          %dma_wait3A_528 = tpu.memref_slice %arg17[%scan3A_49, %dma_wait3A_526, %dma_wait3A_527] : memref<2x2x80xi32, #tpu.memory_space<vmem>> -> memref<1x2x80xi32, #tpu.memory_space<vmem>>
          %dma_wait3A_529 = tpu.memref_squeeze %dma_wait3A_528 : memref<1x2x80xi32, #tpu.memory_space<vmem>> -> memref<2x80xi32, #tpu.memory_space<vmem>>
          %dma_wait3A_530 = arith.constant 0 : i32
          %dma_wait3A_531 = tpu.memref_slice %dma_wait3A_529[%dma_wait3A_518, %dma_wait3A_530] : memref<2x80xi32, #tpu.memory_space<vmem>> -> memref<1x80xi32, #tpu.memory_space<vmem>>
          %dma_wait3A_532 = tpu.memref_squeeze %dma_wait3A_531 : memref<1x80xi32, #tpu.memory_space<vmem>> -> memref<80xi32, #tpu.memory_space<vmem>>
          %dma_wait3A_533 = arith.constant 0 : i32
          %dma_wait3A_534 = tpu.memref_slice %arg19[%dma_wait3A_533] : memref<100096xf32, #tpu.memory_space<vmem_shared>> -> memref<100096xf32, #tpu.memory_space<vmem_shared>>
          tpu.wait_indirect_dma semaphore(%arg25 : memref<!tpu.dma_semaphore, #tpu.memory_space<semaphore_mem>>) src(%dma_wait3A_525 : memref<80xf32, #tpu.memory_space<vmem>>) dst(%dma_wait3A_534 : memref<100096xf32, #tpu.memory_space<vmem_shared>>)
          %dma_wait3A_535 = arith.constant 1 : i32
          %dma_wait3A_536 = arith.constant 1 : i32
          %dma_wait3A_537 = arith.constant 0 : i32
          %dma_wait3A_538 = arith.constant 0 : i32
          %dma_wait3A_539 = tpu.memref_slice %arg18[%scan3A_48, %dma_wait3A_537, %dma_wait3A_538] : memref<2x2x80xf32, #tpu.memory_space<vmem>> -> memref<1x2x80xf32, #tpu.memory_space<vmem>>
          %dma_wait3A_540 = tpu.memref_squeeze %dma_wait3A_539 : memref<1x2x80xf32, #tpu.memory_space<vmem>> -> memref<2x80xf32, #tpu.memory_space<vmem>>
          %dma_wait3A_541 = arith.constant 0 : i32
          %dma_wait3A_542 = tpu.memref_slice %dma_wait3A_540[%dma_wait3A_535, %dma_wait3A_541] : memref<2x80xf32, #tpu.memory_space<vmem>> -> memref<1x80xf32, #tpu.memory_space<vmem>>
          %dma_wait3A_543 = tpu.memref_squeeze %dma_wait3A_542 : memref<1x80xf32, #tpu.memory_space<vmem>> -> memref<80xf32, #tpu.memory_space<vmem>>
          %dma_wait3A_544 = arith.constant 0 : i32
          %dma_wait3A_545 = arith.constant 0 : i32
          %dma_wait3A_546 = tpu.memref_slice %arg17[%scan3A_49, %dma_wait3A_544, %dma_wait3A_545] : memref<2x2x80xi32, #tpu.memory_space<vmem>> -> memref<1x2x80xi32, #tpu.memory_space<vmem>>
          %dma_wait3A_547 = tpu.memref_squeeze %dma_wait3A_546 : memref<1x2x80xi32, #tpu.memory_space<vmem>> -> memref<2x80xi32, #tpu.memory_space<vmem>>
          %dma_wait3A_548 = arith.constant 0 : i32
          %dma_wait3A_549 = tpu.memref_slice %dma_wait3A_547[%dma_wait3A_536, %dma_wait3A_548] : memref<2x80xi32, #tpu.memory_space<vmem>> -> memref<1x80xi32, #tpu.memory_space<vmem>>
          %dma_wait3A_550 = tpu.memref_squeeze %dma_wait3A_549 : memref<1x80xi32, #tpu.memory_space<vmem>> -> memref<80xi32, #tpu.memory_space<vmem>>
          %dma_wait3A_551 = arith.constant 0 : i32
          %dma_wait3A_552 = tpu.memref_slice %arg19[%dma_wait3A_551] : memref<100096xf32, #tpu.memory_space<vmem_shared>> -> memref<100096xf32, #tpu.memory_space<vmem_shared>>
          tpu.wait_indirect_dma semaphore(%arg25 : memref<!tpu.dma_semaphore, #tpu.memory_space<semaphore_mem>>) src(%dma_wait3A_543 : memref<80xf32, #tpu.memory_space<vmem>>) dst(%dma_wait3A_552 : memref<100096xf32, #tpu.memory_space<vmem_shared>>)
        } else {
        }
        %mul3A_301 = arith.constant 32 : i32
        %mul3A_302 = arith.muli %scan3A_281, %mul3A_301 : i32
        %add3A_303 = arith.addi %add3A, %mul3A_302 : i32
        %mul3A_304 = arith.constant 160 : i32
        %mul3A_305 = arith.muli %add3A_303, %mul3A_304 : i32
        %dma_wait3A_306 = arith.constant 0 : i32
        %dma_wait3A_307 = tpu.memref_slice %arg12[%scan3A_43, %dma_wait3A_306] : memref<2x160xi32, #tpu.memory_space<vmem>> -> memref<1x160xi32, #tpu.memory_space<vmem>>
        %dma_wait3A_308 = tpu.memref_squeeze %dma_wait3A_307 : memref<1x160xi32, #tpu.memory_space<vmem>> -> memref<160xi32, #tpu.memory_space<vmem>>
        %dma_wait3A_309 = tpu.memref_slice %arg2[%mul3A_305] : memref<1600000xi32, #tpu.memory_space<hbm>> -> memref<160xi32, #tpu.memory_space<hbm>>
        %dma_wait3A_310 = arith.constant 0 : i32
        %dma_wait3A_311 = tpu.memref_slice %arg12[%scan3A_43, %dma_wait3A_310] : memref<2x160xi32, #tpu.memory_space<vmem>> -> memref<1x160xi32, #tpu.memory_space<vmem>>
        %dma_wait3A_312 = tpu.memref_squeeze %dma_wait3A_311 : memref<1x160xi32, #tpu.memory_space<vmem>> -> memref<160xi32, #tpu.memory_space<vmem>>
        %dma_wait3A_313 = tpu.memref_slice %arg2[%mul3A_305] : memref<1600000xi32, #tpu.memory_space<hbm>> -> memref<160xi32, #tpu.memory_space<hbm>>
        tpu.wait_dma2 semaphore(%arg21 : memref<!tpu.dma_semaphore, #tpu.memory_space<semaphore_mem>>) src(%dma_wait3A_313 : memref<160xi32, #tpu.memory_space<hbm>>) dst(%dma_wait3A_312 : memref<160xi32, #tpu.memory_space<vmem>>)
        %dma_wait3A_314 = arith.constant 0 : i32
        %dma_wait3A_315 = tpu.memref_slice %arg13[%scan3A_44, %dma_wait3A_314] : memref<2x160xi32, #tpu.memory_space<vmem>> -> memref<1x160xi32, #tpu.memory_space<vmem>>
        %dma_wait3A_316 = tpu.memref_squeeze %dma_wait3A_315 : memref<1x160xi32, #tpu.memory_space<vmem>> -> memref<160xi32, #tpu.memory_space<vmem>>
        %dma_wait3A_317 = tpu.memref_slice %arg3[%mul3A_305] : memref<1600000xi32, #tpu.memory_space<hbm>> -> memref<160xi32, #tpu.memory_space<hbm>>
        %dma_wait3A_318 = arith.constant 0 : i32
        %dma_wait3A_319 = tpu.memref_slice %arg13[%scan3A_44, %dma_wait3A_318] : memref<2x160xi32, #tpu.memory_space<vmem>> -> memref<1x160xi32, #tpu.memory_space<vmem>>
        %dma_wait3A_320 = tpu.memref_squeeze %dma_wait3A_319 : memref<1x160xi32, #tpu.memory_space<vmem>> -> memref<160xi32, #tpu.memory_space<vmem>>
        %dma_wait3A_321 = tpu.memref_slice %arg3[%mul3A_305] : memref<1600000xi32, #tpu.memory_space<hbm>> -> memref<160xi32, #tpu.memory_space<hbm>>
        tpu.wait_dma2 semaphore(%arg21 : memref<!tpu.dma_semaphore, #tpu.memory_space<semaphore_mem>>) src(%dma_wait3A_321 : memref<160xi32, #tpu.memory_space<hbm>>) dst(%dma_wait3A_320 : memref<160xi32, #tpu.memory_space<vmem>>)
        %dma_wait3A_322 = arith.constant 0 : i32
        %dma_wait3A_323 = tpu.memref_slice %arg14[%scan3A_45, %dma_wait3A_322] : memref<2x160xi32, #tpu.memory_space<vmem>> -> memref<1x160xi32, #tpu.memory_space<vmem>>
        %dma_wait3A_324 = tpu.memref_squeeze %dma_wait3A_323 : memref<1x160xi32, #tpu.memory_space<vmem>> -> memref<160xi32, #tpu.memory_space<vmem>>
        %dma_wait3A_325 = tpu.memref_slice %arg4[%mul3A_305] : memref<1600000xi32, #tpu.memory_space<hbm>> -> memref<160xi32, #tpu.memory_space<hbm>>
        %dma_wait3A_326 = arith.constant 0 : i32
        %dma_wait3A_327 = tpu.memref_slice %arg14[%scan3A_45, %dma_wait3A_326] : memref<2x160xi32, #tpu.memory_space<vmem>> -> memref<1x160xi32, #tpu.memory_space<vmem>>
        %dma_wait3A_328 = tpu.memref_squeeze %dma_wait3A_327 : memref<1x160xi32, #tpu.memory_space<vmem>> -> memref<160xi32, #tpu.memory_space<vmem>>
        %dma_wait3A_329 = tpu.memref_slice %arg4[%mul3A_305] : memref<1600000xi32, #tpu.memory_space<hbm>> -> memref<160xi32, #tpu.memory_space<hbm>>
        tpu.wait_dma2 semaphore(%arg21 : memref<!tpu.dma_semaphore, #tpu.memory_space<semaphore_mem>>) src(%dma_wait3A_329 : memref<160xi32, #tpu.memory_space<hbm>>) dst(%dma_wait3A_328 : memref<160xi32, #tpu.memory_space<vmem>>)
        %scan3A_330 = arith.constant 0 : i32
        %scan3A_331 = arith.constant 0 : i32
        %scan3A_332 = arith.constant 10 : i32
        %scan3A_333 = arith.addi %scan3A_331, %scan3A_332 : i32
        %scan3A_334 = arith.constant 1 : i32
        %scan3A_335 = scf.for %scan3A_448 = %scan3A_331 to %scan3A_333 step %scan3A_334 iter_args(%scan3A_449 = %scan3A_330) -> (i32)  : i32 {
          %mul3A_450 = arith.constant 16 : i32
          %mul3A_451 = arith.muli %scan3A_448, %mul3A_450 : i32
          %get3A = arith.constant 0 : i32
          %get3A_452 = tpu.memref_slice %arg12[%scan3A_43, %get3A] : memref<2x160xi32, #tpu.memory_space<vmem>> -> memref<1x160xi32, #tpu.memory_space<vmem>>
          %get3A_453 = tpu.memref_squeeze %get3A_452 : memref<1x160xi32, #tpu.memory_space<vmem>> -> memref<160xi32, #tpu.memory_space<vmem>>
          %get3A_454 = arith.index_cast %mul3A_451 : i32 to index
          %get3A_455 = tpu.vector_load %get3A_453[%get3A_454] {strides = array<i32>} : memref<160xi32, #tpu.memory_space<vmem>>, vector<16xi32>,
          %mul3A_456 = arith.constant 16 : i32
          %mul3A_457 = arith.muli %scan3A_448, %mul3A_456 : i32
          %get3A_458 = arith.constant 0 : i32
          %get3A_459 = tpu.memref_slice %arg13[%scan3A_44, %get3A_458] : memref<2x160xi32, #tpu.memory_space<vmem>> -> memref<1x160xi32, #tpu.memory_space<vmem>>
          %get3A_460 = tpu.memref_squeeze %get3A_459 : memref<1x160xi32, #tpu.memory_space<vmem>> -> memref<160xi32, #tpu.memory_space<vmem>>
          %get3A_461 = arith.index_cast %mul3A_457 : i32 to index
          %get3A_462 = tpu.vector_load %get3A_460[%get3A_461] {strides = array<i32>} : memref<160xi32, #tpu.memory_space<vmem>>, vector<16xi32>,
          %mul3A_463 = arith.constant 16 : i32
          %mul3A_464 = arith.muli %scan3A_448, %mul3A_463 : i32
          %get3A_465 = arith.constant 0 : i32
          %get3A_466 = tpu.memref_slice %arg14[%scan3A_45, %get3A_465] : memref<2x160xi32, #tpu.memory_space<vmem>> -> memref<1x160xi32, #tpu.memory_space<vmem>>
          %get3A_467 = tpu.memref_squeeze %get3A_466 : memref<1x160xi32, #tpu.memory_space<vmem>> -> memref<160xi32, #tpu.memory_space<vmem>>
          %get3A_468 = arith.index_cast %mul3A_464 : i32 to index
          %get3A_469 = tpu.vector_load %get3A_467[%get3A_468] {strides = array<i32>} : memref<160xi32, #tpu.memory_space<vmem>>, vector<16xi32>,
          %gather3A = tpu.vector_load_idx %arg10[%get3A_455] : memref<100000xi32, #tpu.memory_space<vmem>>[vector<16xi32>], vector<16xi32>,
          %gather3A_470 = tpu.vector_load_idx %arg10[%get3A_462] : memref<100000xi32, #tpu.memory_space<vmem>>[vector<16xi32>], vector<16xi32>,
          %gather3A_471 = tpu.vector_load_idx %arg11[%get3A_469] : memref<1000xf32, #tpu.memory_space<vmem>>[vector<16xi32>], vector<16xf32>,
          %shift_left3A = arith.constant 16 : i32
          %shift_left3A_472 = vector.broadcast %shift_left3A : i32 to vector<16xi32>
          %shift_left3A_473 = arith.shli %gather3A, %shift_left3A_472 : vector<16xi32>
          %bitcast3A = vector.bitcast %shift_left3A_473 : vector<16xi32> to vector<16xf32>
          %and3A_474 = arith.constant -65536 : i32
          %and3A_475 = vector.broadcast %and3A_474 : i32 to vector<16xi32>
          %and3A_476 = arith.andi %gather3A_470, %and3A_475 : vector<16xi32>
          %bitcast3A_477 = vector.bitcast %and3A_476 : vector<16xi32> to vector<16xf32>
          %add3A_478 = arith.addf %bitcast3A, %bitcast3A_477 : vector<16xf32>
          %add3A_479 = arith.addf %add3A_478, %gather3A_471 : vector<16xf32>
          %ge3A_480 = arith.constant 0.000000e+00 : f32
          %ge3A_481 = vector.broadcast %ge3A_480 : f32 to vector<16xf32>
          %ge3A_482 = arith.cmpf oge, %add3A_479, %ge3A_481 : vector<16xf32>
          %mul3A_483 = arith.constant 2.000000e-01 : f32
          %mul3A_484 = vector.broadcast %mul3A_483 : f32 to vector<16xf32>
          %mul3A_485 = arith.mulf %mul3A_484, %add3A_479 : vector<16xf32>
          %select_n3A_486 = arith.select %ge3A_482, %add3A_479, %mul3A_485 : vector<16xi1>, vector<16xf32>
          %exp3A = math.exp %select_n3A_486 : vector<16xf32>
          %lt3A_487 = arith.constant 50000 : i32
          %lt3A_488 = vector.broadcast %lt3A_487 : i32 to vector<16xi32>
          %lt3A_489 = arith.cmpi slt, %get3A_455, %lt3A_488 : vector<16xi32>
          %jit3A_490 = arith.constant 0.000000e+00 : f32
          %broadcast_in_dim3A = vector.broadcast %jit3A_490 : f32 to vector<16xf32>
          %select_n3A_491 = arith.select %lt3A_489, %exp3A, %broadcast_in_dim3A : vector<16xi1>, vector<16xf32>
          %sub3A = arith.subf %exp3A, %select_n3A_491 : vector<16xf32>
          %jit3A_492 = arith.constant 50040 : i32
          %broadcast_in_dim3A_493 = vector.broadcast %jit3A_492 : i32 to vector<16xi32>
          %select_n3A_494 = arith.select %lt3A_489, %get3A_455, %broadcast_in_dim3A_493 : vector<16xi1>, vector<16xi32>
          %sub3A_495 = arith.constant 50000 : i32
          %sub3A_496 = vector.broadcast %sub3A_495 : i32 to vector<16xi32>
          %sub3A_497 = arith.subi %get3A_455, %sub3A_496 : vector<16xi32>
          %jit3A_498 = arith.constant 50040 : i32
          %broadcast_in_dim3A_499 = vector.broadcast %jit3A_498 : i32 to vector<16xi32>
          %select_n3A_500 = arith.select %lt3A_489, %broadcast_in_dim3A_499, %sub3A_497 : vector<16xi1>, vector<16xi32>
          %jit3A_501 = arith.constant 5 : i32
          %div3A = arith.divsi %scan3A_448, %jit3A_501 : i32
          %sign3A = arith.constant 0 : i32
          %sign3A_502 = arith.cmpi sgt, %scan3A_448, %sign3A : i32
          %sign3A_503 = arith.extui %sign3A_502 : i1 to i32
          %sign3A_504 = arith.constant 0 : i32
          %sign3A_505 = arith.cmpi slt, %scan3A_448, %sign3A_504 : i32
          %sign3A_506 = arith.extui %sign3A_505 : i1 to i32
          %sign3A_507 = arith.subi %sign3A_503, %sign3A_506 : i32
          %sign3A_508 = arith.constant 0 : i32
          %sign3A_509 = arith.cmpi sgt, %jit3A_501, %sign3A_508 : i32
          %sign3A_510 = arith.extui %sign3A_509 : i1 to i32
          %sign3A_511 = arith.constant 0 : i32
          %sign3A_512 = arith.cmpi slt, %jit3A_501, %sign3A_511 : i32
          %sign3A_513 = arith.extui %sign3A_512 : i1 to i32
          %sign3A_514 = arith.subi %sign3A_510, %sign3A_513 : i32
          %ne3A = arith.cmpi ne, %sign3A_507, %sign3A_514 : i32
          %rem3A_515 = arith.remsi %scan3A_448, %jit3A_501 : i32
          %ne3A_516 = arith.constant 0 : i32
          %ne3A_517 = arith.cmpi ne, %rem3A_515, %ne3A_516 : i32
          %and3A_518 = arith.andi %ne3A, %ne3A_517 : i1
          %sub3A_519 = arith.constant 1 : i32
          %sub3A_520 = arith.subi %div3A, %sub3A_519 : i32
          %select_n3A_521 = arith.select %and3A_518, %sub3A_520, %div3A : i32
          %jit3A_522 = arith.constant 5 : i32
          %eq3A_523 = arith.constant 0 : i32
          %eq3A_524 = arith.cmpi eq, %jit3A_522, %eq3A_523 : i32
          %jit3A_525 = arith.constant 1 : i32
          %select_n3A_526 = arith.select %eq3A_524, %jit3A_525, %jit3A_522 : i32
          %rem3A_527 = arith.remsi %scan3A_448, %select_n3A_526 : i32
          %ne3A_528 = arith.constant 0 : i32
          %ne3A_529 = arith.cmpi ne, %rem3A_527, %ne3A_528 : i32
          %lt3A_530 = arith.constant 0 : i32
          %lt3A_531 = arith.cmpi slt, %rem3A_527, %lt3A_530 : i32
          %lt3A_532 = arith.constant 0 : i32
          %lt3A_533 = arith.cmpi slt, %select_n3A_526, %lt3A_532 : i32
          %ne3A_534 = arith.xori %lt3A_531, %lt3A_533 : i1
          %and3A_535 = arith.andi %ne3A_534, %ne3A_529 : i1
          %add3A_536 = arith.addi %rem3A_527, %select_n3A_526 : i32
          %select_n3A_537 = arith.select %and3A_535, %add3A_536, %rem3A_527 : i32
          %mul3A_538 = arith.constant 16 : i32
          %mul3A_539 = arith.muli %select_n3A_537, %mul3A_538 : i32
          %swap3A = arith.constant 0 : i32
          %swap3A_540 = arith.constant 0 : i32
          %swap3A_541 = arith.constant 0 : i32
          %swap3A_542 = arith.constant 0 : i32
          %swap3A_543 = tpu.memref_slice %arg15[%scan3A_46, %swap3A_540, %swap3A_541, %swap3A_542] : memref<2x3x2x80xi32, #tpu.memory_space<vmem>> -> memref<1x3x2x80xi32, #tpu.memory_space<vmem>>
          %swap3A_544 = tpu.memref_squeeze %swap3A_543 : memref<1x3x2x80xi32, #tpu.memory_space<vmem>> -> memref<3x2x80xi32, #tpu.memory_space<vmem>>
          %swap3A_545 = arith.index_cast %swap3A : i32 to index
          %swap3A_546 = arith.index_cast %select_n3A_521 : i32 to index
          %swap3A_547 = arith.index_cast %mul3A_539 : i32 to index
          %swap3A_548 = tpu.vector_load %swap3A_544[%swap3A_545, %swap3A_546, %swap3A_547] {strides = array<i32>} : memref<3x2x80xi32, #tpu.memory_space<vmem>>, vector<16xi32>,
          tpu.vector_store %swap3A_544[%swap3A_545, %swap3A_546, %swap3A_547], %get3A_462 {strides = array<i32>} : memref<3x2x80xi32, #tpu.memory_space<vmem>>, vector<16xi32>,
          %swap3A_549 = arith.constant 1 : i32
          %swap3A_550 = arith.constant 0 : i32
          %swap3A_551 = arith.constant 0 : i32
          %swap3A_552 = arith.constant 0 : i32
          %swap3A_553 = tpu.memref_slice %arg15[%scan3A_46, %swap3A_550, %swap3A_551, %swap3A_552] : memref<2x3x2x80xi32, #tpu.memory_space<vmem>> -> memref<1x3x2x80xi32, #tpu.memory_space<vmem>>
          %swap3A_554 = tpu.memref_squeeze %swap3A_553 : memref<1x3x2x80xi32, #tpu.memory_space<vmem>> -> memref<3x2x80xi32, #tpu.memory_space<vmem>>
          %swap3A_555 = arith.index_cast %swap3A_549 : i32 to index
          %swap3A_556 = arith.index_cast %select_n3A_521 : i32 to index
          %swap3A_557 = arith.index_cast %mul3A_539 : i32 to index
          %swap3A_558 = tpu.vector_load %swap3A_554[%swap3A_555, %swap3A_556, %swap3A_557] {strides = array<i32>} : memref<3x2x80xi32, #tpu.memory_space<vmem>>, vector<16xi32>,
          tpu.vector_store %swap3A_554[%swap3A_555, %swap3A_556, %swap3A_557], %select_n3A_494 {strides = array<i32>} : memref<3x2x80xi32, #tpu.memory_space<vmem>>, vector<16xi32>,
          %bitcast3A_559 = vector.bitcast %select_n3A_491 : vector<16xf32> to vector<16xi32>
          %swap3A_560 = arith.constant 2 : i32
          %swap3A_561 = arith.constant 0 : i32
          %swap3A_562 = arith.constant 0 : i32
          %swap3A_563 = arith.constant 0 : i32
          %swap3A_564 = tpu.memref_slice %arg15[%scan3A_46, %swap3A_561, %swap3A_562, %swap3A_563] : memref<2x3x2x80xi32, #tpu.memory_space<vmem>> -> memref<1x3x2x80xi32, #tpu.memory_space<vmem>>
          %swap3A_565 = tpu.memref_squeeze %swap3A_564 : memref<1x3x2x80xi32, #tpu.memory_space<vmem>> -> memref<3x2x80xi32, #tpu.memory_space<vmem>>
          %swap3A_566 = arith.index_cast %swap3A_560 : i32 to index
          %swap3A_567 = arith.index_cast %select_n3A_521 : i32 to index
          %swap3A_568 = arith.index_cast %mul3A_539 : i32 to index
          %swap3A_569 = tpu.vector_load %swap3A_565[%swap3A_566, %swap3A_567, %swap3A_568] {strides = array<i32>} : memref<3x2x80xi32, #tpu.memory_space<vmem>>, vector<16xi32>,
          tpu.vector_store %swap3A_565[%swap3A_566, %swap3A_567, %swap3A_568], %bitcast3A_559 {strides = array<i32>} : memref<3x2x80xi32, #tpu.memory_space<vmem>>, vector<16xi32>,
          %swap3A_570 = arith.constant 0 : i32
          %swap3A_571 = arith.constant 0 : i32
          %swap3A_572 = arith.constant 0 : i32
          %swap3A_573 = arith.constant 0 : i32
          %swap3A_574 = tpu.memref_slice %arg16[%scan3A_47, %swap3A_571, %swap3A_572, %swap3A_573] : memref<2x3x2x80xi32, #tpu.memory_space<vmem>> -> memref<1x3x2x80xi32, #tpu.memory_space<vmem>>
          %swap3A_575 = tpu.memref_squeeze %swap3A_574 : memref<1x3x2x80xi32, #tpu.memory_space<vmem>> -> memref<3x2x80xi32, #tpu.memory_space<vmem>>
          %swap3A_576 = arith.index_cast %swap3A_570 : i32 to index
          %swap3A_577 = arith.index_cast %select_n3A_521 : i32 to index
          %swap3A_578 = arith.index_cast %mul3A_539 : i32 to index
          %swap3A_579 = tpu.vector_load %swap3A_575[%swap3A_576, %swap3A_577, %swap3A_578] {strides = array<i32>} : memref<3x2x80xi32, #tpu.memory_space<vmem>>, vector<16xi32>,
          tpu.vector_store %swap3A_575[%swap3A_576, %swap3A_577, %swap3A_578], %get3A_462 {strides = array<i32>} : memref<3x2x80xi32, #tpu.memory_space<vmem>>, vector<16xi32>,
          %swap3A_580 = arith.constant 1 : i32
          %swap3A_581 = arith.constant 0 : i32
          %swap3A_582 = arith.constant 0 : i32
          %swap3A_583 = arith.constant 0 : i32
          %swap3A_584 = tpu.memref_slice %arg16[%scan3A_47, %swap3A_581, %swap3A_582, %swap3A_583] : memref<2x3x2x80xi32, #tpu.memory_space<vmem>> -> memref<1x3x2x80xi32, #tpu.memory_space<vmem>>
          %swap3A_585 = tpu.memref_squeeze %swap3A_584 : memref<1x3x2x80xi32, #tpu.memory_space<vmem>> -> memref<3x2x80xi32, #tpu.memory_space<vmem>>
          %swap3A_586 = arith.index_cast %swap3A_580 : i32 to index
          %swap3A_587 = arith.index_cast %select_n3A_521 : i32 to index
          %swap3A_588 = arith.index_cast %mul3A_539 : i32 to index
          %swap3A_589 = tpu.vector_load %swap3A_585[%swap3A_586, %swap3A_587, %swap3A_588] {strides = array<i32>} : memref<3x2x80xi32, #tpu.memory_space<vmem>>, vector<16xi32>,
          tpu.vector_store %swap3A_585[%swap3A_586, %swap3A_587, %swap3A_588], %select_n3A_500 {strides = array<i32>} : memref<3x2x80xi32, #tpu.memory_space<vmem>>, vector<16xi32>,
          %bitcast3A_590 = vector.bitcast %sub3A : vector<16xf32> to vector<16xi32>
          %swap3A_591 = arith.constant 2 : i32
          %swap3A_592 = arith.constant 0 : i32
          %swap3A_593 = arith.constant 0 : i32
          %swap3A_594 = arith.constant 0 : i32
          %swap3A_595 = tpu.memref_slice %arg16[%scan3A_47, %swap3A_592, %swap3A_593, %swap3A_594] : memref<2x3x2x80xi32, #tpu.memory_space<vmem>> -> memref<1x3x2x80xi32, #tpu.memory_space<vmem>>
          %swap3A_596 = tpu.memref_squeeze %swap3A_595 : memref<1x3x2x80xi32, #tpu.memory_space<vmem>> -> memref<3x2x80xi32, #tpu.memory_space<vmem>>
          %swap3A_597 = arith.index_cast %swap3A_591 : i32 to index
          %swap3A_598 = arith.index_cast %select_n3A_521 : i32 to index
          %swap3A_599 = arith.index_cast %mul3A_539 : i32 to index
          %swap3A_600 = tpu.vector_load %swap3A_596[%swap3A_597, %swap3A_598, %swap3A_599] {strides = array<i32>} : memref<3x2x80xi32, #tpu.memory_space<vmem>>, vector<16xi32>,
          tpu.vector_store %swap3A_596[%swap3A_597, %swap3A_598, %swap3A_599], %bitcast3A_590 {strides = array<i32>} : memref<3x2x80xi32, #tpu.memory_space<vmem>>, vector<16xi32>,
          %swap3A_601 = arith.constant 0 : i32
          %swap3A_602 = arith.constant 0 : i32
          %swap3A_603 = tpu.memref_slice %arg17[%scan3A_49, %swap3A_601, %swap3A_602] : memref<2x2x80xi32, #tpu.memory_space<vmem>> -> memref<1x2x80xi32, #tpu.memory_space<vmem>>
          %swap3A_604 = tpu.memref_squeeze %swap3A_603 : memref<1x2x80xi32, #tpu.memory_space<vmem>> -> memref<2x80xi32, #tpu.memory_space<vmem>>
          %swap3A_605 = arith.index_cast %select_n3A_521 : i32 to index
          %swap3A_606 = arith.index_cast %mul3A_539 : i32 to index
          %swap3A_607 = tpu.vector_load %swap3A_604[%swap3A_605, %swap3A_606] {strides = array<i32>} : memref<2x80xi32, #tpu.memory_space<vmem>>, vector<16xi32>,
          tpu.vector_store %swap3A_604[%swap3A_605, %swap3A_606], %get3A_455 {strides = array<i32>} : memref<2x80xi32, #tpu.memory_space<vmem>>, vector<16xi32>,
          %swap3A_608 = arith.constant 0 : i32
          %swap3A_609 = arith.constant 0 : i32
          %swap3A_610 = tpu.memref_slice %arg18[%scan3A_48, %swap3A_608, %swap3A_609] : memref<2x2x80xf32, #tpu.memory_space<vmem>> -> memref<1x2x80xf32, #tpu.memory_space<vmem>>
          %swap3A_611 = tpu.memref_squeeze %swap3A_610 : memref<1x2x80xf32, #tpu.memory_space<vmem>> -> memref<2x80xf32, #tpu.memory_space<vmem>>
          %swap3A_612 = arith.index_cast %select_n3A_521 : i32 to index
          %swap3A_613 = arith.index_cast %mul3A_539 : i32 to index
          %swap3A_614 = tpu.vector_load %swap3A_611[%swap3A_612, %swap3A_613] {strides = array<i32>} : memref<2x80xf32, #tpu.memory_space<vmem>>, vector<16xf32>,
          tpu.vector_store %swap3A_611[%swap3A_612, %swap3A_613], %exp3A {strides = array<i32>} : memref<2x80xf32, #tpu.memory_space<vmem>>, vector<16xf32>,
          %scan3A_615 = arith.constant 0 : i32
          scf.yield %scan3A_615 : i32
        }
        %scan3A_336 = arith.constant 10 : i32
        %mul3A_337 = arith.constant 32 : i32
        %mul3A_338 = arith.muli %scan3A_281, %mul3A_337 : i32
        %add3A_339 = arith.addi %add3A, %mul3A_338 : i32
        %dma_start3A_340 = arith.constant 0 : i32
        %dma_start3A_341 = arith.constant 0 : i32
        %dma_start3A_342 = arith.constant 0 : i32
        %dma_start3A_343 = arith.constant 0 : i32
        %dma_start3A_344 = tpu.memref_slice %arg15[%scan3A_46, %dma_start3A_341, %dma_start3A_342, %dma_start3A_343] : memref<2x3x2x80xi32, #tpu.memory_space<vmem>> -> memref<1x3x2x80xi32, #tpu.memory_space<vmem>>
        %dma_start3A_345 = tpu.memref_squeeze %dma_start3A_344 : memref<1x3x2x80xi32, #tpu.memory_space<vmem>> -> memref<3x2x80xi32, #tpu.memory_space<vmem>>
        %dma_start3A_346 = arith.constant 0 : i32
        %dma_start3A_347 = arith.constant 0 : i32
        %dma_start3A_348 = arith.constant 0 : i32
        %dma_start3A_349 = arith.constant 0 : i32
        %dma_start3A_350 = tpu.memref_slice %arg8[%dma_start3A_340, %dma_start3A_346, %dma_start3A_347, %dma_start3A_348, %dma_start3A_349] : memref<2x10000x3x2x80xi32, #tpu.memory_space<hbm>> -> memref<1x10000x3x2x80xi32, #tpu.memory_space<hbm>>
        %dma_start3A_351 = tpu.memref_squeeze %dma_start3A_350 : memref<1x10000x3x2x80xi32, #tpu.memory_space<hbm>> -> memref<10000x3x2x80xi32, #tpu.memory_space<hbm>>
        %dma_start3A_352 = arith.constant 0 : i32
        %dma_start3A_353 = arith.constant 0 : i32
        %dma_start3A_354 = arith.constant 0 : i32
        %dma_start3A_355 = tpu.memref_slice %dma_start3A_351[%add3A_339, %dma_start3A_352, %dma_start3A_353, %dma_start3A_354] : memref<10000x3x2x80xi32, #tpu.memory_space<hbm>> -> memref<1x3x2x80xi32, #tpu.memory_space<hbm>>
        %dma_start3A_356 = tpu.memref_squeeze %dma_start3A_355 : memref<1x3x2x80xi32, #tpu.memory_space<hbm>> -> memref<3x2x80xi32, #tpu.memory_space<hbm>>
        %dma_start3A_357 = arith.constant 0 : i32
        %dma_start3A_358 = arith.constant 0 : i32
        %dma_start3A_359 = arith.constant 0 : i32
        %dma_start3A_360 = arith.constant 0 : i32
        %dma_start3A_361 = tpu.memref_slice %arg8[%dma_start3A_340, %dma_start3A_357, %dma_start3A_358, %dma_start3A_359, %dma_start3A_360] : memref<2x10000x3x2x80xi32, #tpu.memory_space<hbm>> -> memref<1x10000x3x2x80xi32, #tpu.memory_space<hbm>>
        %dma_start3A_362 = tpu.memref_squeeze %dma_start3A_361 : memref<1x10000x3x2x80xi32, #tpu.memory_space<hbm>> -> memref<10000x3x2x80xi32, #tpu.memory_space<hbm>>
        %dma_start3A_363 = arith.constant 0 : i32
        %dma_start3A_364 = arith.constant 0 : i32
        %dma_start3A_365 = arith.constant 0 : i32
        %dma_start3A_366 = tpu.memref_slice %dma_start3A_362[%add3A_339, %dma_start3A_363, %dma_start3A_364, %dma_start3A_365] : memref<10000x3x2x80xi32, #tpu.memory_space<hbm>> -> memref<1x3x2x80xi32, #tpu.memory_space<hbm>>
        %dma_start3A_367 = tpu.memref_squeeze %dma_start3A_366 : memref<1x3x2x80xi32, #tpu.memory_space<hbm>> -> memref<3x2x80xi32, #tpu.memory_space<hbm>>
        %dma_start3A_368 = arith.constant 0 : i32
        %dma_start3A_369 = arith.constant 0 : i32
        %dma_start3A_370 = arith.constant 0 : i32
        %dma_start3A_371 = tpu.memref_slice %arg15[%scan3A_46, %dma_start3A_368, %dma_start3A_369, %dma_start3A_370] : memref<2x3x2x80xi32, #tpu.memory_space<vmem>> -> memref<1x3x2x80xi32, #tpu.memory_space<vmem>>
        %dma_start3A_372 = tpu.memref_squeeze %dma_start3A_371 : memref<1x3x2x80xi32, #tpu.memory_space<vmem>> -> memref<3x2x80xi32, #tpu.memory_space<vmem>>
        tpu.enqueue_dma source(%dma_start3A_372 : memref<3x2x80xi32, #tpu.memory_space<vmem>>) target(%dma_start3A_367 : memref<3x2x80xi32, #tpu.memory_space<hbm>>) target_semaphore(%arg23 : memref<!tpu.dma_semaphore, #tpu.memory_space<semaphore_mem>>)
        %dma_start3A_373 = arith.constant 1 : i32
        %dma_start3A_374 = arith.constant 0 : i32
        %dma_start3A_375 = arith.constant 0 : i32
        %dma_start3A_376 = arith.constant 0 : i32
        %dma_start3A_377 = tpu.memref_slice %arg16[%scan3A_47, %dma_start3A_374, %dma_start3A_375, %dma_start3A_376] : memref<2x3x2x80xi32, #tpu.memory_space<vmem>> -> memref<1x3x2x80xi32, #tpu.memory_space<vmem>>
        %dma_start3A_378 = tpu.memref_squeeze %dma_start3A_377 : memref<1x3x2x80xi32, #tpu.memory_space<vmem>> -> memref<3x2x80xi32, #tpu.memory_space<vmem>>
        %dma_start3A_379 = arith.constant 0 : i32
        %dma_start3A_380 = arith.constant 0 : i32
        %dma_start3A_381 = arith.constant 0 : i32
        %dma_start3A_382 = arith.constant 0 : i32
        %dma_start3A_383 = tpu.memref_slice %arg8[%dma_start3A_373, %dma_start3A_379, %dma_start3A_380, %dma_start3A_381, %dma_start3A_382] : memref<2x10000x3x2x80xi32, #tpu.memory_space<hbm>> -> memref<1x10000x3x2x80xi32, #tpu.memory_space<hbm>>
        %dma_start3A_384 = tpu.memref_squeeze %dma_start3A_383 : memref<1x10000x3x2x80xi32, #tpu.memory_space<hbm>> -> memref<10000x3x2x80xi32, #tpu.memory_space<hbm>>
        %dma_start3A_385 = arith.constant 0 : i32
        %dma_start3A_386 = arith.constant 0 : i32
        %dma_start3A_387 = arith.constant 0 : i32
        %dma_start3A_388 = tpu.memref_slice %dma_start3A_384[%add3A_339, %dma_start3A_385, %dma_start3A_386, %dma_start3A_387] : memref<10000x3x2x80xi32, #tpu.memory_space<hbm>> -> memref<1x3x2x80xi32, #tpu.memory_space<hbm>>
        %dma_start3A_389 = tpu.memref_squeeze %dma_start3A_388 : memref<1x3x2x80xi32, #tpu.memory_space<hbm>> -> memref<3x2x80xi32, #tpu.memory_space<hbm>>
        %dma_start3A_390 = arith.constant 0 : i32
        %dma_start3A_391 = arith.constant 0 : i32
        %dma_start3A_392 = arith.constant 0 : i32
        %dma_start3A_393 = arith.constant 0 : i32
        %dma_start3A_394 = tpu.memref_slice %arg8[%dma_start3A_373, %dma_start3A_390, %dma_start3A_391, %dma_start3A_392, %dma_start3A_393] : memref<2x10000x3x2x80xi32, #tpu.memory_space<hbm>> -> memref<1x10000x3x2x80xi32, #tpu.memory_space<hbm>>
        %dma_start3A_395 = tpu.memref_squeeze %dma_start3A_394 : memref<1x10000x3x2x80xi32, #tpu.memory_space<hbm>> -> memref<10000x3x2x80xi32, #tpu.memory_space<hbm>>
        %dma_start3A_396 = arith.constant 0 : i32
        %dma_start3A_397 = arith.constant 0 : i32
        %dma_start3A_398 = arith.constant 0 : i32
        %dma_start3A_399 = tpu.memref_slice %dma_start3A_395[%add3A_339, %dma_start3A_396, %dma_start3A_397, %dma_start3A_398] : memref<10000x3x2x80xi32, #tpu.memory_space<hbm>> -> memref<1x3x2x80xi32, #tpu.memory_space<hbm>>
        %dma_start3A_400 = tpu.memref_squeeze %dma_start3A_399 : memref<1x3x2x80xi32, #tpu.memory_space<hbm>> -> memref<3x2x80xi32, #tpu.memory_space<hbm>>
        %dma_start3A_401 = arith.constant 0 : i32
        %dma_start3A_402 = arith.constant 0 : i32
        %dma_start3A_403 = arith.constant 0 : i32
        %dma_start3A_404 = tpu.memref_slice %arg16[%scan3A_47, %dma_start3A_401, %dma_start3A_402, %dma_start3A_403] : memref<2x3x2x80xi32, #tpu.memory_space<vmem>> -> memref<1x3x2x80xi32, #tpu.memory_space<vmem>>
        %dma_start3A_405 = tpu.memref_squeeze %dma_start3A_404 : memref<1x3x2x80xi32, #tpu.memory_space<vmem>> -> memref<3x2x80xi32, #tpu.memory_space<vmem>>
        tpu.enqueue_dma source(%dma_start3A_405 : memref<3x2x80xi32, #tpu.memory_space<vmem>>) target(%dma_start3A_400 : memref<3x2x80xi32, #tpu.memory_space<hbm>>) target_semaphore(%arg23 : memref<!tpu.dma_semaphore, #tpu.memory_space<semaphore_mem>>)
        %dma_start3A_406 = arith.constant 0 : i32
        %dma_start3A_407 = arith.constant 0 : i32
        %dma_start3A_408 = arith.constant 0 : i32
        %dma_start3A_409 = arith.constant 0 : i32
        %dma_start3A_410 = tpu.memref_slice %arg18[%scan3A_48, %dma_start3A_408, %dma_start3A_409] : memref<2x2x80xf32, #tpu.memory_space<vmem>> -> memref<1x2x80xf32, #tpu.memory_space<vmem>>
        %dma_start3A_411 = tpu.memref_squeeze %dma_start3A_410 : memref<1x2x80xf32, #tpu.memory_space<vmem>> -> memref<2x80xf32, #tpu.memory_space<vmem>>
        %dma_start3A_412 = arith.constant 0 : i32
        %dma_start3A_413 = tpu.memref_slice %dma_start3A_411[%dma_start3A_406, %dma_start3A_412] : memref<2x80xf32, #tpu.memory_space<vmem>> -> memref<1x80xf32, #tpu.memory_space<vmem>>
        %dma_start3A_414 = tpu.memref_squeeze %dma_start3A_413 : memref<1x80xf32, #tpu.memory_space<vmem>> -> memref<80xf32, #tpu.memory_space<vmem>>
        %dma_start3A_415 = arith.constant 0 : i32
        %dma_start3A_416 = arith.constant 0 : i32
        %dma_start3A_417 = tpu.memref_slice %arg17[%scan3A_49, %dma_start3A_415, %dma_start3A_416] : memref<2x2x80xi32, #tpu.memory_space<vmem>> -> memref<1x2x80xi32, #tpu.memory_space<vmem>>
        %dma_start3A_418 = tpu.memref_squeeze %dma_start3A_417 : memref<1x2x80xi32, #tpu.memory_space<vmem>> -> memref<2x80xi32, #tpu.memory_space<vmem>>
        %dma_start3A_419 = arith.constant 0 : i32
        %dma_start3A_420 = tpu.memref_slice %dma_start3A_418[%dma_start3A_407, %dma_start3A_419] : memref<2x80xi32, #tpu.memory_space<vmem>> -> memref<1x80xi32, #tpu.memory_space<vmem>>
        %dma_start3A_421 = tpu.memref_squeeze %dma_start3A_420 : memref<1x80xi32, #tpu.memory_space<vmem>> -> memref<80xi32, #tpu.memory_space<vmem>>
        %dma_start3A_422 = arith.constant 0 : i32
        %dma_start3A_423 = tpu.memref_slice %arg19[%dma_start3A_422] : memref<100096xf32, #tpu.memory_space<vmem_shared>> -> memref<100096xf32, #tpu.memory_space<vmem_shared>>
        tpu.enqueue_indirect_dma source(%dma_start3A_414 : memref<80xf32, #tpu.memory_space<vmem>>) target(%dma_start3A_423 : memref<100096xf32, #tpu.memory_space<vmem_shared>>) offsets(%dma_start3A_421 : memref<80xi32, #tpu.memory_space<vmem>>) semaphore(%arg25 : memref<!tpu.dma_semaphore, #tpu.memory_space<semaphore_mem>>) {add = true}
        %dma_start3A_424 = arith.constant 1 : i32
        %dma_start3A_425 = arith.constant 1 : i32
        %dma_start3A_426 = arith.constant 0 : i32
        %dma_start3A_427 = arith.constant 0 : i32
        %dma_start3A_428 = tpu.memref_slice %arg18[%scan3A_48, %dma_start3A_426, %dma_start3A_427] : memref<2x2x80xf32, #tpu.memory_space<vmem>> -> memref<1x2x80xf32, #tpu.memory_space<vmem>>
        %dma_start3A_429 = tpu.memref_squeeze %dma_start3A_428 : memref<1x2x80xf32, #tpu.memory_space<vmem>> -> memref<2x80xf32, #tpu.memory_space<vmem>>
        %dma_start3A_430 = arith.constant 0 : i32
        %dma_start3A_431 = tpu.memref_slice %dma_start3A_429[%dma_start3A_424, %dma_start3A_430] : memref<2x80xf32, #tpu.memory_space<vmem>> -> memref<1x80xf32, #tpu.memory_space<vmem>>
        %dma_start3A_432 = tpu.memref_squeeze %dma_start3A_431 : memref<1x80xf32, #tpu.memory_space<vmem>> -> memref<80xf32, #tpu.memory_space<vmem>>
        %dma_start3A_433 = arith.constant 0 : i32
        %dma_start3A_434 = arith.constant 0 : i32
        %dma_start3A_435 = tpu.memref_slice %arg17[%scan3A_49, %dma_start3A_433, %dma_start3A_434] : memref<2x2x80xi32, #tpu.memory_space<vmem>> -> memref<1x2x80xi32, #tpu.memory_space<vmem>>
        %dma_start3A_436 = tpu.memref_squeeze %dma_start3A_435 : memref<1x2x80xi32, #tpu.memory_space<vmem>> -> memref<2x80xi32, #tpu.memory_space<vmem>>
        %dma_start3A_437 = arith.constant 0 : i32
        %dma_start3A_438 = tpu.memref_slice %dma_start3A_436[%dma_start3A_425, %dma_start3A_437] : memref<2x80xi32, #tpu.memory_space<vmem>> -> memref<1x80xi32, #tpu.memory_space<vmem>>
        %dma_start3A_439 = tpu.memref_squeeze %dma_start3A_438 : memref<1x80xi32, #tpu.memory_space<vmem>> -> memref<80xi32, #tpu.memory_space<vmem>>
        %dma_start3A_440 = arith.constant 0 : i32
        %dma_start3A_441 = tpu.memref_slice %arg19[%dma_start3A_440] : memref<100096xf32, #tpu.memory_space<vmem_shared>> -> memref<100096xf32, #tpu.memory_space<vmem_shared>>
        tpu.enqueue_indirect_dma source(%dma_start3A_432 : memref<80xf32, #tpu.memory_space<vmem>>) target(%dma_start3A_441 : memref<100096xf32, #tpu.memory_space<vmem_shared>>) offsets(%dma_start3A_439 : memref<80xi32, #tpu.memory_space<vmem>>) semaphore(%arg25 : memref<!tpu.dma_semaphore, #tpu.memory_space<semaphore_mem>>) {add = true}
        %add3A_442 = arith.constant 1 : i32
        %add3A_443 = arith.addi %scan3A_281, %add3A_442 : i32
        %lt3A_444 = arith.cmpi slt, %add3A_443, %select_n3A : i32
        %convert_element_type3A_445 = arith.extui %lt3A_444 : i1 to i32
        %cond3A_446 = arith.constant 0 : i32
        %cond3A_447 = arith.cmpi ne, %convert_element_type3A_445, %cond3A_446 : i32
        scf.if %cond3A_447 {
          %add3A_448 = arith.constant 1 : i32
          %add3A_449 = arith.addi %scan3A_281, %add3A_448 : i32
          %mul3A_450 = arith.constant 32 : i32
          %mul3A_451 = arith.muli %add3A_449, %mul3A_450 : i32
          %add3A_452 = arith.addi %add3A, %mul3A_451 : i32
          %mul3A_453 = arith.constant 160 : i32
          %mul3A_454 = arith.muli %add3A_452, %mul3A_453 : i32
          %dma_start3A_455 = arith.constant 0 : i32
          %dma_start3A_456 = tpu.memref_slice %arg12[%scan3A_40, %dma_start3A_455] : memref<2x160xi32, #tpu.memory_space<vmem>> -> memref<1x160xi32, #tpu.memory_space<vmem>>
          %dma_start3A_457 = tpu.memref_squeeze %dma_start3A_456 : memref<1x160xi32, #tpu.memory_space<vmem>> -> memref<160xi32, #tpu.memory_space<vmem>>
          %dma_start3A_458 = tpu.memref_slice %arg2[%mul3A_454] : memref<1600000xi32, #tpu.memory_space<hbm>> -> memref<160xi32, #tpu.memory_space<hbm>>
          %dma_start3A_459 = arith.constant 0 : i32
          %dma_start3A_460 = tpu.memref_slice %arg12[%scan3A_40, %dma_start3A_459] : memref<2x160xi32, #tpu.memory_space<vmem>> -> memref<1x160xi32, #tpu.memory_space<vmem>>
          %dma_start3A_461 = tpu.memref_squeeze %dma_start3A_460 : memref<1x160xi32, #tpu.memory_space<vmem>> -> memref<160xi32, #tpu.memory_space<vmem>>
          %dma_start3A_462 = tpu.memref_slice %arg2[%mul3A_454] : memref<1600000xi32, #tpu.memory_space<hbm>> -> memref<160xi32, #tpu.memory_space<hbm>>
          tpu.enqueue_dma source(%dma_start3A_462 : memref<160xi32, #tpu.memory_space<hbm>>) target(%dma_start3A_461 : memref<160xi32, #tpu.memory_space<vmem>>) target_semaphore(%arg20 : memref<!tpu.dma_semaphore, #tpu.memory_space<semaphore_mem>>)
          %dma_start3A_463 = arith.constant 0 : i32
          %dma_start3A_464 = tpu.memref_slice %arg13[%scan3A_41, %dma_start3A_463] : memref<2x160xi32, #tpu.memory_space<vmem>> -> memref<1x160xi32, #tpu.memory_space<vmem>>
          %dma_start3A_465 = tpu.memref_squeeze %dma_start3A_464 : memref<1x160xi32, #tpu.memory_space<vmem>> -> memref<160xi32, #tpu.memory_space<vmem>>
          %dma_start3A_466 = tpu.memref_slice %arg3[%mul3A_454] : memref<1600000xi32, #tpu.memory_space<hbm>> -> memref<160xi32, #tpu.memory_space<hbm>>
          %dma_start3A_467 = arith.constant 0 : i32
          %dma_start3A_468 = tpu.memref_slice %arg13[%scan3A_41, %dma_start3A_467] : memref<2x160xi32, #tpu.memory_space<vmem>> -> memref<1x160xi32, #tpu.memory_space<vmem>>
          %dma_start3A_469 = tpu.memref_squeeze %dma_start3A_468 : memref<1x160xi32, #tpu.memory_space<vmem>> -> memref<160xi32, #tpu.memory_space<vmem>>
          %dma_start3A_470 = tpu.memref_slice %arg3[%mul3A_454] : memref<1600000xi32, #tpu.memory_space<hbm>> -> memref<160xi32, #tpu.memory_space<hbm>>
          tpu.enqueue_dma source(%dma_start3A_470 : memref<160xi32, #tpu.memory_space<hbm>>) target(%dma_start3A_469 : memref<160xi32, #tpu.memory_space<vmem>>) target_semaphore(%arg20 : memref<!tpu.dma_semaphore, #tpu.memory_space<semaphore_mem>>)
          %dma_start3A_471 = arith.constant 0 : i32
          %dma_start3A_472 = tpu.memref_slice %arg14[%scan3A_42, %dma_start3A_471] : memref<2x160xi32, #tpu.memory_space<vmem>> -> memref<1x160xi32, #tpu.memory_space<vmem>>
          %dma_start3A_473 = tpu.memref_squeeze %dma_start3A_472 : memref<1x160xi32, #tpu.memory_space<vmem>> -> memref<160xi32, #tpu.memory_space<vmem>>
          %dma_start3A_474 = tpu.memref_slice %arg4[%mul3A_454] : memref<1600000xi32, #tpu.memory_space<hbm>> -> memref<160xi32, #tpu.memory_space<hbm>>
          %dma_start3A_475 = arith.constant 0 : i32
          %dma_start3A_476 = tpu.memref_slice %arg14[%scan3A_42, %dma_start3A_475] : memref<2x160xi32, #tpu.memory_space<vmem>> -> memref<1x160xi32, #tpu.memory_space<vmem>>
          %dma_start3A_477 = tpu.memref_squeeze %dma_start3A_476 : memref<1x160xi32, #tpu.memory_space<vmem>> -> memref<160xi32, #tpu.memory_space<vmem>>
          %dma_start3A_478 = tpu.memref_slice %arg4[%mul3A_454] : memref<1600000xi32, #tpu.memory_space<hbm>> -> memref<160xi32, #tpu.memory_space<hbm>>
          tpu.enqueue_dma source(%dma_start3A_478 : memref<160xi32, #tpu.memory_space<hbm>>) target(%dma_start3A_477 : memref<160xi32, #tpu.memory_space<vmem>>) target_semaphore(%arg20 : memref<!tpu.dma_semaphore, #tpu.memory_space<semaphore_mem>>)
        } else {
        }
      } else {
      }
      %scan3A_296 = arith.constant 0 : i32
      scf.yield %scan3A_296 : i32
    }
    %scan3A_56 = arith.constant 313 : i32
    %add3A_57 = arith.constant 0 : i32
    %add3A_58 = arith.addi %add3A, %add3A_57 : i32
    %dma_wait3A = arith.constant 0 : i32
    %dma_wait3A_59 = arith.constant 0 : i32
    %dma_wait3A_60 = arith.constant 0 : i32
    %dma_wait3A_61 = arith.constant 0 : i32
    %dma_wait3A_62 = arith.constant 0 : i32
    %dma_wait3A_63 = tpu.memref_slice %arg15[%dma_wait3A, %dma_wait3A_60, %dma_wait3A_61, %dma_wait3A_62] : memref<2x3x2x80xi32, #tpu.memory_space<vmem>> -> memref<1x3x2x80xi32, #tpu.memory_space<vmem>>
    %dma_wait3A_64 = tpu.memref_squeeze %dma_wait3A_63 : memref<1x3x2x80xi32, #tpu.memory_space<vmem>> -> memref<3x2x80xi32, #tpu.memory_space<vmem>>
    %dma_wait3A_65 = arith.constant 0 : i32
    %dma_wait3A_66 = arith.constant 0 : i32
    %dma_wait3A_67 = arith.constant 0 : i32
    %dma_wait3A_68 = arith.constant 0 : i32
    %dma_wait3A_69 = tpu.memref_slice %arg8[%dma_wait3A_59, %dma_wait3A_65, %dma_wait3A_66, %dma_wait3A_67, %dma_wait3A_68] : memref<2x10000x3x2x80xi32, #tpu.memory_space<hbm>> -> memref<1x10000x3x2x80xi32, #tpu.memory_space<hbm>>
    %dma_wait3A_70 = tpu.memref_squeeze %dma_wait3A_69 : memref<1x10000x3x2x80xi32, #tpu.memory_space<hbm>> -> memref<10000x3x2x80xi32, #tpu.memory_space<hbm>>
    %dma_wait3A_71 = arith.constant 0 : i32
    %dma_wait3A_72 = arith.constant 0 : i32
    %dma_wait3A_73 = arith.constant 0 : i32
    %dma_wait3A_74 = tpu.memref_slice %dma_wait3A_70[%add3A_58, %dma_wait3A_71, %dma_wait3A_72, %dma_wait3A_73] : memref<10000x3x2x80xi32, #tpu.memory_space<hbm>> -> memref<1x3x2x80xi32, #tpu.memory_space<hbm>>
    %dma_wait3A_75 = tpu.memref_squeeze %dma_wait3A_74 : memref<1x3x2x80xi32, #tpu.memory_space<hbm>> -> memref<3x2x80xi32, #tpu.memory_space<hbm>>
    %dma_wait3A_76 = arith.constant 0 : i32
    %dma_wait3A_77 = arith.constant 0 : i32
    %dma_wait3A_78 = arith.constant 0 : i32
    %dma_wait3A_79 = arith.constant 0 : i32
    %dma_wait3A_80 = tpu.memref_slice %arg8[%dma_wait3A_59, %dma_wait3A_76, %dma_wait3A_77, %dma_wait3A_78, %dma_wait3A_79] : memref<2x10000x3x2x80xi32, #tpu.memory_space<hbm>> -> memref<1x10000x3x2x80xi32, #tpu.memory_space<hbm>>
    %dma_wait3A_81 = tpu.memref_squeeze %dma_wait3A_80 : memref<1x10000x3x2x80xi32, #tpu.memory_space<hbm>> -> memref<10000x3x2x80xi32, #tpu.memory_space<hbm>>
    %dma_wait3A_82 = arith.constant 0 : i32
    %dma_wait3A_83 = arith.constant 0 : i32
    %dma_wait3A_84 = arith.constant 0 : i32
    %dma_wait3A_85 = tpu.memref_slice %dma_wait3A_81[%add3A_58, %dma_wait3A_82, %dma_wait3A_83, %dma_wait3A_84] : memref<10000x3x2x80xi32, #tpu.memory_space<hbm>> -> memref<1x3x2x80xi32, #tpu.memory_space<hbm>>
    %dma_wait3A_86 = tpu.memref_squeeze %dma_wait3A_85 : memref<1x3x2x80xi32, #tpu.memory_space<hbm>> -> memref<3x2x80xi32, #tpu.memory_space<hbm>>
    %dma_wait3A_87 = arith.constant 0 : i32
    %dma_wait3A_88 = arith.constant 0 : i32
    %dma_wait3A_89 = arith.constant 0 : i32
    %dma_wait3A_90 = tpu.memref_slice %arg15[%dma_wait3A, %dma_wait3A_87, %dma_wait3A_88, %dma_wait3A_89] : memref<2x3x2x80xi32, #tpu.memory_space<vmem>> -> memref<1x3x2x80xi32, #tpu.memory_space<vmem>>
    %dma_wait3A_91 = tpu.memref_squeeze %dma_wait3A_90 : memref<1x3x2x80xi32, #tpu.memory_space<vmem>> -> memref<3x2x80xi32, #tpu.memory_space<vmem>>
    tpu.wait_dma2 semaphore(%arg22 : memref<!tpu.dma_semaphore, #tpu.memory_space<semaphore_mem>>) src(%dma_wait3A_91 : memref<3x2x80xi32, #tpu.memory_space<vmem>>) dst(%dma_wait3A_86 : memref<3x2x80xi32, #tpu.memory_space<hbm>>)
    %dma_wait3A_92 = arith.constant 0 : i32
    %dma_wait3A_93 = arith.constant 1 : i32
    %dma_wait3A_94 = arith.constant 0 : i32
    %dma_wait3A_95 = arith.constant 0 : i32
    %dma_wait3A_96 = arith.constant 0 : i32
    %dma_wait3A_97 = tpu.memref_slice %arg16[%dma_wait3A_92, %dma_wait3A_94, %dma_wait3A_95, %dma_wait3A_96] : memref<2x3x2x80xi32, #tpu.memory_space<vmem>> -> memref<1x3x2x80xi32, #tpu.memory_space<vmem>>
    %dma_wait3A_98 = tpu.memref_squeeze %dma_wait3A_97 : memref<1x3x2x80xi32, #tpu.memory_space<vmem>> -> memref<3x2x80xi32, #tpu.memory_space<vmem>>
    %dma_wait3A_99 = arith.constant 0 : i32
    %dma_wait3A_100 = arith.constant 0 : i32
    %dma_wait3A_101 = arith.constant 0 : i32
    %dma_wait3A_102 = arith.constant 0 : i32
    %dma_wait3A_103 = tpu.memref_slice %arg8[%dma_wait3A_93, %dma_wait3A_99, %dma_wait3A_100, %dma_wait3A_101, %dma_wait3A_102] : memref<2x10000x3x2x80xi32, #tpu.memory_space<hbm>> -> memref<1x10000x3x2x80xi32, #tpu.memory_space<hbm>>
    %dma_wait3A_104 = tpu.memref_squeeze %dma_wait3A_103 : memref<1x10000x3x2x80xi32, #tpu.memory_space<hbm>> -> memref<10000x3x2x80xi32, #tpu.memory_space<hbm>>
    %dma_wait3A_105 = arith.constant 0 : i32
    %dma_wait3A_106 = arith.constant 0 : i32
    %dma_wait3A_107 = arith.constant 0 : i32
    %dma_wait3A_108 = tpu.memref_slice %dma_wait3A_104[%add3A_58, %dma_wait3A_105, %dma_wait3A_106, %dma_wait3A_107] : memref<10000x3x2x80xi32, #tpu.memory_space<hbm>> -> memref<1x3x2x80xi32, #tpu.memory_space<hbm>>
    %dma_wait3A_109 = tpu.memref_squeeze %dma_wait3A_108 : memref<1x3x2x80xi32, #tpu.memory_space<hbm>> -> memref<3x2x80xi32, #tpu.memory_space<hbm>>
    %dma_wait3A_110 = arith.constant 0 : i32
    %dma_wait3A_111 = arith.constant 0 : i32
    %dma_wait3A_112 = arith.constant 0 : i32
    %dma_wait3A_113 = arith.constant 0 : i32
    %dma_wait3A_114 = tpu.memref_slice %arg8[%dma_wait3A_93, %dma_wait3A_110, %dma_wait3A_111, %dma_wait3A_112, %dma_wait3A_113] : memref<2x10000x3x2x80xi32, #tpu.memory_space<hbm>> -> memref<1x10000x3x2x80xi32, #tpu.memory_space<hbm>>
    %dma_wait3A_115 = tpu.memref_squeeze %dma_wait3A_114 : memref<1x10000x3x2x80xi32, #tpu.memory_space<hbm>> -> memref<10000x3x2x80xi32, #tpu.memory_space<hbm>>
    %dma_wait3A_116 = arith.constant 0 : i32
    %dma_wait3A_117 = arith.constant 0 : i32
    %dma_wait3A_118 = arith.constant 0 : i32
    %dma_wait3A_119 = tpu.memref_slice %dma_wait3A_115[%add3A_58, %dma_wait3A_116, %dma_wait3A_117, %dma_wait3A_118] : memref<10000x3x2x80xi32, #tpu.memory_space<hbm>> -> memref<1x3x2x80xi32, #tpu.memory_space<hbm>>
    %dma_wait3A_120 = tpu.memref_squeeze %dma_wait3A_119 : memref<1x3x2x80xi32, #tpu.memory_space<hbm>> -> memref<3x2x80xi32, #tpu.memory_space<hbm>>
    %dma_wait3A_121 = arith.constant 0 : i32
    %dma_wait3A_122 = arith.constant 0 : i32
    %dma_wait3A_123 = arith.constant 0 : i32
    %dma_wait3A_124 = tpu.memref_slice %arg16[%dma_wait3A_92, %dma_wait3A_121, %dma_wait3A_122, %dma_wait3A_123] : memref<2x3x2x80xi32, #tpu.memory_space<vmem>> -> memref<1x3x2x80xi32, #tpu.memory_space<vmem>>
    %dma_wait3A_125 = tpu.memref_squeeze %dma_wait3A_124 : memref<1x3x2x80xi32, #tpu.memory_space<vmem>> -> memref<3x2x80xi32, #tpu.memory_space<vmem>>
    tpu.wait_dma2 semaphore(%arg22 : memref<!tpu.dma_semaphore, #tpu.memory_space<semaphore_mem>>) src(%dma_wait3A_125 : memref<3x2x80xi32, #tpu.memory_space<vmem>>) dst(%dma_wait3A_120 : memref<3x2x80xi32, #tpu.memory_space<hbm>>)
    %dma_wait3A_126 = arith.constant 0 : i32
    %dma_wait3A_127 = arith.constant 0 : i32
    %dma_wait3A_128 = arith.constant 0 : i32
    %dma_wait3A_129 = arith.constant 0 : i32
    %dma_wait3A_130 = arith.constant 0 : i32
    %dma_wait3A_131 = arith.constant 0 : i32
    %dma_wait3A_132 = tpu.memref_slice %arg18[%dma_wait3A_126, %dma_wait3A_130, %dma_wait3A_131] : memref<2x2x80xf32, #tpu.memory_space<vmem>> -> memref<1x2x80xf32, #tpu.memory_space<vmem>>
    %dma_wait3A_133 = tpu.memref_squeeze %dma_wait3A_132 : memref<1x2x80xf32, #tpu.memory_space<vmem>> -> memref<2x80xf32, #tpu.memory_space<vmem>>
    %dma_wait3A_134 = arith.constant 0 : i32
    %dma_wait3A_135 = tpu.memref_slice %dma_wait3A_133[%dma_wait3A_127, %dma_wait3A_134] : memref<2x80xf32, #tpu.memory_space<vmem>> -> memref<1x80xf32, #tpu.memory_space<vmem>>
    %dma_wait3A_136 = tpu.memref_squeeze %dma_wait3A_135 : memref<1x80xf32, #tpu.memory_space<vmem>> -> memref<80xf32, #tpu.memory_space<vmem>>
    %dma_wait3A_137 = arith.constant 0 : i32
    %dma_wait3A_138 = arith.constant 0 : i32
    %dma_wait3A_139 = tpu.memref_slice %arg17[%dma_wait3A_128, %dma_wait3A_137, %dma_wait3A_138] : memref<2x2x80xi32, #tpu.memory_space<vmem>> -> memref<1x2x80xi32, #tpu.memory_space<vmem>>
    %dma_wait3A_140 = tpu.memref_squeeze %dma_wait3A_139 : memref<1x2x80xi32, #tpu.memory_space<vmem>> -> memref<2x80xi32, #tpu.memory_space<vmem>>
    %dma_wait3A_141 = arith.constant 0 : i32
    %dma_wait3A_142 = tpu.memref_slice %dma_wait3A_140[%dma_wait3A_129, %dma_wait3A_141] : memref<2x80xi32, #tpu.memory_space<vmem>> -> memref<1x80xi32, #tpu.memory_space<vmem>>
    %dma_wait3A_143 = tpu.memref_squeeze %dma_wait3A_142 : memref<1x80xi32, #tpu.memory_space<vmem>> -> memref<80xi32, #tpu.memory_space<vmem>>
    %dma_wait3A_144 = arith.constant 0 : i32
    %dma_wait3A_145 = tpu.memref_slice %arg19[%dma_wait3A_144] : memref<100096xf32, #tpu.memory_space<vmem_shared>> -> memref<100096xf32, #tpu.memory_space<vmem_shared>>
    tpu.wait_indirect_dma semaphore(%arg24 : memref<!tpu.dma_semaphore, #tpu.memory_space<semaphore_mem>>) src(%dma_wait3A_136 : memref<80xf32, #tpu.memory_space<vmem>>) dst(%dma_wait3A_145 : memref<100096xf32, #tpu.memory_space<vmem_shared>>)
    %dma_wait3A_146 = arith.constant 0 : i32
    %dma_wait3A_147 = arith.constant 1 : i32
    %dma_wait3A_148 = arith.constant 0 : i32
    %dma_wait3A_149 = arith.constant 1 : i32
    %dma_wait3A_150 = arith.constant 0 : i32
    %dma_wait3A_151 = arith.constant 0 : i32
    %dma_wait3A_152 = tpu.memref_slice %arg18[%dma_wait3A_146, %dma_wait3A_150, %dma_wait3A_151] : memref<2x2x80xf32, #tpu.memory_space<vmem>> -> memref<1x2x80xf32, #tpu.memory_space<vmem>>
    %dma_wait3A_153 = tpu.memref_squeeze %dma_wait3A_152 : memref<1x2x80xf32, #tpu.memory_space<vmem>> -> memref<2x80xf32, #tpu.memory_space<vmem>>
    %dma_wait3A_154 = arith.constant 0 : i32
    %dma_wait3A_155 = tpu.memref_slice %dma_wait3A_153[%dma_wait3A_147, %dma_wait3A_154] : memref<2x80xf32, #tpu.memory_space<vmem>> -> memref<1x80xf32, #tpu.memory_space<vmem>>
    %dma_wait3A_156 = tpu.memref_squeeze %dma_wait3A_155 : memref<1x80xf32, #tpu.memory_space<vmem>> -> memref<80xf32, #tpu.memory_space<vmem>>
    %dma_wait3A_157 = arith.constant 0 : i32
    %dma_wait3A_158 = arith.constant 0 : i32
    %dma_wait3A_159 = tpu.memref_slice %arg17[%dma_wait3A_148, %dma_wait3A_157, %dma_wait3A_158] : memref<2x2x80xi32, #tpu.memory_space<vmem>> -> memref<1x2x80xi32, #tpu.memory_space<vmem>>
    %dma_wait3A_160 = tpu.memref_squeeze %dma_wait3A_159 : memref<1x2x80xi32, #tpu.memory_space<vmem>> -> memref<2x80xi32, #tpu.memory_space<vmem>>
    %dma_wait3A_161 = arith.constant 0 : i32
    %dma_wait3A_162 = tpu.memref_slice %dma_wait3A_160[%dma_wait3A_149, %dma_wait3A_161] : memref<2x80xi32, #tpu.memory_space<vmem>> -> memref<1x80xi32, #tpu.memory_space<vmem>>
    %dma_wait3A_163 = tpu.memref_squeeze %dma_wait3A_162 : memref<1x80xi32, #tpu.memory_space<vmem>> -> memref<80xi32, #tpu.memory_space<vmem>>
    %dma_wait3A_164 = arith.constant 0 : i32
    %dma_wait3A_165 = tpu.memref_slice %arg19[%dma_wait3A_164] : memref<100096xf32, #tpu.memory_space<vmem_shared>> -> memref<100096xf32, #tpu.memory_space<vmem_shared>>
    tpu.wait_indirect_dma semaphore(%arg24 : memref<!tpu.dma_semaphore, #tpu.memory_space<semaphore_mem>>) src(%dma_wait3A_156 : memref<80xf32, #tpu.memory_space<vmem>>) dst(%dma_wait3A_165 : memref<100096xf32, #tpu.memory_space<vmem_shared>>)
    %add3A_166 = arith.constant 0 : i32
    %add3A_167 = arith.addi %add3A, %add3A_166 : i32
    %dma_wait3A_168 = arith.constant 1 : i32
    %dma_wait3A_169 = arith.constant 0 : i32
    %dma_wait3A_170 = arith.constant 0 : i32
    %dma_wait3A_171 = arith.constant 0 : i32
    %dma_wait3A_172 = arith.constant 0 : i32
    %dma_wait3A_173 = tpu.memref_slice %arg15[%dma_wait3A_168, %dma_wait3A_170, %dma_wait3A_171, %dma_wait3A_172] : memref<2x3x2x80xi32, #tpu.memory_space<vmem>> -> memref<1x3x2x80xi32, #tpu.memory_space<vmem>>
    %dma_wait3A_174 = tpu.memref_squeeze %dma_wait3A_173 : memref<1x3x2x80xi32, #tpu.memory_space<vmem>> -> memref<3x2x80xi32, #tpu.memory_space<vmem>>
    %dma_wait3A_175 = arith.constant 0 : i32
    %dma_wait3A_176 = arith.constant 0 : i32
    %dma_wait3A_177 = arith.constant 0 : i32
    %dma_wait3A_178 = arith.constant 0 : i32
    %dma_wait3A_179 = tpu.memref_slice %arg8[%dma_wait3A_169, %dma_wait3A_175, %dma_wait3A_176, %dma_wait3A_177, %dma_wait3A_178] : memref<2x10000x3x2x80xi32, #tpu.memory_space<hbm>> -> memref<1x10000x3x2x80xi32, #tpu.memory_space<hbm>>
    %dma_wait3A_180 = tpu.memref_squeeze %dma_wait3A_179 : memref<1x10000x3x2x80xi32, #tpu.memory_space<hbm>> -> memref<10000x3x2x80xi32, #tpu.memory_space<hbm>>
    %dma_wait3A_181 = arith.constant 0 : i32
    %dma_wait3A_182 = arith.constant 0 : i32
    %dma_wait3A_183 = arith.constant 0 : i32
    %dma_wait3A_184 = tpu.memref_slice %dma_wait3A_180[%add3A_167, %dma_wait3A_181, %dma_wait3A_182, %dma_wait3A_183] : memref<10000x3x2x80xi32, #tpu.memory_space<hbm>> -> memref<1x3x2x80xi32, #tpu.memory_space<hbm>>
    %dma_wait3A_185 = tpu.memref_squeeze %dma_wait3A_184 : memref<1x3x2x80xi32, #tpu.memory_space<hbm>> -> memref<3x2x80xi32, #tpu.memory_space<hbm>>
    %dma_wait3A_186 = arith.constant 0 : i32
    %dma_wait3A_187 = arith.constant 0 : i32
    %dma_wait3A_188 = arith.constant 0 : i32
    %dma_wait3A_189 = arith.constant 0 : i32
    %dma_wait3A_190 = tpu.memref_slice %arg8[%dma_wait3A_169, %dma_wait3A_186, %dma_wait3A_187, %dma_wait3A_188, %dma_wait3A_189] : memref<2x10000x3x2x80xi32, #tpu.memory_space<hbm>> -> memref<1x10000x3x2x80xi32, #tpu.memory_space<hbm>>
    %dma_wait3A_191 = tpu.memref_squeeze %dma_wait3A_190 : memref<1x10000x3x2x80xi32, #tpu.memory_space<hbm>> -> memref<10000x3x2x80xi32, #tpu.memory_space<hbm>>
    %dma_wait3A_192 = arith.constant 0 : i32
    %dma_wait3A_193 = arith.constant 0 : i32
    %dma_wait3A_194 = arith.constant 0 : i32
    %dma_wait3A_195 = tpu.memref_slice %dma_wait3A_191[%add3A_167, %dma_wait3A_192, %dma_wait3A_193, %dma_wait3A_194] : memref<10000x3x2x80xi32, #tpu.memory_space<hbm>> -> memref<1x3x2x80xi32, #tpu.memory_space<hbm>>
    %dma_wait3A_196 = tpu.memref_squeeze %dma_wait3A_195 : memref<1x3x2x80xi32, #tpu.memory_space<hbm>> -> memref<3x2x80xi32, #tpu.memory_space<hbm>>
    %dma_wait3A_197 = arith.constant 0 : i32
    %dma_wait3A_198 = arith.constant 0 : i32
    %dma_wait3A_199 = arith.constant 0 : i32
    %dma_wait3A_200 = tpu.memref_slice %arg15[%dma_wait3A_168, %dma_wait3A_197, %dma_wait3A_198, %dma_wait3A_199] : memref<2x3x2x80xi32, #tpu.memory_space<vmem>> -> memref<1x3x2x80xi32, #tpu.memory_space<vmem>>
    %dma_wait3A_201 = tpu.memref_squeeze %dma_wait3A_200 : memref<1x3x2x80xi32, #tpu.memory_space<vmem>> -> memref<3x2x80xi32, #tpu.memory_space<vmem>>
    tpu.wait_dma2 semaphore(%arg23 : memref<!tpu.dma_semaphore, #tpu.memory_space<semaphore_mem>>) src(%dma_wait3A_201 : memref<3x2x80xi32, #tpu.memory_space<vmem>>) dst(%dma_wait3A_196 : memref<3x2x80xi32, #tpu.memory_space<hbm>>)
    %dma_wait3A_202 = arith.constant 1 : i32
    %dma_wait3A_203 = arith.constant 1 : i32
    %dma_wait3A_204 = arith.constant 0 : i32
    %dma_wait3A_205 = arith.constant 0 : i32
    %dma_wait3A_206 = arith.constant 0 : i32
    %dma_wait3A_207 = tpu.memref_slice %arg16[%dma_wait3A_202, %dma_wait3A_204, %dma_wait3A_205, %dma_wait3A_206] : memref<2x3x2x80xi32, #tpu.memory_space<vmem>> -> memref<1x3x2x80xi32, #tpu.memory_space<vmem>>
    %dma_wait3A_208 = tpu.memref_squeeze %dma_wait3A_207 : memref<1x3x2x80xi32, #tpu.memory_space<vmem>> -> memref<3x2x80xi32, #tpu.memory_space<vmem>>
    %dma_wait3A_209 = arith.constant 0 : i32
    %dma_wait3A_210 = arith.constant 0 : i32
    %dma_wait3A_211 = arith.constant 0 : i32
    %dma_wait3A_212 = arith.constant 0 : i32
    %dma_wait3A_213 = tpu.memref_slice %arg8[%dma_wait3A_203, %dma_wait3A_209, %dma_wait3A_210, %dma_wait3A_211, %dma_wait3A_212] : memref<2x10000x3x2x80xi32, #tpu.memory_space<hbm>> -> memref<1x10000x3x2x80xi32, #tpu.memory_space<hbm>>
    %dma_wait3A_214 = tpu.memref_squeeze %dma_wait3A_213 : memref<1x10000x3x2x80xi32, #tpu.memory_space<hbm>> -> memref<10000x3x2x80xi32, #tpu.memory_space<hbm>>
    %dma_wait3A_215 = arith.constant 0 : i32
    %dma_wait3A_216 = arith.constant 0 : i32
    %dma_wait3A_217 = arith.constant 0 : i32
    %dma_wait3A_218 = tpu.memref_slice %dma_wait3A_214[%add3A_167, %dma_wait3A_215, %dma_wait3A_216, %dma_wait3A_217] : memref<10000x3x2x80xi32, #tpu.memory_space<hbm>> -> memref<1x3x2x80xi32, #tpu.memory_space<hbm>>
    %dma_wait3A_219 = tpu.memref_squeeze %dma_wait3A_218 : memref<1x3x2x80xi32, #tpu.memory_space<hbm>> -> memref<3x2x80xi32, #tpu.memory_space<hbm>>
    %dma_wait3A_220 = arith.constant 0 : i32
    %dma_wait3A_221 = arith.constant 0 : i32
    %dma_wait3A_222 = arith.constant 0 : i32
    %dma_wait3A_223 = arith.constant 0 : i32
    %dma_wait3A_224 = tpu.memref_slice %arg8[%dma_wait3A_203, %dma_wait3A_220, %dma_wait3A_221, %dma_wait3A_222, %dma_wait3A_223] : memref<2x10000x3x2x80xi32, #tpu.memory_space<hbm>> -> memref<1x10000x3x2x80xi32, #tpu.memory_space<hbm>>
    %dma_wait3A_225 = tpu.memref_squeeze %dma_wait3A_224 : memref<1x10000x3x2x80xi32, #tpu.memory_space<hbm>> -> memref<10000x3x2x80xi32, #tpu.memory_space<hbm>>
    %dma_wait3A_226 = arith.constant 0 : i32
    %dma_wait3A_227 = arith.constant 0 : i32
    %dma_wait3A_228 = arith.constant 0 : i32
    %dma_wait3A_229 = tpu.memref_slice %dma_wait3A_225[%add3A_167, %dma_wait3A_226, %dma_wait3A_227, %dma_wait3A_228] : memref<10000x3x2x80xi32, #tpu.memory_space<hbm>> -> memref<1x3x2x80xi32, #tpu.memory_space<hbm>>
    %dma_wait3A_230 = tpu.memref_squeeze %dma_wait3A_229 : memref<1x3x2x80xi32, #tpu.memory_space<hbm>> -> memref<3x2x80xi32, #tpu.memory_space<hbm>>
    %dma_wait3A_231 = arith.constant 0 : i32
    %dma_wait3A_232 = arith.constant 0 : i32
    %dma_wait3A_233 = arith.constant 0 : i32
    %dma_wait3A_234 = tpu.memref_slice %arg16[%dma_wait3A_202, %dma_wait3A_231, %dma_wait3A_232, %dma_wait3A_233] : memref<2x3x2x80xi32, #tpu.memory_space<vmem>> -> memref<1x3x2x80xi32, #tpu.memory_space<vmem>>
    %dma_wait3A_235 = tpu.memref_squeeze %dma_wait3A_234 : memref<1x3x2x80xi32, #tpu.memory_space<vmem>> -> memref<3x2x80xi32, #tpu.memory_space<vmem>>
    tpu.wait_dma2 semaphore(%arg23 : memref<!tpu.dma_semaphore, #tpu.memory_space<semaphore_mem>>) src(%dma_wait3A_235 : memref<3x2x80xi32, #tpu.memory_space<vmem>>) dst(%dma_wait3A_230 : memref<3x2x80xi32, #tpu.memory_space<hbm>>)
    %dma_wait3A_236 = arith.constant 1 : i32
    %dma_wait3A_237 = arith.constant 0 : i32
    %dma_wait3A_238 = arith.constant 1 : i32
    %dma_wait3A_239 = arith.constant 0 : i32
    %dma_wait3A_240 = arith.constant 0 : i32
    %dma_wait3A_241 = arith.constant 0 : i32
    %dma_wait3A_242 = tpu.memref_slice %arg18[%dma_wait3A_236, %dma_wait3A_240, %dma_wait3A_241] : memref<2x2x80xf32, #tpu.memory_space<vmem>> -> memref<1x2x80xf32, #tpu.memory_space<vmem>>
    %dma_wait3A_243 = tpu.memref_squeeze %dma_wait3A_242 : memref<1x2x80xf32, #tpu.memory_space<vmem>> -> memref<2x80xf32, #tpu.memory_space<vmem>>
    %dma_wait3A_244 = arith.constant 0 : i32
    %dma_wait3A_245 = tpu.memref_slice %dma_wait3A_243[%dma_wait3A_237, %dma_wait3A_244] : memref<2x80xf32, #tpu.memory_space<vmem>> -> memref<1x80xf32, #tpu.memory_space<vmem>>
    %dma_wait3A_246 = tpu.memref_squeeze %dma_wait3A_245 : memref<1x80xf32, #tpu.memory_space<vmem>> -> memref<80xf32, #tpu.memory_space<vmem>>
    %dma_wait3A_247 = arith.constant 0 : i32
    %dma_wait3A_248 = arith.constant 0 : i32
    %dma_wait3A_249 = tpu.memref_slice %arg17[%dma_wait3A_238, %dma_wait3A_247, %dma_wait3A_248] : memref<2x2x80xi32, #tpu.memory_space<vmem>> -> memref<1x2x80xi32, #tpu.memory_space<vmem>>
    %dma_wait3A_250 = tpu.memref_squeeze %dma_wait3A_249 : memref<1x2x80xi32, #tpu.memory_space<vmem>> -> memref<2x80xi32, #tpu.memory_space<vmem>>
    %dma_wait3A_251 = arith.constant 0 : i32
    %dma_wait3A_252 = tpu.memref_slice %dma_wait3A_250[%dma_wait3A_239, %dma_wait3A_251] : memref<2x80xi32, #tpu.memory_space<vmem>> -> memref<1x80xi32, #tpu.memory_space<vmem>>
    %dma_wait3A_253 = tpu.memref_squeeze %dma_wait3A_252 : memref<1x80xi32, #tpu.memory_space<vmem>> -> memref<80xi32, #tpu.memory_space<vmem>>
    %dma_wait3A_254 = arith.constant 0 : i32
    %dma_wait3A_255 = tpu.memref_slice %arg19[%dma_wait3A_254] : memref<100096xf32, #tpu.memory_space<vmem_shared>> -> memref<100096xf32, #tpu.memory_space<vmem_shared>>
    tpu.wait_indirect_dma semaphore(%arg25 : memref<!tpu.dma_semaphore, #tpu.memory_space<semaphore_mem>>) src(%dma_wait3A_246 : memref<80xf32, #tpu.memory_space<vmem>>) dst(%dma_wait3A_255 : memref<100096xf32, #tpu.memory_space<vmem_shared>>)
    %dma_wait3A_256 = arith.constant 1 : i32
    %dma_wait3A_257 = arith.constant 1 : i32
    %dma_wait3A_258 = arith.constant 1 : i32
    %dma_wait3A_259 = arith.constant 1 : i32
    %dma_wait3A_260 = arith.constant 0 : i32
    %dma_wait3A_261 = arith.constant 0 : i32
    %dma_wait3A_262 = tpu.memref_slice %arg18[%dma_wait3A_256, %dma_wait3A_260, %dma_wait3A_261] : memref<2x2x80xf32, #tpu.memory_space<vmem>> -> memref<1x2x80xf32, #tpu.memory_space<vmem>>
    %dma_wait3A_263 = tpu.memref_squeeze %dma_wait3A_262 : memref<1x2x80xf32, #tpu.memory_space<vmem>> -> memref<2x80xf32, #tpu.memory_space<vmem>>
    %dma_wait3A_264 = arith.constant 0 : i32
    %dma_wait3A_265 = tpu.memref_slice %dma_wait3A_263[%dma_wait3A_257, %dma_wait3A_264] : memref<2x80xf32, #tpu.memory_space<vmem>> -> memref<1x80xf32, #tpu.memory_space<vmem>>
    %dma_wait3A_266 = tpu.memref_squeeze %dma_wait3A_265 : memref<1x80xf32, #tpu.memory_space<vmem>> -> memref<80xf32, #tpu.memory_space<vmem>>
    %dma_wait3A_267 = arith.constant 0 : i32
    %dma_wait3A_268 = arith.constant 0 : i32
    %dma_wait3A_269 = tpu.memref_slice %arg17[%dma_wait3A_258, %dma_wait3A_267, %dma_wait3A_268] : memref<2x2x80xi32, #tpu.memory_space<vmem>> -> memref<1x2x80xi32, #tpu.memory_space<vmem>>
    %dma_wait3A_270 = tpu.memref_squeeze %dma_wait3A_269 : memref<1x2x80xi32, #tpu.memory_space<vmem>> -> memref<2x80xi32, #tpu.memory_space<vmem>>
    %dma_wait3A_271 = arith.constant 0 : i32
    %dma_wait3A_272 = tpu.memref_slice %dma_wait3A_270[%dma_wait3A_259, %dma_wait3A_271] : memref<2x80xi32, #tpu.memory_space<vmem>> -> memref<1x80xi32, #tpu.memory_space<vmem>>
    %dma_wait3A_273 = tpu.memref_squeeze %dma_wait3A_272 : memref<1x80xi32, #tpu.memory_space<vmem>> -> memref<80xi32, #tpu.memory_space<vmem>>
    %dma_wait3A_274 = arith.constant 0 : i32
    %dma_wait3A_275 = tpu.memref_slice %arg19[%dma_wait3A_274] : memref<100096xf32, #tpu.memory_space<vmem_shared>> -> memref<100096xf32, #tpu.memory_space<vmem_shared>>
    tpu.wait_indirect_dma semaphore(%arg25 : memref<!tpu.dma_semaphore, #tpu.memory_space<semaphore_mem>>) src(%dma_wait3A_266 : memref<80xf32, #tpu.memory_space<vmem>>) dst(%dma_wait3A_275 : memref<100096xf32, #tpu.memory_space<vmem_shared>>)
    %barrier3A_276 = arith.constant 0 : index
    tpu.barrier barrier_id(%barrier3A_276)
    %mul3A_277 = arith.constant 6256 : i32
    %mul3A_278 = arith.muli %arg1, %mul3A_277 : i32
    %mul3A_279 = arith.constant 6256 : i32
    %mul3A_280 = arith.muli %arg1, %mul3A_279 : i32
    "tpu.region"() ({
      %run_scoped3A = tpu.sem_alloc : memref<!tpu.dma_semaphore, #tpu.memory_space<semaphore_mem>>
      %dma_start3A_281 = arith.constant 0 : i32
      %dma_start3A_282 = tpu.memref_slice %arg9[%arg0, %dma_start3A_281] : memref<2x100096xf32, #tpu.memory_space<hbm>> -> memref<1x100096xf32, #tpu.memory_space<hbm>>
      %dma_start3A_283 = tpu.memref_squeeze %dma_start3A_282 : memref<1x100096xf32, #tpu.memory_space<hbm>> -> memref<100096xf32, #tpu.memory_space<hbm>>
      %dma_start3A_284 = tpu.memref_slice %dma_start3A_283[%mul3A_280] : memref<100096xf32, #tpu.memory_space<hbm>> -> memref<6256xf32, #tpu.memory_space<hbm>>
      %dma_start3A_285 = tpu.memref_slice %arg19[%mul3A_278] : memref<100096xf32, #tpu.memory_space<vmem_shared>> -> memref<6256xf32, #tpu.memory_space<vmem_shared>>
      tpu.enqueue_dma source(%dma_start3A_285 : memref<6256xf32, #tpu.memory_space<vmem_shared>>) target(%dma_start3A_284 : memref<6256xf32, #tpu.memory_space<hbm>>) target_semaphore(%run_scoped3A : memref<!tpu.dma_semaphore, #tpu.memory_space<semaphore_mem>>)
      %dma_wait3A_286 = arith.constant 0 : i32
      %dma_wait3A_287 = tpu.memref_slice %arg9[%arg0, %dma_wait3A_286] : memref<2x100096xf32, #tpu.memory_space<hbm>> -> memref<1x100096xf32, #tpu.memory_space<hbm>>
      %dma_wait3A_288 = tpu.memref_squeeze %dma_wait3A_287 : memref<1x100096xf32, #tpu.memory_space<hbm>> -> memref<100096xf32, #tpu.memory_space<hbm>>
      %dma_wait3A_289 = tpu.memref_slice %dma_wait3A_288[%mul3A_280] : memref<100096xf32, #tpu.memory_space<hbm>> -> memref<6256xf32, #tpu.memory_space<hbm>>
      %dma_wait3A_290 = tpu.memref_slice %arg19[%mul3A_278] : memref<100096xf32, #tpu.memory_space<vmem_shared>> -> memref<6256xf32, #tpu.memory_space<vmem_shared>>
      tpu.wait_dma2 semaphore(%run_scoped3A : memref<!tpu.dma_semaphore, #tpu.memory_space<semaphore_mem>>) src(%dma_wait3A_290 : memref<6256xf32, #tpu.memory_space<vmem_shared>>) dst(%dma_wait3A_289 : memref<6256xf32, #tpu.memory_space<hbm>>)
      tpu.yield
    }) : () -> ()
    return
  }
}

#map = affine_map<(d0, d1) -> (0, 0)>
#map1 = affine_map<(d0, d1) -> (0)>
module attributes {stable_mosaic.version = 14 : i64} {
  func.func @_sc_gather_h_body(%arg0: i32, %arg1: i32, %arg2: memref<100000x32xf32, #tpu.memory_space<hbm>>, %arg3: memref<100000xi32, #tpu.memory_space<hbm>>, %arg4: memref<100000x32xf32, #tpu.memory_space<hbm>>, %arg5: memref<800xi32, #tpu.memory_space<vmem>>, %arg6: memref<800x32xf32, #tpu.memory_space<vmem>>, %arg7: memref<!tpu.dma_semaphore, #tpu.memory_space<semaphore_mem>>) attributes {dimension_semantics = [#tpu.dimension_semantics<core_parallel>, #tpu.dimension_semantics<subcore_parallel>], iteration_bounds = array<i64: 2, 16>, scalar_prefetch = 0 : i64, scratch_operands = 3 : i64, tpu.core_type = #tpu.core_type<sc_vector_subcore>, window_params = [{transform_indices = #map}, {transform_indices = #map1}, {transform_indices = #map}]} {
    %mul3A = arith.constant 2 : i32
    %mul3A_0 = arith.muli %arg1, %mul3A : i32
    %add3A = arith.addi %mul3A_0, %arg0 : i32
    %add3A_1 = arith.constant 0 : i32
    %add3A_2 = arith.addi %add3A, %add3A_1 : i32
    %lt3A = arith.constant 125 : i32
    %lt3A_3 = arith.cmpi slt, %add3A_2, %lt3A : i32
    %convert_element_type3A = arith.extui %lt3A_3 : i1 to i32
    %cond3A = arith.constant 0 : i32
    %cond3A_4 = arith.cmpi ne, %convert_element_type3A, %cond3A : i32
    scf.if %cond3A_4 {
      %mul3A_26 = arith.constant 800 : i32
      %mul3A_27 = arith.muli %add3A_2, %mul3A_26 : i32
      "tpu.region"() ({
        %run_scoped3A = tpu.sem_alloc : memref<!tpu.dma_semaphore, #tpu.memory_space<semaphore_mem>>
        %dma_start3A_32 = tpu.memref_slice %arg3[%mul3A_27] : memref<100000xi32, #tpu.memory_space<hbm>> -> memref<800xi32, #tpu.memory_space<hbm>>
        %dma_start3A_33 = tpu.memref_slice %arg3[%mul3A_27] : memref<100000xi32, #tpu.memory_space<hbm>> -> memref<800xi32, #tpu.memory_space<hbm>>
        tpu.enqueue_dma source(%dma_start3A_33 : memref<800xi32, #tpu.memory_space<hbm>>) target(%arg5 : memref<800xi32, #tpu.memory_space<vmem>>) target_semaphore(%run_scoped3A : memref<!tpu.dma_semaphore, #tpu.memory_space<semaphore_mem>>)
        %dma_wait3A_34 = tpu.memref_slice %arg3[%mul3A_27] : memref<100000xi32, #tpu.memory_space<hbm>> -> memref<800xi32, #tpu.memory_space<hbm>>
        %dma_wait3A_35 = tpu.memref_slice %arg3[%mul3A_27] : memref<100000xi32, #tpu.memory_space<hbm>> -> memref<800xi32, #tpu.memory_space<hbm>>
        tpu.wait_dma2 semaphore(%run_scoped3A : memref<!tpu.dma_semaphore, #tpu.memory_space<semaphore_mem>>) src(%dma_wait3A_35 : memref<800xi32, #tpu.memory_space<hbm>>) dst(%arg5 : memref<800xi32, #tpu.memory_space<vmem>>)
        tpu.yield
      }) : () -> ()
      %dma_start3A = arith.constant 0 : i32
      %dma_start3A_28 = arith.constant 0 : i32
      %dma_start3A_29 = tpu.memref_slice %arg2[%dma_start3A, %dma_start3A_28] : memref<100000x32xf32, #tpu.memory_space<hbm>> -> memref<100000x32xf32, #tpu.memory_space<hbm>>
      tpu.enqueue_indirect_dma source(%dma_start3A_29 : memref<100000x32xf32, #tpu.memory_space<hbm>>) target(%arg6 : memref<800x32xf32, #tpu.memory_space<vmem>>) offsets(%arg5 : memref<800xi32, #tpu.memory_space<vmem>>) semaphore(%arg7 : memref<!tpu.dma_semaphore, #tpu.memory_space<semaphore_mem>>)
      %dma_wait3A = arith.constant 0 : i32
      %dma_wait3A_30 = arith.constant 0 : i32
      %dma_wait3A_31 = tpu.memref_slice %arg2[%dma_wait3A, %dma_wait3A_30] : memref<100000x32xf32, #tpu.memory_space<hbm>> -> memref<100000x32xf32, #tpu.memory_space<hbm>>
      tpu.wait_indirect_dma semaphore(%arg7 : memref<!tpu.dma_semaphore, #tpu.memory_space<semaphore_mem>>) src(%dma_wait3A_31 : memref<100000x32xf32, #tpu.memory_space<hbm>>) dst(%arg6 : memref<800x32xf32, #tpu.memory_space<vmem>>)
      "tpu.region"() ({
        %run_scoped3A = tpu.sem_alloc : memref<!tpu.dma_semaphore, #tpu.memory_space<semaphore_mem>>
        %dma_start3A_32 = arith.constant 0 : i32
        %dma_start3A_33 = tpu.memref_slice %arg4[%mul3A_27, %dma_start3A_32] : memref<100000x32xf32, #tpu.memory_space<hbm>> -> memref<800x32xf32, #tpu.memory_space<hbm>>
        %dma_start3A_34 = arith.constant 0 : i32
        %dma_start3A_35 = tpu.memref_slice %arg4[%mul3A_27, %dma_start3A_34] : memref<100000x32xf32, #tpu.memory_space<hbm>> -> memref<800x32xf32, #tpu.memory_space<hbm>>
        tpu.enqueue_dma source(%arg6 : memref<800x32xf32, #tpu.memory_space<vmem>>) target(%dma_start3A_35 : memref<800x32xf32, #tpu.memory_space<hbm>>) target_semaphore(%run_scoped3A : memref<!tpu.dma_semaphore, #tpu.memory_space<semaphore_mem>>)
        %dma_wait3A_36 = arith.constant 0 : i32
        %dma_wait3A_37 = tpu.memref_slice %arg4[%mul3A_27, %dma_wait3A_36] : memref<100000x32xf32, #tpu.memory_space<hbm>> -> memref<800x32xf32, #tpu.memory_space<hbm>>
        %dma_wait3A_38 = arith.constant 0 : i32
        %dma_wait3A_39 = tpu.memref_slice %arg4[%mul3A_27, %dma_wait3A_38] : memref<100000x32xf32, #tpu.memory_space<hbm>> -> memref<800x32xf32, #tpu.memory_space<hbm>>
        tpu.wait_dma2 semaphore(%run_scoped3A : memref<!tpu.dma_semaphore, #tpu.memory_space<semaphore_mem>>) src(%arg6 : memref<800x32xf32, #tpu.memory_space<vmem>>) dst(%dma_wait3A_39 : memref<800x32xf32, #tpu.memory_space<hbm>>)
        tpu.yield
      }) : () -> ()
    } else {
    }
    %add3A_5 = arith.constant 32 : i32
    %add3A_6 = arith.addi %add3A, %add3A_5 : i32
    %lt3A_7 = arith.constant 125 : i32
    %lt3A_8 = arith.cmpi slt, %add3A_6, %lt3A_7 : i32
    %convert_element_type3A_9 = arith.extui %lt3A_8 : i1 to i32
    %cond3A_10 = arith.constant 0 : i32
    %cond3A_11 = arith.cmpi ne, %convert_element_type3A_9, %cond3A_10 : i32
    scf.if %cond3A_11 {
      %mul3A_26 = arith.constant 800 : i32
      %mul3A_27 = arith.muli %add3A_6, %mul3A_26 : i32
      "tpu.region"() ({
        %run_scoped3A = tpu.sem_alloc : memref<!tpu.dma_semaphore, #tpu.memory_space<semaphore_mem>>
        %dma_start3A_32 = tpu.memref_slice %arg3[%mul3A_27] : memref<100000xi32, #tpu.memory_space<hbm>> -> memref<800xi32, #tpu.memory_space<hbm>>
        %dma_start3A_33 = tpu.memref_slice %arg3[%mul3A_27] : memref<100000xi32, #tpu.memory_space<hbm>> -> memref<800xi32, #tpu.memory_space<hbm>>
        tpu.enqueue_dma source(%dma_start3A_33 : memref<800xi32, #tpu.memory_space<hbm>>) target(%arg5 : memref<800xi32, #tpu.memory_space<vmem>>) target_semaphore(%run_scoped3A : memref<!tpu.dma_semaphore, #tpu.memory_space<semaphore_mem>>)
        %dma_wait3A_34 = tpu.memref_slice %arg3[%mul3A_27] : memref<100000xi32, #tpu.memory_space<hbm>> -> memref<800xi32, #tpu.memory_space<hbm>>
        %dma_wait3A_35 = tpu.memref_slice %arg3[%mul3A_27] : memref<100000xi32, #tpu.memory_space<hbm>> -> memref<800xi32, #tpu.memory_space<hbm>>
        tpu.wait_dma2 semaphore(%run_scoped3A : memref<!tpu.dma_semaphore, #tpu.memory_space<semaphore_mem>>) src(%dma_wait3A_35 : memref<800xi32, #tpu.memory_space<hbm>>) dst(%arg5 : memref<800xi32, #tpu.memory_space<vmem>>)
        tpu.yield
      }) : () -> ()
      %dma_start3A = arith.constant 0 : i32
      %dma_start3A_28 = arith.constant 0 : i32
      %dma_start3A_29 = tpu.memref_slice %arg2[%dma_start3A, %dma_start3A_28] : memref<100000x32xf32, #tpu.memory_space<hbm>> -> memref<100000x32xf32, #tpu.memory_space<hbm>>
      tpu.enqueue_indirect_dma source(%dma_start3A_29 : memref<100000x32xf32, #tpu.memory_space<hbm>>) target(%arg6 : memref<800x32xf32, #tpu.memory_space<vmem>>) offsets(%arg5 : memref<800xi32, #tpu.memory_space<vmem>>) semaphore(%arg7 : memref<!tpu.dma_semaphore, #tpu.memory_space<semaphore_mem>>)
      %dma_wait3A = arith.constant 0 : i32
      %dma_wait3A_30 = arith.constant 0 : i32
      %dma_wait3A_31 = tpu.memref_slice %arg2[%dma_wait3A, %dma_wait3A_30] : memref<100000x32xf32, #tpu.memory_space<hbm>> -> memref<100000x32xf32, #tpu.memory_space<hbm>>
      tpu.wait_indirect_dma semaphore(%arg7 : memref<!tpu.dma_semaphore, #tpu.memory_space<semaphore_mem>>) src(%dma_wait3A_31 : memref<100000x32xf32, #tpu.memory_space<hbm>>) dst(%arg6 : memref<800x32xf32, #tpu.memory_space<vmem>>)
      "tpu.region"() ({
        %run_scoped3A = tpu.sem_alloc : memref<!tpu.dma_semaphore, #tpu.memory_space<semaphore_mem>>
        %dma_start3A_32 = arith.constant 0 : i32
        %dma_start3A_33 = tpu.memref_slice %arg4[%mul3A_27, %dma_start3A_32] : memref<100000x32xf32, #tpu.memory_space<hbm>> -> memref<800x32xf32, #tpu.memory_space<hbm>>
        %dma_start3A_34 = arith.constant 0 : i32
        %dma_start3A_35 = tpu.memref_slice %arg4[%mul3A_27, %dma_start3A_34] : memref<100000x32xf32, #tpu.memory_space<hbm>> -> memref<800x32xf32, #tpu.memory_space<hbm>>
        tpu.enqueue_dma source(%arg6 : memref<800x32xf32, #tpu.memory_space<vmem>>) target(%dma_start3A_35 : memref<800x32xf32, #tpu.memory_space<hbm>>) target_semaphore(%run_scoped3A : memref<!tpu.dma_semaphore, #tpu.memory_space<semaphore_mem>>)
        %dma_wait3A_36 = arith.constant 0 : i32
        %dma_wait3A_37 = tpu.memref_slice %arg4[%mul3A_27, %dma_wait3A_36] : memref<100000x32xf32, #tpu.memory_space<hbm>> -> memref<800x32xf32, #tpu.memory_space<hbm>>
        %dma_wait3A_38 = arith.constant 0 : i32
        %dma_wait3A_39 = tpu.memref_slice %arg4[%mul3A_27, %dma_wait3A_38] : memref<100000x32xf32, #tpu.memory_space<hbm>> -> memref<800x32xf32, #tpu.memory_space<hbm>>
        tpu.wait_dma2 semaphore(%run_scoped3A : memref<!tpu.dma_semaphore, #tpu.memory_space<semaphore_mem>>) src(%arg6 : memref<800x32xf32, #tpu.memory_space<vmem>>) dst(%dma_wait3A_39 : memref<800x32xf32, #tpu.memory_space<hbm>>)
        tpu.yield
      }) : () -> ()
    } else {
    }
    %add3A_12 = arith.constant 64 : i32
    %add3A_13 = arith.addi %add3A, %add3A_12 : i32
    %lt3A_14 = arith.constant 125 : i32
    %lt3A_15 = arith.cmpi slt, %add3A_13, %lt3A_14 : i32
    %convert_element_type3A_16 = arith.extui %lt3A_15 : i1 to i32
    %cond3A_17 = arith.constant 0 : i32
    %cond3A_18 = arith.cmpi ne, %convert_element_type3A_16, %cond3A_17 : i32
    scf.if %cond3A_18 {
      %mul3A_26 = arith.constant 800 : i32
      %mul3A_27 = arith.muli %add3A_13, %mul3A_26 : i32
      "tpu.region"() ({
        %run_scoped3A = tpu.sem_alloc : memref<!tpu.dma_semaphore, #tpu.memory_space<semaphore_mem>>
        %dma_start3A_32 = tpu.memref_slice %arg3[%mul3A_27] : memref<100000xi32, #tpu.memory_space<hbm>> -> memref<800xi32, #tpu.memory_space<hbm>>
        %dma_start3A_33 = tpu.memref_slice %arg3[%mul3A_27] : memref<100000xi32, #tpu.memory_space<hbm>> -> memref<800xi32, #tpu.memory_space<hbm>>
        tpu.enqueue_dma source(%dma_start3A_33 : memref<800xi32, #tpu.memory_space<hbm>>) target(%arg5 : memref<800xi32, #tpu.memory_space<vmem>>) target_semaphore(%run_scoped3A : memref<!tpu.dma_semaphore, #tpu.memory_space<semaphore_mem>>)
        %dma_wait3A_34 = tpu.memref_slice %arg3[%mul3A_27] : memref<100000xi32, #tpu.memory_space<hbm>> -> memref<800xi32, #tpu.memory_space<hbm>>
        %dma_wait3A_35 = tpu.memref_slice %arg3[%mul3A_27] : memref<100000xi32, #tpu.memory_space<hbm>> -> memref<800xi32, #tpu.memory_space<hbm>>
        tpu.wait_dma2 semaphore(%run_scoped3A : memref<!tpu.dma_semaphore, #tpu.memory_space<semaphore_mem>>) src(%dma_wait3A_35 : memref<800xi32, #tpu.memory_space<hbm>>) dst(%arg5 : memref<800xi32, #tpu.memory_space<vmem>>)
        tpu.yield
      }) : () -> ()
      %dma_start3A = arith.constant 0 : i32
      %dma_start3A_28 = arith.constant 0 : i32
      %dma_start3A_29 = tpu.memref_slice %arg2[%dma_start3A, %dma_start3A_28] : memref<100000x32xf32, #tpu.memory_space<hbm>> -> memref<100000x32xf32, #tpu.memory_space<hbm>>
      tpu.enqueue_indirect_dma source(%dma_start3A_29 : memref<100000x32xf32, #tpu.memory_space<hbm>>) target(%arg6 : memref<800x32xf32, #tpu.memory_space<vmem>>) offsets(%arg5 : memref<800xi32, #tpu.memory_space<vmem>>) semaphore(%arg7 : memref<!tpu.dma_semaphore, #tpu.memory_space<semaphore_mem>>)
      %dma_wait3A = arith.constant 0 : i32
      %dma_wait3A_30 = arith.constant 0 : i32
      %dma_wait3A_31 = tpu.memref_slice %arg2[%dma_wait3A, %dma_wait3A_30] : memref<100000x32xf32, #tpu.memory_space<hbm>> -> memref<100000x32xf32, #tpu.memory_space<hbm>>
      tpu.wait_indirect_dma semaphore(%arg7 : memref<!tpu.dma_semaphore, #tpu.memory_space<semaphore_mem>>) src(%dma_wait3A_31 : memref<100000x32xf32, #tpu.memory_space<hbm>>) dst(%arg6 : memref<800x32xf32, #tpu.memory_space<vmem>>)
      "tpu.region"() ({
        %run_scoped3A = tpu.sem_alloc : memref<!tpu.dma_semaphore, #tpu.memory_space<semaphore_mem>>
        %dma_start3A_32 = arith.constant 0 : i32
        %dma_start3A_33 = tpu.memref_slice %arg4[%mul3A_27, %dma_start3A_32] : memref<100000x32xf32, #tpu.memory_space<hbm>> -> memref<800x32xf32, #tpu.memory_space<hbm>>
        %dma_start3A_34 = arith.constant 0 : i32
        %dma_start3A_35 = tpu.memref_slice %arg4[%mul3A_27, %dma_start3A_34] : memref<100000x32xf32, #tpu.memory_space<hbm>> -> memref<800x32xf32, #tpu.memory_space<hbm>>
        tpu.enqueue_dma source(%arg6 : memref<800x32xf32, #tpu.memory_space<vmem>>) target(%dma_start3A_35 : memref<800x32xf32, #tpu.memory_space<hbm>>) target_semaphore(%run_scoped3A : memref<!tpu.dma_semaphore, #tpu.memory_space<semaphore_mem>>)
        %dma_wait3A_36 = arith.constant 0 : i32
        %dma_wait3A_37 = tpu.memref_slice %arg4[%mul3A_27, %dma_wait3A_36] : memref<100000x32xf32, #tpu.memory_space<hbm>> -> memref<800x32xf32, #tpu.memory_space<hbm>>
        %dma_wait3A_38 = arith.constant 0 : i32
        %dma_wait3A_39 = tpu.memref_slice %arg4[%mul3A_27, %dma_wait3A_38] : memref<100000x32xf32, #tpu.memory_space<hbm>> -> memref<800x32xf32, #tpu.memory_space<hbm>>
        tpu.wait_dma2 semaphore(%run_scoped3A : memref<!tpu.dma_semaphore, #tpu.memory_space<semaphore_mem>>) src(%arg6 : memref<800x32xf32, #tpu.memory_space<vmem>>) dst(%dma_wait3A_39 : memref<800x32xf32, #tpu.memory_space<hbm>>)
        tpu.yield
      }) : () -> ()
    } else {
    }
    %add3A_19 = arith.constant 96 : i32
    %add3A_20 = arith.addi %add3A, %add3A_19 : i32
    %lt3A_21 = arith.constant 125 : i32
    %lt3A_22 = arith.cmpi slt, %add3A_20, %lt3A_21 : i32
    %convert_element_type3A_23 = arith.extui %lt3A_22 : i1 to i32
    %cond3A_24 = arith.constant 0 : i32
    %cond3A_25 = arith.cmpi ne, %convert_element_type3A_23, %cond3A_24 : i32
    scf.if %cond3A_25 {
      %mul3A_26 = arith.constant 800 : i32
      %mul3A_27 = arith.muli %add3A_20, %mul3A_26 : i32
      "tpu.region"() ({
        %run_scoped3A = tpu.sem_alloc : memref<!tpu.dma_semaphore, #tpu.memory_space<semaphore_mem>>
        %dma_start3A_32 = tpu.memref_slice %arg3[%mul3A_27] : memref<100000xi32, #tpu.memory_space<hbm>> -> memref<800xi32, #tpu.memory_space<hbm>>
        %dma_start3A_33 = tpu.memref_slice %arg3[%mul3A_27] : memref<100000xi32, #tpu.memory_space<hbm>> -> memref<800xi32, #tpu.memory_space<hbm>>
        tpu.enqueue_dma source(%dma_start3A_33 : memref<800xi32, #tpu.memory_space<hbm>>) target(%arg5 : memref<800xi32, #tpu.memory_space<vmem>>) target_semaphore(%run_scoped3A : memref<!tpu.dma_semaphore, #tpu.memory_space<semaphore_mem>>)
        %dma_wait3A_34 = tpu.memref_slice %arg3[%mul3A_27] : memref<100000xi32, #tpu.memory_space<hbm>> -> memref<800xi32, #tpu.memory_space<hbm>>
        %dma_wait3A_35 = tpu.memref_slice %arg3[%mul3A_27] : memref<100000xi32, #tpu.memory_space<hbm>> -> memref<800xi32, #tpu.memory_space<hbm>>
        tpu.wait_dma2 semaphore(%run_scoped3A : memref<!tpu.dma_semaphore, #tpu.memory_space<semaphore_mem>>) src(%dma_wait3A_35 : memref<800xi32, #tpu.memory_space<hbm>>) dst(%arg5 : memref<800xi32, #tpu.memory_space<vmem>>)
        tpu.yield
      }) : () -> ()
      %dma_start3A = arith.constant 0 : i32
      %dma_start3A_28 = arith.constant 0 : i32
      %dma_start3A_29 = tpu.memref_slice %arg2[%dma_start3A, %dma_start3A_28] : memref<100000x32xf32, #tpu.memory_space<hbm>> -> memref<100000x32xf32, #tpu.memory_space<hbm>>
      tpu.enqueue_indirect_dma source(%dma_start3A_29 : memref<100000x32xf32, #tpu.memory_space<hbm>>) target(%arg6 : memref<800x32xf32, #tpu.memory_space<vmem>>) offsets(%arg5 : memref<800xi32, #tpu.memory_space<vmem>>) semaphore(%arg7 : memref<!tpu.dma_semaphore, #tpu.memory_space<semaphore_mem>>)
      %dma_wait3A = arith.constant 0 : i32
      %dma_wait3A_30 = arith.constant 0 : i32
      %dma_wait3A_31 = tpu.memref_slice %arg2[%dma_wait3A, %dma_wait3A_30] : memref<100000x32xf32, #tpu.memory_space<hbm>> -> memref<100000x32xf32, #tpu.memory_space<hbm>>
      tpu.wait_indirect_dma semaphore(%arg7 : memref<!tpu.dma_semaphore, #tpu.memory_space<semaphore_mem>>) src(%dma_wait3A_31 : memref<100000x32xf32, #tpu.memory_space<hbm>>) dst(%arg6 : memref<800x32xf32, #tpu.memory_space<vmem>>)
      "tpu.region"() ({
        %run_scoped3A = tpu.sem_alloc : memref<!tpu.dma_semaphore, #tpu.memory_space<semaphore_mem>>
        %dma_start3A_32 = arith.constant 0 : i32
        %dma_start3A_33 = tpu.memref_slice %arg4[%mul3A_27, %dma_start3A_32] : memref<100000x32xf32, #tpu.memory_space<hbm>> -> memref<800x32xf32, #tpu.memory_space<hbm>>
        %dma_start3A_34 = arith.constant 0 : i32
        %dma_start3A_35 = tpu.memref_slice %arg4[%mul3A_27, %dma_start3A_34] : memref<100000x32xf32, #tpu.memory_space<hbm>> -> memref<800x32xf32, #tpu.memory_space<hbm>>
        tpu.enqueue_dma source(%arg6 : memref<800x32xf32, #tpu.memory_space<vmem>>) target(%dma_start3A_35 : memref<800x32xf32, #tpu.memory_space<hbm>>) target_semaphore(%run_scoped3A : memref<!tpu.dma_semaphore, #tpu.memory_space<semaphore_mem>>)
        %dma_wait3A_36 = arith.constant 0 : i32
        %dma_wait3A_37 = tpu.memref_slice %arg4[%mul3A_27, %dma_wait3A_36] : memref<100000x32xf32, #tpu.memory_space<hbm>> -> memref<800x32xf32, #tpu.memory_space<hbm>>
        %dma_wait3A_38 = arith.constant 0 : i32
        %dma_wait3A_39 = tpu.memref_slice %arg4[%mul3A_27, %dma_wait3A_38] : memref<100000x32xf32, #tpu.memory_space<hbm>> -> memref<800x32xf32, #tpu.memory_space<hbm>>
        tpu.wait_dma2 semaphore(%run_scoped3A : memref<!tpu.dma_semaphore, #tpu.memory_space<semaphore_mem>>) src(%arg6 : memref<800x32xf32, #tpu.memory_space<vmem>>) dst(%dma_wait3A_39 : memref<800x32xf32, #tpu.memory_space<hbm>>)
        tpu.yield
      }) : () -> ()
    } else {
    }
    return
  }
}

module attributes {stable_mosaic.version = 14 : i64} {
  func.func @_node_precompute_kernel(%arg0: i32, %arg1: memref<1024x32xf32, #tpu.memory_space<vmem>>, %arg2: memref<32x32xf32, #tpu.memory_space<vmem>>, %arg3: memref<32xf32, #tpu.memory_space<vmem>>, %arg4: memref<1024x32xf32, #tpu.memory_space<vmem>>) attributes {dimension_semantics = [#tpu.dimension_semantics<arbitrary>], iteration_bounds = array<i64: 98>, scalar_prefetch = 0 : i64, scratch_operands = 0 : i64, tpu.core_type = #tpu.core_type<tc>, window_params = [{transform_indices = @transform_0, window_bounds = array<i64: 1024, 32>}, {pipeline_mode = #tpu.pipeline_mode<synchronous>, transform_indices = @transform_1, window_bounds = array<i64: 32, 32>}, {pipeline_mode = #tpu.pipeline_mode<synchronous>, transform_indices = @transform_2, window_bounds = array<i64: 32>}, {transform_indices = @transform_3, window_bounds = array<i64: 1024, 32>}]} {
    %get3A = arith.constant 0 : index
    %get3A_0 = arith.constant 0 : index
    %get3A_1 = vector.load %arg1[%get3A, %get3A_0] : memref<1024x32xf32, #tpu.memory_space<vmem>>, vector<1024x32xf32>
    %get3A_2 = arith.constant 0 : index
    %get3A_3 = arith.constant 0 : index
    %get3A_4 = vector.load %arg2[%get3A_2, %get3A_3] : memref<32x32xf32, #tpu.memory_space<vmem>>, vector<32x32xf32>
    %transpose3A = tpu.transpose %get3A_4, [1, 0] : vector<32x32xf32> -> vector<32x32xf32>
    %dot_general3A = arith.constant dense<0.000000e+00> : vector<1024x32xf32>
    %dot_general3A_5 = tpu.matmul %get3A_1, %transpose3A, %dot_general3A {dimension_numbers = #tpu.dot_dimension_numbers<[1], [0], [0], [1], [0, 0, 1, 1], [], []>, transpose_lhs_hint = false} : vector<1024x32xf32>, vector<32x32xf32>, vector<1024x32xf32> -> vector<1024x32xf32>
    %get3A_6 = arith.constant 0 : index
    %get3A_7 = vector.load %arg3[%get3A_6] : memref<32xf32, #tpu.memory_space<vmem>>, vector<32xf32>
    %broadcast_in_dim3A = vector.shape_cast %get3A_7 : vector<32xf32> to vector<1x32xf32>
    %add3A = vector.broadcast %broadcast_in_dim3A : vector<1x32xf32> to vector<1024x32xf32>
    %add3A_8 = arith.addf %dot_general3A_5, %add3A : vector<1024x32xf32>
    %swap3A = arith.constant 0 : index
    %swap3A_9 = arith.constant 0 : index
    %swap3A_10 = vector.load %arg4[%swap3A, %swap3A_9] : memref<1024x32xf32, #tpu.memory_space<vmem>>, vector<1024x32xf32>
    tpu.vector_store %arg4[%swap3A, %swap3A_9], %add3A_8 {strides = array<i32>} : memref<1024x32xf32, #tpu.memory_space<vmem>>, vector<1024x32xf32>,
    return
  }
  func.func @transform_0(%arg0: i32) -> (i32, i32) {
    %c0_i32 = arith.constant 0 : i32
    %c0_i32_0 = arith.constant 0 : i32
    return %arg0, %c0_i32 : i32, i32
  }
  func.func @transform_1(%arg0: i32) -> (i32, i32) {
    %c0_i32 = arith.constant 0 : i32
    %c0_i32_0 = arith.constant 0 : i32
    %c0_i32_1 = arith.constant 0 : i32
    return %c0_i32, %c0_i32_0 : i32, i32
  }
  func.func @transform_2(%arg0: i32) -> i32 {
    %c0_i32 = arith.constant 0 : i32
    %c0_i32_0 = arith.constant 0 : i32
    return %c0_i32 : i32
  }
  func.func @transform_3(%arg0: i32) -> (i32, i32) {
    %c0_i32 = arith.constant 0 : i32
    %c0_i32_0 = arith.constant 0 : i32
    return %arg0, %c0_i32 : i32, i32
  }
}

module attributes {stable_mosaic.version = 14 : i64} {
  func.func @_edge_precompute_kernel(%arg0: memref<1000x32xf32, #tpu.memory_space<vmem>>, %arg1: memref<32x32xf32, #tpu.memory_space<vmem>>, %arg2: memref<32xf32, #tpu.memory_space<vmem>>, %arg3: memref<32xf32, #tpu.memory_space<vmem>>, %arg4: memref<32xf32, #tpu.memory_space<vmem>>, %arg5: memref<32xf32, #tpu.memory_space<vmem>>, %arg6: memref<1000x32xf32, #tpu.memory_space<vmem>>, %arg7: memref<1000xf32, #tpu.memory_space<vmem>>) attributes {dimension_semantics = [], scalar_prefetch = 0 : i64, scratch_operands = 0 : i64, tpu.core_type = #tpu.core_type<tc>} {
    %get3A = arith.constant 0 : index
    %get3A_0 = arith.constant 0 : index
    %get3A_1 = vector.load %arg0[%get3A, %get3A_0] : memref<1000x32xf32, #tpu.memory_space<vmem>>, vector<1000x32xf32>
    %get3A_2 = arith.constant 0 : index
    %get3A_3 = arith.constant 0 : index
    %get3A_4 = vector.load %arg1[%get3A_2, %get3A_3] : memref<32x32xf32, #tpu.memory_space<vmem>>, vector<32x32xf32>
    %transpose3A = tpu.transpose %get3A_4, [1, 0] : vector<32x32xf32> -> vector<32x32xf32>
    %dot_general3A = arith.constant dense<0.000000e+00> : vector<1000x32xf32>
    %dot_general3A_5 = tpu.matmul %get3A_1, %transpose3A, %dot_general3A {dimension_numbers = #tpu.dot_dimension_numbers<[1], [0], [0], [1], [0, 0, 1, 1], [], []>, transpose_lhs_hint = false} : vector<1000x32xf32>, vector<32x32xf32>, vector<1000x32xf32> -> vector<1000x32xf32>
    %get3A_6 = arith.constant 0 : index
    %get3A_7 = vector.load %arg2[%get3A_6] : memref<32xf32, #tpu.memory_space<vmem>>, vector<32xf32>
    %broadcast_in_dim3A = vector.shape_cast %get3A_7 : vector<32xf32> to vector<1x32xf32>
    %add3A = vector.broadcast %broadcast_in_dim3A : vector<1x32xf32> to vector<1000x32xf32>
    %add3A_8 = arith.addf %dot_general3A_5, %add3A : vector<1000x32xf32>
    %get3A_9 = arith.constant 0 : index
    %get3A_10 = vector.load %arg3[%get3A_9] : memref<32xf32, #tpu.memory_space<vmem>>, vector<32xf32>
    %dot_general3A_11 = arith.constant dense<0.000000e+00> : vector<1000xf32>
    %dot_general3A_12 = tpu.matmul %add3A_8, %get3A_10, %dot_general3A_11 {dimension_numbers = #tpu.dot_dimension_numbers<[1], [0], [0], [], [0, 0], [], []>, transpose_lhs_hint = false} : vector<1000x32xf32>, vector<32xf32>, vector<1000xf32> -> vector<1000xf32>
    %swap3A = arith.constant 0 : index
    %swap3A_13 = vector.load %arg7[%swap3A] : memref<1000xf32, #tpu.memory_space<vmem>>, vector<1000xf32>
    tpu.vector_store %arg7[%swap3A], %dot_general3A_12 {strides = array<i32>} : memref<1000xf32, #tpu.memory_space<vmem>>, vector<1000xf32>,
    %reduce_sum3A = arith.constant dense<0.000000e+00> : vector<1000xf32>
    %reduce_sum3A_14 = vector.multi_reduction <add>, %add3A_8, %reduce_sum3A [1] : vector<1000x32xf32> to vector<1000xf32>
    %broadcast_in_dim3A_15 = vector.shape_cast %reduce_sum3A_14 : vector<1000xf32> to vector<1000x1xf32>
    %div3A = arith.constant 3.200000e+01 : f32
    %div3A_16 = vector.broadcast %div3A : f32 to vector<1000x1xf32>
    %div3A_17 = arith.divf %broadcast_in_dim3A_15, %div3A_16 : vector<1000x1xf32>
    %sub3A = vector.broadcast %div3A_17 : vector<1000x1xf32> to vector<1000x32xf32>
    %sub3A_18 = arith.subf %add3A_8, %sub3A : vector<1000x32xf32>
    %integer_pow3A = arith.mulf %sub3A_18, %sub3A_18 : vector<1000x32xf32>
    %reduce_sum3A_19 = arith.constant dense<0.000000e+00> : vector<1000xf32>
    %reduce_sum3A_20 = vector.multi_reduction <add>, %integer_pow3A, %reduce_sum3A_19 [1] : vector<1000x32xf32> to vector<1000xf32>
    %broadcast_in_dim3A_21 = vector.shape_cast %reduce_sum3A_20 : vector<1000xf32> to vector<1000x1xf32>
    %div3A_22 = arith.constant 3.200000e+01 : f32
    %div3A_23 = vector.broadcast %div3A_22 : f32 to vector<1000x1xf32>
    %div3A_24 = arith.divf %broadcast_in_dim3A_21, %div3A_23 : vector<1000x1xf32>
    %sub3A_25 = vector.broadcast %div3A_17 : vector<1000x1xf32> to vector<1000x32xf32>
    %sub3A_26 = arith.subf %add3A_8, %sub3A_25 : vector<1000x32xf32>
    %add3A_27 = arith.constant 9.99999974E-6 : f32
    %add3A_28 = vector.broadcast %add3A_27 : f32 to vector<1000x1xf32>
    %add3A_29 = arith.addf %div3A_24, %add3A_28 : vector<1000x1xf32>
    %sqrt3A = math.sqrt %add3A_29 : vector<1000x1xf32>
    %div3A_30 = vector.broadcast %sqrt3A : vector<1000x1xf32> to vector<1000x32xf32>
    %div3A_31 = arith.divf %sub3A_26, %div3A_30 : vector<1000x32xf32>
    %get3A_32 = arith.constant 0 : index
    %get3A_33 = vector.load %arg4[%get3A_32] : memref<32xf32, #tpu.memory_space<vmem>>, vector<32xf32>
    %broadcast_in_dim3A_34 = vector.shape_cast %get3A_33 : vector<32xf32> to vector<1x32xf32>
    %mul3A = vector.broadcast %broadcast_in_dim3A_34 : vector<1x32xf32> to vector<1000x32xf32>
    %mul3A_35 = arith.mulf %div3A_31, %mul3A : vector<1000x32xf32>
    %get3A_36 = arith.constant 0 : index
    %get3A_37 = vector.load %arg5[%get3A_36] : memref<32xf32, #tpu.memory_space<vmem>>, vector<32xf32>
    %broadcast_in_dim3A_38 = vector.shape_cast %get3A_37 : vector<32xf32> to vector<1x32xf32>
    %add3A_39 = vector.broadcast %broadcast_in_dim3A_38 : vector<1x32xf32> to vector<1000x32xf32>
    %add3A_40 = arith.addf %mul3A_35, %add3A_39 : vector<1000x32xf32>
    %swap3A_41 = arith.constant 0 : index
    %swap3A_42 = arith.constant 0 : index
    %swap3A_43 = vector.load %arg6[%swap3A_41, %swap3A_42] : memref<1000x32xf32, #tpu.memory_space<vmem>>, vector<1000x32xf32>
    tpu.vector_store %arg6[%swap3A_41, %swap3A_42], %add3A_40 {strides = array<i32>} : memref<1000x32xf32, #tpu.memory_space<vmem>>, vector<1000x32xf32>,
    return
  }
}

module attributes {stable_mosaic.version = 14 : i64} {
  func.func @_sij_kernel(%arg0: i32, %arg1: memref<1024x32xf32, #tpu.memory_space<vmem>>, %arg2: memref<32xf32, #tpu.memory_space<vmem>>, %arg3: memref<32xf32, #tpu.memory_space<vmem>>, %arg4: memref<1024xf32, #tpu.memory_space<vmem>>, %arg5: memref<1024xf32, #tpu.memory_space<vmem>>) attributes {dimension_semantics = [#tpu.dimension_semantics<arbitrary>], iteration_bounds = array<i64: 98>, scalar_prefetch = 0 : i64, scratch_operands = 0 : i64, tpu.core_type = #tpu.core_type<tc>, window_params = [{transform_indices = @transform_0, window_bounds = array<i64: 1024, 32>}, {pipeline_mode = #tpu.pipeline_mode<synchronous>, transform_indices = @transform_1, window_bounds = array<i64: 32>}, {pipeline_mode = #tpu.pipeline_mode<synchronous>, transform_indices = @transform_2, window_bounds = array<i64: 32>}, {transform_indices = @transform_3, window_bounds = array<i64: 1024>}, {transform_indices = @transform_4, window_bounds = array<i64: 1024>}]} {
    %get3A = arith.constant 0 : index
    %get3A_0 = arith.constant 0 : index
    %get3A_1 = vector.load %arg1[%get3A, %get3A_0] : memref<1024x32xf32, #tpu.memory_space<vmem>>, vector<1024x32xf32>
    %get3A_2 = arith.constant 0 : index
    %get3A_3 = vector.load %arg2[%get3A_2] : memref<32xf32, #tpu.memory_space<vmem>>, vector<32xf32>
    %dot_general3A = arith.constant dense<0.000000e+00> : vector<1024xf32>
    %dot_general3A_4 = tpu.matmul %get3A_1, %get3A_3, %dot_general3A {dimension_numbers = #tpu.dot_dimension_numbers<[1], [0], [0], [], [0, 0], [], []>, transpose_lhs_hint = false} : vector<1024x32xf32>, vector<32xf32>, vector<1024xf32> -> vector<1024xf32>
    %swap3A = arith.constant 0 : index
    %swap3A_5 = vector.load %arg4[%swap3A] : memref<1024xf32, #tpu.memory_space<vmem>>, vector<1024xf32>
    tpu.vector_store %arg4[%swap3A], %dot_general3A_4 {strides = array<i32>} : memref<1024xf32, #tpu.memory_space<vmem>>, vector<1024xf32>,
    %get3A_6 = arith.constant 0 : index
    %get3A_7 = vector.load %arg3[%get3A_6] : memref<32xf32, #tpu.memory_space<vmem>>, vector<32xf32>
    %dot_general3A_8 = arith.constant dense<0.000000e+00> : vector<1024xf32>
    %dot_general3A_9 = tpu.matmul %get3A_1, %get3A_7, %dot_general3A_8 {dimension_numbers = #tpu.dot_dimension_numbers<[1], [0], [0], [], [0, 0], [], []>, transpose_lhs_hint = false} : vector<1024x32xf32>, vector<32xf32>, vector<1024xf32> -> vector<1024xf32>
    %swap3A_10 = arith.constant 0 : index
    %swap3A_11 = vector.load %arg5[%swap3A_10] : memref<1024xf32, #tpu.memory_space<vmem>>, vector<1024xf32>
    tpu.vector_store %arg5[%swap3A_10], %dot_general3A_9 {strides = array<i32>} : memref<1024xf32, #tpu.memory_space<vmem>>, vector<1024xf32>,
    return
  }
  func.func @transform_0(%arg0: i32) -> (i32, i32) {
    %c0_i32 = arith.constant 0 : i32
    %c0_i32_0 = arith.constant 0 : i32
    return %arg0, %c0_i32 : i32, i32
  }
  func.func @transform_1(%arg0: i32) -> i32 {
    %c0_i32 = arith.constant 0 : i32
    %c0_i32_0 = arith.constant 0 : i32
    return %c0_i32 : i32
  }
  func.func @transform_2(%arg0: i32) -> i32 {
    %c0_i32 = arith.constant 0 : i32
    %c0_i32_0 = arith.constant 0 : i32
    return %c0_i32 : i32
  }
  func.func @transform_3(%arg0: i32) -> i32 {
    %c0_i32 = arith.constant 0 : i32
    return %arg0 : i32
  }
  func.func @transform_4(%arg0: i32) -> i32 {
    %c0_i32 = arith.constant 0 : i32
    return %arg0 : i32
  }
}

module attributes {stable_mosaic.version = 14 : i64} {
  func.func @_final_kernel(%arg0: i32, %arg1: i32, %arg2: memref<1x400x32xf32, #tpu.memory_space<vmem>>, %arg3: memref<400x32xf32, #tpu.memory_space<vmem>>, %arg4: memref<32xf32, #tpu.memory_space<vmem>>, %arg5: memref<32xf32, #tpu.memory_space<vmem>>, %arg6: memref<400x32xf32, #tpu.memory_space<vmem>>) attributes {dimension_semantics = [#tpu.dimension_semantics<arbitrary>, #tpu.dimension_semantics<arbitrary>], iteration_bounds = array<i64: 2, 125>, scalar_prefetch = 0 : i64, scratch_operands = 0 : i64, tpu.core_type = #tpu.core_type<tc>, window_params = [{transform_indices = @transform_0, window_bounds = array<i64: 1, 400, 32>}, {transform_indices = @transform_1, window_bounds = array<i64: 400, 32>}, {pipeline_mode = #tpu.pipeline_mode<synchronous>, transform_indices = @transform_2, window_bounds = array<i64: 32>}, {pipeline_mode = #tpu.pipeline_mode<synchronous>, transform_indices = @transform_3, window_bounds = array<i64: 32>}, {transform_indices = @transform_4, window_bounds = array<i64: 400, 32>}]} {
    %get3A = arith.constant 0 : index
    %get3A_0 = arith.constant 0 : index
    %get3A_1 = arith.constant 0 : index
    %get3A_2 = vector.load %arg2[%get3A, %get3A_0, %get3A_1] : memref<1x400x32xf32, #tpu.memory_space<vmem>>, vector<1x400x32xf32>
    %get3A_3 = vector.shape_cast %get3A_2 : vector<1x400x32xf32> to vector<400x32xf32>
    %get3A_4 = arith.constant 0 : index
    %get3A_5 = arith.constant 0 : index
    %get3A_6 = vector.load %arg3[%get3A_4, %get3A_5] : memref<400x32xf32, #tpu.memory_space<vmem>>, vector<400x32xf32>
    %add3A = arith.addf %get3A_3, %get3A_6 : vector<400x32xf32>
    %reduce_sum3A = arith.constant dense<0.000000e+00> : vector<400xf32>
    %reduce_sum3A_7 = vector.multi_reduction <add>, %add3A, %reduce_sum3A [1] : vector<400x32xf32> to vector<400xf32>
    %broadcast_in_dim3A = vector.shape_cast %reduce_sum3A_7 : vector<400xf32> to vector<400x1xf32>
    %div3A = arith.constant 3.200000e+01 : f32
    %div3A_8 = vector.broadcast %div3A : f32 to vector<400x1xf32>
    %div3A_9 = arith.divf %broadcast_in_dim3A, %div3A_8 : vector<400x1xf32>
    %sub3A = vector.broadcast %div3A_9 : vector<400x1xf32> to vector<400x32xf32>
    %sub3A_10 = arith.subf %add3A, %sub3A : vector<400x32xf32>
    %integer_pow3A = arith.mulf %sub3A_10, %sub3A_10 : vector<400x32xf32>
    %reduce_sum3A_11 = arith.constant dense<0.000000e+00> : vector<400xf32>
    %reduce_sum3A_12 = vector.multi_reduction <add>, %integer_pow3A, %reduce_sum3A_11 [1] : vector<400x32xf32> to vector<400xf32>
    %broadcast_in_dim3A_13 = vector.shape_cast %reduce_sum3A_12 : vector<400xf32> to vector<400x1xf32>
    %div3A_14 = arith.constant 3.200000e+01 : f32
    %div3A_15 = vector.broadcast %div3A_14 : f32 to vector<400x1xf32>
    %div3A_16 = arith.divf %broadcast_in_dim3A_13, %div3A_15 : vector<400x1xf32>
    %sub3A_17 = vector.broadcast %div3A_9 : vector<400x1xf32> to vector<400x32xf32>
    %sub3A_18 = arith.subf %add3A, %sub3A_17 : vector<400x32xf32>
    %add3A_19 = arith.constant 9.99999974E-6 : f32
    %add3A_20 = vector.broadcast %add3A_19 : f32 to vector<400x1xf32>
    %add3A_21 = arith.addf %div3A_16, %add3A_20 : vector<400x1xf32>
    %sqrt3A = math.sqrt %add3A_21 : vector<400x1xf32>
    %div3A_22 = vector.broadcast %sqrt3A : vector<400x1xf32> to vector<400x32xf32>
    %div3A_23 = arith.divf %sub3A_18, %div3A_22 : vector<400x32xf32>
    %get3A_24 = arith.constant 0 : index
    %get3A_25 = vector.load %arg4[%get3A_24] : memref<32xf32, #tpu.memory_space<vmem>>, vector<32xf32>
    %broadcast_in_dim3A_26 = vector.shape_cast %get3A_25 : vector<32xf32> to vector<1x32xf32>
    %mul3A = vector.broadcast %broadcast_in_dim3A_26 : vector<1x32xf32> to vector<400x32xf32>
    %mul3A_27 = arith.mulf %div3A_23, %mul3A : vector<400x32xf32>
    %get3A_28 = arith.constant 0 : index
    %get3A_29 = vector.load %arg5[%get3A_28] : memref<32xf32, #tpu.memory_space<vmem>>, vector<32xf32>
    %broadcast_in_dim3A_30 = vector.shape_cast %get3A_29 : vector<32xf32> to vector<1x32xf32>
    %add3A_31 = vector.broadcast %broadcast_in_dim3A_30 : vector<1x32xf32> to vector<400x32xf32>
    %add3A_32 = arith.addf %mul3A_27, %add3A_31 : vector<400x32xf32>
    %swap3A = arith.constant 0 : index
    %swap3A_33 = arith.constant 0 : index
    %swap3A_34 = vector.load %arg6[%swap3A, %swap3A_33] : memref<400x32xf32, #tpu.memory_space<vmem>>, vector<400x32xf32>
    tpu.vector_store %arg6[%swap3A, %swap3A_33], %add3A_32 {strides = array<i32>} : memref<400x32xf32, #tpu.memory_space<vmem>>, vector<400x32xf32>,
    return
  }
  func.func @transform_0(%arg0: i32, %arg1: i32) -> (i32, i32, i32) {
    %c0_i32 = arith.constant 0 : i32
    %c0_i32_0 = arith.constant 0 : i32
    return %arg0, %arg1, %c0_i32 : i32, i32, i32
  }
  func.func @transform_1(%arg0: i32, %arg1: i32) -> (i32, i32) {
    %mul3A = arith.constant 125 : i32
    %mul3A_0 = arith.muli %arg0, %mul3A : i32
    %add3A = arith.addi %mul3A_0, %arg1 : i32
    %c0_i32 = arith.constant 0 : i32
    %c0_i32_1 = arith.constant 0 : i32
    return %add3A, %c0_i32 : i32, i32
  }
  func.func @transform_2(%arg0: i32, %arg1: i32) -> i32 {
    %c0_i32 = arith.constant 0 : i32
    %c0_i32_0 = arith.constant 0 : i32
    return %c0_i32 : i32
  }
  func.func @transform_3(%arg0: i32, %arg1: i32) -> i32 {
    %c0_i32 = arith.constant 0 : i32
    %c0_i32_0 = arith.constant 0 : i32
    return %c0_i32 : i32
  }
  func.func @transform_4(%arg0: i32, %arg1: i32) -> (i32, i32) {
    %mul3A = arith.constant 125 : i32
    %mul3A_0 = arith.muli %arg0, %mul3A : i32
    %add3A = arith.addi %mul3A_0, %arg1 : i32
    %c0_i32 = arith.constant 0 : i32
    %c0_i32_1 = arith.constant 0 : i32
    return %add3A, %c0_i32 : i32, i32
  }
}

</mosaic_0001>

<sc_bundles>
// kernel: kernel.10.cloned.1.call-start
scs
__scs_entry_jumppad:
0x0: {  	(pc) =	sbr.rel $0x88, $3  }
0x1: {  	(tag) =	ssettag $0x0;
	lr =	simm.s32 $0x1  }
0x2: {  	[smem:$0x3F95] =	sst lr;
	_ =	strace $0xD0000000  }
0x3: {  	_ = 	snop  }
0x4: {  	_ = 	snop  }
0x5: {  	_ = 	snop  }
0x6: {  	_ = 	snop  }
0x7: {  	_ = 	snop  }
__scs_overlays_trampoline_lowered:
0x8: {  	[smem:$0x3FA4] =	sst s0  }
0x9: {  	[smem:$0x3FA5] =	sst s1  }
0xa: {  	[smem:$0x3FA6] =	sst s2  }
0xb: {  	[smem:$0x3FA7] =	sst s3  }
0xc: {  	[smem:$0x3FA8] =	sst s4  }
0xd: {  	[smem:$0x3FA9] =	sst s5  }
0xe: {  	[smem:$0x3FAA] =	sst s6  }
0xf: {  	[smem:$0x3FAB] =	sst s7  }
0x10: {  	[smem:$0x3FAC] =	sst s8  }
0x11: {  	[smem:$0x3FAD] =	sst s9;
	s0 =	simm.s32 @!p0 $0x0  }
0x12: {  	s1 =	sld [smem:$0x3F93];
	s0 =	simm.s32 @p0 $0x1  }
0x13: {  	[smem:$0x3FAE] =	sst s0;
	s0 =	simm.s32 @!p1 $0x0  }
0x14: {  	s2 =	sld [smem:$0x3F92];
	s0 =	simm.s32 @p1 $0x1  }
0x15: {  	[smem:$0x3FAF] =	sst s0;
	s0 =	simm.s32 @!p2 $0x0  }
0x16: {  	s3 =	sld [smem:$0x3FDB];
	s0 =	simm.s32 @p2 $0x1  }
0x17: {  	s4 =	simm.s32 $0x1BF5;
	[smem:$0x3FB1] =	sst s0  }
0x18: {  	s0 =	sld [smem:$0x3F94];
	_ =	swait.ge [sflag:s4], $0x0  }
0x19: {  	s7 =	sld [smem:$0x3F95]  }
0x1a: {  	s8 =	sadd.s32 $0xFFFFE003, lr  }
0x1b: {  	s9 =	sadd.s32 $0xFFFFFEF7, lr;
	s5 =	simm.s32 $0xFFFFFFFF;
	p2 =	slt.u32 s8, $0xFFFFF086  }
0x1c: {  	p1 =	slt.u32 s9, $0xF7A;
	s5 =	simm.s32 @!p2 $0x0  }
0x1d: {  	s5 =	simm.s32 @p1 $0x1;
	p0 =	seq.s32 s7, s2  }
0x1e: {  	s7 =	smul.u32 @!p0 $0xF7A, s2;
	p2 =	seq.s32 @!p0 s5, $0x0  }
0x1f: {  	s9 =	smul.u32 $0xF7A, s1;
	s8 =	simm.s32 @!p0 $0x1BF5;
	p2 =	por !p2, p0  }
0x20: {  	[sflag:s8] =	ssyncset.s32 @!p0 $0xFFFFF086;
	s6 =	sadd.s32 @!p0 s3, s7;
	s7 =	simm.s32 @!p0 $0x108  }
0x21: {  	s3 =	sadd.s32 s3, s9;
	s6 =	sadd.s32 @!p0 $0x88, s6;
	s7 =	simm.s32 @p2 $0x1082  }
0x22: {  	[simem:s7], [sflag:s8] =	dma.local @!p0 [hbm:s6], $0xF7A  }
0x23: {  	s9 =	sor.u32 $0xD0000000, s2;
	s6 =	simm.s32 $0x108;
	_ =	swait.ge @!p0 [sflag:s8], $0x0  }
0x24: {  	s3 =	sadd.s32 $0x88, s3;
	s6 =	simm.s32 @!p1 $0x1082;
	[sflag:s4] =	ssyncset.s32 $0xFFFFF086  }
0x25: {  	[simem:s6], [sflag:s4] =	dma.local [hbm:s3], $0xF7A  }
0x26: {  	[smem:$0x3F95] =	sst s1;
	(tag) =	ssettag s2;
	_ =	strace s9  }
0x27: {  	s1 =	sld [smem:$0x3FA5]  }
0x28: {  	s2 =	sld [smem:$0x3FA6]  }
0x29: {  	s4 =	sld [smem:$0x3FA8]  }
0x2a: {  	p0 =	seq.s32 s5, $0x0;
	s5 =	sld [smem:$0x3FA9]  }
0x2b: {  	s6 =	sld [smem:$0x3FAA]  }
0x2c: {  	s7 =	sld [smem:$0x3FAB]  }
0x2d: {  	s3 =	simm.s32 $0x108;
	s8 =	sld [smem:$0x3FAC]  }
0x2e: {  	s3 =	simm.s32 @!p0 $0x1082;
	s9 =	sld [smem:$0x3FAD]  }
0x2f: {  	lr =	sadd.s32 s0, s3;
	s0 =	sld [smem:$0x3FA4]  }
0x30: {  	s3 =	sld [smem:$0x3FA7]  }
0x31: {  	[smem:$0x3FB0] =	sst s10  }
0x32: {  	s10 =	sld [smem:$0x3FAE];
	_ =	sdelay $0x3  }
0x33: {  	p0 =	seq.s32 s10, $0x1;
	s10 =	sld [smem:$0x3FB0];
	_ =	sdelay $0x3  }
0x34: {  	[smem:$0x3FB0] =	sst s10  }
0x35: {  	s10 =	sld [smem:$0x3FAF];
	_ =	sdelay $0x3  }
0x36: {  	p1 =	seq.s32 s10, $0x1;
	s10 =	sld [smem:$0x3FB0];
	_ =	sdelay $0x3  }
0x37: {  	[smem:$0x3FB0] =	sst s10  }
0x38: {  	s10 =	sld [smem:$0x3FB1]  }
0x39: {  	_ = 	snop;
	(pc) =	sbr.ind lr, $3  }
0x3a: {  	_ = 	snop  }
0x3b: {  	_ = 	snop  }
0x3c: {  	p2 =	seq.s32 s10, $0x1;
	s10 =	sld [smem:$0x3FB0]  }
0x3d: {  	_ =	shalt  }
0x3e: {  	_ =	shalt  }
0x3f: {  	_ =	shalt  }
0x40: {  	_ =	shalt  }
0x41: {  	_ =	shalt  }
0x42: {  	_ =	shalt  }
0x43: {  	_ =	shalt  }
0x44: {  	_ =	shalt  }
0x45: {  	_ =	shalt  }
0x46: {  	_ =	shalt  }
0x47: {  	_ =	shalt  }
0x48: {  	_ =	shalt  }
0x49: {  	_ =	shalt  }
0x4a: {  	_ =	shalt  }
0x4b: {  	_ =	shalt  }
0x4c: {  	_ =	shalt  }
0x4d: {  	_ =	shalt  }
0x4e: {  	_ =	shalt  }
0x4f: {  	_ =	shalt  }
0x50: {  	_ =	shalt  }
0x51: {  	_ =	shalt  }
0x52: {  	_ =	shalt  }
0x53: {  	_ =	shalt  }
0x54: {  	_ =	shalt  }
0x55: {  	_ =	shalt  }
0x56: {  	_ =	shalt  }
0x57: {  	_ =	shalt  }
0x58: {  	_ =	shalt  }
0x59: {  	_ =	shalt  }
0x5a: {  	_ =	shalt  }
0x5b: {  	_ =	shalt  }
0x5c: {  	_ =	shalt  }
0x5d: {  	_ =	shalt  }
0x5e: {  	_ =	shalt  }
0x5f: {  	_ =	shalt  }
0x60: {  	_ =	shalt  }
0x61: {  	_ =	shalt  }
0x62: {  	_ =	shalt  }
0x63: {  	_ =	shalt  }
0x64: {  	_ =	shalt  }
0x65: {  	_ =	shalt  }
0x66: {  	_ =	shalt  }
0x67: {  	_ =	shalt  }
0x68: {  	_ =	shalt  }
0x69: {  	_ =	shalt  }
0x6a: {  	_ =	shalt  }
0x6b: {  	_ =	shalt  }
0x6c: {  	_ =	shalt  }
0x6d: {  	_ =	shalt  }
0x6e: {  	_ =	shalt  }
0x6f: {  	_ =	shalt  }
0x70: {  	_ =	shalt  }
0x71: {  	_ =	shalt  }
0x72: {  	_ =	shalt  }
0x73: {  	_ =	shalt  }
0x74: {  	_ =	shalt  }
0x75: {  	_ =	shalt  }
0x76: {  	_ =	shalt  }
0x77: {  	_ =	shalt  }
0x78: {  	_ =	shalt  }
0x79: {  	_ =	shalt  }
0x7a: {  	_ =	shalt  }
0x7b: {  	_ =	shalt  }
0x7c: {  	_ =	shalt  }
0x7d: {  	_ =	shalt  }
0x7e: {  	_ =	shalt  }
0x7f: {  	_ =	shalt  }
0x80: {  	_ =	shalt  }
0x81: {  	_ =	shalt  }
0x82: {  	_ =	shalt  }
0x83: {  	_ =	shalt  }
0x84: {  	_ =	shalt  }
0x85: {  	_ =	shalt  }
0x86: {  	_ =	shalt  }
0x87: {  	_ =	shalt  }
.Lfunc_end0:
.L_simem_size_0:
called_computation.1_lowered:
.L_overlay_start_0:
0x88: {  	s2 =	sld [smem:$0x3FD9]  }
0x89: {  	s3 =	sld [smem:$0x3FFE];
	_ =	sdelay $0x1  }
0x8a: {  	s1 =	srdreg.scid  }
0x8b: {  	s0 =	sand.u32 $0x1, s1  }
0x8c: {  	s14 =	sshll.u32 s0, $0xA;
	s2 =	sadd.s32 s3, s2  }
0x8d: {  	s2 =	sadd.s32 s2, s14  }
0x8e: {  	[smem:$0x3FBC] =	sst s2  }
0x8f: {  	_ = 	snop  }
0x90: {  	s2 =	sld [smem:$0x3FD0];
	_ =	sdelay $0x2  }
0x91: {  	s4 =	simm.s32 $0xB;
	s5 =	simm.s32 $0x10;
	s15 =	sld [smem:$0x3FC9]  }
0x92: {  	[smem:s5], [sflag:s4] =	dma.local [hbm:s2], $0x1  }
0x93: {  	_ =	swait.eq [sflag:s4], $0x1  }
0x94: {  	[sflag:s4] =	ssyncset.done $0x0  }
0x95: {  	[sflag:s4] =	ssyncadd.s32 $0xFFFFFFFF  }
0x96: {  	s16 =	sld [smem:$0x10];
	(tm) =	ssettm $0x1  }
0x97: {  	s17 =	sld [smem:$0x3FFB];
	_ =	sdelay $0x3  }
0x98: {  	_ =	strace s17  }
0x99: {  	s4 =	sld [smem:$0x3FFC];
	_ =	sdelay $0x3  }
0x9a: {  	_ =	strace s4  }
0x9b: {  	s4 =	sld [smem:$0x3FFD];
	_ =	sdelay $0x3  }
0x9c: {  	_ =	strace s4  }
0x9d: {  	_ =	strace $0x8FFFFFFF  }
0x9e: {  	s18 =	sld [smem:$0x3FDB];
	_ =	sdelay $0x1  }
0x9f: {  	s19 =	simm.s32 $_scs_section_size  }
0xa0: {  	s6 =	simm.s32 $_size__tile_overlayer_lowered;
	s7 =	simm.s32 $_tile_overlayer_lowered  }
0xa1: {  	s22 =	simm.s32 $0x1BFF;
	s21 =	sshll.u32 s7, $0x1;
	s4 =	sadd.s32 s19, s18  }
0xa2: {  	s8 =	simm.s32 $0x0;
	s20 =	sshll.u32 s6, $0x1;
	s6 =	sadd.s32 s21, s4  }
0xa3: {  	[timem:s8], [sflag:s22] =	dma.local [hbm:s6], s20  }
0xa4: {  	_ =	swait.ge [sflag:s22], s20  }
0xa5: {  	s5 =	ssub.s32 $0x0, s20;
	[sflag:s22] =	ssyncset.done $0x0  }
0xa6: {  	[sflag:s22] =	ssyncadd.s32 s5;
	_ =	sdelay $0x1  }
0xa7: {  	s23 =	simm.s32 $0x1B8B  }
0xa8: {  	_ =	swait.ge [sflag:s23], $0x1  }
0xa9: {  	[sflag:s23] =	ssyncset.done $0x0  }
0xaa: {  	s25 =	simm.s32 $0x1B8E;
	s24 =	sld [smem:$0x3FFE];
	[sflag:s23] =	ssyncadd.s32 $0xFFFFFFFF  }
0xab: {  	s26 =	simm.s32 $execute0_lowered;
	[smem:$0x3FD2] =	sst s25  }
0xac: {  	s6 =	sshll.u32 s26, $0x1;
	_ =	strace $0x80000046;
	[dreg:$0x1] =	wrdreg $0xFFFFFFFF  }
0xad: {  	s28 =	simm.s32 $_size_execute0_lowered;
	s4 =	sadd.s32 s4, s6;
	[dreg:$0x0] =	wrdreg $0x0  }
0xae: {  	s6 =	sshll.u32 s28, $0x1;
	[dreg:$0x2] =	wrdreg s4  }
0xaf: {  	[dreg:$0x3] =	wrdreg s6  }
0xb0: {  	[dreg:$0x4] =	wrdreg $0xC0  }
0xb1: {  	_ =	task [dreg:s8], $0x5FFFF  }
0xb2: {  	[dreg:$0x1] =	wrdreg $0xFFFFFFFF  }
0xb3: {  	[dreg:$0x0] =	wrdreg $0x60  }
0xb4: {  	[dreg:$0x2] =	wrdreg s16  }
0xb5: {  	[dreg:$0x3] =	wrdreg s15  }
0xb6: {  	[dreg:$0x4] =	wrdreg s24  }
0xb7: {  	[dreg:$0x5] =	wrdreg $0x9  }
0xb8: {  	_ =	task.clear_ibuf [dreg:s8], $0x6FFFF;
	_ =	strace $0x90000046  }
0xb9: {  	s29 =	simm.s32 $0x9;
	_ =	strace $0x80000048  }
0xba: {  	_ =	swait.ge [sflag:s29], $0x1  }
0xbb: {  	[sflag:s29] =	ssyncadd.s32 $0xFFFFFFFF  }
0xbc: {  	_ =	strace $0x90000048  }
0xbd: {  	_ =	sfence  }
0xbe: {  	s30 =	sld [smem:$0x0];
	_ =	sdelay $0x2  }
0xbf: {  	s31 =	sshll.u32 s1, $0xD;
	s1 =	sshrl.u32 s1, $0x2  }
0xc0: {  	s3 =	sand.u32 $0x4000, s31;
	s1 =	sadd.s32 s1, s30  }
0xc1: {  	s0 =	sor.u32 s3, s0;
	s1 =	sshll.u32 s1, $0x11  }
0xc2: {  	s0 =	sor.u32 s1, s0  }
0xc3: {  	s0 =	sadd.s32 $0x8F2B, s0  }
0xc4: {  	[sflag:s0] =	ssyncadd.remote.s32 $0x1  }
0xc5: {  	_ =	sfence.sel $0xFFFF  }
0xc6: {  	[dreg:$0x0] =	wrdreg $0xFFFFFFFF;
	(pc) =	sbr.abs _section_cstart, $3  }
0xc7: {  	[dreg:$0x1] =	wrdreg $0xFFFFFFFF  }
0xc8: {  	_ =	task.clear_ibuf [dreg:s8], $0x2FFFF;
	_ =	strace $0x9FFFFFFF  }
0xc9: {  	(tm) =	ssettm $0x7FFFFFFF  }
tec
execute0_lowered:
.L_overlay_start_1:
0x0: {  	(tag) =	ssettag $0x1  }
0x1: {  	s1 =	srdreg.scid;
	s0 =	stileid.u32  }
0x2: {  	s2 =	rddreg [dreg:$0x0];
	s16 =	sand.u32 $0x1, s1;
	s30 =	sshll.u32 s0, $0x1  }
0x3: {  	s13 =	rddreg [dreg:$0x1];
	s14 =	sor.u32 s16, s30  }
0x4: {  	s8 =	rddreg [dreg:$0x2];
	s3 =	simm.s32 $0x0;
	s4 =	smul.u32 $0x64, s14  }
0x5: {  	s5 =	simm.s32 $0x2;
	[smem:$0x7FF] =	sst s3  }
0x6: {  	s1 =	rddreg [dreg:$0x3];
	_ =	strace $0x80000047;
	s4 =	sadd.s32 s13, s4  }
0x7: {  	[tilespmem:s3], [sflag:$0x2] =	stream.linear.gather [hbm4b:s4+s3], $0x320, $0x38;
	[tilespmem:$0x6720] =	vst v63  }
0x8: {  	_ =	swait.ge [sflag:s5], $0x320  }
0x9: {  	[sflag:s5] =	ssyncset.done $0x0  }
0xa: {  	s6 =	simm.s32 $0x320;
	s7 =	simm.s32 $0x1;
	[sflag:s5] =	ssyncadd.s32 $0xFFFFFCE0  }
0xb: {  	[tilespmem:s6], [sflag:$0x1] =	stream.indirect.gather [hbm4b:s2+s6], $0x20, s3, s6, $0xb8;
	[tilespmem:$0x6720] =	vst v63  }
0xc: {  	s9 =	smul.u32 $0xC80, s14;
	_ =	swait.ge [sflag:s7], $0x6400  }
0xd: {  	s18 =	sadd.s32 $0x3C00, s8;
	[sflag:s7] =	ssyncset.done $0x0  }
0xe: {  	s10 =	sor.u32 $0x20, s14;
	s8 =	sadd.s32 s18, s9;
	[sflag:s7] =	ssyncadd.s32 $0xFFFF9C00  }
0xf: {  	[hbm4b:s8+s3] =	stream.linear.scatter [tilespmem:s6], [sflag:$0x2], $0x6400, $0x38;
	[tilespmem:$0x6720] =	vst v63  }
0x10: {  	s31 =	smul.u32 $0x64, s10;
	_ =	swait.ge [sflag:s5], $0x6400  }
0x11: {  	[sflag:s5] =	ssyncset.done $0x0  }
0x12: {  	s9 =	sadd.s32 s13, s31;
	[sflag:s5] =	ssyncadd.s32 $0xFFFF9C00  }
0x13: {  	[tilespmem:s3], [sflag:$0x2] =	stream.linear.gather [hbm4b:s9+s3], $0x320, $0x38;
	[tilespmem:$0x6720] =	vst v63  }
0x14: {  	_ =	swait.ge [sflag:s5], $0x320  }
0x15: {  	[sflag:s5] =	ssyncset.done $0x0  }
0x16: {  	[sflag:s5] =	ssyncadd.s32 $0xFFFFFCE0  }
0x17: {  	[tilespmem:s6], [sflag:$0x1] =	stream.indirect.gather [hbm4b:s2+s6], $0x20, s3, s6, $0xb8;
	[tilespmem:$0x6720] =	vst v63  }
0x18: {  	s10 =	smul.u32 $0xC80, s10;
	_ =	swait.ge [sflag:s7], $0x6400  }
0x19: {  	[sflag:s7] =	ssyncset.done $0x0  }
0x1a: {  	s12 =	sor.u32 $0x40, s14;
	s10 =	sadd.s32 s18, s10;
	[sflag:s7] =	ssyncadd.s32 $0xFFFF9C00  }
0x1b: {  	[hbm4b:s10+s3] =	stream.linear.scatter [tilespmem:s6], [sflag:$0x2], $0x6400, $0x38;
	[tilespmem:$0x6720] =	vst v63  }
0x1c: {  	s11 =	smul.u32 $0x64, s12;
	_ =	swait.ge [sflag:s5], $0x6400  }
0x1d: {  	[sflag:s5] =	ssyncset.done $0x0  }
0x1e: {  	s11 =	sadd.s32 s13, s11;
	[sflag:s5] =	ssyncadd.s32 $0xFFFF9C00  }
0x1f: {  	[tilespmem:s3], [sflag:$0x2] =	stream.linear.gather [hbm4b:s11+s3], $0x320, $0x38;
	[tilespmem:$0x6720] =	vst v63  }
0x20: {  	_ =	swait.ge [sflag:s5], $0x320  }
0x21: {  	[sflag:s5] =	ssyncset.done $0x0  }
0x22: {  	[sflag:s5] =	ssyncadd.s32 $0xFFFFFCE0  }
0x23: {  	[tilespmem:s6], [sflag:$0x1] =	stream.indirect.gather [hbm4b:s2+s6], $0x20, s3, s6, $0xb8;
	[tilespmem:$0x6720] =	vst v63  }
0x24: {  	s12 =	smul.u32 $0xC80, s12;
	_ =	swait.ge [sflag:s7], $0x6400  }
0x25: {  	s20 =	ssub.s32 $0x2, s16;
	s19 =	sor.u32 $0x60, s14;
	[sflag:s7] =	ssyncset.done $0x0  }
0x26: {  	p0 =	sgt.u32 s14, $0x1C;
	s12 =	sadd.s32 s18, s12;
	[sflag:s7] =	ssyncadd.s32 $0xFFFF9C00  }
0x27: {  	[hbm4b:s12+s3] =	stream.linear.scatter [tilespmem:s6], [sflag:$0x2], $0x6400, $0x38;
	[tilespmem:$0x6720] =	vst v63  }
0x28: {  	s21 =	sshrl.u32 s20, $0x1;
	s15 =	smul.u32 $0x64, s19;
	_ =	swait.ge [sflag:s5], $0x6400  }
0x29: {  	s14 =	simm.s32 @!p0 $0x2;
	s16 =	simm.s32 @!p0 $0x320;
	[sflag:s5] =	ssyncset.done $0x0  }
0x2a: {  	s13 =	sadd.s32 s13, s15;
	s15 =	simm.s32 @!p0 $0x0;
	[sflag:s5] =	ssyncadd.s32 $0xFFFF9C00  }
0x2b: {  	[tilespmem:s15], [sflag:$0x2] =	stream.linear.gather @!p0 [hbm4b:s13+s15], $0x320, $0x38;
	[tilespmem:$0x6720] =	vst v63  }
0x2c: {  	s20 =	ssub.s32 s20, s21;
	s19 =	smul.u32 $0xC80, s19;
	_ =	swait.ge @!p0 [sflag:s14], $0x320  }
0x2d: {  	s17 =	simm.s32 @!p0 $0x1;
	s20 =	smax.u32 s20, $0x1;
	[sflag:s14] =	ssyncset.done @!p0 $0x0  }
0x2e: {  	s18 =	sadd.s32 s18, s19;
	s19 =	sadd.s32 $0xFFFFFFFF, s20;
	[sflag:s14] =	ssyncadd.s32 @!p0 $0xFFFFFCE0  }
0x2f: {  	[tilespmem:s16], [sflag:$0x1] =	stream.indirect.gather @!p0 [hbm4b:s2+s16], $0x20, s15, s16, $0xb8;
	[tilespmem:$0x6720] =	vst v63  }
0x30: {  	p1 =	sne.s32 s19, $0x0;
	_ =	swait.ge @!p0 [sflag:s17], $0x6400  }
.Ltmp0:
0x31: {  	[sflag:s17] =	ssyncset.done @!p0 $0x0;
	(pc) =	sbr.rel @!p1 .LBB2_2-.Ltmp0, $4  }
0x32: {  	[sflag:s17] =	ssyncadd.s32 @!p0 $0xFFFF9C00  }
0x33: {  	[hbm4b:s18+s15] =	stream.linear.scatter @!p0 [tilespmem:s16], [sflag:$0x2], $0x6400, $0x38;
	[tilespmem:$0x6720] =	vst v63  }
0x34: {  	_ =	swait.ge @!p0 [sflag:s14], $0x6400  }
0x35: {  	[sflag:s14] =	ssyncset.done @!p0 $0x0  }
.LBB2_1:
0x36: {  	s19 =	sadd.s32 $0xFFFFFFFF, s19;
	[sflag:s14] =	ssyncadd.s32 @!p0 $0xFFFF9C00  }
0x37: {  	[tilespmem:s3], [sflag:$0x2] =	stream.linear.gather [hbm4b:s4+s3], $0x320, $0x38;
	[tilespmem:$0x6720] =	vst v63  }
0x38: {  	p1 =	sne.s32 s19, $0x0;
	_ =	swait.ge [sflag:s5], $0x320  }
0x39: {  	[sflag:s5] =	ssyncset.done $0x0  }
0x3a: {  	[sflag:s5] =	ssyncadd.s32 $0xFFFFFCE0  }
0x3b: {  	[tilespmem:s6], [sflag:$0x1] =	stream.indirect.gather [hbm4b:s2+s6], $0x20, s3, s6, $0xb8;
	[tilespmem:$0x6720] =	vst v63  }
0x3c: {  	_ =	swait.ge [sflag:s7], $0x6400  }
0x3d: {  	[sflag:s7] =	ssyncset.done $0x0  }
0x3e: {  	[sflag:s7] =	ssyncadd.s32 $0xFFFF9C00  }
0x3f: {  	[hbm4b:s8+s3] =	stream.linear.scatter [tilespmem:s6], [sflag:$0x2], $0x6400, $0x38;
	[tilespmem:$0x6720] =	vst v63  }
0x40: {  	_ =	swait.ge [sflag:s5], $0x6400  }
0x41: {  	[sflag:s5] =	ssyncset.done $0x0  }
0x42: {  	[sflag:s5] =	ssyncadd.s32 $0xFFFF9C00  }
0x43: {  	[tilespmem:s3], [sflag:$0x2] =	stream.linear.gather [hbm4b:s9+s3], $0x320, $0x38;
	[tilespmem:$0x6720] =	vst v63  }
0x44: {  	_ =	swait.ge [sflag:s5], $0x320  }
0x45: {  	[sflag:s5] =	ssyncset.done $0x0  }
0x46: {  	[sflag:s5] =	ssyncadd.s32 $0xFFFFFCE0  }
0x47: {  	[tilespmem:s6], [sflag:$0x1] =	stream.indirect.gather [hbm4b:s2+s6], $0x20, s3, s6, $0xb8;
	[tilespmem:$0x6720] =	vst v63  }
0x48: {  	_ =	swait.ge [sflag:s7], $0x6400  }
0x49: {  	[sflag:s7] =	ssyncset.done $0x0  }
0x4a: {  	[sflag:s7] =	ssyncadd.s32 $0xFFFF9C00  }
0x4b: {  	[hbm4b:s10+s3] =	stream.linear.scatter [tilespmem:s6], [sflag:$0x2], $0x6400, $0x38;
	[tilespmem:$0x6720] =	vst v63  }
0x4c: {  	_ =	swait.ge [sflag:s5], $0x6400  }
0x4d: {  	[sflag:s5] =	ssyncset.done $0x0  }
0x4e: {  	[sflag:s5] =	ssyncadd.s32 $0xFFFF9C00  }
0x4f: {  	[tilespmem:s3], [sflag:$0x2] =	stream.linear.gather [hbm4b:s11+s3], $0x320, $0x38;
	[tilespmem:$0x6720] =	vst v63  }
0x50: {  	_ =	swait.ge [sflag:s5], $0x320  }
0x51: {  	[sflag:s5] =	ssyncset.done $0x0  }
0x52: {  	[sflag:s5] =	ssyncadd.s32 $0xFFFFFCE0  }
0x53: {  	[tilespmem:s6], [sflag:$0x1] =	stream.indirect.gather [hbm4b:s2+s6], $0x20, s3, s6, $0xb8;
	[tilespmem:$0x6720] =	vst v63  }
0x54: {  	_ =	swait.ge [sflag:s7], $0x6400  }
0x55: {  	[sflag:s7] =	ssyncset.done $0x0  }
0x56: {  	[sflag:s7] =	ssyncadd.s32 $0xFFFF9C00  }
0x57: {  	[hbm4b:s12+s3] =	stream.linear.scatter [tilespmem:s6], [sflag:$0x2], $0x6400, $0x38;
	[tilespmem:$0x6720] =	vst v63  }
0x58: {  	_ =	swait.ge [sflag:s5], $0x6400  }
0x59: {  	[sflag:s5] =	ssyncset.done $0x0  }
0x5a: {  	[sflag:s5] =	ssyncadd.s32 $0xFFFF9C00  }
0x5b: {  	[tilespmem:s15], [sflag:$0x2] =	stream.linear.gather @!p0 [hbm4b:s13+s15], $0x320, $0x38;
	[tilespmem:$0x6720] =	vst v63  }
0x5c: {  	_ =	swait.ge @!p0 [sflag:s14], $0x320  }
0x5d: {  	[sflag:s14] =	ssyncset.done @!p0 $0x0  }
0x5e: {  	[sflag:s14] =	ssyncadd.s32 @!p0 $0xFFFFFCE0  }
0x5f: {  	[tilespmem:s16], [sflag:$0x1] =	stream.indirect.gather @!p0 [hbm4b:s2+s16], $0x20, s15, s16, $0xb8;
	[tilespmem:$0x6720] =	vst v63  }
0x60: {  	_ =	swait.ge @!p0 [sflag:s17], $0x6400  }
.Ltmp1:
0x61: {  	[sflag:s17] =	ssyncset.done @!p0 $0x0;
	(pc) =	sbr.rel @p1 .LBB2_1-.Ltmp1, $4  }
0x62: {  	[sflag:s17] =	ssyncadd.s32 @!p0 $0xFFFF9C00  }
0x63: {  	[hbm4b:s18+s15] =	stream.linear.scatter @!p0 [tilespmem:s16], [sflag:$0x2], $0x6400, $0x38;
	[tilespmem:$0x6720] =	vst v63  }
0x64: {  	_ =	swait.ge @!p0 [sflag:s14], $0x6400  }
0x65: {  	[sflag:s14] =	ssyncset.done @!p0 $0x0  }
.LBB2_2:
0x66: {  	[sflag:s14] =	ssyncadd.s32 @!p0 $0xFFFF9C00  }
0x67: {  	_ =	sfence.sel $0x180000  }
0x68: {  	[bflag:$0x0] =	sbarrier.arrive $0xFFFF  }
0x69: {  	p0 =	sne.s32 s0, $0x0;
	_ =	strace $0x90000047  }
0x6a: {  	s0 =	sadd.s32 @!p0 $0x100000, s1;
	[bflag:$0x2] =	sbarrier.arrive $0xFFFF  }
0x6b: {  	[sflag:s0] =	ssyncadd.tile.s32 @!p0 $0x1;
	_ =	shalt  }
.Lfunc_end2:
_tile_overlayer_lowered:
.L_overlay_start_2:
0x6c: {  	(tag) =	ssettag $0x2  }
0x6d: {  	s0 =	rddreg [dreg:$0x0];
	s2 =	stileid.u32  }
0x6e: {  	s1 =	rddreg [dreg:$0x1];
	p0 =	sne.s32 s2, $0x0  }
0x6f: {  	s3 =	rddreg [dreg:$0x2];
	[bflag:$0x3] =	sbarrier.arrive $0xFFFF;
	s2 =	simm.s32 @!p0 $0x1C02  }
0x70: {  	[timem:s3], [sflag:s2] =	dma.local @!p0 [hbm:s0], s1  }
0x71: {  	s0 =	simm.s32 @!p0 $0x2  }
0x72: {  	_ =	swait.ge @!p0 [sflag:s0], s1  }
0x73: {  	s1 =	ssub.s32 @!p0 $0x0, s1;
	[sflag:s0] =	ssyncset.done @!p0 $0x0  }
0x74: {  	[sflag:s0] =	ssyncadd.s32 @!p0 s1  }
0x75: {  	[bflag:$0x3] =	sbarrier.arrive $0xFFFF  }
0x76: {  	_ =	shalt  }

// kernel: kernel.13.cloned.1.call-start
scs
__scs_entry_jumppad:
0x0: {  	(pc) =	sbr.rel $0x88, $3  }
0x1: {  	(tag) =	ssettag $0x0;
	lr =	simm.s32 $0x1  }
0x2: {  	[smem:$0x3F95] =	sst lr;
	_ =	strace $0xD0000000  }
0x3: {  	_ = 	snop  }
0x4: {  	_ = 	snop  }
0x5: {  	_ = 	snop  }
0x6: {  	_ = 	snop  }
0x7: {  	_ = 	snop  }
__scs_overlays_trampoline_lowered:
0x8: {  	[smem:$0x3FA4] =	sst s0  }
0x9: {  	[smem:$0x3FA5] =	sst s1  }
0xa: {  	[smem:$0x3FA6] =	sst s2  }
0xb: {  	[smem:$0x3FA7] =	sst s3  }
0xc: {  	[smem:$0x3FA8] =	sst s4  }
0xd: {  	[smem:$0x3FA9] =	sst s5  }
0xe: {  	[smem:$0x3FAA] =	sst s6  }
0xf: {  	[smem:$0x3FAB] =	sst s7  }
0x10: {  	[smem:$0x3FAC] =	sst s8  }
0x11: {  	[smem:$0x3FAD] =	sst s9;
	s0 =	simm.s32 @!p0 $0x0  }
0x12: {  	s1 =	sld [smem:$0x3F93];
	s0 =	simm.s32 @p0 $0x1  }
0x13: {  	[smem:$0x3FAE] =	sst s0;
	s0 =	simm.s32 @!p1 $0x0  }
0x14: {  	s2 =	sld [smem:$0x3F92];
	s0 =	simm.s32 @p1 $0x1  }
0x15: {  	[smem:$0x3FAF] =	sst s0;
	s0 =	simm.s32 @!p2 $0x0  }
0x16: {  	s3 =	sld [smem:$0x3FDB];
	s0 =	simm.s32 @p2 $0x1  }
0x17: {  	s4 =	simm.s32 $0x1BF5;
	[smem:$0x3FB1] =	sst s0  }
0x18: {  	s0 =	sld [smem:$0x3F94];
	_ =	swait.ge [sflag:s4], $0x0  }
0x19: {  	s7 =	sld [smem:$0x3F95]  }
0x1a: {  	s8 =	sadd.s32 $0xFFFFE003, lr  }
0x1b: {  	s9 =	sadd.s32 $0xFFFFFEF7, lr;
	s5 =	simm.s32 $0xFFFFFFFF;
	p2 =	slt.u32 s8, $0xFFFFF086  }
0x1c: {  	p1 =	slt.u32 s9, $0xF7A;
	s5 =	simm.s32 @!p2 $0x0  }
0x1d: {  	s5 =	simm.s32 @p1 $0x1;
	p0 =	seq.s32 s7, s2  }
0x1e: {  	s7 =	smul.u32 @!p0 $0xF7A, s2;
	p2 =	seq.s32 @!p0 s5, $0x0  }
0x1f: {  	s9 =	smul.u32 $0xF7A, s1;
	s8 =	simm.s32 @!p0 $0x1BF5;
	p2 =	por !p2, p0  }
0x20: {  	[sflag:s8] =	ssyncset.s32 @!p0 $0xFFFFF086;
	s6 =	sadd.s32 @!p0 s3, s7;
	s7 =	simm.s32 @!p0 $0x108  }
0x21: {  	s3 =	sadd.s32 s3, s9;
	s6 =	sadd.s32 @!p0 $0x88, s6;
	s7 =	simm.s32 @p2 $0x1082  }
0x22: {  	[simem:s7], [sflag:s8] =	dma.local @!p0 [hbm:s6], $0xF7A  }
0x23: {  	s9 =	sor.u32 $0xD0000000, s2;
	s6 =	simm.s32 $0x108;
	_ =	swait.ge @!p0 [sflag:s8], $0x0  }
0x24: {  	s3 =	sadd.s32 $0x88, s3;
	s6 =	simm.s32 @!p1 $0x1082;
	[sflag:s4] =	ssyncset.s32 $0xFFFFF086  }
0x25: {  	[simem:s6], [sflag:s4] =	dma.local [hbm:s3], $0xF7A  }
0x26: {  	[smem:$0x3F95] =	sst s1;
	(tag) =	ssettag s2;
	_ =	strace s9  }
0x27: {  	s1 =	sld [smem:$0x3FA5]  }
0x28: {  	s2 =	sld [smem:$0x3FA6]  }
0x29: {  	s4 =	sld [smem:$0x3FA8]  }
0x2a: {  	p0 =	seq.s32 s5, $0x0;
	s5 =	sld [smem:$0x3FA9]  }
0x2b: {  	s6 =	sld [smem:$0x3FAA]  }
0x2c: {  	s7 =	sld [smem:$0x3FAB]  }
0x2d: {  	s3 =	simm.s32 $0x108;
	s8 =	sld [smem:$0x3FAC]  }
0x2e: {  	s3 =	simm.s32 @!p0 $0x1082;
	s9 =	sld [smem:$0x3FAD]  }
0x2f: {  	lr =	sadd.s32 s0, s3;
	s0 =	sld [smem:$0x3FA4]  }
0x30: {  	s3 =	sld [smem:$0x3FA7]  }
0x31: {  	[smem:$0x3FB0] =	sst s10  }
0x32: {  	s10 =	sld [smem:$0x3FAE];
	_ =	sdelay $0x3  }
0x33: {  	p0 =	seq.s32 s10, $0x1;
	s10 =	sld [smem:$0x3FB0];
	_ =	sdelay $0x3  }
0x34: {  	[smem:$0x3FB0] =	sst s10  }
0x35: {  	s10 =	sld [smem:$0x3FAF];
	_ =	sdelay $0x3  }
0x36: {  	p1 =	seq.s32 s10, $0x1;
	s10 =	sld [smem:$0x3FB0];
	_ =	sdelay $0x3  }
0x37: {  	[smem:$0x3FB0] =	sst s10  }
0x38: {  	s10 =	sld [smem:$0x3FB1]  }
0x39: {  	_ = 	snop;
	(pc) =	sbr.ind lr, $3  }
0x3a: {  	_ = 	snop  }
0x3b: {  	_ = 	snop  }
0x3c: {  	p2 =	seq.s32 s10, $0x1;
	s10 =	sld [smem:$0x3FB0]  }
0x3d: {  	_ =	shalt  }
0x3e: {  	_ =	shalt  }
0x3f: {  	_ =	shalt  }
0x40: {  	_ =	shalt  }
0x41: {  	_ =	shalt  }
0x42: {  	_ =	shalt  }
0x43: {  	_ =	shalt  }
0x44: {  	_ =	shalt  }
0x45: {  	_ =	shalt  }
0x46: {  	_ =	shalt  }
0x47: {  	_ =	shalt  }
0x48: {  	_ =	shalt  }
0x49: {  	_ =	shalt  }
0x4a: {  	_ =	shalt  }
0x4b: {  	_ =	shalt  }
0x4c: {  	_ =	shalt  }
0x4d: {  	_ =	shalt  }
0x4e: {  	_ =	shalt  }
0x4f: {  	_ =	shalt  }
0x50: {  	_ =	shalt  }
0x51: {  	_ =	shalt  }
0x52: {  	_ =	shalt  }
0x53: {  	_ =	shalt  }
0x54: {  	_ =	shalt  }
0x55: {  	_ =	shalt  }
0x56: {  	_ =	shalt  }
0x57: {  	_ =	shalt  }
0x58: {  	_ =	shalt  }
0x59: {  	_ =	shalt  }
0x5a: {  	_ =	shalt  }
0x5b: {  	_ =	shalt  }
0x5c: {  	_ =	shalt  }
0x5d: {  	_ =	shalt  }
0x5e: {  	_ =	shalt  }
0x5f: {  	_ =	shalt  }
0x60: {  	_ =	shalt  }
0x61: {  	_ =	shalt  }
0x62: {  	_ =	shalt  }
0x63: {  	_ =	shalt  }
0x64: {  	_ =	shalt  }
0x65: {  	_ =	shalt  }
0x66: {  	_ =	shalt  }
0x67: {  	_ =	shalt  }
0x68: {  	_ =	shalt  }
0x69: {  	_ =	shalt  }
0x6a: {  	_ =	shalt  }
0x6b: {  	_ =	shalt  }
0x6c: {  	_ =	shalt  }
0x6d: {  	_ =	shalt  }
0x6e: {  	_ =	shalt  }
0x6f: {  	_ =	shalt  }
0x70: {  	_ =	shalt  }
0x71: {  	_ =	shalt  }
0x72: {  	_ =	shalt  }
0x73: {  	_ =	shalt  }
0x74: {  	_ =	shalt  }
0x75: {  	_ =	shalt  }
0x76: {  	_ =	shalt  }
0x77: {  	_ =	shalt  }
0x78: {  	_ =	shalt  }
0x79: {  	_ =	shalt  }
0x7a: {  	_ =	shalt  }
0x7b: {  	_ =	shalt  }
0x7c: {  	_ =	shalt  }
0x7d: {  	_ =	shalt  }
0x7e: {  	_ =	shalt  }
0x7f: {  	_ =	shalt  }
0x80: {  	_ =	shalt  }
0x81: {  	_ =	shalt  }
0x82: {  	_ =	shalt  }
0x83: {  	_ =	shalt  }
0x84: {  	_ =	shalt  }
0x85: {  	_ =	shalt  }
0x86: {  	_ =	shalt  }
0x87: {  	_ =	shalt  }
.Lfunc_end0:
.L_simem_size_0:
called_computation.2_lowered:
.L_overlay_start_0:
0x88: {  	s2 =	sld [smem:$0x3FD9]  }
0x89: {  	s3 =	sld [smem:$0x3FFE];
	_ =	sdelay $0x1  }
0x8a: {  	s1 =	srdreg.scid  }
0x8b: {  	s0 =	sand.u32 $0x1, s1  }
0x8c: {  	s15 =	sshll.u32 s0, $0xA;
	s2 =	sadd.s32 s3, s2  }
0x8d: {  	s2 =	sadd.s32 s2, s15  }
0x8e: {  	[smem:$0x3FBC] =	sst s2  }
0x8f: {  	_ = 	snop  }
0x90: {  	s16 =	sld [smem:$0x3FD0];
	_ =	sdelay $0x2  }
0x91: {  	s4 =	simm.s32 $0xB;
	s5 =	simm.s32 $0x10;
	s2 =	sld [smem:$0x3FC8]  }
0x92: {  	[smem:s5], [sflag:s4] =	dma.local [hbm:s16], $0x1  }
0x93: {  	_ =	swait.eq [sflag:s4], $0x1  }
0x94: {  	[sflag:s4] =	ssyncset.done $0x0  }
0x95: {  	[sflag:s4] =	ssyncadd.s32 $0xFFFFFFFF  }
0x96: {  	s17 =	sld [smem:$0x11];
	(tm) =	ssettm $0x1  }
0x97: {  	s18 =	sld [smem:$0x3FFB];
	_ =	sdelay $0x3  }
0x98: {  	_ =	strace s18  }
0x99: {  	s3 =	sld [smem:$0x3FFC];
	_ =	sdelay $0x3  }
0x9a: {  	_ =	strace s3  }
0x9b: {  	s3 =	sld [smem:$0x3FFD];
	_ =	sdelay $0x3  }
0x9c: {  	_ =	strace s3  }
0x9d: {  	_ =	strace $0x8FFFFFFF  }
0x9e: {  	s19 =	sld [smem:$0x3FDB];
	_ =	sdelay $0x1  }
0x9f: {  	s20 =	simm.s32 $_scs_section_size  }
0xa0: {  	s6 =	simm.s32 $_size__tile_overlayer_lowered;
	s7 =	simm.s32 $_tile_overlayer_lowered  }
0xa1: {  	s8 =	simm.s32 $0x1BFF;
	s21 =	sshll.u32 s7, $0x1;
	s5 =	sadd.s32 s20, s19  }
0xa2: {  	s22 =	simm.s32 $0x0;
	s6 =	sshll.u32 s6, $0x1;
	s7 =	sadd.s32 s21, s5  }
0xa3: {  	[timem:s22], [sflag:s8] =	dma.local [hbm:s7], s6  }
0xa4: {  	_ =	swait.ge [sflag:s8], s6  }
0xa5: {  	s6 =	ssub.s32 $0x0, s6;
	[sflag:s8] =	ssyncset.done $0x0  }
0xa6: {  	[sflag:s8] =	ssyncadd.s32 s6;
	_ =	sdelay $0x1  }
0xa7: {  	s23 =	simm.s32 $0x1B8B  }
0xa8: {  	_ =	swait.ge [sflag:s23], $0x1  }
0xa9: {  	[sflag:s23] =	ssyncset.done $0x0  }
0xaa: {  	[sflag:s23] =	ssyncadd.s32 $0xFFFFFFFF  }
0xab: {  	s6 =	sld [smem:$0x0]  }
0xac: {  	s7 =	sand.u32 $0xFFFFFFFE, s1  }
0xad: {  	p0 =	sne.s32 s1, s7  }
0xae: {  	s7 =	sshll.u32 @p0 s7, $0xE  }
0xaf: {  	s7 =	sadd.s32 @p0 $0x11B8D, s7;
	s8 =	sshll.u32 @p0 s6, $0x11  }
0xb0: {  	s7 =	sor.u32 @p0 s8, s7  }
0xb1: {  	[sflag:s7] =	ssyncadd.remote.s32 @p0 $0x1;
	_ =	sdelay $0x1  }
0xb2: {  	s7 =	simm.s32 @p0 $0x1B8D  }
0xb3: {  	_ =	swait.eq @p0 [sflag:s7], $0x1  }
0xb4: {  	[sflag:s7] =	ssyncadd.s32 @p0 $0xFFFFFFFF  }
0xb5: {  	s8 =	sshll.u32 @!p0 s1, $0xE  }
0xb6: {  	s8 =	sor.u32 @!p0 $0x4000, s8;
	s7 =	simm.s32 @!p0 $0x1B8D  }
0xb7: {  	s6 =	sshll.u32 @!p0 s6, $0x11;
	s8 =	sadd.s32 @!p0 $0x11B8D, s8;
	_ =	swait.eq @!p0 [sflag:s7], $0x1  }
0xb8: {  	s6 =	sor.u32 @!p0 s6, s8;
	[sflag:s7] =	ssyncadd.s32 @!p0 $0xFFFFFFFF  }
0xb9: {  	s25 =	simm.s32 $0x1B8E;
	s24 =	sld [smem:$0x3FFE];
	[sflag:s6] =	ssyncadd.remote.s32 @!p0 $0x1  }
0xba: {  	s26 =	simm.s32 $execute0_lowered;
	[smem:$0x3FD2] =	sst s25  }
0xbb: {  	s7 =	sshll.u32 s26, $0x1;
	_ =	strace $0x8000004C;
	[dreg:$0x1] =	wrdreg $0xFFFFFFFF  }
0xbc: {  	s28 =	simm.s32 $_size_execute0_lowered;
	s5 =	sadd.s32 s5, s7;
	[dreg:$0x0] =	wrdreg $0x0  }
0xbd: {  	s7 =	sshll.u32 s28, $0x1;
	[dreg:$0x2] =	wrdreg s5  }
0xbe: {  	[dreg:$0x3] =	wrdreg s7  }
0xbf: {  	[dreg:$0x4] =	wrdreg $0xC0  }
0xc0: {  	_ =	task [dreg:s22], $0x5FFFF  }
0xc1: {  	[dreg:$0x1] =	wrdreg $0xFFFFFFFF  }
0xc2: {  	[dreg:$0x0] =	wrdreg $0x60  }
0xc3: {  	[dreg:$0x2] =	wrdreg s24  }
0xc4: {  	[dreg:$0x3] =	wrdreg s2  }
0xc5: {  	[dreg:$0x4] =	wrdreg s17  }
0xc6: {  	[dreg:$0x5] =	wrdreg $0x9  }
0xc7: {  	_ =	task.clear_ibuf [dreg:s22], $0x6FFFF;
	_ =	strace $0x9000004C  }
0xc8: {  	s29 =	simm.s32 $0x9;
	_ =	strace $0x8000004E  }
0xc9: {  	_ =	swait.ge [sflag:s29], $0x1  }
0xca: {  	[sflag:s29] =	ssyncadd.s32 $0xFFFFFFFF  }
0xcb: {  	_ =	strace $0x9000004E  }
0xcc: {  	_ =	sfence  }
0xcd: {  	s30 =	sld [smem:$0x0];
	_ =	sdelay $0x2  }
0xce: {  	s31 =	sshll.u32 s1, $0xD;
	s1 =	sshrl.u32 s1, $0x2  }
0xcf: {  	s4 =	sand.u32 $0x4000, s31;
	s1 =	sadd.s32 s1, s30  }
0xd0: {  	s0 =	sor.u32 s4, s0;
	s1 =	sshll.u32 s1, $0x11  }
0xd1: {  	s0 =	sor.u32 s1, s0  }
0xd2: {  	s0 =	sadd.s32 $0x8F2B, s0  }
0xd3: {  	[sflag:s0] =	ssyncadd.remote.s32 $0x1  }
0xd4: {  	_ =	sfence.sel $0xFFFF  }
0xd5: {  	[dreg:$0x0] =	wrdreg $0xFFFFFFFF;
	(pc) =	sbr.abs _section_cstart, $3  }
0xd6: {  	[dreg:$0x1] =	wrdreg $0xFFFFFFFF  }
0xd7: {  	_ =	task.clear_ibuf [dreg:s22], $0x2FFFF;
	_ =	strace $0x9FFFFFFF  }
0xd8: {  	(tm) =	ssettm $0x7FFFFFFF  }
0xd9: {  	_ =	shalt  }
tec
execute0_lowered:
.L_overlay_start_1:
0x0: {  	(tag) =	ssettag $0x1  }
0x1: {  	s4 =	rddreg [dreg:$0x0];
	s1 =	srdreg.scid  }
0x2: {  	s0 =	stileid.u32;
	s2 =	rddreg [dreg:$0x1]  }
0x3: {  	s7 =	rddreg [dreg:$0x2];
	s3 =	simm.s32 $0x0;
	s10 =	smul.u32 $0x61A80, s0  }
0x4: {  	s14 =	simm.s32 $0x1;
	s6 =	sand.u32 $0x1, s1;
	s12 =	smul.u32 $0x186A0, s0  }
0x5: {  	s15 =	simm.s32 $0x0;
	s25 =	sshll.u32 s0, $0x1;
	s29 =	smul.u32 $0xC350, s6  }
0x6: {  	s1 =	rddreg [dreg:$0x3];
	s5 =	sor.u32 s6, s25;
	s13 =	smul.u32 $0x30D40, s6  }
0x7: {  	[smem:$0x7FF] =	sst s3;
	s4 =	sadd.s32 $0x37C400, s4;
	s8 =	smul.u32 $0xC350, s5  }
0x8: {  	_ =	strace $0x8000004D;
	s26 =	ssub.s32 $0x2, s6;
	s9 =	smul.u32 $0x30D40, s5  }
0x9: {  	s11 =	sshrl.u32 s26, $0x1;
	s30 =	sadd.s32 s10, s7;
	s10 =	simm.s32 $0x2  }
0xa: {  	s11 =	ssub.s32 s26, s11;
	s31 =	sadd.s32 s29, s12;
	s12 =	simm.s32 $0x320  }
0xb: {  	s28 =	sshrl.u32 s8, $0x3;
	s9 =	sadd.s32 s9, s7;
	s7 =	smax.u32 s11, $0x1  }
0xc: {  	s8 =	sadd.s32 s13, s30;
	s11 =	simm.s32 $0x190;
	s13 =	simm.s32 $0x3  }
0xd: {  	s5 =	sadd.s32 s2, s28;
	s6 =	sadd.s32 $0x30700, s9;
	s9 =	sadd.s32 $0x190, s31  }
.LBB2_1:
0xe: {  	[tilespmem:s3], [sflag:$0x2] =	stream.linear.gather [hbm4b:s5+s3], $0x190, $0x38;
	[tilespmem:$0x6720] =	vst v63  }
0xf: {  	_ =	swait.ge [sflag:s10], $0x190  }
0x10: {  	[sflag:s10] =	ssyncset.done $0x0  }
0x11: {  	[sflag:s10] =	ssyncadd.s32 $0xFFFFFE70  }
0x12: {  	[tilespmem:s12], [sflag:$0x1] =	stream.indirect.gather [hbm4b:s4+s11], $0x20, s3, s11, $0xb8;
	[tilespmem:$0x6720] =	vst v63  }
0x13: {  	s16 =	sand.u32 $0x1, s14;
	s17 =	sshrl.u32 s9, $0x3;
	_ =	swait.ge [sflag:s14], $0x3200  }
0x14: {  	s18 =	simm.s32 $0x190;
	p0 =	seq.s32 s16, $0x1;
	[sflag:s14] =	ssyncset.done $0x0  }
0x15: {  	s17 =	sadd.s32 s2, s17;
	s18 =	simm.s32 @!p0 $0x0;
	[sflag:s14] =	ssyncadd.s32 $0xFFFFCE00  }
0x16: {  	[tilespmem:s18], [sflag:$0x3] =	stream.linear.gather [hbm4b:s17+s3], $0x190, $0x38;
	[tilespmem:$0x6720] =	vst v63  }
0x17: {  	p0 =	seq.s32 s16, $0x0;
	_ =	swait.ge [sflag:s13], $0x190  }
0x18: {  	s16 =	simm.s32 @p0 $0x190;
	[sflag:s13] =	ssyncset.done $0x0  }
0x19: {  	s17 =	simm.s32 @p0 $0x0;
	s18 =	simm.s32 @p0 $0x320;
	[sflag:s13] =	ssyncadd.s32 $0xFFFFFE70  }
0x1a: {  	[tilespmem:s18], [sflag:$0x1] =	stream.indirect.gather @p0 [hbm4b:s4+s16], $0x20, s17, s16, $0xb8;
	[tilespmem:$0x6720] =	vst v63  }
0x1b: {  	s16 =	simm.s32 @!p0 $0x190;
	s17 =	simm.s32 @!p0 $0x3520;
	s18 =	simm.s32 @!p0 $0x320  }
0x1c: {  	[tilespmem:s17], [sflag:$0x1] =	stream.indirect.gather @!p0 [hbm4b:s4+s16], $0x20, s16, s16, $0xb8;
	[tilespmem:$0x6720] =	vst v63  }
0x1d: {  	s18 =	simm.s32 @p0 $0x3520  }
0x1e: {  	[hbm4b:s8+s3] =	stream.linear.scatter [tilespmem:s18], [sflag:$0x3], $0x3200, $0x38;
	[tilespmem:$0x6720] =	vst v63  }
0x1f: {  	_ =	swait.ge [sflag:s13], $0x3200  }
0x20: {  	s31 =	simm.s32 $0x2;
	[sflag:s13] =	ssyncset.done $0x0  }
0x21: {  	s19 =	sand.u32 $0x1, s31;
	s17 =	simm.s32 $0x3;
	[sflag:s13] =	ssyncadd.s32 $0xFFFFCE00  }
0x22: {  	s16 =	sadd.s32 $0x640, s8;
	s18 =	sadd.s32 $0x190, s9;
	_ =	swait.ge [sflag:s14], $0x3200  }
.LBB2_2:
0x23: {  	p0 =	seq.s32 s19, $0x1  }
0x24: {  	s20 =	sshrl.u32 s18, $0x3;
	[sflag:s14] =	ssyncset.done $0x0;
	s21 =	simm.s32 $0x190  }
0x25: {  	s21 =	simm.s32 @!p0 $0x0;
	s20 =	sadd.s32 s2, s20;
	[sflag:s14] =	ssyncadd.s32 $0xFFFFCE00  }
0x26: {  	[tilespmem:s21], [sflag:$0x3] =	stream.linear.gather [hbm4b:s20+s3], $0x190, $0x38;
	[tilespmem:$0x6720] =	vst v63  }
0x27: {  	s20 =	smov.u32 s17;
	s17 =	sadd.s32 $0x1, s17;
	_ =	swait.ge [sflag:s13], $0x190  }
0x28: {  	p1 =	seq.s32 s19, $0x0;
	p0 =	sne.s32 s17, $0x7D;
	[sflag:s13] =	ssyncset.done $0x0  }
0x29: {  	s19 =	simm.s32 @p1 $0x190;
	s21 =	simm.s32 @p1 $0x0;
	[sflag:s13] =	ssyncadd.s32 $0xFFFFFE70  }
0x2a: {  	s22 =	simm.s32 @p1 $0x320;
	s23 =	simm.s32 @!p1 $0x190;
	s24 =	simm.s32 @!p1 $0x3520  }
0x2b: {  	[tilespmem:s22], [sflag:$0x1] =	stream.indirect.gather @p1 [hbm4b:s4+s19], $0x20, s21, s19, $0xb8;
	[tilespmem:$0x6720] =	vst v63  }
0x2c: {  	s19 =	simm.s32 @!p1 $0x320  }
0x2d: {  	[tilespmem:s24], [sflag:$0x1] =	stream.indirect.gather @!p1 [hbm4b:s4+s23], $0x20, s23, s23, $0xb8;
	[tilespmem:$0x6720] =	vst v63  }
0x2e: {  	s19 =	simm.s32 @p1 $0x3520  }
0x2f: {  	[hbm4b:s16+s3] =	stream.linear.scatter [tilespmem:s19], [sflag:$0x3], $0x3200, $0x38;
	[tilespmem:$0x6720] =	vst v63  }
.Ltmp0:
0x30: {  	_ = 	snop;
	(pc) =	sbr.rel @p0 .LBB2_2-.Ltmp0, $4  }
0x31: {  	_ =	swait.ge [sflag:s13], $0x3200  }
0x32: {  	[sflag:s13] =	ssyncset.done $0x0  }
0x33: {  	s16 =	sadd.s32 $0x640, s16;
	[sflag:s13] =	ssyncadd.s32 $0xFFFFCE00  }
0x34: {  	s18 =	sadd.s32 $0x190, s18;
	s19 =	sand.u32 $0x1, s20;
	_ =	swait.ge [sflag:s14], $0x3200  }
0x35: {  	p0 =	seq.s32 s19, $0x1  }
0x36: {  	s17 =	sshrl.u32 s18, $0x3;
	[sflag:s14] =	ssyncset.done $0x0;
	s18 =	simm.s32 $0x190  }
0x37: {  	s18 =	simm.s32 @!p0 $0x0;
	s17 =	sadd.s32 s2, s17;
	[sflag:s14] =	ssyncadd.s32 $0xFFFFCE00  }
0x38: {  	[tilespmem:s18], [sflag:$0x3] =	stream.linear.gather [hbm4b:s17+s3], $0x190, $0x38;
	[tilespmem:$0x6720] =	vst v63  }
0x39: {  	p0 =	seq.s32 s19, $0x0;
	_ =	swait.ge [sflag:s13], $0x190  }
0x3a: {  	s17 =	simm.s32 @p0 $0x190;
	[sflag:s13] =	ssyncset.done $0x0  }
0x3b: {  	s18 =	simm.s32 @p0 $0x0;
	s19 =	simm.s32 @p0 $0x320;
	[sflag:s13] =	ssyncadd.s32 $0xFFFFFE70  }
0x3c: {  	[tilespmem:s19], [sflag:$0x1] =	stream.indirect.gather @p0 [hbm4b:s4+s17], $0x20, s18, s17, $0xb8;
	[tilespmem:$0x6720] =	vst v63  }
0x3d: {  	s17 =	simm.s32 @!p0 $0x190;
	s18 =	simm.s32 @!p0 $0x3520;
	s19 =	simm.s32 @!p0 $0x320  }
0x3e: {  	[tilespmem:s18], [sflag:$0x1] =	stream.indirect.gather @!p0 [hbm4b:s4+s17], $0x20, s17, s17, $0xb8;
	[tilespmem:$0x6720] =	vst v63  }
0x3f: {  	s19 =	simm.s32 @p0 $0x3520  }
0x40: {  	[hbm4b:s16+s3] =	stream.linear.scatter [tilespmem:s19], [sflag:$0x3], $0x3200, $0x38;
	[tilespmem:$0x6720] =	vst v63  }
0x41: {  	_ =	swait.ge [sflag:s13], $0x3200  }
0x42: {  	[sflag:s13] =	ssyncset.done $0x0  }
0x43: {  	[sflag:s13] =	ssyncadd.s32 $0xFFFFCE00  }
0x44: {  	s15 =	sadd.s32 $0x1, s15;
	_ =	swait.ge [sflag:s14], $0x3200  }
0x45: {  	p0 =	sne.s32 s15, s7;
	[sflag:s14] =	ssyncset.done $0x0  }
.Ltmp1:
0x46: {  	[sflag:s14] =	ssyncadd.s32 $0xFFFFCE00;
	(pc) =	sbr.rel @p0 .LBB2_1-.Ltmp1, $4  }
0x47: {  	[hbm4b:s6+s3] =	stream.linear.scatter [tilespmem:s12], [sflag:$0x3], $0x3200, $0x38;
	[tilespmem:$0x6720] =	vst v63  }
0x48: {  	_ =	swait.ge [sflag:s13], $0x3200  }
0x49: {  	[sflag:s13] =	ssyncset.done $0x0  }
0x4a: {  	[sflag:s13] =	ssyncadd.s32 $0xFFFFCE00  }
0x4b: {  	_ =	sfence.sel $0x180000  }
0x4c: {  	[bflag:$0x0] =	sbarrier.arrive $0xFFFF  }
0x4d: {  	p0 =	sne.s32 s0, $0x0;
	_ =	strace $0x9000004D  }
0x4e: {  	s0 =	sadd.s32 @!p0 $0x100000, s1;
	[bflag:$0x2] =	sbarrier.arrive $0xFFFF  }
0x4f: {  	[sflag:s0] =	ssyncadd.tile.s32 @!p0 $0x1;
	_ =	shalt  }
.Lfunc_end2:
_tile_overlayer_lowered:
.L_overlay_start_2:
0x50: {  	(tag) =	ssettag $0x2  }
0x51: {  	s0 =	rddreg [dreg:$0x0];
	s2 =	stileid.u32  }
0x52: {  	s1 =	rddreg [dreg:$0x1];
	p0 =	sne.s32 s2, $0x0  }
0x53: {  	s3 =	rddreg [dreg:$0x2];
	[bflag:$0x3] =	sbarrier.arrive $0xFFFF;
	s2 =	simm.s32 @!p0 $0x1C02  }
0x54: {  	[timem:s3], [sflag:s2] =	dma.local @!p0 [hbm:s0], s1  }
0x55: {  	s0 =	simm.s32 @!p0 $0x2  }
0x56: {  	_ =	swait.ge @!p0 [sflag:s0], s1  }
0x57: {  	s1 =	ssub.s32 @!p0 $0x0, s1;
	[sflag:s0] =	ssyncset.done @!p0 $0x0  }
0x58: {  	[sflag:s0] =	ssyncadd.s32 @!p0 s1  }
0x59: {  	[bflag:$0x3] =	sbarrier.arrive $0xFFFF  }
0x5a: {  	_ =	shalt  }

// kernel: kernel.16.cloned.1.call-start
scs
__scs_entry_jumppad:
0x0: {  	(pc) =	sbr.rel $0x88, $3  }
0x1: {  	(tag) =	ssettag $0x0;
	lr =	simm.s32 $0x1  }
0x2: {  	[smem:$0x3F95] =	sst lr;
	_ =	strace $0xD0000000  }
0x3: {  	_ = 	snop  }
0x4: {  	_ = 	snop  }
0x5: {  	_ = 	snop  }
0x6: {  	_ = 	snop  }
0x7: {  	_ = 	snop  }
__scs_overlays_trampoline_lowered:
0x8: {  	[smem:$0x3FA4] =	sst s0  }
0x9: {  	[smem:$0x3FA5] =	sst s1  }
0xa: {  	[smem:$0x3FA6] =	sst s2  }
0xb: {  	[smem:$0x3FA7] =	sst s3  }
0xc: {  	[smem:$0x3FA8] =	sst s4  }
0xd: {  	[smem:$0x3FA9] =	sst s5  }
0xe: {  	[smem:$0x3FAA] =	sst s6  }
0xf: {  	[smem:$0x3FAB] =	sst s7  }
0x10: {  	[smem:$0x3FAC] =	sst s8  }
0x11: {  	[smem:$0x3FAD] =	sst s9;
	s0 =	simm.s32 @!p0 $0x0  }
0x12: {  	s1 =	sld [smem:$0x3F93];
	s0 =	simm.s32 @p0 $0x1  }
0x13: {  	[smem:$0x3FAE] =	sst s0;
	s0 =	simm.s32 @!p1 $0x0  }
0x14: {  	s2 =	sld [smem:$0x3F92];
	s0 =	simm.s32 @p1 $0x1  }
0x15: {  	[smem:$0x3FAF] =	sst s0;
	s0 =	simm.s32 @!p2 $0x0  }
0x16: {  	s3 =	sld [smem:$0x3FDB];
	s0 =	simm.s32 @p2 $0x1  }
0x17: {  	s4 =	simm.s32 $0x1BF5;
	[smem:$0x3FB1] =	sst s0  }
0x18: {  	s0 =	sld [smem:$0x3F94];
	_ =	swait.ge [sflag:s4], $0x0  }
0x19: {  	s7 =	sld [smem:$0x3F95]  }
0x1a: {  	s8 =	sadd.s32 $0xFFFFE003, lr  }
0x1b: {  	s9 =	sadd.s32 $0xFFFFFEF7, lr;
	s5 =	simm.s32 $0xFFFFFFFF;
	p2 =	slt.u32 s8, $0xFFFFF086  }
0x1c: {  	p1 =	slt.u32 s9, $0xF7A;
	s5 =	simm.s32 @!p2 $0x0  }
0x1d: {  	s5 =	simm.s32 @p1 $0x1;
	p0 =	seq.s32 s7, s2  }
0x1e: {  	s7 =	smul.u32 @!p0 $0xF7A, s2;
	p2 =	seq.s32 @!p0 s5, $0x0  }
0x1f: {  	s9 =	smul.u32 $0xF7A, s1;
	s8 =	simm.s32 @!p0 $0x1BF5;
	p2 =	por !p2, p0  }
0x20: {  	[sflag:s8] =	ssyncset.s32 @!p0 $0xFFFFF086;
	s6 =	sadd.s32 @!p0 s3, s7;
	s7 =	simm.s32 @!p0 $0x108  }
0x21: {  	s3 =	sadd.s32 s3, s9;
	s6 =	sadd.s32 @!p0 $0x88, s6;
	s7 =	simm.s32 @p2 $0x1082  }
0x22: {  	[simem:s7], [sflag:s8] =	dma.local @!p0 [hbm:s6], $0xF7A  }
0x23: {  	s9 =	sor.u32 $0xD0000000, s2;
	s6 =	simm.s32 $0x108;
	_ =	swait.ge @!p0 [sflag:s8], $0x0  }
0x24: {  	s3 =	sadd.s32 $0x88, s3;
	s6 =	simm.s32 @!p1 $0x1082;
	[sflag:s4] =	ssyncset.s32 $0xFFFFF086  }
0x25: {  	[simem:s6], [sflag:s4] =	dma.local [hbm:s3], $0xF7A  }
0x26: {  	[smem:$0x3F95] =	sst s1;
	(tag) =	ssettag s2;
	_ =	strace s9  }
0x27: {  	s1 =	sld [smem:$0x3FA5]  }
0x28: {  	s2 =	sld [smem:$0x3FA6]  }
0x29: {  	s4 =	sld [smem:$0x3FA8]  }
0x2a: {  	p0 =	seq.s32 s5, $0x0;
	s5 =	sld [smem:$0x3FA9]  }
0x2b: {  	s6 =	sld [smem:$0x3FAA]  }
0x2c: {  	s7 =	sld [smem:$0x3FAB]  }
0x2d: {  	s3 =	simm.s32 $0x108;
	s8 =	sld [smem:$0x3FAC]  }
0x2e: {  	s3 =	simm.s32 @!p0 $0x1082;
	s9 =	sld [smem:$0x3FAD]  }
0x2f: {  	lr =	sadd.s32 s0, s3;
	s0 =	sld [smem:$0x3FA4]  }
0x30: {  	s3 =	sld [smem:$0x3FA7]  }
0x31: {  	[smem:$0x3FB0] =	sst s10  }
0x32: {  	s10 =	sld [smem:$0x3FAE];
	_ =	sdelay $0x3  }
0x33: {  	p0 =	seq.s32 s10, $0x1;
	s10 =	sld [smem:$0x3FB0];
	_ =	sdelay $0x3  }
0x34: {  	[smem:$0x3FB0] =	sst s10  }
0x35: {  	s10 =	sld [smem:$0x3FAF];
	_ =	sdelay $0x3  }
0x36: {  	p1 =	seq.s32 s10, $0x1;
	s10 =	sld [smem:$0x3FB0];
	_ =	sdelay $0x3  }
0x37: {  	[smem:$0x3FB0] =	sst s10  }
0x38: {  	s10 =	sld [smem:$0x3FB1]  }
0x39: {  	_ = 	snop;
	(pc) =	sbr.ind lr, $3  }
0x3a: {  	_ = 	snop  }
0x3b: {  	_ = 	snop  }
0x3c: {  	p2 =	seq.s32 s10, $0x1;
	s10 =	sld [smem:$0x3FB0]  }
0x3d: {  	_ =	shalt  }
0x3e: {  	_ =	shalt  }
0x3f: {  	_ =	shalt  }
0x40: {  	_ =	shalt  }
0x41: {  	_ =	shalt  }
0x42: {  	_ =	shalt  }
0x43: {  	_ =	shalt  }
0x44: {  	_ =	shalt  }
0x45: {  	_ =	shalt  }
0x46: {  	_ =	shalt  }
0x47: {  	_ =	shalt  }
0x48: {  	_ =	shalt  }
0x49: {  	_ =	shalt  }
0x4a: {  	_ =	shalt  }
0x4b: {  	_ =	shalt  }
0x4c: {  	_ =	shalt  }
0x4d: {  	_ =	shalt  }
0x4e: {  	_ =	shalt  }
0x4f: {  	_ =	shalt  }
0x50: {  	_ =	shalt  }
0x51: {  	_ =	shalt  }
0x52: {  	_ =	shalt  }
0x53: {  	_ =	shalt  }
0x54: {  	_ =	shalt  }
0x55: {  	_ =	shalt  }
0x56: {  	_ =	shalt  }
0x57: {  	_ =	shalt  }
0x58: {  	_ =	shalt  }
0x59: {  	_ =	shalt  }
0x5a: {  	_ =	shalt  }
0x5b: {  	_ =	shalt  }
0x5c: {  	_ =	shalt  }
0x5d: {  	_ =	shalt  }
0x5e: {  	_ =	shalt  }
0x5f: {  	_ =	shalt  }
0x60: {  	_ =	shalt  }
0x61: {  	_ =	shalt  }
0x62: {  	_ =	shalt  }
0x63: {  	_ =	shalt  }
0x64: {  	_ =	shalt  }
0x65: {  	_ =	shalt  }
0x66: {  	_ =	shalt  }
0x67: {  	_ =	shalt  }
0x68: {  	_ =	shalt  }
0x69: {  	_ =	shalt  }
0x6a: {  	_ =	shalt  }
0x6b: {  	_ =	shalt  }
0x6c: {  	_ =	shalt  }
0x6d: {  	_ =	shalt  }
0x6e: {  	_ =	shalt  }
0x6f: {  	_ =	shalt  }
0x70: {  	_ =	shalt  }
0x71: {  	_ =	shalt  }
0x72: {  	_ =	shalt  }
0x73: {  	_ =	shalt  }
0x74: {  	_ =	shalt  }
0x75: {  	_ =	shalt  }
0x76: {  	_ =	shalt  }
0x77: {  	_ =	shalt  }
0x78: {  	_ =	shalt  }
0x79: {  	_ =	shalt  }
0x7a: {  	_ =	shalt  }
0x7b: {  	_ =	shalt  }
0x7c: {  	_ =	shalt  }
0x7d: {  	_ =	shalt  }
0x7e: {  	_ =	shalt  }
0x7f: {  	_ =	shalt  }
0x80: {  	_ =	shalt  }
0x81: {  	_ =	shalt  }
0x82: {  	_ =	shalt  }
0x83: {  	_ =	shalt  }
0x84: {  	_ =	shalt  }
0x85: {  	_ =	shalt  }
0x86: {  	_ =	shalt  }
0x87: {  	_ =	shalt  }
.Lfunc_end0:
.L_simem_size_0:
called_computation.3_lowered:
.L_overlay_start_0:
0x88: {  	s2 =	sld [smem:$0x3FD9]  }
0x89: {  	s3 =	sld [smem:$0x3FFE];
	_ =	sdelay $0x1  }
0x8a: {  	s1 =	srdreg.scid  }
0x8b: {  	s0 =	sand.u32 $0x1, s1  }
0x8c: {  	s14 =	sshll.u32 s0, $0xA;
	s2 =	sadd.s32 s3, s2  }
0x8d: {  	s2 =	sadd.s32 s2, s14  }
0x8e: {  	[smem:$0x3FBC] =	sst s2  }
0x8f: {  	_ = 	snop  }
0x90: {  	s2 =	sld [smem:$0x3FD0];
	_ =	sdelay $0x2  }
0x91: {  	s4 =	simm.s32 $0xB;
	s5 =	simm.s32 $0x10;
	s15 =	sld [smem:$0x3FC8]  }
0x92: {  	[smem:s5], [sflag:s4] =	dma.local [hbm:s2], $0x1  }
0x93: {  	_ =	swait.eq [sflag:s4], $0x1  }
0x94: {  	[sflag:s4] =	ssyncset.done $0x0  }
0x95: {  	[sflag:s4] =	ssyncadd.s32 $0xFFFFFFFF  }
0x96: {  	s16 =	sld [smem:$0x10];
	(tm) =	ssettm $0x1  }
0x97: {  	s17 =	sld [smem:$0x3FFB];
	_ =	sdelay $0x3  }
0x98: {  	_ =	strace s17  }
0x99: {  	s4 =	sld [smem:$0x3FFC];
	_ =	sdelay $0x3  }
0x9a: {  	_ =	strace s4  }
0x9b: {  	s4 =	sld [smem:$0x3FFD];
	_ =	sdelay $0x3  }
0x9c: {  	_ =	strace s4  }
0x9d: {  	_ =	strace $0x8FFFFFFF  }
0x9e: {  	s18 =	sld [smem:$0x3FDB];
	_ =	sdelay $0x1  }
0x9f: {  	s19 =	simm.s32 $_scs_section_size  }
0xa0: {  	s6 =	simm.s32 $_size__tile_overlayer_lowered;
	s7 =	simm.s32 $_tile_overlayer_lowered  }
0xa1: {  	s22 =	simm.s32 $0x1BFF;
	s21 =	sshll.u32 s7, $0x1;
	s4 =	sadd.s32 s19, s18  }
0xa2: {  	s8 =	simm.s32 $0x0;
	s20 =	sshll.u32 s6, $0x1;
	s6 =	sadd.s32 s21, s4  }
0xa3: {  	[timem:s8], [sflag:s22] =	dma.local [hbm:s6], s20  }
0xa4: {  	_ =	swait.ge [sflag:s22], s20  }
0xa5: {  	s5 =	ssub.s32 $0x0, s20;
	[sflag:s22] =	ssyncset.done $0x0  }
0xa6: {  	[sflag:s22] =	ssyncadd.s32 s5;
	_ =	sdelay $0x1  }
0xa7: {  	s23 =	simm.s32 $0x1B8B  }
0xa8: {  	_ =	swait.ge [sflag:s23], $0x1  }
0xa9: {  	[sflag:s23] =	ssyncset.done $0x0  }
0xaa: {  	s25 =	simm.s32 $0x1B8E;
	s24 =	sld [smem:$0x3FFE];
	[sflag:s23] =	ssyncadd.s32 $0xFFFFFFFF  }
0xab: {  	s26 =	simm.s32 $execute0_lowered;
	[smem:$0x3FD2] =	sst s25  }
0xac: {  	s6 =	sshll.u32 s26, $0x1;
	_ =	strace $0x80000049;
	[dreg:$0x1] =	wrdreg $0xFFFFFFFF  }
0xad: {  	s28 =	simm.s32 $_size_execute0_lowered;
	s4 =	sadd.s32 s4, s6;
	[dreg:$0x0] =	wrdreg $0x0  }
0xae: {  	s6 =	sshll.u32 s28, $0x1;
	[dreg:$0x2] =	wrdreg s4  }
0xaf: {  	[dreg:$0x3] =	wrdreg s6  }
0xb0: {  	[dreg:$0x4] =	wrdreg $0xC0  }
0xb1: {  	_ =	task [dreg:s8], $0x5FFFF  }
0xb2: {  	[dreg:$0x1] =	wrdreg $0xFFFFFFFF  }
0xb3: {  	[dreg:$0x0] =	wrdreg $0x60  }
0xb4: {  	[dreg:$0x2] =	wrdreg s24  }
0xb5: {  	[dreg:$0x3] =	wrdreg s15  }
0xb6: {  	[dreg:$0x4] =	wrdreg s16  }
0xb7: {  	[dreg:$0x5] =	wrdreg $0x198480  }
0xb8: {  	[dreg:$0x6] =	wrdreg $0xA  }
0xb9: {  	_ =	task.clear_ibuf [dreg:s8], $0x7FFFF;
	_ =	strace $0x90000049  }
0xba: {  	s29 =	simm.s32 $0xA;
	_ =	strace $0x8000004B  }
0xbb: {  	_ =	swait.ge [sflag:s29], $0x1  }
0xbc: {  	[sflag:s29] =	ssyncadd.s32 $0xFFFFFFFF  }
0xbd: {  	_ =	strace $0x9000004B  }
0xbe: {  	_ =	sfence  }
0xbf: {  	s30 =	sld [smem:$0x0];
	_ =	sdelay $0x2  }
0xc0: {  	s31 =	sshll.u32 s1, $0xD;
	s1 =	sshrl.u32 s1, $0x2  }
0xc1: {  	s3 =	sand.u32 $0x4000, s31;
	s1 =	sadd.s32 s1, s30  }
0xc2: {  	s0 =	sor.u32 s3, s0;
	s1 =	sshll.u32 s1, $0x11  }
0xc3: {  	s0 =	sor.u32 s1, s0  }
0xc4: {  	s0 =	sadd.s32 $0x8F2B, s0  }
0xc5: {  	[sflag:s0] =	ssyncadd.remote.s32 $0x1  }
0xc6: {  	_ =	sfence.sel $0xFFFF  }
0xc7: {  	[dreg:$0x0] =	wrdreg $0xFFFFFFFF;
	(pc) =	sbr.abs _section_cstart, $3  }
0xc8: {  	[dreg:$0x1] =	wrdreg $0xFFFFFFFF  }
0xc9: {  	_ =	task.clear_ibuf [dreg:s8], $0x2FFFF;
	_ =	strace $0x9FFFFFFF  }
0xca: {  	(tm) =	ssettm $0x7FFFFFFF  }
0xcb: {  	_ =	shalt  }
tec
execute0_lowered:
.L_overlay_start_1:
0x0: {  	(tag) =	ssettag $0x1  }
0x1: {  	s0 =	rddreg [dreg:$0x0]  }
0x2: {  	s1 =	rddreg [dreg:$0x1]  }
0x3: {  	s4 =	rddreg [dreg:$0x3];
	s5 =	simm.s32 $0x0  }
0x4: {  	s17 =	stileid.u32;
	s3 =	srdreg.scid;
	s19 =	simm.s32 $0x186A0  }
0x5: {  	s28 =	simm.s32 $0x50;
	s22 =	simm.s32 $0x2;
	[smem:$0x7FF] =	sst s5  }
0x6: {  	s2 =	smul.u32 $0x1870, s17;
	s6 =	sadd.s32 $0x96800, s0;
	s7 =	sadd.s32 $0x65A00, s0  }
0x7: {  	s3 =	sand.u32 $0x1, s3;
	s9 =	sadd.s32 $0x65800, s0;
	s13 =	sshll.u32 s17, $0x1  }
0x8: {  	p0 =	slt.u32 s17, $0x8;
	s16 =	sadd.s32 $0x2E39C0, s0;
	s30 =	sshll.u32 s17, $0x6  }
0x9: {  	s17 =	simm.s32 $0x7;
	_ =	strace $0x8000004A;
	[dreg:$0x5] =	wrdreg s9  }
0xa: {  	s10 =	smul.u32 $0x30E0, s3;
	s9 =	sadd.s32 $0x251200, s0;
	s12 =	ssub.s32 $0x2, s3  }
0xb: {  	s31 =	sor.u32 $0x1C07, s30;
	s8 =	sshrl.u32 s2, $0x3;
	s15 =	sshrl.u32 s12, $0x1  }
0xc: {  	s2 =	sadd.s32 s2, s4;
	s11 =	sadd.s32 s8, s0;
	s14 =	sadd.s32 s10, s0  }
0xd: {  	s10 =	sor.u32 s3, s13;
	s23 =	ssub.s32 s12, s15;
	s12 =	simm.s32 $0x139  }
0xe: {  	s2 =	sshrl.u32 s2, $0x3;
	s13 =	smul.u32 $0x14, s10;
	s11 =	sadd.s32 $0x24E000, s11  }
0xf: {  	s12 =	simm.s32 @!p0 $0x138;
	s29 =	sadd.s32 $0x376200, s14;
	s3 =	smax.u32 s23, $0x1  }
0x10: {  	s23 =	simm.s32 $0x19028;
	s14 =	simm.s32 $0x197F8;
	[dreg:$0x6] =	wrdreg s11  }
0x11: {  	[dreg:$0xa] =	wrdreg s3;
	s0 =	sadd.s32 s8, s29;
	s3 =	simm.s32 $0x19758  }
.Ltmp0:
0x12: {  	s8 =	simm.s32 $0x19668;
	s11 =	simm.s32 $0x197A8;
	(pc) =	sbr.rel .LBB2_1-.Ltmp0, $4  }
0x13: {  	s24 =	sadd.s32 s6, s13;
	s25 =	sadd.s32 s7, s13;
	[dreg:$0xb] =	wrdreg s0  }
0x14: {  	s26 =	sadd.s32 s1, s13;
	s0 =	smov.u32 s2;
	[dreg:$0x7] =	wrdreg s24  }
0x15: {  	s13 =	simm.s32 $0x196B8;
	s2 =	simm.s32 $0x0;
	[dreg:$0x8] =	wrdreg s25  }
0x16: {  	[dreg:$0x9] =	wrdreg s26;
	s26 =	simm.s32 $0x1;
	s25 =	simm.s32 $0x193E8  }
.LBB2_12:
0x17: {  	s2 =	simm.s32 $0x3  }
0x18: {  	_ =	swait.ge [sflag:s2], $0x1E0  }
0x19: {  	[sflag:s2] =	ssyncset.done $0x0  }
0x1a: {  	[sflag:s2] =	ssyncadd.s32 $0xFFFFFE20  }
0x1b: {  	_ =	swait.ge [sflag:s2], $0x1E0  }
0x1c: {  	[sflag:s2] =	ssyncset.done $0x0  }
0x1d: {  	s20 =	simm.s32 $0x5;
	[sflag:s2] =	ssyncadd.s32 $0xFFFFFE20  }
0x1e: {  	_ =	swait.ge [sflag:s20], $0x50  }
0x1f: {  	[sflag:s20] =	ssyncset.done $0x0  }
0x20: {  	[sflag:s20] =	ssyncadd.s32 $0xFFFFFFB0  }
0x21: {  	_ =	swait.ge [sflag:s20], $0x50  }
0x22: {  	[sflag:s20] =	ssyncset.done $0x0  }
0x23: {  	s21 =	simm.s32 $0x4;
	[sflag:s20] =	ssyncadd.s32 $0xFFFFFFB0  }
0x24: {  	_ =	swait.ge [sflag:s21], $0x1E0  }
0x25: {  	[sflag:s21] =	ssyncset.done $0x0  }
0x26: {  	[sflag:s21] =	ssyncadd.s32 $0xFFFFFE20  }
0x27: {  	_ =	swait.ge [sflag:s21], $0x1E0  }
0x28: {  	[sflag:s21] =	ssyncset.done $0x0  }
0x29: {  	s24 =	simm.s32 $0x6;
	[sflag:s21] =	ssyncadd.s32 $0xFFFFFE20  }
0x2a: {  	_ =	swait.ge [sflag:s24], $0x50  }
0x2b: {  	[sflag:s24] =	ssyncset.done $0x0  }
0x2c: {  	[sflag:s24] =	ssyncadd.s32 $0xFFFFFFB0  }
0x2d: {  	_ =	swait.ge [sflag:s24], $0x50  }
0x2e: {  	[sflag:s24] =	ssyncset.done $0x0  }
0x2f: {  	[sflag:s24] =	ssyncadd.s32 $0xFFFFFFB0  }
0x30: {  	[bflag:$0x0] =	sbarrier.arrive $0xFFFF  }
0x31: {  	s17 =	simm.s32 $0x7;
	s29 =	rddreg [dreg:$0xb]  }
0x32: {  	[hbm:s29], [sflag:s31] =	dma.local [spmem:s0], $0x30E  }
0x33: {  	_ =	swait.ge [sflag:s17], $0x30E  }
0x34: {  	s30 =	rddreg [dreg:$0xc]  }
0x35: {  	s15 =	rddreg [dreg:$0xa];
	s2 =	sadd.s32 $0x1, s30  }
0x36: {  	p0 =	sne.s32 s2, s15  }
.Ltmp1:
0x37: {  	_ = 	snop;
	(pc) =	sbr.rel @!p0 .LBB2_13-.Ltmp1, $3  }
0x38: {  	_ =	sdelay $0x1  }
0x39: {  	[sflag:s17] =	ssyncset.done $0x0  }
0x3a: {  	[sflag:s17] =	ssyncadd.s32 $0xFFFFFCF2  }
.LBB2_1:
0x3b: {  	[dreg:$0xc] =	wrdreg s2  }
0x3c: {  	s15 =	rddreg [dreg:$0x2]  }
0x3d: {  	[tilespmem:s5], [sflag:$0x7] =	stream.linear.gather [hbm4b:s15+s5], $0x186A0, $0x38;
	[tilespmem:$0x1B0B8] =	vst v63  }
0x3e: {  	_ =	swait.ge [sflag:s17], $0x186A0  }
0x3f: {  	[sflag:s17] =	ssyncset.done $0x0  }
0x40: {  	s30 =	rddreg [dreg:$0x5];
	[sflag:s17] =	ssyncadd.s32 $0xFFFE7960  }
0x41: {  	[tilespmem:s19], [sflag:$0x7] =	stream.linear.gather [hbm4b:s30+s5], $0x3E8, $0x38;
	[tilespmem:$0x1B0B8] =	vst v63  }
0x42: {  	_ =	swait.ge [sflag:s17], $0x3E8  }
0x43: {  	[sflag:s17] =	ssyncset.done $0x0  }
0x44: {  	s2 =	rddreg [dreg:$0x6];
	[sflag:s17] =	ssyncadd.s32 $0xFFFFFC18  }
0x45: {  	[spmem:s0], [sflag:s31] =	dma.local [hbm:s2], $0x30E  }
0x46: {  	_ =	swait.ge [sflag:s17], $0x30E  }
0x47: {  	[sflag:s17] =	ssyncset.done $0x0  }
0x48: {  	[sflag:s17] =	ssyncadd.s32 $0xFFFFFCF2  }
0x49: {  	[bflag:$0x0] =	sbarrier.arrive $0xFFFF  }
0x4a: {  	s20 =	simm.s32 $0x18A88;
	s18 =	rddreg [dreg:$0x7]  }
0x4b: {  	[tilespmem:s20], [sflag:$0x1] =	stream.linear.gather [hbm4b:s18+s5], $0xA0, $0x38;
	[tilespmem:$0x1B0B8] =	vst v63  }
.Ltmp2:
0x4c: {  	_ = 	snop;
	(pc) =	sbr.rel .LBB2_2-.Ltmp2, $4  }
0x4d: {  	s24 =	simm.s32 $0x18BC8;
	s21 =	rddreg [dreg:$0x8]  }
0x4e: {  	[tilespmem:s24], [sflag:$0x1] =	stream.linear.gather [hbm4b:s21+s5], $0xA0, $0x38;
	[tilespmem:$0x1B0B8] =	vst v63  }
0x4f: {  	s15 =	simm.s32 $0x0;
	s30 =	simm.s32 $0x18D08;
	s29 =	rddreg [dreg:$0x9]  }
0x50: {  	[tilespmem:s30], [sflag:$0x1] =	stream.linear.gather [hbm4b:s29+s5], $0xA0, $0x38;
	[tilespmem:$0x1B0B8] =	vst v63  }
.LBB2_7:
0x51: {  	s15 =	sadd.s32 $0x1, s15  }
.LBB2_11:
0x52: {  	p0 =	sne.s32 s15, $0x139  }
.Ltmp3:
0x53: {  	_ = 	snop;
	(pc) =	sbr.rel @!p0 .LBB2_12-.Ltmp3, $1  }
0x54: {  	_ =	sdelay $0x3  }
.LBB2_2:
0x55: {  	s17 =	sand.u32 $0x1, s15;
	p1 =	sge.u32 s15, s12  }
0x56: {  	p0 =	sne.s32 @!p1 s17, $0x0  }
0x57: {  	p2 =	por p1, p0  }
.Ltmp4:
0x58: {  	_ = 	snop;
	(pc) =	sbr.rel @p2 .LBB2_6-.Ltmp4, $2  }
0x59: {  	_ =	sdelay $0x2  }
0x5a: {  	p0 =	slt.u32 s15, $0x2  }
0x5b: {  	s18 =	simm.s32 @!p0 $0x3  }
0x5c: {  	_ =	swait.ge @!p0 [sflag:s18], $0x1E0  }
0x5d: {  	[sflag:s18] =	ssyncset.done @!p0 $0x0  }
0x5e: {  	[sflag:s18] =	ssyncadd.s32 @!p0 $0xFFFFFE20  }
0x5f: {  	_ =	swait.ge @!p0 [sflag:s18], $0x1E0  }
0x60: {  	[sflag:s18] =	ssyncset.done @!p0 $0x0  }
0x61: {  	[sflag:s18] =	ssyncadd.s32 @!p0 $0xFFFFFE20;
	s18 =	simm.s32 @!p0 $0x5  }
0x62: {  	_ =	swait.ge @!p0 [sflag:s18], $0x50  }
0x63: {  	[sflag:s18] =	ssyncset.done @!p0 $0x0  }
0x64: {  	[sflag:s18] =	ssyncadd.s32 @!p0 $0xFFFFFFB0  }
0x65: {  	_ =	swait.ge @!p0 [sflag:s18], $0x50  }
0x66: {  	[sflag:s18] =	ssyncset.done @!p0 $0x0  }
0x67: {  	[sflag:s18] =	ssyncadd.s32 @!p0 $0xFFFFFFB0  }
0x68: {  	_ =	swait.ge [sflag:s26], $0xA0  }
0x69: {  	[sflag:s26] =	ssyncset.done $0x0  }
0x6a: {  	[sflag:s26] =	ssyncadd.s32 $0xFFFFFF60  }
0x6b: {  	_ =	swait.ge [sflag:s26], $0xA0  }
0x6c: {  	[sflag:s26] =	ssyncset.done $0x0  }
0x6d: {  	[sflag:s26] =	ssyncadd.s32 $0xFFFFFF60  }
0x6e: {  	_ =	swait.ge [sflag:s26], $0xA0  }
0x6f: {  	[sflag:s26] =	ssyncset.done $0x0  }
0x70: {  	s24 =	simm.s32 $0x18A88;
	[sflag:s26] =	ssyncadd.s32 $0xFFFFFF60  }
0x71: {  	s20 =	simm.s32 $0x18BC8;
	v0 =	vld [tilespmem:s24+$0x0]  }
0x72: {  	v1 =	vld [tilespmem:s20+$0x0];
	_ =	sdelay $0x1  }
0x73: {  	s2 =	smov.u32 s0;
	s0 =	smov.u32 s31;
	s31 =	simm.s32 $0x18D08  }
0x74: {  	v2 =	vld [tilespmem:s31+$0x0];
	_ =	sdelay $0x3  }
0x75: {  	v3 =	vld.idx.msk [tilespmem:v0+s5+$0x0], $0xffff  }
0x76: {  	v4 =	vld.idx.msk [tilespmem:v1+s5+$0x0], $0xffff;
	_ =	sdelay $0x2  }
0x77: {  	v2 =	vld.idx.msk [tilespmem:v2+s19+$0x0], $0xffff;
	_ =	sdelay $0x1  }
0x78: {  	v3 =	vshll.u32 v3, $0x10;
	v4 =	vand.u32 $0xFFFF0000, v4  }
0x79: {  	v3 =	vadd.f32 v4, v3;
	_ =	sdelay $0x1  }
0x7a: {  	v2 =	vadd.f32 v3, v2;
	_ =	sdelay $0x1  }
0x7b: {  	v3 =	vmul.f32 $2.000000030e-01, v2  }
0x7c: {  	vm0 =	vge.f32 v2, $0.0e+00  }
0x7d: {  	v2 =	vsel vm0, v2, v3  }
0x7e: {  	v2 =	vmul.f32 $1.442695020e+00, v2;
	_ =	sdelay $0x1  }
0x7f: {  	(erf) = vpow2.f32 v2;
	_ =	sdelay $0x1  }
0x80: {  	p2 =	por $0x0, $0x0;
	p3 =	por $0x1, $0x1  }
0x81: {  	s21 =	simm.s32 $0xFFFFFFB0;
	s29 =	simm.s32 $0x50;
	s18 =	simm.s32 $0x0  }
0x82: {  	s29 =	simm.s32 @!p2 $0x0;
	s21 =	smov.u32 @p3 s18  }
0x83: {  	s30 =	sadd.s32 s29, s21  }
0x84: {  	[tilespmem:s30+$0x18E48] =	vst v1  }
0x85: {  	vm15 =	vlt.s32 v0, $0xC350;
	[tilespmem:s30+$0x19208] =	vst v1  }
0x86: {  	[tilespmem:s30+$0x195C8] =	vst v0;
	v3 =	vadd.s32 $0xFFFF3CB0, v0;
	v2 =	vnsel vm15, $0xC378, v0  }
0x87: {  	[tilespmem:s30+$0x18EE8] =	vst v2;
	v2 =	vsel vm15, $0xC378, v3;
	v0 =	vpop (erf)  }
0x88: {  	[tilespmem:s30+$0x192A8] =	vst v2;
	v1 =	vnsel vm15, $0x0, v0  }
0x89: {  	[tilespmem:s30+$0x19708] =	vst v0;
	v0 =	vsub.f32 v0, v1  }
0x8a: {  	s21 =	simm.s32 $0x1;
	s29 =	simm.s32 $0x18D18;
	[tilespmem:s30+$0x18F88] =	vst v1  }
.LBB2_4:
0x8b: {  	[tilespmem:s30+$0x19348] =	vst v0;
	s18 =	sadd.s32 $0x10, s18;
	s24 =	sadd.s32 $0x10, s24;
	s20 =	sadd.s32 $0x10, s20  }
0x8c: {  	p2 =	sne.s32 s21, $0x9;
	s30 =	smov.u32 s21;
	s21 =	sadd.s32 $0x1, s21;
	v0 =	vld [tilespmem:s24+$0x0]  }
0x8d: {  	v1 =	vld [tilespmem:s20+$0x0];
	_ =	sdelay $0x2  }
0x8e: {  	v2 =	vld [tilespmem:s29+$0x0]  }
0x8f: {  	v3 =	vadd.s32 $0xFFFF3CB0, v0;
	_ =	sdelay $0x2  }
0x90: {  	v4 =	vld.idx.msk [tilespmem:v0+s5+$0x0], $0xffff  }
0x91: {  	s31 =	simm.s32 $0x50;
	v5 =	vld.idx.msk [tilespmem:v1+s5+$0x0], $0xffff  }
0x92: {  	p3 =	sgt.u32 s30, $0x4;
	p4 =	slt.u32 s30, $0x5;
	s30 =	sadd.s32 $0xFFFFFFB0, s18  }
0x93: {  	s30 =	smov.u32 @p4 s18;
	s31 =	simm.s32 @!p3 $0x0  }
0x94: {  	s30 =	sadd.s32 s31, s30;
	vm0 =	vlt.s32 v0, $0xC350;
	v2 =	vld.idx.msk [tilespmem:v2+s19+$0x0], $0xffff  }
0x95: {  	v6 =	vnsel vm0, $0xC378, v0;
	v3 =	vsel vm0, $0xC378, v3;
	[tilespmem:s30+$0x18E48] =	vst v1  }
0x96: {  	[tilespmem:s30+$0x18EE8] =	vst v6  }
0x97: {  	v4 =	vshll.u32 v4, $0x10;
	v5 =	vand.u32 $0xFFFF0000, v5;
	[tilespmem:s30+$0x19208] =	vst v1  }
0x98: {  	v1 =	vadd.f32 v5, v4;
	[tilespmem:s30+$0x192A8] =	vst v3  }
0x99: {  	[tilespmem:s30+$0x195C8] =	vst v0  }
0x9a: {  	v0 =	vadd.f32 v1, v2;
	_ =	sdelay $0x1  }
0x9b: {  	v1 =	vmul.f32 $2.000000030e-01, v0  }
0x9c: {  	vm1 =	vge.f32 v0, $0.0e+00  }
0x9d: {  	v0 =	vsel vm1, v0, v1  }
0x9e: {  	v0 =	vmul.f32 $1.442695020e+00, v0;
	_ =	sdelay $0x1  }
0x9f: {  	(erf) = vpow2.f32 v0;
	_ =	sdelay $0x7  }
.Ltmp5:
0xa0: {  	(pc) =	sbr.rel @p2 .LBB2_4-.Ltmp5, $4  }
0xa1: {  	v0 =	vpop (erf)  }
0xa2: {  	v1 =	vnsel vm0, $0x0, v0;
	[tilespmem:s30+$0x19708] =	vst v0  }
0xa3: {  	v0 =	vsub.f32 v0, v1;
	[tilespmem:s30+$0x18F88] =	vst v1  }
0xa4: {  	s29 =	sadd.s32 $0x10, s29  }
0xa5: {  	s18 =	sshll.u32 s15, $0x5  }
0xa6: {  	s18 =	sor.u32 s10, s18  }
0xa7: {  	s18 =	smul.u32 $0x3C, s18;
	_ =	sdelay $0x1  }
0xa8: {  	[tilespmem:s30+$0x19348] =	vst v0;
	s21 =	simm.s32 $0x18E48;
	s20 =	sadd.s32 s9, s18  }
0xa9: {  	[hbm4b:s20+s5] =	stream.linear.scatter [tilespmem:s21], [sflag:$0x3], $0x1E0, $0x38;
	[tilespmem:$0x1B0B8] =	vst v63  }
0xaa: {  	s18 =	sadd.s32 s18, s16;
	s21 =	simm.s32 $0x19208  }
0xab: {  	[hbm4b:s18+s5] =	stream.linear.scatter [tilespmem:s21], [sflag:$0x3], $0x1E0, $0x38;
	[tilespmem:$0x1B0B8] =	vst v63  }
0xac: {  	s18 =	sor.u32 $0x1, s15  }
0xad: {  	s24 =	simm.s32 $0x195C8;
	s29 =	simm.s32 $0x19708;
	p2 =	sge.u32 s18, s12  }
0xae: {  	[spmem:s4] =	stream.indirect.scatter.add.f32 [tilespmem:s29], [sflag:$0x5], $0x1, s24, s28, $0xb8;
	[tilespmem:$0x1B0B8] =	vst v63  }
0xaf: {  	s18 =	sshll.u32 @!p2 s18, $0x5  }
0xb0: {  	s18 =	sor.u32 @!p2 s10, s18  }
0xb1: {  	s30 =	simm.s32 $0x19618;
	s18 =	smul.u32 @!p2 $0x14, s18  }
0xb2: {  	[spmem:s4] =	stream.indirect.scatter.add.f32 [tilespmem:s3], [sflag:$0x5], $0x1, s30, s28, $0xb8;
	[tilespmem:$0x1B0B8] =	vst v63  }
0xb3: {  	s21 =	simm.s32 @!p2 $0x0;
	s24 =	simm.s32 @!p2 $0x18B28;
	s20 =	sadd.s32 @!p2 s6, s18  }
0xb4: {  	[tilespmem:s24], [sflag:$0x2] =	stream.linear.gather @!p2 [hbm4b:s20+s21], $0xA0, $0x38;
	[tilespmem:$0x1B0B8] =	vst v63  }
0xb5: {  	s31 =	smov.u32 s0;
	s20 =	sadd.s32 @!p2 s7, s18;
	s24 =	simm.s32 @!p2 $0x18C68  }
0xb6: {  	[tilespmem:s24], [sflag:$0x2] =	stream.linear.gather @!p2 [hbm4b:s20+s21], $0xA0, $0x38;
	[tilespmem:$0x1B0B8] =	vst v63  }
0xb7: {  	s0 =	smov.u32 s2;
	s18 =	sadd.s32 @!p2 s1, s18;
	s20 =	simm.s32 @!p2 $0x18DA8  }
0xb8: {  	[tilespmem:s20], [sflag:$0x2] =	stream.linear.gather @!p2 [hbm4b:s18+s21], $0xA0, $0x38;
	[tilespmem:$0x1B0B8] =	vst v63  }
.LBB2_6:
0xb9: {  	p2 =	seq.s32 s17, $0x1  }
0xba: {  	p1 =	por p1, !p2  }
.Ltmp6:
0xbb: {  	_ = 	snop;
	(pc) =	sbr.rel @p1 .LBB2_7-.Ltmp6, $1  }
0xbc: {  	_ =	sdelay $0x3  }
0xbd: {  	s17 =	simm.s32 @!p0 $0x4  }
0xbe: {  	_ =	swait.ge @!p0 [sflag:s17], $0x1E0  }
0xbf: {  	[sflag:s17] =	ssyncset.done @!p0 $0x0  }
0xc0: {  	[sflag:s17] =	ssyncadd.s32 @!p0 $0xFFFFFE20  }
0xc1: {  	_ =	swait.ge @!p0 [sflag:s17], $0x1E0  }
0xc2: {  	[sflag:s17] =	ssyncset.done @!p0 $0x0  }
0xc3: {  	[sflag:s17] =	ssyncadd.s32 @!p0 $0xFFFFFE20;
	s17 =	simm.s32 @!p0 $0x6  }
0xc4: {  	_ =	swait.ge @!p0 [sflag:s17], $0x50  }
0xc5: {  	[sflag:s17] =	ssyncset.done @!p0 $0x0  }
0xc6: {  	[sflag:s17] =	ssyncadd.s32 @!p0 $0xFFFFFFB0  }
0xc7: {  	_ =	swait.ge @!p0 [sflag:s17], $0x50  }
0xc8: {  	[sflag:s17] =	ssyncset.done @!p0 $0x0  }
0xc9: {  	[sflag:s17] =	ssyncadd.s32 @!p0 $0xFFFFFFB0  }
0xca: {  	_ =	swait.ge [sflag:s22], $0xA0  }
0xcb: {  	[sflag:s22] =	ssyncset.done $0x0  }
0xcc: {  	[sflag:s22] =	ssyncadd.s32 $0xFFFFFF60  }
0xcd: {  	_ =	swait.ge [sflag:s22], $0xA0  }
0xce: {  	[sflag:s22] =	ssyncset.done $0x0  }
0xcf: {  	[sflag:s22] =	ssyncadd.s32 $0xFFFFFF60  }
0xd0: {  	_ =	swait.ge [sflag:s22], $0xA0  }
0xd1: {  	[sflag:s22] =	ssyncset.done $0x0  }
0xd2: {  	s17 =	simm.s32 $0x18B28;
	[sflag:s22] =	ssyncadd.s32 $0xFFFFFF60  }
0xd3: {  	s20 =	simm.s32 $0x18C68;
	v0 =	vld [tilespmem:s17+$0x0]  }
0xd4: {  	v1 =	vld [tilespmem:s20+$0x0];
	_ =	sdelay $0x1  }
0xd5: {  	s18 =	simm.s32 $0x18DA8  }
0xd6: {  	v2 =	vld [tilespmem:s18+$0x0];
	_ =	sdelay $0x3  }
0xd7: {  	v3 =	vld.idx.msk [tilespmem:v0+s5+$0x0], $0xffff  }
0xd8: {  	v4 =	vld.idx.msk [tilespmem:v1+s5+$0x0], $0xffff;
	_ =	sdelay $0x2  }
0xd9: {  	v2 =	vld.idx.msk [tilespmem:v2+s19+$0x0], $0xffff;
	_ =	sdelay $0x1  }
0xda: {  	v3 =	vshll.u32 v3, $0x10;
	v4 =	vand.u32 $0xFFFF0000, v4  }
0xdb: {  	v3 =	vadd.f32 v4, v3;
	_ =	sdelay $0x1  }
0xdc: {  	v2 =	vadd.f32 v3, v2;
	_ =	sdelay $0x1  }
0xdd: {  	v3 =	vmul.f32 $2.000000030e-01, v2  }
0xde: {  	vm0 =	vge.f32 v2, $0.0e+00  }
0xdf: {  	v2 =	vsel vm0, v2, v3  }
0xe0: {  	v2 =	vmul.f32 $1.442695020e+00, v2;
	_ =	sdelay $0x1  }
0xe1: {  	(erf) = vpow2.f32 v2;
	_ =	sdelay $0x1  }
0xe2: {  	p1 =	por $0x1, $0x1;
	s21 =	simm.s32 $0xFFFFFFB0  }
0xe3: {  	s24 =	simm.s32 $0x50;
	p0 =	por $0x0, $0x0;
	s18 =	simm.s32 $0x0  }
0xe4: {  	s24 =	simm.s32 @!p0 $0x0;
	s21 =	smov.u32 @p1 s18  }
0xe5: {  	s29 =	sadd.s32 s24, s21  }
0xe6: {  	[tilespmem:s29+$0x19028] =	vst v1  }
0xe7: {  	vm15 =	vlt.s32 v0, $0xC350;
	[tilespmem:s29+$0x193E8] =	vst v1  }
0xe8: {  	[tilespmem:s29+$0x19668] =	vst v0;
	v3 =	vadd.s32 $0xFFFF3CB0, v0;
	v2 =	vnsel vm15, $0xC378, v0  }
0xe9: {  	[tilespmem:s29+$0x190C8] =	vst v2;
	v2 =	vsel vm15, $0xC378, v3;
	v0 =	vpop (erf)  }
0xea: {  	[tilespmem:s29+$0x19488] =	vst v2;
	v1 =	vnsel vm15, $0x0, v0  }
0xeb: {  	[tilespmem:s29+$0x197A8] =	vst v0;
	v0 =	vsub.f32 v0, v1  }
0xec: {  	s21 =	simm.s32 $0x1;
	s24 =	simm.s32 $0x18DB8;
	[tilespmem:s29+$0x19168] =	vst v1  }
.LBB2_9:
0xed: {  	[tilespmem:s29+$0x19528] =	vst v0;
	s18 =	sadd.s32 $0x10, s18;
	s17 =	sadd.s32 $0x10, s17;
	s20 =	sadd.s32 $0x10, s20  }
0xee: {  	p0 =	sne.s32 s21, $0x9;
	s29 =	smov.u32 s21;
	s21 =	sadd.s32 $0x1, s21;
	v0 =	vld [tilespmem:s17+$0x0]  }
0xef: {  	v1 =	vld [tilespmem:s20+$0x0];
	_ =	sdelay $0x2  }
0xf0: {  	v2 =	vld [tilespmem:s24+$0x0]  }
0xf1: {  	v3 =	vadd.s32 $0xFFFF3CB0, v0;
	_ =	sdelay $0x2  }
0xf2: {  	v4 =	vld.idx.msk [tilespmem:v0+s5+$0x0], $0xffff  }
0xf3: {  	s30 =	simm.s32 $0x50;
	v5 =	vld.idx.msk [tilespmem:v1+s5+$0x0], $0xffff  }
0xf4: {  	p1 =	sgt.u32 s29, $0x4;
	p2 =	slt.u32 s29, $0x5;
	s29 =	sadd.s32 $0xFFFFFFB0, s18  }
0xf5: {  	s29 =	smov.u32 @p2 s18;
	s30 =	simm.s32 @!p1 $0x0  }
0xf6: {  	s29 =	sadd.s32 s30, s29;
	vm0 =	vlt.s32 v0, $0xC350;
	v2 =	vld.idx.msk [tilespmem:v2+s19+$0x0], $0xffff  }
0xf7: {  	v6 =	vnsel vm0, $0xC378, v0;
	v3 =	vsel vm0, $0xC378, v3;
	[tilespmem:s29+$0x19028] =	vst v1  }
0xf8: {  	[tilespmem:s29+$0x190C8] =	vst v6  }
0xf9: {  	v4 =	vshll.u32 v4, $0x10;
	v5 =	vand.u32 $0xFFFF0000, v5;
	[tilespmem:s29+$0x193E8] =	vst v1  }
0xfa: {  	v1 =	vadd.f32 v5, v4;
	[tilespmem:s29+$0x19488] =	vst v3  }
0xfb: {  	[tilespmem:s29+$0x19668] =	vst v0  }
0xfc: {  	v0 =	vadd.f32 v1, v2;
	_ =	sdelay $0x1  }
0xfd: {  	v1 =	vmul.f32 $2.000000030e-01, v0  }
0xfe: {  	vm1 =	vge.f32 v0, $0.0e+00  }
0xff: {  	v0 =	vsel vm1, v0, v1  }
0x100: {  	v0 =	vmul.f32 $1.442695020e+00, v0;
	_ =	sdelay $0x1  }
0x101: {  	(erf) = vpow2.f32 v0;
	_ =	sdelay $0x7  }
.Ltmp7:
0x102: {  	(pc) =	sbr.rel @p0 .LBB2_9-.Ltmp7, $4  }
0x103: {  	v0 =	vpop (erf)  }
0x104: {  	v1 =	vnsel vm0, $0x0, v0;
	[tilespmem:s29+$0x197A8] =	vst v0  }
0x105: {  	v0 =	vsub.f32 v0, v1;
	[tilespmem:s29+$0x19168] =	vst v1  }
0x106: {  	s24 =	sadd.s32 $0x10, s24  }
0x107: {  	s17 =	sshll.u32 s15, $0x5  }
0x108: {  	s17 =	sor.u32 s10, s17  }
0x109: {  	s17 =	smul.u32 $0x3C, s17;
	_ =	sdelay $0x1  }
0x10a: {  	[tilespmem:s29+$0x19528] =	vst v0;
	s15 =	sadd.s32 $0x1, s15;
	s18 =	sadd.s32 s9, s17  }
0x10b: {  	[hbm4b:s18+s5] =	stream.linear.scatter [tilespmem:s23], [sflag:$0x4], $0x1E0, $0x38;
	[tilespmem:$0x1B0B8] =	vst v63  }
0x10c: {  	p0 =	sge.u32 s15, s12;
	s17 =	sadd.s32 s17, s16  }
0x10d: {  	[hbm4b:s17+s5] =	stream.linear.scatter [tilespmem:s25], [sflag:$0x4], $0x1E0, $0x38;
	[tilespmem:$0x1B0B8] =	vst v63  }
0x10e: {  	s17 =	sshll.u32 @!p0 s15, $0x5  }
0x10f: {  	s17 =	sor.u32 @!p0 s10, s17  }
0x110: {  	[spmem:s4] =	stream.indirect.scatter.add.f32 [tilespmem:s11], [sflag:$0x6], $0x1, s8, s28, $0xb8;
	[tilespmem:$0x1B0B8] =	vst v63  }
0x111: {  	s17 =	smul.u32 @!p0 $0x14, s17  }
0x112: {  	[spmem:s4] =	stream.indirect.scatter.add.f32 [tilespmem:s14], [sflag:$0x6], $0x1, s13, s28, $0xb8;
	[tilespmem:$0x1B0B8] =	vst v63  }
0x113: {  	s20 =	simm.s32 @!p0 $0x0;
	s21 =	simm.s32 @!p0 $0x18A88;
	s18 =	sadd.s32 @!p0 s6, s17  }
0x114: {  	[tilespmem:s21], [sflag:$0x1] =	stream.linear.gather @!p0 [hbm4b:s18+s20], $0xA0, $0x38;
	[tilespmem:$0x1B0B8] =	vst v63  }
.Ltmp8:
0x115: {  	_ = 	snop;
	(pc) =	sbr.rel .LBB2_11-.Ltmp8, $4  }
0x116: {  	s18 =	sadd.s32 @!p0 s7, s17;
	s21 =	simm.s32 @!p0 $0x18BC8  }
0x117: {  	[tilespmem:s21], [sflag:$0x1] =	stream.linear.gather @!p0 [hbm4b:s18+s20], $0xA0, $0x38;
	[tilespmem:$0x1B0B8] =	vst v63  }
0x118: {  	s17 =	sadd.s32 @!p0 s1, s17;
	s18 =	simm.s32 @!p0 $0x18D08  }
0x119: {  	[tilespmem:s18], [sflag:$0x1] =	stream.linear.gather @!p0 [hbm4b:s17+s20], $0xA0, $0x38;
	[tilespmem:$0x1B0B8] =	vst v63  }
.LBB2_13:
0x11a: {  	_ =	sfence.sel $0x180000  }
0x11b: {  	[bflag:$0x0] =	sbarrier.arrive $0xFFFF  }
0x11c: {  	_ =	strace $0x9000004A  }
0x11d: {  	s0 =	stileid.u32;
	[bflag:$0x2] =	sbarrier.arrive $0xFFFF  }
0x11e: {  	p0 =	sne.s32 s0, $0x0;
	s0 =	rddreg [dreg:$0x4]  }
0x11f: {  	s0 =	sadd.s32 @!p0 $0x100000, s0  }
0x120: {  	[sflag:s0] =	ssyncadd.tile.s32 @!p0 $0x1;
	_ =	shalt  }
.Lfunc_end2:
_tile_overlayer_lowered:
.L_overlay_start_2:
0x121: {  	(tag) =	ssettag $0x2  }
0x122: {  	s0 =	rddreg [dreg:$0x0];
	s2 =	stileid.u32  }
0x123: {  	s1 =	rddreg [dreg:$0x1];
	p0 =	sne.s32 s2, $0x0  }
0x124: {  	s3 =	rddreg [dreg:$0x2];
	[bflag:$0x3] =	sbarrier.arrive $0xFFFF;
	s2 =	simm.s32 @!p0 $0x1C07  }
0x125: {  	[timem:s3], [sflag:s2] =	dma.local @!p0 [hbm:s0], s1  }
0x126: {  	s0 =	simm.s32 @!p0 $0x7  }
0x127: {  	_ =	swait.ge @!p0 [sflag:s0], s1  }
0x128: {  	s1 =	ssub.s32 @!p0 $0x0, s1;
	[sflag:s0] =	ssyncset.done @!p0 $0x0  }
0x129: {  	[sflag:s0] =	ssyncadd.s32 @!p0 s1  }
0x12a: {  	[bflag:$0x3] =	sbarrier.arrive $0xFFFF  }
0x12b: {  	_ =	shalt  }

// kernel: kernel.19.cloned.1.call-start
scs
__scs_entry_jumppad:
0x0: {  	(pc) =	sbr.rel $0x88, $3  }
0x1: {  	(tag) =	ssettag $0x0;
	lr =	simm.s32 $0x1  }
0x2: {  	[smem:$0x3F95] =	sst lr;
	_ =	strace $0xD0000000  }
0x3: {  	_ = 	snop  }
0x4: {  	_ = 	snop  }
0x5: {  	_ = 	snop  }
0x6: {  	_ = 	snop  }
0x7: {  	_ = 	snop  }
__scs_overlays_trampoline_lowered:
0x8: {  	[smem:$0x3FA4] =	sst s0  }
0x9: {  	[smem:$0x3FA5] =	sst s1  }
0xa: {  	[smem:$0x3FA6] =	sst s2  }
0xb: {  	[smem:$0x3FA7] =	sst s3  }
0xc: {  	[smem:$0x3FA8] =	sst s4  }
0xd: {  	[smem:$0x3FA9] =	sst s5  }
0xe: {  	[smem:$0x3FAA] =	sst s6  }
0xf: {  	[smem:$0x3FAB] =	sst s7  }
0x10: {  	[smem:$0x3FAC] =	sst s8  }
0x11: {  	[smem:$0x3FAD] =	sst s9;
	s0 =	simm.s32 @!p0 $0x0  }
0x12: {  	s1 =	sld [smem:$0x3F93];
	s0 =	simm.s32 @p0 $0x1  }
0x13: {  	[smem:$0x3FAE] =	sst s0;
	s0 =	simm.s32 @!p1 $0x0  }
0x14: {  	s2 =	sld [smem:$0x3F92];
	s0 =	simm.s32 @p1 $0x1  }
0x15: {  	[smem:$0x3FAF] =	sst s0;
	s0 =	simm.s32 @!p2 $0x0  }
0x16: {  	s3 =	sld [smem:$0x3FDB];
	s0 =	simm.s32 @p2 $0x1  }
0x17: {  	s4 =	simm.s32 $0x1BF5;
	[smem:$0x3FB1] =	sst s0  }
0x18: {  	s0 =	sld [smem:$0x3F94];
	_ =	swait.ge [sflag:s4], $0x0  }
0x19: {  	s7 =	sld [smem:$0x3F95]  }
0x1a: {  	s8 =	sadd.s32 $0xFFFFE003, lr  }
0x1b: {  	s9 =	sadd.s32 $0xFFFFFEF7, lr;
	s5 =	simm.s32 $0xFFFFFFFF;
	p2 =	slt.u32 s8, $0xFFFFF086  }
0x1c: {  	p1 =	slt.u32 s9, $0xF7A;
	s5 =	simm.s32 @!p2 $0x0  }
0x1d: {  	s5 =	simm.s32 @p1 $0x1;
	p0 =	seq.s32 s7, s2  }
0x1e: {  	s7 =	smul.u32 @!p0 $0xF7A, s2;
	p2 =	seq.s32 @!p0 s5, $0x0  }
0x1f: {  	s9 =	smul.u32 $0xF7A, s1;
	s8 =	simm.s32 @!p0 $0x1BF5;
	p2 =	por !p2, p0  }
0x20: {  	[sflag:s8] =	ssyncset.s32 @!p0 $0xFFFFF086;
	s6 =	sadd.s32 @!p0 s3, s7;
	s7 =	simm.s32 @!p0 $0x108  }
0x21: {  	s3 =	sadd.s32 s3, s9;
	s6 =	sadd.s32 @!p0 $0x88, s6;
	s7 =	simm.s32 @p2 $0x1082  }
0x22: {  	[simem:s7], [sflag:s8] =	dma.local @!p0 [hbm:s6], $0xF7A  }
0x23: {  	s9 =	sor.u32 $0xD0000000, s2;
	s6 =	simm.s32 $0x108;
	_ =	swait.ge @!p0 [sflag:s8], $0x0  }
0x24: {  	s3 =	sadd.s32 $0x88, s3;
	s6 =	simm.s32 @!p1 $0x1082;
	[sflag:s4] =	ssyncset.s32 $0xFFFFF086  }
0x25: {  	[simem:s6], [sflag:s4] =	dma.local [hbm:s3], $0xF7A  }
0x26: {  	[smem:$0x3F95] =	sst s1;
	(tag) =	ssettag s2;
	_ =	strace s9  }
0x27: {  	s1 =	sld [smem:$0x3FA5]  }
0x28: {  	s2 =	sld [smem:$0x3FA6]  }
0x29: {  	s4 =	sld [smem:$0x3FA8]  }
0x2a: {  	p0 =	seq.s32 s5, $0x0;
	s5 =	sld [smem:$0x3FA9]  }
0x2b: {  	s6 =	sld [smem:$0x3FAA]  }
0x2c: {  	s7 =	sld [smem:$0x3FAB]  }
0x2d: {  	s3 =	simm.s32 $0x108;
	s8 =	sld [smem:$0x3FAC]  }
0x2e: {  	s3 =	simm.s32 @!p0 $0x1082;
	s9 =	sld [smem:$0x3FAD]  }
0x2f: {  	lr =	sadd.s32 s0, s3;
	s0 =	sld [smem:$0x3FA4]  }
0x30: {  	s3 =	sld [smem:$0x3FA7]  }
0x31: {  	[smem:$0x3FB0] =	sst s10  }
0x32: {  	s10 =	sld [smem:$0x3FAE];
	_ =	sdelay $0x3  }
0x33: {  	p0 =	seq.s32 s10, $0x1;
	s10 =	sld [smem:$0x3FB0];
	_ =	sdelay $0x3  }
0x34: {  	[smem:$0x3FB0] =	sst s10  }
0x35: {  	s10 =	sld [smem:$0x3FAF];
	_ =	sdelay $0x3  }
0x36: {  	p1 =	seq.s32 s10, $0x1;
	s10 =	sld [smem:$0x3FB0];
	_ =	sdelay $0x3  }
0x37: {  	[smem:$0x3FB0] =	sst s10  }
0x38: {  	s10 =	sld [smem:$0x3FB1]  }
0x39: {  	_ = 	snop;
	(pc) =	sbr.ind lr, $3  }
0x3a: {  	_ = 	snop  }
0x3b: {  	_ = 	snop  }
0x3c: {  	p2 =	seq.s32 s10, $0x1;
	s10 =	sld [smem:$0x3FB0]  }
0x3d: {  	_ =	shalt  }
0x3e: {  	_ =	shalt  }
0x3f: {  	_ =	shalt  }
0x40: {  	_ =	shalt  }
0x41: {  	_ =	shalt  }
0x42: {  	_ =	shalt  }
0x43: {  	_ =	shalt  }
0x44: {  	_ =	shalt  }
0x45: {  	_ =	shalt  }
0x46: {  	_ =	shalt  }
0x47: {  	_ =	shalt  }
0x48: {  	_ =	shalt  }
0x49: {  	_ =	shalt  }
0x4a: {  	_ =	shalt  }
0x4b: {  	_ =	shalt  }
0x4c: {  	_ =	shalt  }
0x4d: {  	_ =	shalt  }
0x4e: {  	_ =	shalt  }
0x4f: {  	_ =	shalt  }
0x50: {  	_ =	shalt  }
0x51: {  	_ =	shalt  }
0x52: {  	_ =	shalt  }
0x53: {  	_ =	shalt  }
0x54: {  	_ =	shalt  }
0x55: {  	_ =	shalt  }
0x56: {  	_ =	shalt  }
0x57: {  	_ =	shalt  }
0x58: {  	_ =	shalt  }
0x59: {  	_ =	shalt  }
0x5a: {  	_ =	shalt  }
0x5b: {  	_ =	shalt  }
0x5c: {  	_ =	shalt  }
0x5d: {  	_ =	shalt  }
0x5e: {  	_ =	shalt  }
0x5f: {  	_ =	shalt  }
0x60: {  	_ =	shalt  }
0x61: {  	_ =	shalt  }
0x62: {  	_ =	shalt  }
0x63: {  	_ =	shalt  }
0x64: {  	_ =	shalt  }
0x65: {  	_ =	shalt  }
0x66: {  	_ =	shalt  }
0x67: {  	_ =	shalt  }
0x68: {  	_ =	shalt  }
0x69: {  	_ =	shalt  }
0x6a: {  	_ =	shalt  }
0x6b: {  	_ =	shalt  }
0x6c: {  	_ =	shalt  }
0x6d: {  	_ =	shalt  }
0x6e: {  	_ =	shalt  }
0x6f: {  	_ =	shalt  }
0x70: {  	_ =	shalt  }
0x71: {  	_ =	shalt  }
0x72: {  	_ =	shalt  }
0x73: {  	_ =	shalt  }
0x74: {  	_ =	shalt  }
0x75: {  	_ =	shalt  }
0x76: {  	_ =	shalt  }
0x77: {  	_ =	shalt  }
0x78: {  	_ =	shalt  }
0x79: {  	_ =	shalt  }
0x7a: {  	_ =	shalt  }
0x7b: {  	_ =	shalt  }
0x7c: {  	_ =	shalt  }
0x7d: {  	_ =	shalt  }
0x7e: {  	_ =	shalt  }
0x7f: {  	_ =	shalt  }
0x80: {  	_ =	shalt  }
0x81: {  	_ =	shalt  }
0x82: {  	_ =	shalt  }
0x83: {  	_ =	shalt  }
0x84: {  	_ =	shalt  }
0x85: {  	_ =	shalt  }
0x86: {  	_ =	shalt  }
0x87: {  	_ =	shalt  }
.Lfunc_end0:
.L_simem_size_0:
called_computation.4_lowered:
.L_overlay_start_0:
0x88: {  	s2 =	sld [smem:$0x3FD9]  }
0x89: {  	s3 =	sld [smem:$0x3FFE];
	_ =	sdelay $0x1  }
0x8a: {  	s1 =	srdreg.scid  }
0x8b: {  	s0 =	sand.u32 $0x1, s1  }
0x8c: {  	s15 =	sshll.u32 s0, $0xA;
	s2 =	sadd.s32 s3, s2  }
0x8d: {  	s2 =	sadd.s32 s2, s15  }
0x8e: {  	[smem:$0x3FBC] =	sst s2  }
0x8f: {  	_ = 	snop  }
0x90: {  	s2 =	sld [smem:$0x3FD0];
	_ =	sdelay $0x2  }
0x91: {  	s16 =	simm.s32 $0xB;
	s4 =	simm.s32 $0x10  }
0x92: {  	[smem:s4], [sflag:s16] =	dma.local [hbm:s2], $0x1  }
0x93: {  	_ =	swait.eq [sflag:s16], $0x1  }
0x94: {  	[sflag:s16] =	ssyncset.done $0x0  }
0x95: {  	[sflag:s16] =	ssyncadd.s32 $0xFFFFFFFF  }
0x96: {  	s17 =	sld [smem:$0x10];
	(tm) =	ssettm $0x1  }
0x97: {  	s18 =	sld [smem:$0x3FFB];
	_ =	sdelay $0x3  }
0x98: {  	_ =	strace s18  }
0x99: {  	s2 =	sld [smem:$0x3FFC];
	_ =	sdelay $0x3  }
0x9a: {  	_ =	strace s2  }
0x9b: {  	s2 =	sld [smem:$0x3FFD];
	_ =	sdelay $0x3  }
0x9c: {  	_ =	strace s2  }
0x9d: {  	_ =	strace $0x8FFFFFFF  }
0x9e: {  	s19 =	sld [smem:$0x3FDB];
	_ =	sdelay $0x1  }
0x9f: {  	s20 =	simm.s32 $_scs_section_size  }
0xa0: {  	s5 =	simm.s32 $_size__tile_overlayer_lowered;
	s6 =	simm.s32 $_tile_overlayer_lowered  }
0xa1: {  	s7 =	simm.s32 $0x1BFF;
	s21 =	sshll.u32 s6, $0x1;
	s4 =	sadd.s32 s20, s19  }
0xa2: {  	s22 =	simm.s32 $0x0;
	s5 =	sshll.u32 s5, $0x1;
	s6 =	sadd.s32 s21, s4  }
0xa3: {  	[timem:s22], [sflag:s7] =	dma.local [hbm:s6], s5  }
0xa4: {  	_ =	swait.ge [sflag:s7], s5  }
0xa5: {  	s5 =	ssub.s32 $0x0, s5;
	[sflag:s7] =	ssyncset.done $0x0  }
0xa6: {  	[sflag:s7] =	ssyncadd.s32 s5;
	_ =	sdelay $0x1  }
0xa7: {  	s23 =	simm.s32 $0x1B8B  }
0xa8: {  	_ =	swait.ge [sflag:s23], $0x1  }
0xa9: {  	[sflag:s23] =	ssyncset.done $0x0  }
0xaa: {  	[sflag:s23] =	ssyncadd.s32 $0xFFFFFFFF  }
0xab: {  	s5 =	sld [smem:$0x0]  }
0xac: {  	s6 =	sand.u32 $0xFFFFFFFE, s1  }
0xad: {  	p0 =	sne.s32 s1, s6  }
0xae: {  	s6 =	sshll.u32 @p0 s6, $0xE  }
0xaf: {  	s6 =	sadd.s32 @p0 $0x11B8D, s6;
	s7 =	sshll.u32 @p0 s5, $0x11  }
0xb0: {  	s6 =	sor.u32 @p0 s7, s6  }
0xb1: {  	[sflag:s6] =	ssyncadd.remote.s32 @p0 $0x1;
	_ =	sdelay $0x1  }
0xb2: {  	s6 =	simm.s32 @p0 $0x1B8D  }
0xb3: {  	_ =	swait.eq @p0 [sflag:s6], $0x1  }
0xb4: {  	[sflag:s6] =	ssyncadd.s32 @p0 $0xFFFFFFFF  }
0xb5: {  	s7 =	sshll.u32 @!p0 s1, $0xE  }
0xb6: {  	s7 =	sor.u32 @!p0 $0x4000, s7;
	s6 =	simm.s32 @!p0 $0x1B8D  }
0xb7: {  	s5 =	sshll.u32 @!p0 s5, $0x11;
	s7 =	sadd.s32 @!p0 $0x11B8D, s7;
	_ =	swait.eq @!p0 [sflag:s6], $0x1  }
0xb8: {  	s5 =	sor.u32 @!p0 s5, s7;
	[sflag:s6] =	ssyncadd.s32 @!p0 $0xFFFFFFFF  }
0xb9: {  	s25 =	simm.s32 $0x1B8E;
	s24 =	sld [smem:$0x3FFE];
	[sflag:s5] =	ssyncadd.remote.s32 @!p0 $0x1  }
0xba: {  	s26 =	simm.s32 $execute0_lowered;
	[smem:$0x3FD2] =	sst s25  }
0xbb: {  	s6 =	sshll.u32 s26, $0x1;
	_ =	strace $0x8000004F;
	[dreg:$0x1] =	wrdreg $0xFFFFFFFF  }
0xbc: {  	s28 =	simm.s32 $_size_execute0_lowered;
	s4 =	sadd.s32 s4, s6;
	[dreg:$0x0] =	wrdreg $0x0  }
0xbd: {  	s6 =	sshll.u32 s28, $0x1;
	[dreg:$0x2] =	wrdreg s4  }
0xbe: {  	[dreg:$0x3] =	wrdreg s6  }
0xbf: {  	[dreg:$0x4] =	wrdreg $0xC0  }
0xc0: {  	_ =	task [dreg:s22], $0x5FFFF  }
0xc1: {  	[dreg:$0x1] =	wrdreg $0xFFFFFFFF  }
0xc2: {  	[dreg:$0x0] =	wrdreg $0x60  }
0xc3: {  	[dreg:$0x2] =	wrdreg s24  }
0xc4: {  	[dreg:$0x3] =	wrdreg s17  }
0xc5: {  	[dreg:$0x4] =	wrdreg $0x6D000  }
0xc6: {  	[dreg:$0x5] =	wrdreg $0xA  }
0xc7: {  	_ =	task.clear_ibuf [dreg:s22], $0x6FFFF;
	_ =	strace $0x9000004F  }
0xc8: {  	s29 =	simm.s32 $0xA;
	_ =	strace $0x80000051  }
0xc9: {  	_ =	swait.ge [sflag:s29], $0x1  }
0xca: {  	[sflag:s29] =	ssyncadd.s32 $0xFFFFFFFF  }
0xcb: {  	_ =	strace $0x90000051  }
0xcc: {  	_ =	sfence  }
0xcd: {  	s30 =	sld [smem:$0x0];
	_ =	sdelay $0x2  }
0xce: {  	s31 =	sshll.u32 s1, $0xD;
	s1 =	sshrl.u32 s1, $0x2  }
0xcf: {  	s4 =	sand.u32 $0x4000, s31;
	s1 =	sadd.s32 s1, s30  }
0xd0: {  	s0 =	sor.u32 s4, s0;
	s1 =	sshll.u32 s1, $0x11  }
0xd1: {  	s0 =	sor.u32 s1, s0  }
0xd2: {  	s0 =	sadd.s32 $0x8F2B, s0  }
0xd3: {  	[sflag:s0] =	ssyncadd.remote.s32 $0x1  }
0xd4: {  	_ =	sfence.sel $0xFFFF  }
0xd5: {  	[dreg:$0x0] =	wrdreg $0xFFFFFFFF;
	(pc) =	sbr.abs _section_cstart, $3  }
0xd6: {  	[dreg:$0x1] =	wrdreg $0xFFFFFFFF  }
0xd7: {  	_ =	task.clear_ibuf [dreg:s22], $0x2FFFF;
	_ =	strace $0x9FFFFFFF  }
0xd8: {  	(tm) =	ssettm $0x7FFFFFFF  }
0xd9: {  	_ =	shalt  }
tec
execute0_lowered:
.L_overlay_start_1:
0x0: {  	(tag) =	ssettag $0x1  }
0x1: {  	s0 =	rddreg [dreg:$0x0]  }
0x2: {  	s1 =	rddreg [dreg:$0x1];
	s15 =	stileid.u32  }
0x3: {  	s3 =	srdreg.scid;
	s4 =	smul.u32 $0xC38, s15  }
0x4: {  	s2 =	rddreg [dreg:$0x2];
	s8 =	smul.u32 $0x18700, s15  }
0x5: {  	s17 =	simm.s32 $0x1E0;
	s28 =	simm.s32 $0xFA0;
	s18 =	smul.u32 $0x493E0, s15  }
0x6: {  	s29 =	simm.s32 $0x2DA0;
	s31 =	simm.s32 $0x37A0;
	s20 =	smul.u32 $0x271, s15  }
0x7: {  	s16 =	simm.s32 $0x9;
	s6 =	sand.u32 $0x1, s3;
	s21 =	smul.u32 $0x927C, s15  }
0x8: {  	s3 =	simm.s32 $0x0;
	s19 =	sshll.u32 s15, $0x6;
	s5 =	smul.u32 $0x927C0, s6  }
0x9: {  	[smem:$0x7FF] =	sst s3;
	s7 =	smul.u32 $0xC350, s6;
	s11 =	ssub.s32 $0x2, s6  }
0xa: {  	s6 =	smul.u32 $0x30E00, s6;
	_ =	strace $0x80000050;
	s10 =	sshrl.u32 s8, $0x3  }
0xb: {  	s13 =	sshrl.u32 s11, $0x1;
	s14 =	sadd.s32 s8, s2;
	s22 =	sshrl.u32 s18, $0x3  }
0xc: {  	s9 =	sadd.s32 s5, s0;
	s5 =	sadd.s32 $0x3C00, s0;
	s7 =	sadd.s32 s4, s7  }
0xd: {  	s10 =	sadd.s32 s10, s0;
	s13 =	ssub.s32 s11, s13;
	s15 =	sadd.s32 $0x3C, s22  }
0xe: {  	s11 =	sadd.s32 s1, s6;
	s25 =	sshrl.u32 s14, $0x3;
	s14 =	simm.s32 $0xA  }
0xf: {  	s22 =	simm.s32 $0x4;
	s1 =	simm.s32 $0x4380;
	s6 =	simm.s32 $0x5C00  }
0x10: {  	s7 =	sshrl.u32 s7, $0x3;
	s10 =	sadd.s32 $0x65800, s10;
	s8 =	sadd.s32 $0x251200, s9  }
0x11: {  	s9 =	sadd.s32 $0x2, s20;
	s24 =	smax.u32 s13, $0x1;
	[dreg:$0x8] =	wrdreg s25  }
0x12: {  	s25 =	simm.s32 $0x1;
	s13 =	simm.s32 $0x0;
	s12 =	sadd.s32 s7, s0  }
0x13: {  	[dreg:$0x4] =	wrdreg s10;
	s10 =	sor.u32 $0x1C0A, s19;
	s0 =	sadd.s32 $0x3792E0, s0  }
0x14: {  	[dreg:$0x7] =	wrdreg s24;
	s26 =	sadd.s32 s21, s8;
	s30 =	sadd.s32 s15, s8  }
0x15: {  	s19 =	simm.s32 $0x50;
	s21 =	simm.s32 $0x5A0;
	[dreg:$0x5] =	wrdreg s10  }
0x16: {  	s15 =	simm.s32 $0x23A0;
	s23 =	sadd.s32 $0x376200, s12;
	[dreg:$0x9] =	wrdreg s26  }
0x17: {  	[dreg:$0xa] =	wrdreg s30;
	s0 =	sadd.s32 s7, s0;
	s26 =	simm.s32 $0x3C0  }
0x18: {  	s7 =	simm.s32 $0x2;
	s12 =	simm.s32 $0x19A0;
	[dreg:$0x6] =	wrdreg s23  }
0x19: {  	s23 =	simm.s32 $0x3;
	[dreg:$0xb] =	wrdreg s0;
	s0 =	simm.s32 $0x8  }
.LBB2_1:
0x1a: {  	[dreg:$0xc] =	wrdreg s13  }
0x1b: {  	s10 =	rddreg [dreg:$0x4]  }
0x1c: {  	s24 =	rddreg [dreg:$0x5]  }
0x1d: {  	s18 =	rddreg [dreg:$0x8]  }
0x1e: {  	[spmem:s18], [sflag:s24] =	dma.local [hbm:s10], $0x30E0  }
0x1f: {  	_ =	swait.ge [sflag:s14], $0x30E0  }
0x20: {  	[sflag:s14] =	ssyncset.done $0x0  }
0x21: {  	[sflag:s14] =	ssyncadd.s32 $0xFFFFCF20  }
0x22: {  	[bflag:$0x0] =	sbarrier.arrive $0xFFFF  }
0x23: {  	s18 =	rddreg [dreg:$0x9]  }
0x24: {  	[tilespmem:s3], [sflag:$0x7] =	stream.linear.gather [hbm4b:s18+s3], $0x1E0, $0x38;
	[tilespmem:$0x1F400] =	vst v63  }
0x25: {  	s24 =	simm.s32 $0x7;
	s20 =	rddreg [dreg:$0xa]  }
0x26: {  	[tilespmem:s17], [sflag:$0x8] =	stream.linear.gather [hbm4b:s20+s3], $0x1E0, $0x38;
	[tilespmem:$0x1F400] =	vst v63  }
0x27: {  	_ =	swait.ge [sflag:s24], $0x1E0  }
.Ltmp0:
0x28: {  	[sflag:s24] =	ssyncset.done $0x0;
	(pc) =	sbr.rel .LBB2_2-.Ltmp0, $4  }
0x29: {  	[sflag:s24] =	ssyncadd.s32 $0xFFFFFE20  }
0x2a: {  	[tilespmem:s21], [sflag:$0x1] =	stream.indirect.gather [hbm4b:s5+s19], $0x20, s3, s19, $0xb8;
	[tilespmem:$0x1F400] =	vst v63  }
0x2b: {  	s30 =	simm.s32 $0x0  }
0x2c: {  	[tilespmem:s28], [sflag:$0x1] =	stream.indirect.gather [hbm4b:s5+s19], $0x20, s19, s19, $0xb8;
	[tilespmem:$0x1F400] =	vst v63  }
.LBB2_13:
0x2d: {  	s30 =	sadd.s32 $0x1, s30  }
0x2e: {  	p0 =	sne.s32 s30, $0x271  }
.Ltmp1:
0x2f: {  	_ = 	snop;
	(pc) =	sbr.rel @!p0 .LBB2_14-.Ltmp1, $1  }
0x30: {  	_ =	sdelay $0x3  }
.LBB2_2:
0x31: {  	s10 =	smul.u32 $0xAAAB, s30;
	_ =	sdelay $0x1  }
0x32: {  	s10 =	sshrl.u32 s10, $0x11  }
0x33: {  	s10 =	smul.u32 $0x3, s10;
	_ =	sdelay $0x1  }
0x34: {  	s10 =	ssub.s32 s30, s10  }
0x35: {  	s10 =	sand.u32 $0xFFFF, s10  }
0x36: {  	p0 =	seq.s32 s10, $0x2  }
.Ltmp2:
0x37: {  	_ = 	snop;
	(pc) =	sbr.rel @p0 .LBB2_10-.Ltmp2, $1  }
0x38: {  	_ =	sdelay $0x3  }
0x39: {  	p1 =	seq.s32 s10, $0x1  }
.Ltmp3:
0x3a: {  	_ = 	snop;
	(pc) =	sbr.rel @!p1 .LBB2_4-.Ltmp3, $2  }
0x3b: {  	_ =	sdelay $0x2  }
0x3c: {  	p0 =	slt.u32 s30, $0x2  }
0x3d: {  	s10 =	simm.s32 @!p0 $0x6  }
0x3e: {  	_ =	swait.ge @!p0 [sflag:s10], $0xA00  }
0x3f: {  	[sflag:s10] =	ssyncset.done @!p0 $0x0  }
0x40: {  	[sflag:s10] =	ssyncadd.s32 @!p0 $0xFFFFF600  }
0x41: {  	_ =	swait.ge @!p0 [sflag:s10], $0xA00  }
0x42: {  	p1 =	seq.s32 @!p0 s30, $0x270;
	[sflag:s10] =	ssyncset.done @!p0 $0x0  }
0x43: {  	p1 =	por p0, !p1;
	[sflag:s10] =	ssyncadd.s32 @!p0 $0xFFFFF600  }
0x44: {  	_ =	swait.ge @p1 [sflag:s16], $0x1E0  }
0x45: {  	[sflag:s16] =	ssyncset.done @p1 $0x0  }
0x46: {  	[sflag:s16] =	ssyncadd.s32 @p1 $0xFFFFFE20  }
0x47: {  	[tilespmem:s29], [sflag:$0x3] =	stream.indirect.gather @p1 [hbm4b:s5+s19], $0x20, s26, s19, $0xb8;
	[tilespmem:$0x1F400] =	vst v63  }
0x48: {  	s10 =	simm.s32 @p1 $0x410  }
0x49: {  	[tilespmem:s31], [sflag:$0x3] =	stream.indirect.gather @p1 [hbm4b:s5+s19], $0x20, s10, s19, $0xb8;
	[tilespmem:$0x1F400] =	vst v63  }
0x4a: {  	_ =	swait.ge [sflag:s7], $0xA00  }
0x4b: {  	[sflag:s7] =	ssyncset.done $0x0  }
0x4c: {  	[sflag:s7] =	ssyncadd.s32 $0xFFFFF600  }
0x4d: {  	_ =	swait.ge [sflag:s7], $0xA00  }
0x4e: {  	[sflag:s7] =	ssyncset.done $0x0  }
0x4f: {  	[sflag:s7] =	ssyncadd.s32 $0xFFFFF600  }
0x50: {  	v0 =	vld [tilespmem:$0x280]  }
0x51: {  	v1 =	vld [tilespmem:$0x290]  }
0x52: {  	v2 =	vld [tilespmem:$0x2A0]  }
0x53: {  	p0 =	por $0x0, $0x0;
	s10 =	simm.s32 $0x1;
	v3 =	vld [tilespmem:$0x2B0]  }
0x54: {  	s10 =	simm.s32 @!p0 $0x0;
	v4 =	vld [tilespmem:$0x2C0]  }
0x55: {  	v5 =	vmov s10;
	v61 =	vld [tilespmem:$0x310];
	[tilespmem:$0x4240] =	vst v0  }
0x56: {  	s10 =	simm.s32 $0xFFFFFFB0;
	v5 =	vmul.u32 $0x50, v5;
	v0 =	vld [tilespmem:$0x2D0];
	[tilespmem:$0x4250] =	vst v1  }
0x57: {  	s10 =	simm.s32 @!p0 $0x0;
	v1 =	vld [tilespmem:$0x2E0];
	[tilespmem:$0x4260] =	vst v2  }
0x58: {  	s10 =	sadd.s32 $0x0, s10;
	v5 =	vadd.s32 $0x140, v5;
	v2 =	vld [tilespmem:$0x2F0];
	[tilespmem:$0x4270] =	vst v3  }
0x59: {  	v6 =	vmov s10;
	v5 =	vbroadcast v5, $0x0;
	v3 =	vld [tilespmem:$0x300];
	[tilespmem:$0x4280] =	vst v4  }
0x5a: {  	v7 =	vand.u32 $0xFFFFFFF8, v6;
	[tilespmem:$0x42D0] =	vst v61  }
0x5b: {  	v62 =	vand.u32 $0x7, v6;
	[tilespmem:$0x4290] =	vst v0;
	v0 =	vadd.s32 v7, v5  }
0x5c: {  	[tilespmem:$0x42A0] =	vst v1;
	v0 =	vor.u32 v62, v0  }
0x5d: {  	s13 =	simm.s32 $0x1;
	p0 =	por $0x0, $0x0;
	[tilespmem:$0x42B0] =	vst v2  }
0x5e: {  	s13 =	simm.s32 @!p0 $0x0;
	s10 =	simm.s32 $0x19B0;
	[tilespmem:$0x42C0] =	vst v3  }
0x5f: {  	v1 =	vmov s13;
	v2 =	vld [tilespmem:s10+$0xFFFFFFF0]  }
0x60: {  	s13 =	simm.s32 $0xFFFFFFB0;
	v1 =	vmul.u32 $0x50, v1;
	v4 =	vld [tilespmem:s10+$0x0]  }
0x61: {  	s13 =	simm.s32 @!p0 $0x0;
	v3 =	vld.idx.msk [tilespmem:v0+s17+$0x0], $0xffff  }
0x62: {  	s13 =	sadd.s32 $0x1, s13;
	v0 =	vadd.s32 $0x140, v1  }
0x63: {  	v1 =	vmov s13;
	v0 =	vbroadcast v0, $0x0  }
0x64: {  	v63 =	vand.u32 $0xFFFFFFF8, v1  }
0x65: {  	s24 =	simm.s32 $0x3;
	v1 =	vand.u32 $0x7, v1;
	v0 =	vadd.s32 v63, v0  }
0x66: {  	s18 =	simm.s32 $0x19B0;
	p0 =	por $0x0, $0x0;
	s13 =	simm.s32 $0x2;
	v0 =	vor.u32 v1, v0;
	v2 =	vmul.f32 v3, v2;
	v1 =	vmul.f32 v3, v4  }
.LBB2_8:
0x67: {  	s20 =	simm.s32 $0x1  }
0x68: {  	p1 =	sne.s32 s24, $0x9F;
	s20 =	simm.s32 @!p0 $0x0  }
0x69: {  	s18 =	sadd.s32 $0x20, s18;
	v3 =	vmov s20;
	[tilespmem:s10+$0xFFFFFFF0] =	vst v2  }
0x6a: {  	s20 =	simm.s32 $0xFFFFFFB0;
	v2 =	vmul.u32 $0x50, v3;
	v3 =	vld [tilespmem:s18+$0xFFFFFFF0];
	[tilespmem:s10+$0x0] =	vst v1;
	s10 =	smov.u32 s18  }
0x6b: {  	s20 =	simm.s32 @!p0 $0x0;
	v1 =	vld.idx.msk [tilespmem:v0+s17+$0x0], $0xffff  }
0x6c: {  	s20 =	sadd.s32 s13, s20;
	s13 =	smov.u32 s24;
	v0 =	vadd.s32 $0x140, v2;
	v4 =	vld [tilespmem:s18+$0x0]  }
.Ltmp4:
0x6d: {  	v2 =	vmov s20;
	v0 =	vbroadcast v0, $0x0;
	(pc) =	sbr.rel @p1 .LBB2_8-.Ltmp4, $4  }
0x6e: {  	v5 =	vand.u32 $0xFFFFFFF8, v2  }
0x6f: {  	v2 =	vand.u32 $0x7, v2;
	v0 =	vadd.s32 v5, v0  }
0x70: {  	v0 =	vor.u32 v2, v0  }
0x71: {  	s24 =	sadd.s32 $0x1, s24;
	p0 =	sgt.u32 s13, $0x4F;
	v2 =	vmul.f32 v1, v3;
	v1 =	vmul.f32 v1, v4  }
0x72: {  	s20 =	simm.s32 $0x1  }
0x73: {  	s20 =	simm.s32 @!p0 $0x0  }
0x74: {  	s18 =	sadd.s32 $0x20, s18;
	[tilespmem:s10+$0xFFFFFFF0] =	vst v2;
	v59 =	vmov s20  }
0x75: {  	v3 =	vld [tilespmem:s18+$0xFFFFFFF0];
	[tilespmem:s10+$0x0] =	vst v1;
	s10 =	simm.s32 $0xFFFFFFB0;
	v2 =	vmul.u32 $0x50, v59  }
0x76: {  	s10 =	simm.s32 @!p0 $0x0  }
0x77: {  	v0 =	vld.idx.msk [tilespmem:v0+s17+$0x0], $0xffff;
	s10 =	sadd.s32 s13, s10;
	v60 =	vadd.s32 $0x140, v2  }
0x78: {  	v61 =	vld [tilespmem:s18+$0x0];
	v4 =	vmov s10;
	v1 =	vbroadcast v60, $0x0  }
0x79: {  	v5 =	vand.u32 $0xFFFFFFF8, v4  }
0x7a: {  	v4 =	vand.u32 $0x7, v4;
	v1 =	vadd.s32 v5, v1  }
0x7b: {  	v1 =	vor.u32 v4, v1  }
0x7c: {  	v3 =	vmul.f32 v0, v3  }
0x7d: {  	v0 =	vmul.f32 v0, v61  }
0x7e: {  	s13 =	sadd.s32 $0x20, s18;
	[tilespmem:s18+$0xFFFFFFF0] =	vst v3  }
0x7f: {  	v62 =	vld [tilespmem:s13+$0xFFFFFFF0];
	[tilespmem:s18+$0x0] =	vst v0  }
0x80: {  	v0 =	vld.idx.msk [tilespmem:v1+s17+$0x0], $0xffff  }
0x81: {  	v63 =	vld [tilespmem:s13+$0x0];
	_ =	sdelay $0x3  }
0x82: {  	v2 =	vmul.f32 v0, v62  }
0x83: {  	v0 =	vmul.f32 v0, v63  }
0x84: {  	[tilespmem:s13+$0xFFFFFFF0] =	vst v2  }
0x85: {  	s20 =	simm.s32 $0x4240;
	p0 =	sgt.u32 s30, $0x26E;
	[tilespmem:s13+$0x0] =	vst v0  }
0x86: {  	[spmem:s2] =	stream.indirect.scatter.add.f32 [tilespmem:s12], [sflag:$0x5], $0x20, s20, s19, $0xb8;
	[tilespmem:$0x1F400] =	vst v63  }
.Ltmp5:
0x87: {  	s10 =	sadd.s32 @!p0 s30, s9;
	(pc) =	sbr.rel .LBB2_13-.Ltmp5, $4  }
0x88: {  	s24 =	simm.s32 $0x4290;
	s10 =	smul.u32 @!p0 $0x3C, s10  }
0x89: {  	[spmem:s2] =	stream.indirect.scatter.add.f32 [tilespmem:s15], [sflag:$0x5], $0x20, s24, s19, $0xb8;
	[tilespmem:$0x1F400] =	vst v63  }
0x8a: {  	s10 =	sadd.s32 @!p0 s8, s10;
	s13 =	simm.s32 @!p0 $0x0  }
0x8b: {  	[tilespmem:s13], [sflag:$0x7] =	stream.linear.gather @!p0 [hbm4b:s10+s13], $0x1E0, $0x38;
	[tilespmem:$0x1F400] =	vst v63  }
.LBB2_10:
0x8c: {  	_ =	swait.ge [sflag:s22], $0xA00  }
0x8d: {  	[sflag:s22] =	ssyncset.done $0x0  }
0x8e: {  	[sflag:s22] =	ssyncadd.s32 $0xFFFFF600  }
0x8f: {  	_ =	swait.ge [sflag:s22], $0xA00  }
0x90: {  	p0 =	seq.s32 s30, $0x270;
	[sflag:s22] =	ssyncset.done $0x0  }
0x91: {  	s10 =	simm.s32 @!p0 $0x7;
	[sflag:s22] =	ssyncadd.s32 $0xFFFFF600  }
0x92: {  	_ =	swait.ge @!p0 [sflag:s10], $0x1E0  }
0x93: {  	s13 =	simm.s32 @!p0 $0x0;
	[sflag:s10] =	ssyncset.done @!p0 $0x0  }
0x94: {  	s18 =	simm.s32 @!p0 $0x5A0;
	[sflag:s10] =	ssyncadd.s32 @!p0 $0xFFFFFE20;
	s10 =	simm.s32 @!p0 $0x50  }
0x95: {  	[tilespmem:s18], [sflag:$0x1] =	stream.indirect.gather @!p0 [hbm4b:s5+s10], $0x20, s13, s10, $0xb8;
	[tilespmem:$0x1F400] =	vst v63  }
0x96: {  	s13 =	simm.s32 @!p0 $0xFA0  }
0x97: {  	[tilespmem:s13], [sflag:$0x1] =	stream.indirect.gather @!p0 [hbm4b:s5+s10], $0x20, s10, s10, $0xb8;
	[tilespmem:$0x1F400] =	vst v63  }
0x98: {  	_ =	swait.ge [sflag:s23], $0xA00  }
0x99: {  	[sflag:s23] =	ssyncset.done $0x0  }
0x9a: {  	[sflag:s23] =	ssyncadd.s32 $0xFFFFF600  }
0x9b: {  	_ =	swait.ge [sflag:s23], $0xA00  }
0x9c: {  	[sflag:s23] =	ssyncset.done $0x0  }
0x9d: {  	[sflag:s23] =	ssyncadd.s32 $0xFFFFF600  }
0x9e: {  	v0 =	vld [tilespmem:$0x460]  }
0x9f: {  	v1 =	vld [tilespmem:$0x470]  }
0xa0: {  	v2 =	vld [tilespmem:$0x480]  }
0xa1: {  	p0 =	por $0x0, $0x0;
	s10 =	simm.s32 $0x1;
	v3 =	vld [tilespmem:$0x490]  }
0xa2: {  	s10 =	simm.s32 @!p0 $0x0;
	v4 =	vld [tilespmem:$0x4A0]  }
0xa3: {  	v5 =	vmov s10;
	v61 =	vld [tilespmem:$0x4F0];
	[tilespmem:$0x42E0] =	vst v0  }
0xa4: {  	s10 =	simm.s32 $0xFFFFFFB0;
	v5 =	vmul.u32 $0x50, v5;
	v0 =	vld [tilespmem:$0x4B0];
	[tilespmem:$0x42F0] =	vst v1  }
0xa5: {  	s10 =	simm.s32 @!p0 $0x0;
	v1 =	vld [tilespmem:$0x4C0];
	[tilespmem:$0x4300] =	vst v2  }
0xa6: {  	s10 =	sadd.s32 $0x0, s10;
	v5 =	vadd.s32 $0x140, v5;
	v2 =	vld [tilespmem:$0x4D0];
	[tilespmem:$0x4310] =	vst v3  }
0xa7: {  	v6 =	vmov s10;
	v5 =	vbroadcast v5, $0x0;
	v3 =	vld [tilespmem:$0x4E0];
	[tilespmem:$0x4320] =	vst v4  }
0xa8: {  	v7 =	vand.u32 $0xFFFFFFF8, v6;
	[tilespmem:$0x4370] =	vst v61  }
0xa9: {  	v62 =	vand.u32 $0x7, v6;
	[tilespmem:$0x4330] =	vst v0;
	v0 =	vadd.s32 v7, v5  }
0xaa: {  	[tilespmem:$0x4340] =	vst v1;
	v0 =	vor.u32 v62, v0  }
0xab: {  	s13 =	simm.s32 $0x1;
	p0 =	por $0x0, $0x0;
	[tilespmem:$0x4350] =	vst v2  }
0xac: {  	s13 =	simm.s32 @!p0 $0x0;
	s10 =	simm.s32 $0x2DB0;
	[tilespmem:$0x4360] =	vst v3  }
0xad: {  	v1 =	vmov s13;
	v2 =	vld [tilespmem:s10+$0xFFFFFFF0]  }
0xae: {  	s13 =	simm.s32 $0xFFFFFFB0;
	v1 =	vmul.u32 $0x50, v1;
	v4 =	vld [tilespmem:s10+$0x0]  }
0xaf: {  	s13 =	simm.s32 @!p0 $0x0;
	v3 =	vld.idx.msk [tilespmem:v0+s26+$0x0], $0xffff  }
0xb0: {  	s13 =	sadd.s32 $0x1, s13;
	v0 =	vadd.s32 $0x140, v1  }
0xb1: {  	v1 =	vmov s13;
	v0 =	vbroadcast v0, $0x0  }
0xb2: {  	v63 =	vand.u32 $0xFFFFFFF8, v1  }
0xb3: {  	s24 =	simm.s32 $0x3;
	v1 =	vand.u32 $0x7, v1;
	v0 =	vadd.s32 v63, v0  }
0xb4: {  	s18 =	simm.s32 $0x2DB0;
	p0 =	por $0x0, $0x0;
	s13 =	simm.s32 $0x2;
	v0 =	vor.u32 v1, v0;
	v2 =	vmul.f32 v3, v2;
	v1 =	vmul.f32 v3, v4  }
.LBB2_11:
0xb5: {  	s20 =	simm.s32 $0x1  }
0xb6: {  	p1 =	sne.s32 s24, $0x9F;
	s20 =	simm.s32 @!p0 $0x0  }
0xb7: {  	s18 =	sadd.s32 $0x20, s18;
	v3 =	vmov s20;
	[tilespmem:s10+$0xFFFFFFF0] =	vst v2  }
0xb8: {  	s20 =	simm.s32 $0xFFFFFFB0;
	v2 =	vmul.u32 $0x50, v3;
	v3 =	vld [tilespmem:s18+$0xFFFFFFF0];
	[tilespmem:s10+$0x0] =	vst v1;
	s10 =	smov.u32 s18  }
0xb9: {  	s20 =	simm.s32 @!p0 $0x0;
	v1 =	vld.idx.msk [tilespmem:v0+s26+$0x0], $0xffff  }
0xba: {  	s20 =	sadd.s32 s13, s20;
	s13 =	smov.u32 s24;
	v0 =	vadd.s32 $0x140, v2;
	v4 =	vld [tilespmem:s18+$0x0]  }
.Ltmp6:
0xbb: {  	v2 =	vmov s20;
	v0 =	vbroadcast v0, $0x0;
	(pc) =	sbr.rel @p1 .LBB2_11-.Ltmp6, $4  }
0xbc: {  	v5 =	vand.u32 $0xFFFFFFF8, v2  }
0xbd: {  	v2 =	vand.u32 $0x7, v2;
	v0 =	vadd.s32 v5, v0  }
0xbe: {  	v0 =	vor.u32 v2, v0  }
0xbf: {  	s24 =	sadd.s32 $0x1, s24;
	p0 =	sgt.u32 s13, $0x4F;
	v2 =	vmul.f32 v1, v3;
	v1 =	vmul.f32 v1, v4  }
0xc0: {  	s20 =	simm.s32 $0x1  }
0xc1: {  	s20 =	simm.s32 @!p0 $0x0  }
0xc2: {  	s18 =	sadd.s32 $0x20, s18;
	[tilespmem:s10+$0xFFFFFFF0] =	vst v2;
	v59 =	vmov s20  }
0xc3: {  	v3 =	vld [tilespmem:s18+$0xFFFFFFF0];
	[tilespmem:s10+$0x0] =	vst v1;
	s10 =	simm.s32 $0xFFFFFFB0;
	v2 =	vmul.u32 $0x50, v59  }
0xc4: {  	s10 =	simm.s32 @!p0 $0x0  }
0xc5: {  	v0 =	vld.idx.msk [tilespmem:v0+s26+$0x0], $0xffff;
	s10 =	sadd.s32 s13, s10;
	v60 =	vadd.s32 $0x140, v2  }
0xc6: {  	v61 =	vld [tilespmem:s18+$0x0];
	v4 =	vmov s10;
	v1 =	vbroadcast v60, $0x0  }
0xc7: {  	v5 =	vand.u32 $0xFFFFFFF8, v4  }
0xc8: {  	v4 =	vand.u32 $0x7, v4;
	v1 =	vadd.s32 v5, v1  }
0xc9: {  	v1 =	vor.u32 v4, v1  }
0xca: {  	v3 =	vmul.f32 v0, v3  }
0xcb: {  	v0 =	vmul.f32 v0, v61  }
0xcc: {  	s13 =	sadd.s32 $0x20, s18;
	[tilespmem:s18+$0xFFFFFFF0] =	vst v3  }
0xcd: {  	v62 =	vld [tilespmem:s13+$0xFFFFFFF0];
	[tilespmem:s18+$0x0] =	vst v0  }
0xce: {  	v0 =	vld.idx.msk [tilespmem:v1+s26+$0x0], $0xffff  }
0xcf: {  	v63 =	vld [tilespmem:s13+$0x0];
	_ =	sdelay $0x3  }
0xd0: {  	v2 =	vmul.f32 v0, v62  }
0xd1: {  	v0 =	vmul.f32 v0, v63  }
0xd2: {  	[tilespmem:s13+$0xFFFFFFF0] =	vst v2  }
0xd3: {  	s20 =	simm.s32 $0x42E0;
	p0 =	sgt.u32 s30, $0x26E;
	[tilespmem:s13+$0x0] =	vst v0  }
0xd4: {  	[spmem:s2] =	stream.indirect.scatter.add.f32 [tilespmem:s29], [sflag:$0x6], $0x20, s20, s19, $0xb8;
	[tilespmem:$0x1F400] =	vst v63  }
.Ltmp7:
0xd5: {  	s10 =	sadd.s32 @!p0 s30, s9;
	(pc) =	sbr.rel .LBB2_13-.Ltmp7, $4  }
0xd6: {  	s24 =	simm.s32 $0x4330;
	s10 =	smul.u32 @!p0 $0x3C, s10  }
0xd7: {  	[spmem:s2] =	stream.indirect.scatter.add.f32 [tilespmem:s31], [sflag:$0x6], $0x20, s24, s19, $0xb8;
	[tilespmem:$0x1F400] =	vst v63  }
0xd8: {  	s10 =	sadd.s32 @!p0 s8, s10;
	s18 =	simm.s32 @!p0 $0x1E0;
	s13 =	simm.s32 @!p0 $0x0  }
0xd9: {  	[tilespmem:s18], [sflag:$0x8] =	stream.linear.gather @!p0 [hbm4b:s10+s13], $0x1E0, $0x38;
	[tilespmem:$0x1F400] =	vst v63  }
.LBB2_4:
0xda: {  	s10 =	simm.s32 @!p0 $0x5  }
0xdb: {  	_ =	swait.ge @!p0 [sflag:s10], $0xA00  }
0xdc: {  	[sflag:s10] =	ssyncset.done @!p0 $0x0  }
0xdd: {  	[sflag:s10] =	ssyncadd.s32 @!p0 $0xFFFFF600  }
0xde: {  	_ =	swait.ge @!p0 [sflag:s10], $0xA00  }
0xdf: {  	p1 =	seq.s32 @!p0 s30, $0x270;
	[sflag:s10] =	ssyncset.done @!p0 $0x0  }
0xe0: {  	p1 =	por p0, !p1;
	[sflag:s10] =	ssyncadd.s32 @!p0 $0xFFFFF600  }
0xe1: {  	_ =	swait.ge @p1 [sflag:s0], $0x1E0  }
0xe2: {  	[sflag:s0] =	ssyncset.done @p1 $0x0  }
0xe3: {  	[sflag:s0] =	ssyncadd.s32 @p1 $0xFFFFFE20  }
0xe4: {  	[tilespmem:s12], [sflag:$0x2] =	stream.indirect.gather @p1 [hbm4b:s5+s19], $0x20, s17, s19, $0xb8;
	[tilespmem:$0x1F400] =	vst v63  }
0xe5: {  	s10 =	simm.s32 @p1 $0x230  }
0xe6: {  	[tilespmem:s15], [sflag:$0x2] =	stream.indirect.gather @p1 [hbm4b:s5+s19], $0x20, s10, s19, $0xb8;
	[tilespmem:$0x1F400] =	vst v63  }
0xe7: {  	_ =	swait.ge [sflag:s25], $0xA00  }
0xe8: {  	[sflag:s25] =	ssyncset.done $0x0  }
0xe9: {  	[sflag:s25] =	ssyncadd.s32 $0xFFFFF600  }
0xea: {  	_ =	swait.ge [sflag:s25], $0xA00  }
0xeb: {  	[sflag:s25] =	ssyncset.done $0x0  }
0xec: {  	[sflag:s25] =	ssyncadd.s32 $0xFFFFF600  }
0xed: {  	v0 =	vld [tilespmem:$0xA0]  }
0xee: {  	v1 =	vld [tilespmem:$0xB0]  }
0xef: {  	v2 =	vld [tilespmem:$0xC0]  }
0xf0: {  	p0 =	por $0x0, $0x0;
	s10 =	simm.s32 $0x1;
	v3 =	vld [tilespmem:$0xD0]  }
0xf1: {  	s10 =	simm.s32 @!p0 $0x0;
	v4 =	vld [tilespmem:$0xE0]  }
0xf2: {  	v5 =	vmov s10;
	v61 =	vld [tilespmem:$0x130];
	[tilespmem:$0x41A0] =	vst v0  }
0xf3: {  	s10 =	simm.s32 $0xFFFFFFB0;
	v5 =	vmul.u32 $0x50, v5;
	v0 =	vld [tilespmem:$0xF0];
	[tilespmem:$0x41B0] =	vst v1  }
0xf4: {  	s10 =	simm.s32 @!p0 $0x0;
	v1 =	vld [tilespmem:$0x100];
	[tilespmem:$0x41C0] =	vst v2  }
0xf5: {  	s10 =	sadd.s32 $0x0, s10;
	v5 =	vadd.s32 $0x140, v5;
	v2 =	vld [tilespmem:$0x110];
	[tilespmem:$0x41D0] =	vst v3  }
0xf6: {  	v6 =	vmov s10;
	v5 =	vbroadcast v5, $0x0;
	v3 =	vld [tilespmem:$0x120];
	[tilespmem:$0x41E0] =	vst v4  }
0xf7: {  	v7 =	vand.u32 $0xFFFFFFF8, v6;
	[tilespmem:$0x4230] =	vst v61  }
0xf8: {  	v62 =	vand.u32 $0x7, v6;
	[tilespmem:$0x41F0] =	vst v0;
	v0 =	vadd.s32 v7, v5  }
0xf9: {  	[tilespmem:$0x4200] =	vst v1;
	v0 =	vor.u32 v62, v0  }
0xfa: {  	s13 =	simm.s32 $0x1;
	p0 =	por $0x0, $0x0;
	[tilespmem:$0x4210] =	vst v2  }
0xfb: {  	s13 =	simm.s32 @!p0 $0x0;
	s10 =	simm.s32 $0x5B0;
	[tilespmem:$0x4220] =	vst v3  }
0xfc: {  	v1 =	vmov s13;
	v2 =	vld [tilespmem:s10+$0xFFFFFFF0]  }
0xfd: {  	s13 =	simm.s32 $0xFFFFFFB0;
	v1 =	vmul.u32 $0x50, v1;
	v4 =	vld [tilespmem:s10+$0x0]  }
0xfe: {  	s13 =	simm.s32 @!p0 $0x0;
	v3 =	vld.idx.msk [tilespmem:v0+s3+$0x0], $0xffff  }
0xff: {  	s13 =	sadd.s32 $0x1, s13;
	v0 =	vadd.s32 $0x140, v1  }
0x100: {  	v1 =	vmov s13;
	v0 =	vbroadcast v0, $0x0  }
0x101: {  	v63 =	vand.u32 $0xFFFFFFF8, v1  }
0x102: {  	s24 =	simm.s32 $0x3;
	v1 =	vand.u32 $0x7, v1;
	v0 =	vadd.s32 v63, v0  }
0x103: {  	s18 =	simm.s32 $0x5B0;
	p0 =	por $0x0, $0x0;
	s13 =	simm.s32 $0x2;
	v0 =	vor.u32 v1, v0;
	v2 =	vmul.f32 v3, v2;
	v1 =	vmul.f32 v3, v4  }
.LBB2_5:
0x104: {  	s20 =	simm.s32 $0x1  }
0x105: {  	p1 =	sne.s32 s24, $0x9F;
	s20 =	simm.s32 @!p0 $0x0  }
0x106: {  	s18 =	sadd.s32 $0x20, s18;
	v3 =	vmov s20;
	[tilespmem:s10+$0xFFFFFFF0] =	vst v2  }
0x107: {  	s20 =	simm.s32 $0xFFFFFFB0;
	v2 =	vmul.u32 $0x50, v3;
	v3 =	vld [tilespmem:s18+$0xFFFFFFF0];
	[tilespmem:s10+$0x0] =	vst v1;
	s10 =	smov.u32 s18  }
0x108: {  	s20 =	simm.s32 @!p0 $0x0;
	v1 =	vld.idx.msk [tilespmem:v0+s3+$0x0], $0xffff  }
0x109: {  	s20 =	sadd.s32 s13, s20;
	s13 =	smov.u32 s24;
	v0 =	vadd.s32 $0x140, v2;
	v4 =	vld [tilespmem:s18+$0x0]  }
.Ltmp8:
0x10a: {  	v2 =	vmov s20;
	v0 =	vbroadcast v0, $0x0;
	(pc) =	sbr.rel @p1 .LBB2_5-.Ltmp8, $4  }
0x10b: {  	v5 =	vand.u32 $0xFFFFFFF8, v2  }
0x10c: {  	v2 =	vand.u32 $0x7, v2;
	v0 =	vadd.s32 v5, v0  }
0x10d: {  	v0 =	vor.u32 v2, v0  }
0x10e: {  	s24 =	sadd.s32 $0x1, s24;
	p0 =	sgt.u32 s13, $0x4F;
	v2 =	vmul.f32 v1, v3;
	v1 =	vmul.f32 v1, v4  }
0x10f: {  	s20 =	simm.s32 $0x1  }
0x110: {  	s20 =	simm.s32 @!p0 $0x0  }
0x111: {  	s18 =	sadd.s32 $0x20, s18;
	[tilespmem:s10+$0xFFFFFFF0] =	vst v2;
	v59 =	vmov s20  }
0x112: {  	v3 =	vld [tilespmem:s18+$0xFFFFFFF0];
	[tilespmem:s10+$0x0] =	vst v1;
	s10 =	simm.s32 $0xFFFFFFB0;
	v2 =	vmul.u32 $0x50, v59  }
0x113: {  	s10 =	simm.s32 @!p0 $0x0  }
0x114: {  	v0 =	vld.idx.msk [tilespmem:v0+s3+$0x0], $0xffff;
	s10 =	sadd.s32 s13, s10;
	v60 =	vadd.s32 $0x140, v2  }
0x115: {  	v61 =	vld [tilespmem:s18+$0x0];
	v4 =	vmov s10;
	v1 =	vbroadcast v60, $0x0  }
0x116: {  	v5 =	vand.u32 $0xFFFFFFF8, v4  }
0x117: {  	v4 =	vand.u32 $0x7, v4;
	v1 =	vadd.s32 v5, v1  }
0x118: {  	v1 =	vor.u32 v4, v1  }
0x119: {  	v3 =	vmul.f32 v0, v3  }
0x11a: {  	v0 =	vmul.f32 v0, v61  }
0x11b: {  	s13 =	sadd.s32 $0x20, s18;
	[tilespmem:s18+$0xFFFFFFF0] =	vst v3  }
0x11c: {  	v62 =	vld [tilespmem:s13+$0xFFFFFFF0];
	[tilespmem:s18+$0x0] =	vst v0  }
0x11d: {  	v0 =	vld.idx.msk [tilespmem:v1+s3+$0x0], $0xffff  }
0x11e: {  	v63 =	vld [tilespmem:s13+$0x0];
	_ =	sdelay $0x3  }
0x11f: {  	v2 =	vmul.f32 v0, v62  }
0x120: {  	v0 =	vmul.f32 v0, v63  }
0x121: {  	[tilespmem:s13+$0xFFFFFFF0] =	vst v2  }
0x122: {  	s20 =	simm.s32 $0x41A0;
	p0 =	sgt.u32 s30, $0x26E;
	[tilespmem:s13+$0x0] =	vst v0  }
0x123: {  	[spmem:s2] =	stream.indirect.scatter.add.f32 [tilespmem:s21], [sflag:$0x4], $0x20, s20, s19, $0xb8;
	[tilespmem:$0x1F400] =	vst v63  }
.Ltmp9:
0x124: {  	s10 =	sadd.s32 @!p0 s30, s9;
	(pc) =	sbr.rel .LBB2_13-.Ltmp9, $4  }
0x125: {  	s24 =	simm.s32 $0x41F0;
	s10 =	smul.u32 @!p0 $0x3C, s10  }
0x126: {  	[spmem:s2] =	stream.indirect.scatter.add.f32 [tilespmem:s28], [sflag:$0x4], $0x20, s24, s19, $0xb8;
	[tilespmem:$0x1F400] =	vst v63  }
0x127: {  	s10 =	sadd.s32 @!p0 s8, s10;
	s18 =	simm.s32 @!p0 $0x3C0;
	s13 =	simm.s32 @!p0 $0x0  }
0x128: {  	[tilespmem:s18], [sflag:$0x9] =	stream.linear.gather @!p0 [hbm4b:s10+s13], $0x1E0, $0x38;
	[tilespmem:$0x1F400] =	vst v63  }
.LBB2_14:
0x129: {  	_ =	swait.ge [sflag:s22], $0xA00  }
0x12a: {  	[sflag:s22] =	ssyncset.done $0x0  }
0x12b: {  	[sflag:s22] =	ssyncadd.s32 $0xFFFFF600  }
0x12c: {  	_ =	swait.ge [sflag:s22], $0xA00  }
0x12d: {  	[sflag:s22] =	ssyncset.done $0x0  }
0x12e: {  	s10 =	simm.s32 $0x6;
	[sflag:s22] =	ssyncadd.s32 $0xFFFFF600  }
0x12f: {  	_ =	swait.ge [sflag:s10], $0xA00  }
0x130: {  	[sflag:s10] =	ssyncset.done $0x0  }
0x131: {  	[sflag:s10] =	ssyncadd.s32 $0xFFFFF600  }
0x132: {  	_ =	swait.ge [sflag:s10], $0xA00  }
0x133: {  	[sflag:s10] =	ssyncset.done $0x0  }
0x134: {  	[sflag:s10] =	ssyncadd.s32 $0xFFFFF600  }
0x135: {  	[bflag:$0x0] =	sbarrier.arrive $0xFFFF  }
0x136: {  	s30 =	simm.s32 $0x0;
	s24 =	rddreg [dreg:$0x6]  }
0x137: {  	[tilespmem:s1], [sflag:$0xA] =	stream.linear.gather [hbm4b:s24+s30], $0xC38, $0x38;
	[tilespmem:$0x1F400] =	vst v63  }
0x138: {  	_ =	swait.ge [sflag:s14], $0xC38  }
0x139: {  	[sflag:s14] =	ssyncset.done $0x0  }
0x13a: {  	s13 =	simm.s32 $0x4FC0;
	s28 =	rddreg [dreg:$0xb];
	[sflag:s14] =	ssyncadd.s32 $0xFFFFF3C8  }
0x13b: {  	[tilespmem:s13], [sflag:$0xA] =	stream.linear.gather [hbm4b:s28+s30], $0xC38, $0x38;
	[tilespmem:$0x1F400] =	vst v63  }
0x13c: {  	_ =	swait.ge [sflag:s14], $0xC38  }
0x13d: {  	[sflag:s14] =	ssyncset.done $0x0  }
0x13e: {  	s10 =	simm.s32 $0x0;
	[sflag:s14] =	ssyncadd.s32 $0xFFFFF3C8  }
0x13f: {  	s13 =	simm.s32 $0x40;
	v0 =	vld [tilespmem:s10+$0x4FC0]  }
.LBB2_15:
0x140: {  	p0 =	sne.s32 s13, $0x30C0;
	v1 =	vld [tilespmem:s10+$0x4380];
	_ =	sdelay $0x4  }
0x141: {  	v0 =	vadd.f32 v0, v1;
	_ =	sdelay $0x1  }
0x142: {  	vm0 =	vgt.f32 v0, $0.0e+00  }
0x143: {  	v0 =	vnsel vm0, $0x3F800000, v0  }
0x144: {  	(erf) = vrcp.f32 v0;
	_ =	sdelay $0x6  }
.Ltmp10:
0x145: {  	(pc) =	sbr.rel @p0 .LBB2_15-.Ltmp10, $4  }
0x146: {  	_ = 	snop  }
0x147: {  	v0 =	vpop (erf)  }
0x148: {  	s18 =	sshra.s32 s13, $0x2;
	v1 =	vnsel vm0, $0x0, v0  }
0x149: {  	s13 =	sadd.s32 $0x40, s13;
	v0 =	vld [tilespmem:s18+$0x4FC0];
	[tilespmem:s10+$0x4380] =	vst v1;
	s10 =	smov.u32 s18  }
0x14a: {  	v1 =	vld [tilespmem:s10+$0x4380];
	_ =	sdelay $0x4  }
0x14b: {  	v0 =	vadd.f32 v0, v1;
	_ =	sdelay $0x1  }
0x14c: {  	vm0 =	vgt.f32 v0, $0.0e+00  }
0x14d: {  	v0 =	vnsel vm0, $0x3F800000, v0  }
0x14e: {  	(erf) = vrcp.f32 v0;
	_ =	sdelay $0x8  }
0x14f: {  	v0 =	vpop (erf)  }
0x150: {  	v0 =	vnsel vm0, $0x0, v0  }
0x151: {  	[tilespmem:s10+$0x4380] =	vst v0;
	s10 =	simm.s32 $0x0  }
.LBB2_17:
0x152: {  	s13 =	smul.u32 $0x88, s10;
	_ =	sdelay $0x1  }
0x153: {  	s13 =	sadd.s32 s4, s13  }
0x154: {  	s18 =	sshll.u32 s13, $0x5  }
0x155: {  	s18 =	sand.u32 $0x3FFFFFE0, s18  }
0x156: {  	s18 =	sadd.s32 s18, s2  }
0x157: {  	v0 =	vmov s30;
	[tilespmem:s6], [sflag:$0xA] =	stream.linear.gather [spmem:s18], $0x1100, $0x38;
	[tilespmem:$0x1F400] =	vst v63  }
0x158: {  	_ =	swait.ge [sflag:s14], $0x1100  }
0x159: {  	[sflag:s14] =	ssyncset.done $0x0  }
0x15a: {  	s24 =	simm.s32 $0x0;
	[sflag:s14] =	ssyncadd.s32 $0xFFFFEF00  }
0x15b: {  	v1 =	vld [tilespmem:s24+$0x5C00]  }
0x15c: {  	v3 =	vld.idx.msk [tilespmem:v0+s1+$0x0], $0xffff  }
0x15d: {  	v4 =	vld [tilespmem:s24+$0x5C10];
	_ =	sdelay $0x2  }
0x15e: {  	s20 =	sadd.s32 $0x1, s30  }
0x15f: {  	v0 =	vmov s20  }
0x160: {  	s21 =	simm.s32 $0x100;
	s18 =	simm.s32 $0x20;
	v2 =	vmul.f32 v1, v3;
	v1 =	vmul.f32 v4, v3  }
.LBB2_18:
0x161: {  	_ = 	snop  }
0x162: {  	s28 =	sshra.s32 s21, $0x2;
	p0 =	sne.s32 s21, $0x4380;
	s21 =	sadd.s32 $0x80, s21;
	[tilespmem:s24+$0x5C00] =	vst v2  }
0x163: {  	v2 =	vld [tilespmem:s18+$0x5C00];
	[tilespmem:s24+$0x5C10] =	vst v1;
	s24 =	smov.u32 s18;
	s18 =	smov.u32 s28  }
0x164: {  	v1 =	vld.idx.msk [tilespmem:v0+s1+$0x0], $0xffff  }
0x165: {  	v3 =	vld [tilespmem:s24+$0x5C10]  }
.Ltmp11:
0x166: {  	(pc) =	sbr.rel @p0 .LBB2_18-.Ltmp11, $4  }
0x167: {  	_ = 	snop  }
0x168: {  	s20 =	sadd.s32 $0x1, s20  }
0x169: {  	v0 =	vmov s20  }
0x16a: {  	v2 =	vmul.f32 v2, v1;
	v1 =	vmul.f32 v3, v1  }
0x16b: {  	_ =	sdelay $0x1  }
0x16c: {  	[tilespmem:s24+$0x5C00] =	vst v2  }
0x16d: {  	v2 =	vld [tilespmem:s18+$0x5C00];
	[tilespmem:s24+$0x5C10] =	vst v1  }
0x16e: {  	v0 =	vld.idx.msk [tilespmem:v0+s1+$0x0], $0xffff  }
0x16f: {  	v1 =	vld [tilespmem:s18+$0x5C10];
	_ =	sdelay $0x3  }
0x170: {  	v2 =	vmul.f32 v2, v0  }
0x171: {  	s10 =	sadd.s32 $0x1, s10;
	v0 =	vmul.f32 v1, v0  }
0x172: {  	s13 =	sshll.u32 s13, $0x2;
	p0 =	sne.s32 s10, $0x17;
	[tilespmem:s18+$0x5C00] =	vst v2  }
.Ltmp12:
0x173: {  	s13 =	sadd.s32 s13, s11;
	[tilespmem:s18+$0x5C10] =	vst v0;
	(pc) =	sbr.rel @p0 .LBB2_17-.Ltmp12, $4  }
0x174: {  	[hbm4b:s13+s3] =	stream.linear.scatter [tilespmem:s6], [sflag:$0xA], $0x1100, $0x38;
	[tilespmem:$0x1F400] =	vst v63  }
0x175: {  	_ =	swait.ge [sflag:s14], $0x1100  }
0x176: {  	[sflag:s14] =	ssyncset.done $0x0  }
0x177: {  	s30 =	sadd.s32 $0x88, s30;
	[sflag:s14] =	ssyncadd.s32 $0xFFFFEF00  }
0x178: {  	s13 =	rddreg [dreg:$0xc]  }
0x179: {  	s10 =	rddreg [dreg:$0x7];
	s13 =	sadd.s32 $0x1, s13  }
0x17a: {  	p0 =	sne.s32 s13, s10  }
.Ltmp13:
0x17b: {  	_ = 	snop;
	(pc) =	sbr.rel @p0 .LBB2_1-.Ltmp13, $2  }
0x17c: {  	_ =	sdelay $0x2  }
0x17d: {  	s21 =	simm.s32 $0x5A0;
	s28 =	simm.s32 $0xFA0  }
0x17e: {  	_ =	sfence.sel $0x180000  }
0x17f: {  	[bflag:$0x0] =	sbarrier.arrive $0xFFFF  }
0x180: {  	_ =	strace $0x90000050  }
0x181: {  	s0 =	stileid.u32;
	[bflag:$0x2] =	sbarrier.arrive $0xFFFF  }
0x182: {  	p0 =	sne.s32 s0, $0x0;
	s0 =	rddreg [dreg:$0x3]  }
0x183: {  	s0 =	sadd.s32 @!p0 $0x100000, s0  }
0x184: {  	[sflag:s0] =	ssyncadd.tile.s32 @!p0 $0x1;
	_ =	shalt  }
.Lfunc_end2:
_tile_overlayer_lowered:
.L_overlay_start_2:
0x185: {  	(tag) =	ssettag $0x2  }
0x186: {  	s0 =	rddreg [dreg:$0x0];
	s2 =	stileid.u32  }
0x187: {  	s1 =	rddreg [dreg:$0x1];
	p0 =	sne.s32 s2, $0x0  }
0x188: {  	s3 =	rddreg [dreg:$0x2];
	[bflag:$0x3] =	sbarrier.arrive $0xFFFF;
	s2 =	simm.s32 @!p0 $0x1C0A  }
0x189: {  	[timem:s3], [sflag:s2] =	dma.local @!p0 [hbm:s0], s1  }
0x18a: {  	s0 =	simm.s32 @!p0 $0xA  }
0x18b: {  	_ =	swait.ge @!p0 [sflag:s0], s1  }
0x18c: {  	s1 =	ssub.s32 @!p0 $0x0, s1;
	[sflag:s0] =	ssyncset.done @!p0 $0x0  }
0x18d: {  	[sflag:s0] =	ssyncadd.s32 @!p0 s1  }
0x18e: {  	[bflag:$0x3] =	sbarrier.arrive $0xFFFF  }
0x18f: {  	_ =	shalt  }

// kernel: sparse-core-data-format-call.cloned.1.call-start
scs
called_computation_lowered:
.L_overlay_start_0:
0x0: {  	s2 =	sld [smem:$0x3FD9]  }
0x1: {  	s3 =	sld [smem:$0x3FFE];
	_ =	sdelay $0x1  }
0x2: {  	s1 =	srdreg.scid  }
0x3: {  	s0 =	sand.u32 $0x1, s1  }
0x4: {  	s16 =	sshll.u32 s0, $0xA;
	s2 =	sadd.s32 s3, s2  }
0x5: {  	s2 =	sadd.s32 s2, s16  }
0x6: {  	[smem:$0x3FBC] =	sst s2  }
0x7: {  	_ = 	snop  }
0x8: {  	s2 =	sld [smem:$0x3FD0];
	_ =	sdelay $0x2  }
0x9: {  	s17 =	simm.s32 $0xB;
	s4 =	simm.s32 $0x10  }
0xa: {  	[smem:s4], [sflag:s17] =	dma.local [hbm:s2], $0x1  }
0xb: {  	_ =	swait.eq [sflag:s17], $0x1  }
0xc: {  	[sflag:s17] =	ssyncset.done $0x0  }
0xd: {  	[sflag:s17] =	ssyncadd.s32 $0xFFFFFFFF  }
0xe: {  	s18 =	sld [smem:$0x11];
	(tm) =	ssettm $0x1  }
0xf: {  	s19 =	sld [smem:$0x3FFB];
	_ =	sdelay $0x3  }
0x10: {  	_ =	strace s19  }
0x11: {  	s2 =	sld [smem:$0x3FFC];
	_ =	sdelay $0x3  }
0x12: {  	_ =	strace s2  }
0x13: {  	s2 =	sld [smem:$0x3FFD];
	_ =	sdelay $0x3  }
0x14: {  	_ =	strace s2  }
0x15: {  	_ =	strace $0x8FFFFFFF  }
0x16: {  	s20 =	sld [smem:$0x3FDB];
	_ =	sdelay $0x1  }
0x17: {  	s21 =	simm.s32 $_scs_section_size  }
0x18: {  	s5 =	simm.s32 $_size__tile_overlayer_lowered;
	s6 =	simm.s32 $_tile_overlayer_lowered  }
0x19: {  	s7 =	simm.s32 $0x1BFF;
	s22 =	sshll.u32 s6, $0x1;
	s4 =	sadd.s32 s21, s20  }
0x1a: {  	s23 =	simm.s32 $0x0;
	s5 =	sshll.u32 s5, $0x1;
	s6 =	sadd.s32 s22, s4  }
0x1b: {  	[timem:s23], [sflag:s7] =	dma.local [hbm:s6], s5  }
0x1c: {  	_ =	swait.ge [sflag:s7], s5  }
0x1d: {  	s5 =	ssub.s32 $0x0, s5;
	[sflag:s7] =	ssyncset.done $0x0  }
0x1e: {  	[sflag:s7] =	ssyncadd.s32 s5;
	_ =	sdelay $0x1  }
0x1f: {  	s24 =	simm.s32 $0x1B8B  }
0x20: {  	_ =	swait.ge [sflag:s24], $0x1  }
0x21: {  	[sflag:s24] =	ssyncset.done $0x0  }
0x22: {  	[sflag:s24] =	ssyncadd.s32 $0xFFFFFFFF  }
0x23: {  	s5 =	sld [smem:$0x0]  }
0x24: {  	s6 =	sand.u32 $0xFFFFFFFE, s1  }
0x25: {  	p0 =	sne.s32 s1, s6  }
0x26: {  	s6 =	sshll.u32 @p0 s6, $0xE  }
0x27: {  	s6 =	sadd.s32 @p0 $0x11B8D, s6;
	s7 =	sshll.u32 @p0 s5, $0x11  }
0x28: {  	s6 =	sor.u32 @p0 s7, s6  }
0x29: {  	[sflag:s6] =	ssyncadd.remote.s32 @p0 $0x1;
	_ =	sdelay $0x1  }
0x2a: {  	s6 =	simm.s32 @p0 $0x1B8D  }
0x2b: {  	_ =	swait.eq @p0 [sflag:s6], $0x1  }
0x2c: {  	[sflag:s6] =	ssyncadd.s32 @p0 $0xFFFFFFFF  }
0x2d: {  	s7 =	sshll.u32 @!p0 s1, $0xE  }
0x2e: {  	s7 =	sor.u32 @!p0 $0x4000, s7;
	s6 =	simm.s32 @!p0 $0x1B8D  }
0x2f: {  	s5 =	sshll.u32 @!p0 s5, $0x11;
	s7 =	sadd.s32 @!p0 $0x11B8D, s7;
	_ =	swait.eq @!p0 [sflag:s6], $0x1  }
0x30: {  	s5 =	sor.u32 @!p0 s5, s7;
	[sflag:s6] =	ssyncadd.s32 @!p0 $0xFFFFFFFF  }
0x31: {  	s26 =	simm.s32 $0x1B8E;
	s25 =	sld [smem:$0x3FFE];
	[sflag:s5] =	ssyncadd.remote.s32 @!p0 $0x1  }
0x32: {  	s27 =	simm.s32 $execute0_lowered;
	[smem:$0x3FD2] =	sst s26  }
0x33: {  	s6 =	sshll.u32 s27, $0x1;
	_ =	strace $0x80000052;
	[dreg:$0x1] =	wrdreg $0xFFFFFFFF  }
0x34: {  	s28 =	simm.s32 $_size_execute0_lowered;
	s4 =	sadd.s32 s4, s6;
	[dreg:$0x0] =	wrdreg $0x0  }
0x35: {  	s6 =	sshll.u32 s28, $0x1;
	[dreg:$0x2] =	wrdreg s4  }
0x36: {  	[dreg:$0x3] =	wrdreg s6  }
0x37: {  	[dreg:$0x4] =	wrdreg $0xC0  }
0x38: {  	_ =	task [dreg:s23], $0x5FFFF  }
0x39: {  	[dreg:$0x1] =	wrdreg $0xFFFFFFFF  }
0x3a: {  	[dreg:$0x0] =	wrdreg $0x60  }
0x3b: {  	[dreg:$0x2] =	wrdreg s25  }
0x3c: {  	[dreg:$0x3] =	wrdreg s18  }
0x3d: {  	[dreg:$0x4] =	wrdreg $0x9  }
0x3e: {  	_ =	task.clear_ibuf [dreg:s23], $0x5FFFF;
	_ =	strace $0x90000052  }
0x3f: {  	s29 =	simm.s32 $0x9;
	_ =	strace $0x80000054  }
0x40: {  	_ =	swait.ge [sflag:s29], $0x1  }
0x41: {  	[sflag:s29] =	ssyncadd.s32 $0xFFFFFFFF  }
0x42: {  	_ =	strace $0x90000054  }
0x43: {  	_ =	sfence  }
0x44: {  	s30 =	sld [smem:$0x0];
	_ =	sdelay $0x2  }
0x45: {  	s31 =	sshll.u32 s1, $0xD;
	s1 =	sshrl.u32 s1, $0x2  }
0x46: {  	s4 =	sand.u32 $0x4000, s31;
	s1 =	sadd.s32 s1, s30  }
0x47: {  	s0 =	sor.u32 s4, s0;
	s1 =	sshll.u32 s1, $0x11  }
0x48: {  	s0 =	sor.u32 s1, s0  }
0x49: {  	s0 =	sadd.s32 $0x8F2B, s0  }
0x4a: {  	[sflag:s0] =	ssyncadd.remote.s32 $0x1  }
0x4b: {  	_ =	sfence.sel $0xFFFF  }
0x4c: {  	[dreg:$0x0] =	wrdreg $0xFFFFFFFF;
	(pc) =	sbr.abs _section_cstart, $3  }
0x4d: {  	[dreg:$0x1] =	wrdreg $0xFFFFFFFF  }
0x4e: {  	_ =	task.clear_ibuf [dreg:s23], $0x2FFFF;
	_ =	strace $0x9FFFFFFF  }
0x4f: {  	(tm) =	ssettm $0x7FFFFFFF  }
tec
execute0_lowered:
.L_overlay_start_1:
0x0: {  	(tag) =	ssettag $0x1  }
0x1: {  	s0 =	srdreg.scid  }
0x2: {  	s1 =	sshll.u32 s0, $0x4  }
0x3: {  	s4 =	rddreg [dreg:$0x0];
	s0 =	stileid.u32;
	s1 =	sand.u32 $0x10, s1  }
0x4: {  	s2 =	rddreg [dreg:$0x1];
	s7 =	simm.s32 $0x1;
	s1 =	sor.u32 s0, s1  }
0x5: {  	s8 =	simm.s32 $0x2;
	s11 =	simm.s32 $0x0;
	s3 =	sshll.u32 s1, $0x7  }
0x6: {  	s10 =	simm.s32 $0x0;
	s4 =	sadd.s32 $0x37C400, s4;
	s6 =	ssub.s32 $0x186A00, s3  }
.Ltmp0:
0x7: {  	s1 =	rddreg [dreg:$0x2];
	s5 =	sand.u32 $0xF80, s6;
	(pc) =	sbr.rel .LBB1_1-.Ltmp0, $4  }
0x8: {  	_ =	strace $0x80000053;
	s9 =	smov.u32 s3;
	p0 =	sne.s32 s5, $0x0  }
0x9: {  	s6 =	sshrl.u32 s6, $0xC;
	s5 =	simm.s32 $0x1;
	s7 =	simm.s32 @!p0 $0x0  }
0xa: {  	[sflag:s5] =	ssyncpa.u1 $0x0;
	p0 =	por $0x0, $0x0;
	s6 =	sadd.s32 s7, s6  }
0xb: {  	[sflag:s8] =	ssyncpa.u1 $0x0;
	s8 =	simm.s32 $0xC35000;
	s7 =	sadd.s32 $0x1, s6  }
.LBB1_4:
0xc: {  	s14 =	sshll.u32 s11, $0x3  }
0xd: {  	s14 =	sand.u32 $0xFFFFFC00, s14  }
0xe: {  	s15 =	sshrl.u32 s14, $0x9  }
0xf: {  	s15 =	smulhi.u32 $0xA7C5AD, s15;
	_ =	sdelay $0x1  }
0x10: {  	s15 =	sshrl.u32 s15, $0x3  }
0x11: {  	s28 =	sand.u32 $0x7F, s11;
	s16 =	smul.u32 $0x186A00, s15  }
0x12: {  	s11 =	sor.u32 s28, s14  }
0x13: {  	s29 =	sand.u32 $0x1F, s15;
	s11 =	ssub.s32 s11, s16  }
0x14: {  	s14 =	smul.u32 $0x30D40, s29;
	s30 =	sshrl.u32 s11, $0x3;
	s11 =	sand.u32 $0x7, s11  }
0x15: {  	s15 =	sadd.s32 s2, s30;
	s11 =	sshll.u32 s11, $0x12  }
0x16: {  	[tilespmem:s13+$0x0 ss:$0x81] =	vst.msk $0xffff, v0;
	s31 =	sadd.s32 s14, s15;
	s11 =	sor.u32 $0x400, s11  }
0x17: {  	[hbm4b:s31+s11] =	stream.strided.scatter [tilespmem:s12], [sflag:$0x2], $0x1000, s8, s11, $0x20;
	[tilespmem:$0x4040] =	vst v63  }
.LBB1_5:
0x18: {  	s13 =	sadd.s32 $0x1000, s9  }
0x19: {  	p2 =	sgt.s32 s13, $0x1869FF  }
0x1a: {  	s13 =	smov.u32 @p2 s3;
	p2 =	sne.s32 s10, s7  }
.Ltmp1:
0x1b: {  	p1 =	slt.u32 s10, $0x2;
	(pc) =	sbr.rel @!p2 .LBB1_6-.Ltmp1, $4  }
0x1c: {  	s12 =	simm.s32 @!p1 $0x2  }
0x1d: {  	s14 =	sadd.s32 $0x1, s10;
	_ =	swait.ge @!p1 [sflag:s12], $0x1000  }
0x1e: {  	s11 =	smov.u32 s9;
	p0 =	por !p0, !p0;
	[sflag:s12] =	ssyncset.done @!p1 $0x0  }
0x1f: {  	s10 =	smov.u32 s14;
	s9 =	smov.u32 s13;
	[sflag:s12] =	ssyncadd.s32 @!p1 $0xFFFFF000  }
.LBB1_1:
0x20: {  	p1 =	sge.u32 s10, s6  }
0x21: {  	s12 =	sand.u32 @!p1 $0x1FFFFFF, s9  }
0x22: {  	s13 =	smulhi.u32 @!p1 $0x14F8B59, s12;
	_ =	sdelay $0x1  }
0x23: {  	s13 =	sshrl.u32 @!p1 s13, $0xD  }
0x24: {  	s13 =	smul.u32 @!p1 $0x186A00, s13;
	_ =	sdelay $0x1  }
0x25: {  	s31 =	sadd.s32 $0xFFFFFFFF, s10;
	s14 =	sxor.u32 @!p1 $0xFFFFFFFF, s10;
	s12 =	ssub.s32 @!p1 s12, s13  }
0x26: {  	s15 =	simm.s32 @!p1 $0x80;
	s14 =	sshll.u32 @!p1 s14, $0xC;
	s12 =	sshll.u32 @!p1 s12, $0x4  }
0x27: {  	s13 =	sand.u32 @!p1 $0x1000, s14;
	s14 =	simm.s32 @!p1 $0x20;
	s12 =	sadd.s32 @!p1 s4, s12  }
0x28: {  	[tilespmem:s13], [sflag:$0x1] =	stream.strided.gather @!p1 [hbm4b:s12+s14], $0x1000, s15, s14, $0x38;
	[tilespmem:$0x4040] =	vst v63  }
0x29: {  	p1 =	sge.u32 s31, s6  }
.Ltmp2:
0x2a: {  	_ = 	snop;
	(pc) =	sbr.rel @p1 .LBB1_5-.Ltmp2, $1  }
0x2b: {  	_ =	sdelay $0x3  }
0x2c: {  	s12 =	simm.s32 $0x1  }
0x2d: {  	_ =	swait.ge [sflag:s5], $0x1000;
	s12 =	simm.s32 @!p0 $0x0  }
0x2e: {  	[sflag:s5] =	ssyncset.done $0x0;
	s13 =	sshll.u32 s12, $0xC  }
0x2f: {  	[sflag:s5] =	ssyncadd.s32 $0xFFFFF000;
	s16 =	sor.u32 $0x10, s13  }
0x30: {  	s12 =	smul.u32 $0x4080, s12;
	v1 =	vld [tilespmem:s16+$0x0]  }
0x31: {  	s30 =	sand.u32 $0x1, s10;
	v0 =	vld [tilespmem:s16+$0xFFFFFFF0]  }
0x32: {  	s13 =	smul.u32 $0x4080, s30;
	s12 =	sshrl.u32 s12, $0x2  }
0x33: {  	s14 =	sor.u32 $0x2000, s12  }
0x34: {  	s31 =	sshrl.u32 s13, $0x2;
	s13 =	sadd.s32 $0x0, s14  }
0x35: {  	s15 =	simm.s32 $0x4;
	s16 =	sadd.s32 $0x20, s16;
	s12 =	sor.u32 $0x2000, s31;
	[tilespmem:s13+$0x810 ss:$0x81] =	vst.msk $0xffff, v1  }
.LBB1_3:
0x36: {  	v1 =	vld [tilespmem:s16+$0x0];
	p1 =	sne.s32 s15, $0x1FC;
	[tilespmem:s13+$0x0 ss:$0x81] =	vst.msk $0xffff, v0;
	s13 =	smov.u32 s15;
	s15 =	sadd.s32 $0x4, s15  }
.Ltmp3:
0x37: {  	v0 =	vld [tilespmem:s16+$0xFFFFFFF0];
	(pc) =	sbr.rel @p1 .LBB1_3-.Ltmp3, $4  }
0x38: {  	_ = 	snop  }
0x39: {  	s13 =	sshra.s32 s13, $0x2  }
0x3a: {  	s13 =	sadd.s32 s13, s14  }
0x3b: {  	s16 =	sadd.s32 $0x20, s16;
	[tilespmem:s13+$0x810 ss:$0x81] =	vst.msk $0xffff, v1  }
.Ltmp4:
0x3c: {  	_ = 	snop;
	(pc) =	sbr.rel .LBB1_4-.Ltmp4, $1  }
0x3d: {  	_ =	sdelay $0x3  }
.LBB1_6:
0x3e: {  	_ =	sfence.sel $0x180000  }
0x3f: {  	s2 =	simm.s32 $0x1;
	[bflag:$0x0] =	sbarrier.arrive $0xFFFF  }
0x40: {  	s31 =	simm.s32 $0x2;
	[sflag:s2] =	ssyncpa.u1 $0x1  }
0x41: {  	[sflag:s31] =	ssyncpa.u1 $0x1  }
0x42: {  	p0 =	sne.s32 s0, $0x0;
	_ =	strace $0x90000053  }
0x43: {  	s0 =	sadd.s32 @!p0 $0x100000, s1;
	[bflag:$0x2] =	sbarrier.arrive $0xFFFF  }
0x44: {  	[sflag:s0] =	ssyncadd.tile.s32 @!p0 $0x1;
	_ =	shalt  }
.Lfunc_end1:
_tile_overlayer_lowered:
.L_overlay_start_2:
0x45: {  	(tag) =	ssettag $0x2  }
0x46: {  	s0 =	rddreg [dreg:$0x0];
	s2 =	stileid.u32  }
0x47: {  	s1 =	rddreg [dreg:$0x1];
	p0 =	sne.s32 s2, $0x0  }
0x48: {  	s3 =	rddreg [dreg:$0x2];
	[bflag:$0x3] =	sbarrier.arrive $0xFFFF;
	s2 =	simm.s32 @!p0 $0x1C01  }
0x49: {  	[timem:s3], [sflag:s2] =	dma.local @!p0 [hbm:s0], s1  }
0x4a: {  	s0 =	simm.s32 @!p0 $0x1  }
0x4b: {  	_ =	swait.ge @!p0 [sflag:s0], s1  }
0x4c: {  	s1 =	ssub.s32 @!p0 $0x0, s1;
	[sflag:s0] =	ssyncset.done @!p0 $0x0  }
0x4d: {  	[sflag:s0] =	ssyncadd.s32 @!p0 s1  }
0x4e: {  	[bflag:$0x3] =	sbarrier.arrive $0xFFFF  }
0x4f: {  	_ =	shalt  }

</sc_bundles>
